<compile_context>
chip_gen: v7x
topology: tpu7x:2x2x1
jax: 0.10.2.dev20260603
libtpu: 0.0.44.dev20260713+nightly
codegen_flags: <defaults>
</compile_context>

<pallas_src>
import functools

import jax
import jax.numpy as jnp
from jax import lax
from jax.experimental import pallas as pl
from jax.experimental.pallas import tpu as pltpu
from jax.experimental.pallas import tpu_sc as plsc

_N = 10000
_E = 320000
_D = 128
_NC = 2
_NS = 16
_CH = 128
_EP = 327680
_CPT = (_EP // _CH) // _NS
_CS = 64
_CPS = (_EP // _CS) // _NS
_NB = 5
_RC = 80
_NRC = _N // _RC
_NP = 10240
_NPA = 10048
_ZC = 64
_DC = 128


def _sc_mesh():
  return plsc.VectorSubcoreMesh(core_axis_name="c", subcore_axis_name="s")


def _write_out(acc, out_hbm, cid, sid, sem):
  for k in range(8):
    c = sid + 16 * k

    @pl.when(c < _NRC)
    def _():
      pltpu.async_copy(acc.at[pl.ds(c * _RC, _RC)],
                       out_hbm.at[cid, pl.ds(c * _RC, _RC)], sem)
  for k in range(8):
    c = sid + 16 * k

    @pl.when(c < _NRC)
    def _():
      pltpu.make_async_copy(acc.at[pl.ds(0, _RC)],
                            out_hbm.at[cid, pl.ds(0, _RC)], sem).wait()


def _sc_degree(dst2d, ones128, zeros128):

  @functools.partial(
      pl.kernel,
      out_type=jax.ShapeDtypeStruct((2 * _NP,), jnp.float32),
      mesh=_sc_mesh(),
      scratch_types=[
          pltpu.VMEM_SHARED((_NP,), jnp.float32),
          pltpu.VMEM((_CH,), jnp.float32),
          pltpu.VMEM((_CH,), jnp.float32),
          pltpu.VMEM((_CPT, _CH), jnp.int32),
          pltpu.SemaphoreType.DMA,
      ],
  )
  def k(dst_hbm, ones_hbm, zeros_hbm, out_hbm, dacc, obuf, zbuf, di, sem):
    cid = lax.axis_index("c")
    sid = lax.axis_index("s")
    pltpu.sync_copy(ones_hbm, obuf)
    pltpu.sync_copy(zeros_hbm, zbuf)
    for kk in range(_NP // _DC // _NS):
      pltpu.sync_copy(zbuf, dacc.at[pl.ds((sid + 16 * kk) * _DC, _DC)])
    row0 = cid * (_EP // _CH) + sid * _CPT
    pltpu.sync_copy(dst_hbm.at[pl.ds(row0, _CPT)], di)
    plsc.subcore_barrier()

    @pl.loop(0, _CPT)
    def _(j):
      pltpu.async_copy(obuf, dacc.at[di.at[j]], sem, add=True)

    @pl.loop(0, _CPT)
    def _(j):
      pltpu.make_async_copy(obuf, dacc.at[di.at[0]], sem).wait()

    plsc.subcore_barrier()
    for kk in range(_NP // _DC // _NS):
      c = (sid + 16 * kk) * _DC
      pltpu.sync_copy(dacc.at[pl.ds(c, _DC)],
                      out_hbm.at[pl.ds(cid * _NP + c, _DC)])

  return k(dst2d, ones128, zeros128)


def _sc_scatter_rows(q_cat, idx_packed, zeros128):

  @functools.partial(
      pl.kernel,
      out_type=jax.ShapeDtypeStruct((2, _N, _D), jnp.float32),
      mesh=_sc_mesh(),
      scratch_types=[
          pltpu.VMEM_SHARED((_NPA, _D), jnp.float32),
          [pltpu.VMEM((_CS, _D), jnp.float32)] * _NB,
          [pltpu.VMEM((_CS,), jnp.int32)] * _NB,
          [pltpu.VMEM((_CS,), jnp.int32)] * _NB,
          [pltpu.VMEM((_CS,), jnp.int32)] * _NB,
          [pltpu.SemaphoreType.DMA] * _NB,
          [pltpu.SemaphoreType.DMA] * _NB,
          [pltpu.SemaphoreType.DMA] * _NB,
          pltpu.SemaphoreType.DMA,
      ],
  )
  def k(q_hbm, pk_hbm, z_hbm, out_hbm, acc,
        rows, pk, si, di, sem_g, sem_s, sem_i, sem_z):
    cid = lax.axis_index("c")
    sid = lax.axis_index("s")
    pltpu.sync_copy(z_hbm, rows[0])
    for kk in range(10):
      c = sid + 16 * kk

      @pl.when(c < _NPA // _ZC)
      def _():
        pltpu.async_copy(rows[0], acc.at[pl.ds(c * _ZC, _ZC)], sem_z)

    e0 = cid * _EP + sid * _CPS * _CS

    def load_pk(j, p):
      pltpu.async_copy(pk_hbm.at[pl.ds(e0 + j * _CS, _CS)], pk[p], sem_i[p])

    def unpack(p):
      pltpu.make_async_copy(pk_hbm.at[pl.ds(e0, _CS)], pk[p], sem_i[p]).wait()
      for u in range(_CS // 16):
        w = pk[p][pl.ds(u * 16, 16)]
        si[p][pl.ds(u * 16, 16)] = w & 0xFFFF
        di[p][pl.ds(u * 16, 16)] = lax.shift_right_logical(w, 16)

    for kk in range(10):
      c = sid + 16 * kk

      @pl.when(c < _NPA // _ZC)
      def _():
        pltpu.make_async_copy(rows[0], acc.at[pl.ds(0, _ZC)], sem_z).wait()

    plsc.subcore_barrier()

    for p in range(3):
      load_pk(p, p)
    for p in range(3):
      unpack(p)
      pltpu.async_copy(q_hbm.at[si[p]], rows[p], sem_g[p])
    load_pk(3, 3)

    @pl.loop(0, _CPS, step=_NB)
    def _(i):
      for b in range(_NB):
        j = i + b

        @pl.when(j + 4 < _CPS)
        def _():
          load_pk(j + 4, (b + 4) % _NB)

        pltpu.make_async_copy(q_hbm.at[si[b]], rows[b], sem_g[b]).wait()
        pltpu.async_copy(rows[b], acc.at[di[b]], sem_s[b], add=True)
        p2 = (b + 3) % _NB
        j2 = j + 3

        @pl.when(j2 < _CPS)
        def _():
          @pl.when(j2 >= _NB)
          def _():
            pltpu.make_async_copy(rows[p2], acc.at[di[p2]], sem_s[p2]).wait()

          unpack(p2)
          pltpu.async_copy(q_hbm.at[si[p2]], rows[p2], sem_g[p2])

    for b in range(_NB):
      pltpu.make_async_copy(rows[b], acc.at[di[b]], sem_s[b]).wait()

    plsc.subcore_barrier()
    _write_out(acc, out_hbm, cid, sid, sem_z)

  return k(q_cat, idx_packed, zeros128)


_R = 2000
_NT = _N // _R


def _r_block(dg_ref):
  i = pl.program_id(1)
  dg = dg_ref[0, pl.ds(i, 1), :][0]
  r = lax.rsqrt(jnp.maximum(dg, 1.0))
  return jnp.reshape(r, (_R, 1))


def _tc_embed_scale(x1, x2, w_emb, b_emb, w_g0, deg3):
  def body(x1_ref, x2_ref, we_ref, be_ref, wg_ref, dg_ref, o_ref):
    b = pl.program_id(0)
    x = jnp.where(b == 0, x1_ref[...], x2_ref[...])
    h = jnp.dot(x, we_ref[0], preferred_element_type=jnp.float32)
    h = h + be_ref[0]
    rc = _r_block(dg_ref)
    o_ref[0] = jnp.dot(h * rc, wg_ref[0], preferred_element_type=jnp.float32)

  return pl.pallas_call(
      body,
      grid=(2, _NT),
      in_specs=[
          pl.BlockSpec((_R, _D), lambda b, i: (i, 0)),
          pl.BlockSpec((_R, _D), lambda b, i: (i, 0)),
          pl.BlockSpec((1, _D, _D), lambda b, i: (b, 0, 0)),
          pl.BlockSpec((1, 1, _D), lambda b, i: (b, 0, 0)),
          pl.BlockSpec((1, _D, _D), lambda b, i: (b, 0, 0)),
          pl.BlockSpec((1, _NT, _R), lambda b, i: (b, 0, 0)),
      ],
      out_specs=pl.BlockSpec((1, _R, _D), lambda b, i: (b, i, 0)),
      out_shape=jax.ShapeDtypeStruct((2, _N, _D), jnp.float32),
  )(x1, x2, w_emb, b_emb, w_g0, deg3)


def _tc_layer_mid(agg, deg3, b_prev, w_next):
  def body(a_ref, dg_ref, bp_ref, wn_ref, o_ref):
    rc = _r_block(dg_ref)
    h = jnp.maximum(a_ref[0] * rc + bp_ref[0], 0.0)
    o_ref[0] = jnp.dot(h * rc, wn_ref[0], preferred_element_type=jnp.float32)

  return pl.pallas_call(
      body,
      grid=(2, _NT),
      in_specs=[
          pl.BlockSpec((1, _R, _D), lambda b, i: (b, i, 0)),
          pl.BlockSpec((1, _NT, _R), lambda b, i: (b, 0, 0)),
          pl.BlockSpec((1, 1, _D), lambda b, i: (b, 0, 0)),
          pl.BlockSpec((1, _D, _D), lambda b, i: (b, 0, 0)),
      ],
      out_specs=pl.BlockSpec((1, _R, _D), lambda b, i: (b, i, 0)),
      out_shape=jax.ShapeDtypeStruct((2, _N, _D), jnp.float32),
  )(agg, deg3, b_prev, w_next)


def _tc_layer_max_head(agg, deg3, b_prev, w_f_pad, b_f_pad):
  def body(a_ref, dg_ref, bp_ref, w_ref, bf_ref, o_ref, mx_ref):
    b = pl.program_id(0)
    i = pl.program_id(1)
    rc = _r_block(dg_ref)
    h = jnp.maximum(a_ref[0] * rc + bp_ref[0], 0.0)
    pm = jnp.max(h, axis=0)[None, :]

    @pl.when(i == 0)
    def _():
      mx_ref[pl.ds(b, 1)] = pm

    mx_ref[pl.ds(b, 1)] = jnp.maximum(mx_ref[pl.ds(b, 1)], pm)

    @pl.when((b == 1) & (i == _NT - 1))
    def _():
      feats = jnp.concatenate([mx_ref[0:1], mx_ref[1:2]], axis=-1)
      logits = jnp.dot(feats, w_ref[...], preferred_element_type=jnp.float32)
      logits = logits + bf_ref[...]
      act = jnp.where(logits >= 0.0, logits, 0.01 * logits)
      lane = lax.broadcasted_iota(jnp.int32, (1, _D), 1)
      masked = jnp.where(lane < 2, act, -jnp.inf)
      mxv = jnp.max(masked, axis=-1, keepdims=True)
      e = jnp.where(lane < 2, jnp.exp(masked - mxv), 0.0)
      o_ref[...] = e / jnp.sum(e, axis=-1, keepdims=True)

  return pl.pallas_call(
      body,
      grid=(2, _NT),
      in_specs=[
          pl.BlockSpec((1, _R, _D), lambda b, i: (b, i, 0)),
          pl.BlockSpec((1, _NT, _R), lambda b, i: (b, 0, 0)),
          pl.BlockSpec((1, 1, _D), lambda b, i: (b, 0, 0)),
          pl.BlockSpec((2 * _D, _D), lambda b, i: (0, 0)),
          pl.BlockSpec((1, _D), lambda b, i: (0, 0)),
      ],
      out_specs=pl.BlockSpec((1, _D), lambda b, i: (0, 0)),
      out_shape=jax.ShapeDtypeStruct((1, _D), jnp.float32),
      scratch_shapes=[pltpu.VMEM((2, _D), jnp.float32)],
  )(agg, deg3, b_prev, w_f_pad, b_f_pad)


def kernel(x1, edge_index1, x2, edge_index2, W_emb1, b_emb1, W_emb2, b_emb2,
           W_g1_0, b_g1_0, W_g1_1, b_g1_1, W_g2_0, b_g2_0, W_g2_1, b_g2_1,
           W_f, b_f):
  src1 = edge_index1[0].astype(jnp.int32)
  dst1 = edge_index1[1].astype(jnp.int32)
  src2 = edge_index2[0].astype(jnp.int32)
  dst2 = edge_index2[1].astype(jnp.int32)
  ar = jnp.arange(_EP - _E, dtype=jnp.int32)
  pad_s = ar % _N
  pad_d = _N + ar % (_NPA - _N)
  src_f = jnp.concatenate([src1, pad_s, src2 + _N, pad_s])
  dst_f = jnp.concatenate([dst1, pad_d, dst2, pad_d])
  dst2d = dst_f.reshape(-1, _CH)
  idx_packed = src_f | (dst_f << 16)

  ones1 = jnp.ones((_CH,), jnp.float32)
  zeros1 = jnp.zeros((_CH,), jnp.float32)
  zeros128 = jnp.zeros((_CS, _D), jnp.float32)

  w_emb = jnp.stack([W_emb1, W_emb2])
  b_emb = jnp.stack([b_emb1, b_emb2])[:, None, :]
  w_l0 = jnp.stack([W_g1_0, W_g2_0])
  b_l0 = jnp.stack([b_g1_0, b_g2_0])[:, None, :]
  w_l1 = jnp.stack([W_g1_1, W_g2_1])
  b_l1 = jnp.stack([b_g1_1, b_g2_1])[:, None, :]

  degf = _sc_degree(dst2d, ones1, zeros1)
  deg3 = degf.reshape(2, _NP)[:, :_N].reshape(2, _NT, _R)

  q0 = _tc_embed_scale(x1, x2, w_emb, b_emb, w_l0, deg3)
  agg0 = _sc_scatter_rows(q0.reshape(2 * _N, _D), idx_packed, zeros128)
  q1 = _tc_layer_mid(agg0, deg3, b_l0, w_l1)
  agg1 = _sc_scatter_rows(q1.reshape(2 * _N, _D), idx_packed, zeros128)

  w_f_pad = jnp.zeros((2 * _D, _D), jnp.float32).at[:, :2].set(W_f)
  b_f_pad = jnp.zeros((1, _D), jnp.float32).at[:, :2].set(b_f[None, :])
  out = _tc_layer_max_head(agg1, deg3, b_l1, w_f_pad, b_f_pad)
  return out[:, :2]

# --- scband reference (transcript-rebuilt; emitter-appended) ---
"""Pipeline reference for scband-gcnmodel-38070590112022 (READ-ONLY COPY).

The authoritative reference and input builder live on the scoring server;
editing this copy changes nothing except your own understanding.
"""

import jax, jax.numpy as jnp
import numpy as np

N = 10000
E = 320000
D = 128
LAYERS = 2
CLASS_NUM = 2

def setup_inputs(seed: int = 0) -> dict:
    key = jax.random.key(seed)
    ks = jax.random.split(key, 24)
    inp = {}
    inp['x1'] = jax.random.normal(ks[0], (N, D), dtype=jnp.float32)
    inp['edge_index1'] = jax.random.randint(ks[1], (2, E), 0, N, dtype=jnp.int64)
    inp['x2'] = jax.random.normal(ks[2], (N, D), dtype=jnp.float32)
    inp['edge_index2'] = jax.random.randint(ks[3], (2, E), 0, N, dtype=jnp.int64)
    s = 1.0 / np.sqrt(D)
    inp['W_emb1'] = jax.random.uniform(ks[4], (D, D), jnp.float32, -s, s)
    inp['b_emb1'] = jnp.zeros((D,), jnp.float32)
    inp['W_emb2'] = jax.random.uniform(ks[5], (D, D), jnp.float32, -s, s)
    inp['b_emb2'] = jnp.zeros((D,), jnp.float32)
    for li in range(LAYERS):
        inp[f'W_g1_{li}'] = jax.random.uniform(ks[6 + li], (D, D), jnp.float32, -s, s)
        inp[f'b_g1_{li}'] = jnp.zeros((D,), jnp.float32)
        inp[f'W_g2_{li}'] = jax.random.uniform(ks[10 + li], (D, D), jnp.float32, -s, s)
        inp[f'b_g2_{li}'] = jnp.zeros((D,), jnp.float32)
    sf = 1.0 / np.sqrt(2 * D)
    inp['W_f'] = jax.random.uniform(ks[14], (2 * D, CLASS_NUM), jnp.float32, -sf, sf)
    inp['b_f'] = jnp.zeros((CLASS_NUM,), jnp.float32)
    return inp


def _gcn_layer(h, src, dst, W, b, n):
    deg = jnp.zeros((n,), jnp.float32).at[dst].add(1.0)
    deg = jnp.maximum(deg, 1.0)
    norm = jax.lax.rsqrt(deg[src]) * jax.lax.rsqrt(deg[dst])
    msg = h[src] * norm[:, None]
    agg = jnp.zeros((n, h.shape[1]), h.dtype).at[dst].add(msg)
    return jax.nn.relu(agg @ W + b)


def reference(x1, edge_index1, x2, edge_index2, W_emb1, b_emb1, W_emb2, b_emb2,
              W_g1_0, b_g1_0, W_g1_1, b_g1_1, W_g2_0, b_g2_0, W_g2_1, b_g2_1,
              W_f, b_f):
    src1, dst1 = edge_index1[0], edge_index1[1]
    src2, dst2 = edge_index2[0], edge_index2[1]
    # node embedding layers (linear technique)
    h1 = x1 @ W_emb1 + b_emb1
    h2 = x2 @ W_emb2 + b_emb2
    # GCN stacks
    h1 = _gcn_layer(h1, src1, dst1, W_g1_0, b_g1_0, N)
    h1 = _gcn_layer(h1, src1, dst1, W_g1_1, b_g1_1, N)
    h2 = _gcn_layer(h2, src2, dst2, W_g2_0, b_g2_0, N)
    h2 = _gcn_layer(h2, src2, dst2, W_g2_1, b_g2_1, N)
    # dgl.max_nodes readout (single graph per side)
    m1 = jnp.max(h1, axis=0)
    m2 = jnp.max(h2, axis=0)
    feats = jnp.concatenate([m1, m2], axis=0)[None, :]
    dense_output = jax.nn.leaky_relu(feats @ W_f + b_f)
    sm_mask_output = jax.nn.softmax(dense_output, axis=-1)
    return sm_mask_output

if __name__ == "__main__":
    import jax
    _d = setup_inputs()
    print(jax.jit(kernel)(*tuple(_d.values())))

</pallas_src>

<mosaic_0001>
#map = affine_map<(d0, d1) -> (0, 0)>
#map1 = affine_map<(d0, d1) -> (0)>
#map2 = affine_map<(d0, d1) -> (0, 0, 0)>
module attributes {stable_mosaic.version = 14 : i64} {
  func.func @k(%arg0: i32, %arg1: i32, %arg2: memref<20000x128xf32, #tpu.memory_space<hbm>>, %arg3: memref<655360xi32, #tpu.memory_space<hbm>>, %arg4: memref<64x128xf32, #tpu.memory_space<hbm>>, %arg5: memref<2x10000x128xf32, #tpu.memory_space<hbm>>, %arg6: memref<10048x128xf32, #tpu.memory_space<vmem_shared>>, %arg7: memref<64x128xf32, #tpu.memory_space<vmem>>, %arg8: memref<64x128xf32, #tpu.memory_space<vmem>>, %arg9: memref<64x128xf32, #tpu.memory_space<vmem>>, %arg10: memref<64x128xf32, #tpu.memory_space<vmem>>, %arg11: memref<64x128xf32, #tpu.memory_space<vmem>>, %arg12: memref<64xi32, #tpu.memory_space<vmem>>, %arg13: memref<64xi32, #tpu.memory_space<vmem>>, %arg14: memref<64xi32, #tpu.memory_space<vmem>>, %arg15: memref<64xi32, #tpu.memory_space<vmem>>, %arg16: memref<64xi32, #tpu.memory_space<vmem>>, %arg17: memref<64xi32, #tpu.memory_space<vmem>>, %arg18: memref<64xi32, #tpu.memory_space<vmem>>, %arg19: memref<64xi32, #tpu.memory_space<vmem>>, %arg20: memref<64xi32, #tpu.memory_space<vmem>>, %arg21: memref<64xi32, #tpu.memory_space<vmem>>, %arg22: memref<64xi32, #tpu.memory_space<vmem>>, %arg23: memref<64xi32, #tpu.memory_space<vmem>>, %arg24: memref<64xi32, #tpu.memory_space<vmem>>, %arg25: memref<64xi32, #tpu.memory_space<vmem>>, %arg26: memref<64xi32, #tpu.memory_space<vmem>>, %arg27: memref<!tpu.dma_semaphore, #tpu.memory_space<semaphore_mem>>, %arg28: memref<!tpu.dma_semaphore, #tpu.memory_space<semaphore_mem>>, %arg29: memref<!tpu.dma_semaphore, #tpu.memory_space<semaphore_mem>>, %arg30: memref<!tpu.dma_semaphore, #tpu.memory_space<semaphore_mem>>, %arg31: memref<!tpu.dma_semaphore, #tpu.memory_space<semaphore_mem>>, %arg32: memref<!tpu.dma_semaphore, #tpu.memory_space<semaphore_mem>>, %arg33: memref<!tpu.dma_semaphore, #tpu.memory_space<semaphore_mem>>, %arg34: memref<!tpu.dma_semaphore, #tpu.memory_space<semaphore_mem>>, %arg35: memref<!tpu.dma_semaphore, #tpu.memory_space<semaphore_mem>>, %arg36: memref<!tpu.dma_semaphore, #tpu.memory_space<semaphore_mem>>, %arg37: memref<!tpu.dma_semaphore, #tpu.memory_space<semaphore_mem>>, %arg38: memref<!tpu.dma_semaphore, #tpu.memory_space<semaphore_mem>>, %arg39: memref<!tpu.dma_semaphore, #tpu.memory_space<semaphore_mem>>, %arg40: memref<!tpu.dma_semaphore, #tpu.memory_space<semaphore_mem>>, %arg41: memref<!tpu.dma_semaphore, #tpu.memory_space<semaphore_mem>>, %arg42: memref<!tpu.dma_semaphore, #tpu.memory_space<semaphore_mem>>) attributes {dimension_semantics = [#tpu.dimension_semantics<core_parallel>, #tpu.dimension_semantics<subcore_parallel>], iteration_bounds = array<i64: 2, 16>, scalar_prefetch = 0 : i64, scratch_operands = 37 : i64, tpu.core_type = #tpu.core_type<sc_vector_subcore>, window_params = [{transform_indices = #map}, {transform_indices = #map1}, {transform_indices = #map}, {transform_indices = #map2}]} {
    "tpu.region"() ({
      %run_scoped3A = tpu.sem_alloc : memref<!tpu.dma_semaphore, #tpu.memory_space<semaphore_mem>>
      tpu.enqueue_dma source(%arg4 : memref<64x128xf32, #tpu.memory_space<hbm>>) target(%arg7 : memref<64x128xf32, #tpu.memory_space<vmem>>) target_semaphore(%run_scoped3A : memref<!tpu.dma_semaphore, #tpu.memory_space<semaphore_mem>>)
      tpu.wait_dma2 semaphore(%run_scoped3A : memref<!tpu.dma_semaphore, #tpu.memory_space<semaphore_mem>>) src(%arg4 : memref<64x128xf32, #tpu.memory_space<hbm>>) dst(%arg7 : memref<64x128xf32, #tpu.memory_space<vmem>>)
      tpu.yield
    }) : () -> ()
    %add3A = arith.constant 0 : i32
    %add3A_0 = arith.addi %arg1, %add3A : i32
    %lt3A = arith.constant 157 : i32
    %lt3A_1 = arith.cmpi slt, %add3A_0, %lt3A : i32
    %convert_element_type3A = arith.extui %lt3A_1 : i1 to i32
    %cond3A = arith.constant 0 : i32
    %cond3A_2 = arith.cmpi ne, %convert_element_type3A, %cond3A : i32
    scf.if %cond3A_2 {
      %mul3A_503 = arith.constant 64 : i32
      %mul3A_504 = arith.muli %add3A_0, %mul3A_503 : i32
      %dma_start3A_505 = arith.constant 0 : i32
      %dma_start3A_506 = tpu.memref_slice %arg6[%mul3A_504, %dma_start3A_505] : memref<10048x128xf32, #tpu.memory_space<vmem_shared>> -> memref<64x128xf32, #tpu.memory_space<vmem_shared>>
      %dma_start3A_507 = arith.constant 0 : i32
      %dma_start3A_508 = tpu.memref_slice %arg6[%mul3A_504, %dma_start3A_507] : memref<10048x128xf32, #tpu.memory_space<vmem_shared>> -> memref<64x128xf32, #tpu.memory_space<vmem_shared>>
      tpu.enqueue_dma source(%arg7 : memref<64x128xf32, #tpu.memory_space<vmem>>) target(%dma_start3A_508 : memref<64x128xf32, #tpu.memory_space<vmem_shared>>) target_semaphore(%arg42 : memref<!tpu.dma_semaphore, #tpu.memory_space<semaphore_mem>>)
    } else {
    }
    %add3A_3 = arith.constant 16 : i32
    %add3A_4 = arith.addi %arg1, %add3A_3 : i32
    %lt3A_5 = arith.constant 157 : i32
    %lt3A_6 = arith.cmpi slt, %add3A_4, %lt3A_5 : i32
    %convert_element_type3A_7 = arith.extui %lt3A_6 : i1 to i32
    %cond3A_8 = arith.constant 0 : i32
    %cond3A_9 = arith.cmpi ne, %convert_element_type3A_7, %cond3A_8 : i32
    scf.if %cond3A_9 {
      %mul3A_503 = arith.constant 64 : i32
      %mul3A_504 = arith.muli %add3A_4, %mul3A_503 : i32
      %dma_start3A_505 = arith.constant 0 : i32
      %dma_start3A_506 = tpu.memref_slice %arg6[%mul3A_504, %dma_start3A_505] : memref<10048x128xf32, #tpu.memory_space<vmem_shared>> -> memref<64x128xf32, #tpu.memory_space<vmem_shared>>
      %dma_start3A_507 = arith.constant 0 : i32
      %dma_start3A_508 = tpu.memref_slice %arg6[%mul3A_504, %dma_start3A_507] : memref<10048x128xf32, #tpu.memory_space<vmem_shared>> -> memref<64x128xf32, #tpu.memory_space<vmem_shared>>
      tpu.enqueue_dma source(%arg7 : memref<64x128xf32, #tpu.memory_space<vmem>>) target(%dma_start3A_508 : memref<64x128xf32, #tpu.memory_space<vmem_shared>>) target_semaphore(%arg42 : memref<!tpu.dma_semaphore, #tpu.memory_space<semaphore_mem>>)
    } else {
    }
    %add3A_10 = arith.constant 32 : i32
    %add3A_11 = arith.addi %arg1, %add3A_10 : i32
    %lt3A_12 = arith.constant 157 : i32
    %lt3A_13 = arith.cmpi slt, %add3A_11, %lt3A_12 : i32
    %convert_element_type3A_14 = arith.extui %lt3A_13 : i1 to i32
    %cond3A_15 = arith.constant 0 : i32
    %cond3A_16 = arith.cmpi ne, %convert_element_type3A_14, %cond3A_15 : i32
    scf.if %cond3A_16 {
      %mul3A_503 = arith.constant 64 : i32
      %mul3A_504 = arith.muli %add3A_11, %mul3A_503 : i32
      %dma_start3A_505 = arith.constant 0 : i32
      %dma_start3A_506 = tpu.memref_slice %arg6[%mul3A_504, %dma_start3A_505] : memref<10048x128xf32, #tpu.memory_space<vmem_shared>> -> memref<64x128xf32, #tpu.memory_space<vmem_shared>>
      %dma_start3A_507 = arith.constant 0 : i32
      %dma_start3A_508 = tpu.memref_slice %arg6[%mul3A_504, %dma_start3A_507] : memref<10048x128xf32, #tpu.memory_space<vmem_shared>> -> memref<64x128xf32, #tpu.memory_space<vmem_shared>>
      tpu.enqueue_dma source(%arg7 : memref<64x128xf32, #tpu.memory_space<vmem>>) target(%dma_start3A_508 : memref<64x128xf32, #tpu.memory_space<vmem_shared>>) target_semaphore(%arg42 : memref<!tpu.dma_semaphore, #tpu.memory_space<semaphore_mem>>)
    } else {
    }
    %add3A_17 = arith.constant 48 : i32
    %add3A_18 = arith.addi %arg1, %add3A_17 : i32
    %lt3A_19 = arith.constant 157 : i32
    %lt3A_20 = arith.cmpi slt, %add3A_18, %lt3A_19 : i32
    %convert_element_type3A_21 = arith.extui %lt3A_20 : i1 to i32
    %cond3A_22 = arith.constant 0 : i32
    %cond3A_23 = arith.cmpi ne, %convert_element_type3A_21, %cond3A_22 : i32
    scf.if %cond3A_23 {
      %mul3A_503 = arith.constant 64 : i32
      %mul3A_504 = arith.muli %add3A_18, %mul3A_503 : i32
      %dma_start3A_505 = arith.constant 0 : i32
      %dma_start3A_506 = tpu.memref_slice %arg6[%mul3A_504, %dma_start3A_505] : memref<10048x128xf32, #tpu.memory_space<vmem_shared>> -> memref<64x128xf32, #tpu.memory_space<vmem_shared>>
      %dma_start3A_507 = arith.constant 0 : i32
      %dma_start3A_508 = tpu.memref_slice %arg6[%mul3A_504, %dma_start3A_507] : memref<10048x128xf32, #tpu.memory_space<vmem_shared>> -> memref<64x128xf32, #tpu.memory_space<vmem_shared>>
      tpu.enqueue_dma source(%arg7 : memref<64x128xf32, #tpu.memory_space<vmem>>) target(%dma_start3A_508 : memref<64x128xf32, #tpu.memory_space<vmem_shared>>) target_semaphore(%arg42 : memref<!tpu.dma_semaphore, #tpu.memory_space<semaphore_mem>>)
    } else {
    }
    %add3A_24 = arith.constant 64 : i32
    %add3A_25 = arith.addi %arg1, %add3A_24 : i32
    %lt3A_26 = arith.constant 157 : i32
    %lt3A_27 = arith.cmpi slt, %add3A_25, %lt3A_26 : i32
    %convert_element_type3A_28 = arith.extui %lt3A_27 : i1 to i32
    %cond3A_29 = arith.constant 0 : i32
    %cond3A_30 = arith.cmpi ne, %convert_element_type3A_28, %cond3A_29 : i32
    scf.if %cond3A_30 {
      %mul3A_503 = arith.constant 64 : i32
      %mul3A_504 = arith.muli %add3A_25, %mul3A_503 : i32
      %dma_start3A_505 = arith.constant 0 : i32
      %dma_start3A_506 = tpu.memref_slice %arg6[%mul3A_504, %dma_start3A_505] : memref<10048x128xf32, #tpu.memory_space<vmem_shared>> -> memref<64x128xf32, #tpu.memory_space<vmem_shared>>
      %dma_start3A_507 = arith.constant 0 : i32
      %dma_start3A_508 = tpu.memref_slice %arg6[%mul3A_504, %dma_start3A_507] : memref<10048x128xf32, #tpu.memory_space<vmem_shared>> -> memref<64x128xf32, #tpu.memory_space<vmem_shared>>
      tpu.enqueue_dma source(%arg7 : memref<64x128xf32, #tpu.memory_space<vmem>>) target(%dma_start3A_508 : memref<64x128xf32, #tpu.memory_space<vmem_shared>>) target_semaphore(%arg42 : memref<!tpu.dma_semaphore, #tpu.memory_space<semaphore_mem>>)
    } else {
    }
    %add3A_31 = arith.constant 80 : i32
    %add3A_32 = arith.addi %arg1, %add3A_31 : i32
    %lt3A_33 = arith.constant 157 : i32
    %lt3A_34 = arith.cmpi slt, %add3A_32, %lt3A_33 : i32
    %convert_element_type3A_35 = arith.extui %lt3A_34 : i1 to i32
    %cond3A_36 = arith.constant 0 : i32
    %cond3A_37 = arith.cmpi ne, %convert_element_type3A_35, %cond3A_36 : i32
    scf.if %cond3A_37 {
      %mul3A_503 = arith.constant 64 : i32
      %mul3A_504 = arith.muli %add3A_32, %mul3A_503 : i32
      %dma_start3A_505 = arith.constant 0 : i32
      %dma_start3A_506 = tpu.memref_slice %arg6[%mul3A_504, %dma_start3A_505] : memref<10048x128xf32, #tpu.memory_space<vmem_shared>> -> memref<64x128xf32, #tpu.memory_space<vmem_shared>>
      %dma_start3A_507 = arith.constant 0 : i32
      %dma_start3A_508 = tpu.memref_slice %arg6[%mul3A_504, %dma_start3A_507] : memref<10048x128xf32, #tpu.memory_space<vmem_shared>> -> memref<64x128xf32, #tpu.memory_space<vmem_shared>>
      tpu.enqueue_dma source(%arg7 : memref<64x128xf32, #tpu.memory_space<vmem>>) target(%dma_start3A_508 : memref<64x128xf32, #tpu.memory_space<vmem_shared>>) target_semaphore(%arg42 : memref<!tpu.dma_semaphore, #tpu.memory_space<semaphore_mem>>)
    } else {
    }
    %add3A_38 = arith.constant 96 : i32
    %add3A_39 = arith.addi %arg1, %add3A_38 : i32
    %lt3A_40 = arith.constant 157 : i32
    %lt3A_41 = arith.cmpi slt, %add3A_39, %lt3A_40 : i32
    %convert_element_type3A_42 = arith.extui %lt3A_41 : i1 to i32
    %cond3A_43 = arith.constant 0 : i32
    %cond3A_44 = arith.cmpi ne, %convert_element_type3A_42, %cond3A_43 : i32
    scf.if %cond3A_44 {
      %mul3A_503 = arith.constant 64 : i32
      %mul3A_504 = arith.muli %add3A_39, %mul3A_503 : i32
      %dma_start3A_505 = arith.constant 0 : i32
      %dma_start3A_506 = tpu.memref_slice %arg6[%mul3A_504, %dma_start3A_505] : memref<10048x128xf32, #tpu.memory_space<vmem_shared>> -> memref<64x128xf32, #tpu.memory_space<vmem_shared>>
      %dma_start3A_507 = arith.constant 0 : i32
      %dma_start3A_508 = tpu.memref_slice %arg6[%mul3A_504, %dma_start3A_507] : memref<10048x128xf32, #tpu.memory_space<vmem_shared>> -> memref<64x128xf32, #tpu.memory_space<vmem_shared>>
      tpu.enqueue_dma source(%arg7 : memref<64x128xf32, #tpu.memory_space<vmem>>) target(%dma_start3A_508 : memref<64x128xf32, #tpu.memory_space<vmem_shared>>) target_semaphore(%arg42 : memref<!tpu.dma_semaphore, #tpu.memory_space<semaphore_mem>>)
    } else {
    }
    %add3A_45 = arith.constant 112 : i32
    %add3A_46 = arith.addi %arg1, %add3A_45 : i32
    %lt3A_47 = arith.constant 157 : i32
    %lt3A_48 = arith.cmpi slt, %add3A_46, %lt3A_47 : i32
    %convert_element_type3A_49 = arith.extui %lt3A_48 : i1 to i32
    %cond3A_50 = arith.constant 0 : i32
    %cond3A_51 = arith.cmpi ne, %convert_element_type3A_49, %cond3A_50 : i32
    scf.if %cond3A_51 {
      %mul3A_503 = arith.constant 64 : i32
      %mul3A_504 = arith.muli %add3A_46, %mul3A_503 : i32
      %dma_start3A_505 = arith.constant 0 : i32
      %dma_start3A_506 = tpu.memref_slice %arg6[%mul3A_504, %dma_start3A_505] : memref<10048x128xf32, #tpu.memory_space<vmem_shared>> -> memref<64x128xf32, #tpu.memory_space<vmem_shared>>
      %dma_start3A_507 = arith.constant 0 : i32
      %dma_start3A_508 = tpu.memref_slice %arg6[%mul3A_504, %dma_start3A_507] : memref<10048x128xf32, #tpu.memory_space<vmem_shared>> -> memref<64x128xf32, #tpu.memory_space<vmem_shared>>
      tpu.enqueue_dma source(%arg7 : memref<64x128xf32, #tpu.memory_space<vmem>>) target(%dma_start3A_508 : memref<64x128xf32, #tpu.memory_space<vmem_shared>>) target_semaphore(%arg42 : memref<!tpu.dma_semaphore, #tpu.memory_space<semaphore_mem>>)
    } else {
    }
    %add3A_52 = arith.constant 128 : i32
    %add3A_53 = arith.addi %arg1, %add3A_52 : i32
    %lt3A_54 = arith.constant 157 : i32
    %lt3A_55 = arith.cmpi slt, %add3A_53, %lt3A_54 : i32
    %convert_element_type3A_56 = arith.extui %lt3A_55 : i1 to i32
    %cond3A_57 = arith.constant 0 : i32
    %cond3A_58 = arith.cmpi ne, %convert_element_type3A_56, %cond3A_57 : i32
    scf.if %cond3A_58 {
      %mul3A_503 = arith.constant 64 : i32
      %mul3A_504 = arith.muli %add3A_53, %mul3A_503 : i32
      %dma_start3A_505 = arith.constant 0 : i32
      %dma_start3A_506 = tpu.memref_slice %arg6[%mul3A_504, %dma_start3A_505] : memref<10048x128xf32, #tpu.memory_space<vmem_shared>> -> memref<64x128xf32, #tpu.memory_space<vmem_shared>>
      %dma_start3A_507 = arith.constant 0 : i32
      %dma_start3A_508 = tpu.memref_slice %arg6[%mul3A_504, %dma_start3A_507] : memref<10048x128xf32, #tpu.memory_space<vmem_shared>> -> memref<64x128xf32, #tpu.memory_space<vmem_shared>>
      tpu.enqueue_dma source(%arg7 : memref<64x128xf32, #tpu.memory_space<vmem>>) target(%dma_start3A_508 : memref<64x128xf32, #tpu.memory_space<vmem_shared>>) target_semaphore(%arg42 : memref<!tpu.dma_semaphore, #tpu.memory_space<semaphore_mem>>)
    } else {
    }
    %add3A_59 = arith.constant 144 : i32
    %add3A_60 = arith.addi %arg1, %add3A_59 : i32
    %lt3A_61 = arith.constant 157 : i32
    %lt3A_62 = arith.cmpi slt, %add3A_60, %lt3A_61 : i32
    %convert_element_type3A_63 = arith.extui %lt3A_62 : i1 to i32
    %cond3A_64 = arith.constant 0 : i32
    %cond3A_65 = arith.cmpi ne, %convert_element_type3A_63, %cond3A_64 : i32
    scf.if %cond3A_65 {
      %mul3A_503 = arith.constant 64 : i32
      %mul3A_504 = arith.muli %add3A_60, %mul3A_503 : i32
      %dma_start3A_505 = arith.constant 0 : i32
      %dma_start3A_506 = tpu.memref_slice %arg6[%mul3A_504, %dma_start3A_505] : memref<10048x128xf32, #tpu.memory_space<vmem_shared>> -> memref<64x128xf32, #tpu.memory_space<vmem_shared>>
      %dma_start3A_507 = arith.constant 0 : i32
      %dma_start3A_508 = tpu.memref_slice %arg6[%mul3A_504, %dma_start3A_507] : memref<10048x128xf32, #tpu.memory_space<vmem_shared>> -> memref<64x128xf32, #tpu.memory_space<vmem_shared>>
      tpu.enqueue_dma source(%arg7 : memref<64x128xf32, #tpu.memory_space<vmem>>) target(%dma_start3A_508 : memref<64x128xf32, #tpu.memory_space<vmem_shared>>) target_semaphore(%arg42 : memref<!tpu.dma_semaphore, #tpu.memory_space<semaphore_mem>>)
    } else {
    }
    %mul3A = arith.constant 327680 : i32
    %mul3A_66 = arith.muli %arg0, %mul3A : i32
    %mul3A_67 = arith.constant 320 : i32
    %mul3A_68 = arith.muli %arg1, %mul3A_67 : i32
    %mul3A_69 = arith.constant 64 : i32
    %mul3A_70 = arith.muli %mul3A_68, %mul3A_69 : i32
    %add3A_71 = arith.addi %mul3A_66, %mul3A_70 : i32
    %add3A_72 = arith.constant 0 : i32
    %add3A_73 = arith.addi %arg1, %add3A_72 : i32
    %lt3A_74 = arith.constant 157 : i32
    %lt3A_75 = arith.cmpi slt, %add3A_73, %lt3A_74 : i32
    %convert_element_type3A_76 = arith.extui %lt3A_75 : i1 to i32
    %cond3A_77 = arith.constant 0 : i32
    %cond3A_78 = arith.cmpi ne, %convert_element_type3A_76, %cond3A_77 : i32
    scf.if %cond3A_78 {
      %dma_wait3A_503 = arith.constant 0 : i32
      %dma_wait3A_504 = arith.constant 0 : i32
      %dma_wait3A_505 = tpu.memref_slice %arg6[%dma_wait3A_503, %dma_wait3A_504] : memref<10048x128xf32, #tpu.memory_space<vmem_shared>> -> memref<64x128xf32, #tpu.memory_space<vmem_shared>>
      %dma_wait3A_506 = arith.constant 0 : i32
      %dma_wait3A_507 = arith.constant 0 : i32
      %dma_wait3A_508 = tpu.memref_slice %arg6[%dma_wait3A_506, %dma_wait3A_507] : memref<10048x128xf32, #tpu.memory_space<vmem_shared>> -> memref<64x128xf32, #tpu.memory_space<vmem_shared>>
      tpu.wait_dma2 semaphore(%arg42 : memref<!tpu.dma_semaphore, #tpu.memory_space<semaphore_mem>>) src(%arg7 : memref<64x128xf32, #tpu.memory_space<vmem>>) dst(%dma_wait3A_508 : memref<64x128xf32, #tpu.memory_space<vmem_shared>>)
    } else {
    }
    %add3A_79 = arith.constant 16 : i32
    %add3A_80 = arith.addi %arg1, %add3A_79 : i32
    %lt3A_81 = arith.constant 157 : i32
    %lt3A_82 = arith.cmpi slt, %add3A_80, %lt3A_81 : i32
    %convert_element_type3A_83 = arith.extui %lt3A_82 : i1 to i32
    %cond3A_84 = arith.constant 0 : i32
    %cond3A_85 = arith.cmpi ne, %convert_element_type3A_83, %cond3A_84 : i32
    scf.if %cond3A_85 {
      %dma_wait3A_503 = arith.constant 0 : i32
      %dma_wait3A_504 = arith.constant 0 : i32
      %dma_wait3A_505 = tpu.memref_slice %arg6[%dma_wait3A_503, %dma_wait3A_504] : memref<10048x128xf32, #tpu.memory_space<vmem_shared>> -> memref<64x128xf32, #tpu.memory_space<vmem_shared>>
      %dma_wait3A_506 = arith.constant 0 : i32
      %dma_wait3A_507 = arith.constant 0 : i32
      %dma_wait3A_508 = tpu.memref_slice %arg6[%dma_wait3A_506, %dma_wait3A_507] : memref<10048x128xf32, #tpu.memory_space<vmem_shared>> -> memref<64x128xf32, #tpu.memory_space<vmem_shared>>
      tpu.wait_dma2 semaphore(%arg42 : memref<!tpu.dma_semaphore, #tpu.memory_space<semaphore_mem>>) src(%arg7 : memref<64x128xf32, #tpu.memory_space<vmem>>) dst(%dma_wait3A_508 : memref<64x128xf32, #tpu.memory_space<vmem_shared>>)
    } else {
    }
    %add3A_86 = arith.constant 32 : i32
    %add3A_87 = arith.addi %arg1, %add3A_86 : i32
    %lt3A_88 = arith.constant 157 : i32
    %lt3A_89 = arith.cmpi slt, %add3A_87, %lt3A_88 : i32
    %convert_element_type3A_90 = arith.extui %lt3A_89 : i1 to i32
    %cond3A_91 = arith.constant 0 : i32
    %cond3A_92 = arith.cmpi ne, %convert_element_type3A_90, %cond3A_91 : i32
    scf.if %cond3A_92 {
      %dma_wait3A_503 = arith.constant 0 : i32
      %dma_wait3A_504 = arith.constant 0 : i32
      %dma_wait3A_505 = tpu.memref_slice %arg6[%dma_wait3A_503, %dma_wait3A_504] : memref<10048x128xf32, #tpu.memory_space<vmem_shared>> -> memref<64x128xf32, #tpu.memory_space<vmem_shared>>
      %dma_wait3A_506 = arith.constant 0 : i32
      %dma_wait3A_507 = arith.constant 0 : i32
      %dma_wait3A_508 = tpu.memref_slice %arg6[%dma_wait3A_506, %dma_wait3A_507] : memref<10048x128xf32, #tpu.memory_space<vmem_shared>> -> memref<64x128xf32, #tpu.memory_space<vmem_shared>>
      tpu.wait_dma2 semaphore(%arg42 : memref<!tpu.dma_semaphore, #tpu.memory_space<semaphore_mem>>) src(%arg7 : memref<64x128xf32, #tpu.memory_space<vmem>>) dst(%dma_wait3A_508 : memref<64x128xf32, #tpu.memory_space<vmem_shared>>)
    } else {
    }
    %add3A_93 = arith.constant 48 : i32
    %add3A_94 = arith.addi %arg1, %add3A_93 : i32
    %lt3A_95 = arith.constant 157 : i32
    %lt3A_96 = arith.cmpi slt, %add3A_94, %lt3A_95 : i32
    %convert_element_type3A_97 = arith.extui %lt3A_96 : i1 to i32
    %cond3A_98 = arith.constant 0 : i32
    %cond3A_99 = arith.cmpi ne, %convert_element_type3A_97, %cond3A_98 : i32
    scf.if %cond3A_99 {
      %dma_wait3A_503 = arith.constant 0 : i32
      %dma_wait3A_504 = arith.constant 0 : i32
      %dma_wait3A_505 = tpu.memref_slice %arg6[%dma_wait3A_503, %dma_wait3A_504] : memref<10048x128xf32, #tpu.memory_space<vmem_shared>> -> memref<64x128xf32, #tpu.memory_space<vmem_shared>>
      %dma_wait3A_506 = arith.constant 0 : i32
      %dma_wait3A_507 = arith.constant 0 : i32
      %dma_wait3A_508 = tpu.memref_slice %arg6[%dma_wait3A_506, %dma_wait3A_507] : memref<10048x128xf32, #tpu.memory_space<vmem_shared>> -> memref<64x128xf32, #tpu.memory_space<vmem_shared>>
      tpu.wait_dma2 semaphore(%arg42 : memref<!tpu.dma_semaphore, #tpu.memory_space<semaphore_mem>>) src(%arg7 : memref<64x128xf32, #tpu.memory_space<vmem>>) dst(%dma_wait3A_508 : memref<64x128xf32, #tpu.memory_space<vmem_shared>>)
    } else {
    }
    %add3A_100 = arith.constant 64 : i32
    %add3A_101 = arith.addi %arg1, %add3A_100 : i32
    %lt3A_102 = arith.constant 157 : i32
    %lt3A_103 = arith.cmpi slt, %add3A_101, %lt3A_102 : i32
    %convert_element_type3A_104 = arith.extui %lt3A_103 : i1 to i32
    %cond3A_105 = arith.constant 0 : i32
    %cond3A_106 = arith.cmpi ne, %convert_element_type3A_104, %cond3A_105 : i32
    scf.if %cond3A_106 {
      %dma_wait3A_503 = arith.constant 0 : i32
      %dma_wait3A_504 = arith.constant 0 : i32
      %dma_wait3A_505 = tpu.memref_slice %arg6[%dma_wait3A_503, %dma_wait3A_504] : memref<10048x128xf32, #tpu.memory_space<vmem_shared>> -> memref<64x128xf32, #tpu.memory_space<vmem_shared>>
      %dma_wait3A_506 = arith.constant 0 : i32
      %dma_wait3A_507 = arith.constant 0 : i32
      %dma_wait3A_508 = tpu.memref_slice %arg6[%dma_wait3A_506, %dma_wait3A_507] : memref<10048x128xf32, #tpu.memory_space<vmem_shared>> -> memref<64x128xf32, #tpu.memory_space<vmem_shared>>
      tpu.wait_dma2 semaphore(%arg42 : memref<!tpu.dma_semaphore, #tpu.memory_space<semaphore_mem>>) src(%arg7 : memref<64x128xf32, #tpu.memory_space<vmem>>) dst(%dma_wait3A_508 : memref<64x128xf32, #tpu.memory_space<vmem_shared>>)
    } else {
    }
    %add3A_107 = arith.constant 80 : i32
    %add3A_108 = arith.addi %arg1, %add3A_107 : i32
    %lt3A_109 = arith.constant 157 : i32
    %lt3A_110 = arith.cmpi slt, %add3A_108, %lt3A_109 : i32
    %convert_element_type3A_111 = arith.extui %lt3A_110 : i1 to i32
    %cond3A_112 = arith.constant 0 : i32
    %cond3A_113 = arith.cmpi ne, %convert_element_type3A_111, %cond3A_112 : i32
    scf.if %cond3A_113 {
      %dma_wait3A_503 = arith.constant 0 : i32
      %dma_wait3A_504 = arith.constant 0 : i32
      %dma_wait3A_505 = tpu.memref_slice %arg6[%dma_wait3A_503, %dma_wait3A_504] : memref<10048x128xf32, #tpu.memory_space<vmem_shared>> -> memref<64x128xf32, #tpu.memory_space<vmem_shared>>
      %dma_wait3A_506 = arith.constant 0 : i32
      %dma_wait3A_507 = arith.constant 0 : i32
      %dma_wait3A_508 = tpu.memref_slice %arg6[%dma_wait3A_506, %dma_wait3A_507] : memref<10048x128xf32, #tpu.memory_space<vmem_shared>> -> memref<64x128xf32, #tpu.memory_space<vmem_shared>>
      tpu.wait_dma2 semaphore(%arg42 : memref<!tpu.dma_semaphore, #tpu.memory_space<semaphore_mem>>) src(%arg7 : memref<64x128xf32, #tpu.memory_space<vmem>>) dst(%dma_wait3A_508 : memref<64x128xf32, #tpu.memory_space<vmem_shared>>)
    } else {
    }
    %add3A_114 = arith.constant 96 : i32
    %add3A_115 = arith.addi %arg1, %add3A_114 : i32
    %lt3A_116 = arith.constant 157 : i32
    %lt3A_117 = arith.cmpi slt, %add3A_115, %lt3A_116 : i32
    %convert_element_type3A_118 = arith.extui %lt3A_117 : i1 to i32
    %cond3A_119 = arith.constant 0 : i32
    %cond3A_120 = arith.cmpi ne, %convert_element_type3A_118, %cond3A_119 : i32
    scf.if %cond3A_120 {
      %dma_wait3A_503 = arith.constant 0 : i32
      %dma_wait3A_504 = arith.constant 0 : i32
      %dma_wait3A_505 = tpu.memref_slice %arg6[%dma_wait3A_503, %dma_wait3A_504] : memref<10048x128xf32, #tpu.memory_space<vmem_shared>> -> memref<64x128xf32, #tpu.memory_space<vmem_shared>>
      %dma_wait3A_506 = arith.constant 0 : i32
      %dma_wait3A_507 = arith.constant 0 : i32
      %dma_wait3A_508 = tpu.memref_slice %arg6[%dma_wait3A_506, %dma_wait3A_507] : memref<10048x128xf32, #tpu.memory_space<vmem_shared>> -> memref<64x128xf32, #tpu.memory_space<vmem_shared>>
      tpu.wait_dma2 semaphore(%arg42 : memref<!tpu.dma_semaphore, #tpu.memory_space<semaphore_mem>>) src(%arg7 : memref<64x128xf32, #tpu.memory_space<vmem>>) dst(%dma_wait3A_508 : memref<64x128xf32, #tpu.memory_space<vmem_shared>>)
    } else {
    }
    %add3A_121 = arith.constant 112 : i32
    %add3A_122 = arith.addi %arg1, %add3A_121 : i32
    %lt3A_123 = arith.constant 157 : i32
    %lt3A_124 = arith.cmpi slt, %add3A_122, %lt3A_123 : i32
    %convert_element_type3A_125 = arith.extui %lt3A_124 : i1 to i32
    %cond3A_126 = arith.constant 0 : i32
    %cond3A_127 = arith.cmpi ne, %convert_element_type3A_125, %cond3A_126 : i32
    scf.if %cond3A_127 {
      %dma_wait3A_503 = arith.constant 0 : i32
      %dma_wait3A_504 = arith.constant 0 : i32
      %dma_wait3A_505 = tpu.memref_slice %arg6[%dma_wait3A_503, %dma_wait3A_504] : memref<10048x128xf32, #tpu.memory_space<vmem_shared>> -> memref<64x128xf32, #tpu.memory_space<vmem_shared>>
      %dma_wait3A_506 = arith.constant 0 : i32
      %dma_wait3A_507 = arith.constant 0 : i32
      %dma_wait3A_508 = tpu.memref_slice %arg6[%dma_wait3A_506, %dma_wait3A_507] : memref<10048x128xf32, #tpu.memory_space<vmem_shared>> -> memref<64x128xf32, #tpu.memory_space<vmem_shared>>
      tpu.wait_dma2 semaphore(%arg42 : memref<!tpu.dma_semaphore, #tpu.memory_space<semaphore_mem>>) src(%arg7 : memref<64x128xf32, #tpu.memory_space<vmem>>) dst(%dma_wait3A_508 : memref<64x128xf32, #tpu.memory_space<vmem_shared>>)
    } else {
    }
    %add3A_128 = arith.constant 128 : i32
    %add3A_129 = arith.addi %arg1, %add3A_128 : i32
    %lt3A_130 = arith.constant 157 : i32
    %lt3A_131 = arith.cmpi slt, %add3A_129, %lt3A_130 : i32
    %convert_element_type3A_132 = arith.extui %lt3A_131 : i1 to i32
    %cond3A_133 = arith.constant 0 : i32
    %cond3A_134 = arith.cmpi ne, %convert_element_type3A_132, %cond3A_133 : i32
    scf.if %cond3A_134 {
      %dma_wait3A_503 = arith.constant 0 : i32
      %dma_wait3A_504 = arith.constant 0 : i32
      %dma_wait3A_505 = tpu.memref_slice %arg6[%dma_wait3A_503, %dma_wait3A_504] : memref<10048x128xf32, #tpu.memory_space<vmem_shared>> -> memref<64x128xf32, #tpu.memory_space<vmem_shared>>
      %dma_wait3A_506 = arith.constant 0 : i32
      %dma_wait3A_507 = arith.constant 0 : i32
      %dma_wait3A_508 = tpu.memref_slice %arg6[%dma_wait3A_506, %dma_wait3A_507] : memref<10048x128xf32, #tpu.memory_space<vmem_shared>> -> memref<64x128xf32, #tpu.memory_space<vmem_shared>>
      tpu.wait_dma2 semaphore(%arg42 : memref<!tpu.dma_semaphore, #tpu.memory_space<semaphore_mem>>) src(%arg7 : memref<64x128xf32, #tpu.memory_space<vmem>>) dst(%dma_wait3A_508 : memref<64x128xf32, #tpu.memory_space<vmem_shared>>)
    } else {
    }
    %add3A_135 = arith.constant 144 : i32
    %add3A_136 = arith.addi %arg1, %add3A_135 : i32
    %lt3A_137 = arith.constant 157 : i32
    %lt3A_138 = arith.cmpi slt, %add3A_136, %lt3A_137 : i32
    %convert_element_type3A_139 = arith.extui %lt3A_138 : i1 to i32
    %cond3A_140 = arith.constant 0 : i32
    %cond3A_141 = arith.cmpi ne, %convert_element_type3A_139, %cond3A_140 : i32
    scf.if %cond3A_141 {
      %dma_wait3A_503 = arith.constant 0 : i32
      %dma_wait3A_504 = arith.constant 0 : i32
      %dma_wait3A_505 = tpu.memref_slice %arg6[%dma_wait3A_503, %dma_wait3A_504] : memref<10048x128xf32, #tpu.memory_space<vmem_shared>> -> memref<64x128xf32, #tpu.memory_space<vmem_shared>>
      %dma_wait3A_506 = arith.constant 0 : i32
      %dma_wait3A_507 = arith.constant 0 : i32
      %dma_wait3A_508 = tpu.memref_slice %arg6[%dma_wait3A_506, %dma_wait3A_507] : memref<10048x128xf32, #tpu.memory_space<vmem_shared>> -> memref<64x128xf32, #tpu.memory_space<vmem_shared>>
      tpu.wait_dma2 semaphore(%arg42 : memref<!tpu.dma_semaphore, #tpu.memory_space<semaphore_mem>>) src(%arg7 : memref<64x128xf32, #tpu.memory_space<vmem>>) dst(%dma_wait3A_508 : memref<64x128xf32, #tpu.memory_space<vmem_shared>>)
    } else {
    }
    %barrier3A = arith.constant 0 : index
    tpu.barrier barrier_id(%barrier3A)
    %add3A_142 = arith.constant 0 : i32
    %add3A_143 = arith.addi %add3A_71, %add3A_142 : i32
    %dma_start3A = tpu.memref_slice %arg3[%add3A_143] : memref<655360xi32, #tpu.memory_space<hbm>> -> memref<64xi32, #tpu.memory_space<hbm>>
    %dma_start3A_144 = tpu.memref_slice %arg3[%add3A_143] : memref<655360xi32, #tpu.memory_space<hbm>> -> memref<64xi32, #tpu.memory_space<hbm>>
    tpu.enqueue_dma source(%dma_start3A_144 : memref<64xi32, #tpu.memory_space<hbm>>) target(%arg12 : memref<64xi32, #tpu.memory_space<vmem>>) target_semaphore(%arg37 : memref<!tpu.dma_semaphore, #tpu.memory_space<semaphore_mem>>)
    %add3A_145 = arith.constant 64 : i32
    %add3A_146 = arith.addi %add3A_71, %add3A_145 : i32
    %dma_start3A_147 = tpu.memref_slice %arg3[%add3A_146] : memref<655360xi32, #tpu.memory_space<hbm>> -> memref<64xi32, #tpu.memory_space<hbm>>
    %dma_start3A_148 = tpu.memref_slice %arg3[%add3A_146] : memref<655360xi32, #tpu.memory_space<hbm>> -> memref<64xi32, #tpu.memory_space<hbm>>
    tpu.enqueue_dma source(%dma_start3A_148 : memref<64xi32, #tpu.memory_space<hbm>>) target(%arg13 : memref<64xi32, #tpu.memory_space<vmem>>) target_semaphore(%arg38 : memref<!tpu.dma_semaphore, #tpu.memory_space<semaphore_mem>>)
    %add3A_149 = arith.constant 128 : i32
    %add3A_150 = arith.addi %add3A_71, %add3A_149 : i32
    %dma_start3A_151 = tpu.memref_slice %arg3[%add3A_150] : memref<655360xi32, #tpu.memory_space<hbm>> -> memref<64xi32, #tpu.memory_space<hbm>>
    %dma_start3A_152 = tpu.memref_slice %arg3[%add3A_150] : memref<655360xi32, #tpu.memory_space<hbm>> -> memref<64xi32, #tpu.memory_space<hbm>>
    tpu.enqueue_dma source(%dma_start3A_152 : memref<64xi32, #tpu.memory_space<hbm>>) target(%arg14 : memref<64xi32, #tpu.memory_space<vmem>>) target_semaphore(%arg39 : memref<!tpu.dma_semaphore, #tpu.memory_space<semaphore_mem>>)
    %dma_wait3A = tpu.memref_slice %arg3[%add3A_71] : memref<655360xi32, #tpu.memory_space<hbm>> -> memref<64xi32, #tpu.memory_space<hbm>>
    %dma_wait3A_153 = tpu.memref_slice %arg3[%add3A_71] : memref<655360xi32, #tpu.memory_space<hbm>> -> memref<64xi32, #tpu.memory_space<hbm>>
    tpu.wait_dma2 semaphore(%arg37 : memref<!tpu.dma_semaphore, #tpu.memory_space<semaphore_mem>>) src(%dma_wait3A_153 : memref<64xi32, #tpu.memory_space<hbm>>) dst(%arg12 : memref<64xi32, #tpu.memory_space<vmem>>)
    %get3A = arith.constant 0 : index
    %get3A_154 = tpu.vector_load %arg12[%get3A] {strides = array<i32>} : memref<64xi32, #tpu.memory_space<vmem>>, vector<16xi32>,
    %get3A_155 = vector.shape_cast %get3A_154 : vector<16xi32> to vector<16xi32>
    %and3A = arith.constant 65535 : i32
    %and3A_156 = vector.broadcast %and3A : i32 to vector<16xi32>
    %and3A_157 = arith.andi %get3A_155, %and3A_156 : vector<16xi32>
    %swap3A = arith.constant 0 : index
    %swap3A_158 = tpu.vector_load %arg17[%swap3A] {strides = array<i32>} : memref<64xi32, #tpu.memory_space<vmem>>, vector<16xi32>,
    %swap3A_159 = vector.shape_cast %swap3A_158 : vector<16xi32> to vector<16xi32>
    %swap3A_160 = vector.shape_cast %and3A_157 : vector<16xi32> to vector<16xi32>
    tpu.vector_store %arg17[%swap3A], %swap3A_160 {strides = array<i32>} : memref<64xi32, #tpu.memory_space<vmem>>, vector<16xi32>,
    %shift_right_logical3A = arith.constant 16 : i32
    %shift_right_logical3A_161 = vector.broadcast %shift_right_logical3A : i32 to vector<16xi32>
    %shift_right_logical3A_162 = arith.shrui %get3A_155, %shift_right_logical3A_161 : vector<16xi32>
    %swap3A_163 = arith.constant 0 : index
    %swap3A_164 = tpu.vector_load %arg22[%swap3A_163] {strides = array<i32>} : memref<64xi32, #tpu.memory_space<vmem>>, vector<16xi32>,
    %swap3A_165 = vector.shape_cast %swap3A_164 : vector<16xi32> to vector<16xi32>
    %swap3A_166 = vector.shape_cast %shift_right_logical3A_162 : vector<16xi32> to vector<16xi32>
    tpu.vector_store %arg22[%swap3A_163], %swap3A_166 {strides = array<i32>} : memref<64xi32, #tpu.memory_space<vmem>>, vector<16xi32>,
    %get3A_167 = arith.constant 16 : index
    %get3A_168 = tpu.vector_load %arg12[%get3A_167] {strides = array<i32>} : memref<64xi32, #tpu.memory_space<vmem>>, vector<16xi32>,
    %get3A_169 = vector.shape_cast %get3A_168 : vector<16xi32> to vector<16xi32>
    %and3A_170 = arith.constant 65535 : i32
    %and3A_171 = vector.broadcast %and3A_170 : i32 to vector<16xi32>
    %and3A_172 = arith.andi %get3A_169, %and3A_171 : vector<16xi32>
    %swap3A_173 = arith.constant 16 : index
    %swap3A_174 = tpu.vector_load %arg17[%swap3A_173] {strides = array<i32>} : memref<64xi32, #tpu.memory_space<vmem>>, vector<16xi32>,
    %swap3A_175 = vector.shape_cast %swap3A_174 : vector<16xi32> to vector<16xi32>
    %swap3A_176 = vector.shape_cast %and3A_172 : vector<16xi32> to vector<16xi32>
    tpu.vector_store %arg17[%swap3A_173], %swap3A_176 {strides = array<i32>} : memref<64xi32, #tpu.memory_space<vmem>>, vector<16xi32>,
    %shift_right_logical3A_177 = arith.constant 16 : i32
    %shift_right_logical3A_178 = vector.broadcast %shift_right_logical3A_177 : i32 to vector<16xi32>
    %shift_right_logical3A_179 = arith.shrui %get3A_169, %shift_right_logical3A_178 : vector<16xi32>
    %swap3A_180 = arith.constant 16 : index
    %swap3A_181 = tpu.vector_load %arg22[%swap3A_180] {strides = array<i32>} : memref<64xi32, #tpu.memory_space<vmem>>, vector<16xi32>,
    %swap3A_182 = vector.shape_cast %swap3A_181 : vector<16xi32> to vector<16xi32>
    %swap3A_183 = vector.shape_cast %shift_right_logical3A_179 : vector<16xi32> to vector<16xi32>
    tpu.vector_store %arg22[%swap3A_180], %swap3A_183 {strides = array<i32>} : memref<64xi32, #tpu.memory_space<vmem>>, vector<16xi32>,
    %get3A_184 = arith.constant 32 : index
    %get3A_185 = tpu.vector_load %arg12[%get3A_184] {strides = array<i32>} : memref<64xi32, #tpu.memory_space<vmem>>, vector<16xi32>,
    %get3A_186 = vector.shape_cast %get3A_185 : vector<16xi32> to vector<16xi32>
    %and3A_187 = arith.constant 65535 : i32
    %and3A_188 = vector.broadcast %and3A_187 : i32 to vector<16xi32>
    %and3A_189 = arith.andi %get3A_186, %and3A_188 : vector<16xi32>
    %swap3A_190 = arith.constant 32 : index
    %swap3A_191 = tpu.vector_load %arg17[%swap3A_190] {strides = array<i32>} : memref<64xi32, #tpu.memory_space<vmem>>, vector<16xi32>,
    %swap3A_192 = vector.shape_cast %swap3A_191 : vector<16xi32> to vector<16xi32>
    %swap3A_193 = vector.shape_cast %and3A_189 : vector<16xi32> to vector<16xi32>
    tpu.vector_store %arg17[%swap3A_190], %swap3A_193 {strides = array<i32>} : memref<64xi32, #tpu.memory_space<vmem>>, vector<16xi32>,
    %shift_right_logical3A_194 = arith.constant 16 : i32
    %shift_right_logical3A_195 = vector.broadcast %shift_right_logical3A_194 : i32 to vector<16xi32>
    %shift_right_logical3A_196 = arith.shrui %get3A_186, %shift_right_logical3A_195 : vector<16xi32>
    %swap3A_197 = arith.constant 32 : index
    %swap3A_198 = tpu.vector_load %arg22[%swap3A_197] {strides = array<i32>} : memref<64xi32, #tpu.memory_space<vmem>>, vector<16xi32>,
    %swap3A_199 = vector.shape_cast %swap3A_198 : vector<16xi32> to vector<16xi32>
    %swap3A_200 = vector.shape_cast %shift_right_logical3A_196 : vector<16xi32> to vector<16xi32>
    tpu.vector_store %arg22[%swap3A_197], %swap3A_200 {strides = array<i32>} : memref<64xi32, #tpu.memory_space<vmem>>, vector<16xi32>,
    %get3A_201 = arith.constant 48 : index
    %get3A_202 = tpu.vector_load %arg12[%get3A_201] {strides = array<i32>} : memref<64xi32, #tpu.memory_space<vmem>>, vector<16xi32>,
    %get3A_203 = vector.shape_cast %get3A_202 : vector<16xi32> to vector<16xi32>
    %and3A_204 = arith.constant 65535 : i32
    %and3A_205 = vector.broadcast %and3A_204 : i32 to vector<16xi32>
    %and3A_206 = arith.andi %get3A_203, %and3A_205 : vector<16xi32>
    %swap3A_207 = arith.constant 48 : index
    %swap3A_208 = tpu.vector_load %arg17[%swap3A_207] {strides = array<i32>} : memref<64xi32, #tpu.memory_space<vmem>>, vector<16xi32>,
    %swap3A_209 = vector.shape_cast %swap3A_208 : vector<16xi32> to vector<16xi32>
    %swap3A_210 = vector.shape_cast %and3A_206 : vector<16xi32> to vector<16xi32>
    tpu.vector_store %arg17[%swap3A_207], %swap3A_210 {strides = array<i32>} : memref<64xi32, #tpu.memory_space<vmem>>, vector<16xi32>,
    %shift_right_logical3A_211 = arith.constant 16 : i32
    %shift_right_logical3A_212 = vector.broadcast %shift_right_logical3A_211 : i32 to vector<16xi32>
    %shift_right_logical3A_213 = arith.shrui %get3A_203, %shift_right_logical3A_212 : vector<16xi32>
    %swap3A_214 = arith.constant 48 : index
    %swap3A_215 = tpu.vector_load %arg22[%swap3A_214] {strides = array<i32>} : memref<64xi32, #tpu.memory_space<vmem>>, vector<16xi32>,
    %swap3A_216 = vector.shape_cast %swap3A_215 : vector<16xi32> to vector<16xi32>
    %swap3A_217 = vector.shape_cast %shift_right_logical3A_213 : vector<16xi32> to vector<16xi32>
    tpu.vector_store %arg22[%swap3A_214], %swap3A_217 {strides = array<i32>} : memref<64xi32, #tpu.memory_space<vmem>>, vector<16xi32>,
    %dma_start3A_218 = arith.constant 0 : i32
    %dma_start3A_219 = arith.constant 0 : i32
    %dma_start3A_220 = tpu.memref_slice %arg2[%dma_start3A_218, %dma_start3A_219] : memref<20000x128xf32, #tpu.memory_space<hbm>> -> memref<20000x128xf32, #tpu.memory_space<hbm>>
    tpu.enqueue_indirect_dma source(%dma_start3A_220 : memref<20000x128xf32, #tpu.memory_space<hbm>>) target(%arg7 : memref<64x128xf32, #tpu.memory_space<vmem>>) offsets(%arg17 : memref<64xi32, #tpu.memory_space<vmem>>) semaphore(%arg27 : memref<!tpu.dma_semaphore, #tpu.memory_space<semaphore_mem>>)
    %dma_wait3A_221 = tpu.memref_slice %arg3[%add3A_71] : memref<655360xi32, #tpu.memory_space<hbm>> -> memref<64xi32, #tpu.memory_space<hbm>>
    %dma_wait3A_222 = tpu.memref_slice %arg3[%add3A_71] : memref<655360xi32, #tpu.memory_space<hbm>> -> memref<64xi32, #tpu.memory_space<hbm>>
    tpu.wait_dma2 semaphore(%arg38 : memref<!tpu.dma_semaphore, #tpu.memory_space<semaphore_mem>>) src(%dma_wait3A_222 : memref<64xi32, #tpu.memory_space<hbm>>) dst(%arg13 : memref<64xi32, #tpu.memory_space<vmem>>)
    %get3A_223 = arith.constant 0 : index
    %get3A_224 = tpu.vector_load %arg13[%get3A_223] {strides = array<i32>} : memref<64xi32, #tpu.memory_space<vmem>>, vector<16xi32>,
    %get3A_225 = vector.shape_cast %get3A_224 : vector<16xi32> to vector<16xi32>
    %and3A_226 = arith.constant 65535 : i32
    %and3A_227 = vector.broadcast %and3A_226 : i32 to vector<16xi32>
    %and3A_228 = arith.andi %get3A_225, %and3A_227 : vector<16xi32>
    %swap3A_229 = arith.constant 0 : index
    %swap3A_230 = tpu.vector_load %arg18[%swap3A_229] {strides = array<i32>} : memref<64xi32, #tpu.memory_space<vmem>>, vector<16xi32>,
    %swap3A_231 = vector.shape_cast %swap3A_230 : vector<16xi32> to vector<16xi32>
    %swap3A_232 = vector.shape_cast %and3A_228 : vector<16xi32> to vector<16xi32>
    tpu.vector_store %arg18[%swap3A_229], %swap3A_232 {strides = array<i32>} : memref<64xi32, #tpu.memory_space<vmem>>, vector<16xi32>,
    %shift_right_logical3A_233 = arith.constant 16 : i32
    %shift_right_logical3A_234 = vector.broadcast %shift_right_logical3A_233 : i32 to vector<16xi32>
    %shift_right_logical3A_235 = arith.shrui %get3A_225, %shift_right_logical3A_234 : vector<16xi32>
    %swap3A_236 = arith.constant 0 : index
    %swap3A_237 = tpu.vector_load %arg23[%swap3A_236] {strides = array<i32>} : memref<64xi32, #tpu.memory_space<vmem>>, vector<16xi32>,
    %swap3A_238 = vector.shape_cast %swap3A_237 : vector<16xi32> to vector<16xi32>
    %swap3A_239 = vector.shape_cast %shift_right_logical3A_235 : vector<16xi32> to vector<16xi32>
    tpu.vector_store %arg23[%swap3A_236], %swap3A_239 {strides = array<i32>} : memref<64xi32, #tpu.memory_space<vmem>>, vector<16xi32>,
    %get3A_240 = arith.constant 16 : index
    %get3A_241 = tpu.vector_load %arg13[%get3A_240] {strides = array<i32>} : memref<64xi32, #tpu.memory_space<vmem>>, vector<16xi32>,
    %get3A_242 = vector.shape_cast %get3A_241 : vector<16xi32> to vector<16xi32>
    %and3A_243 = arith.constant 65535 : i32
    %and3A_244 = vector.broadcast %and3A_243 : i32 to vector<16xi32>
    %and3A_245 = arith.andi %get3A_242, %and3A_244 : vector<16xi32>
    %swap3A_246 = arith.constant 16 : index
    %swap3A_247 = tpu.vector_load %arg18[%swap3A_246] {strides = array<i32>} : memref<64xi32, #tpu.memory_space<vmem>>, vector<16xi32>,
    %swap3A_248 = vector.shape_cast %swap3A_247 : vector<16xi32> to vector<16xi32>
    %swap3A_249 = vector.shape_cast %and3A_245 : vector<16xi32> to vector<16xi32>
    tpu.vector_store %arg18[%swap3A_246], %swap3A_249 {strides = array<i32>} : memref<64xi32, #tpu.memory_space<vmem>>, vector<16xi32>,
    %shift_right_logical3A_250 = arith.constant 16 : i32
    %shift_right_logical3A_251 = vector.broadcast %shift_right_logical3A_250 : i32 to vector<16xi32>
    %shift_right_logical3A_252 = arith.shrui %get3A_242, %shift_right_logical3A_251 : vector<16xi32>
    %swap3A_253 = arith.constant 16 : index
    %swap3A_254 = tpu.vector_load %arg23[%swap3A_253] {strides = array<i32>} : memref<64xi32, #tpu.memory_space<vmem>>, vector<16xi32>,
    %swap3A_255 = vector.shape_cast %swap3A_254 : vector<16xi32> to vector<16xi32>
    %swap3A_256 = vector.shape_cast %shift_right_logical3A_252 : vector<16xi32> to vector<16xi32>
    tpu.vector_store %arg23[%swap3A_253], %swap3A_256 {strides = array<i32>} : memref<64xi32, #tpu.memory_space<vmem>>, vector<16xi32>,
    %get3A_257 = arith.constant 32 : index
    %get3A_258 = tpu.vector_load %arg13[%get3A_257] {strides = array<i32>} : memref<64xi32, #tpu.memory_space<vmem>>, vector<16xi32>,
    %get3A_259 = vector.shape_cast %get3A_258 : vector<16xi32> to vector<16xi32>
    %and3A_260 = arith.constant 65535 : i32
    %and3A_261 = vector.broadcast %and3A_260 : i32 to vector<16xi32>
    %and3A_262 = arith.andi %get3A_259, %and3A_261 : vector<16xi32>
    %swap3A_263 = arith.constant 32 : index
    %swap3A_264 = tpu.vector_load %arg18[%swap3A_263] {strides = array<i32>} : memref<64xi32, #tpu.memory_space<vmem>>, vector<16xi32>,
    %swap3A_265 = vector.shape_cast %swap3A_264 : vector<16xi32> to vector<16xi32>
    %swap3A_266 = vector.shape_cast %and3A_262 : vector<16xi32> to vector<16xi32>
    tpu.vector_store %arg18[%swap3A_263], %swap3A_266 {strides = array<i32>} : memref<64xi32, #tpu.memory_space<vmem>>, vector<16xi32>,
    %shift_right_logical3A_267 = arith.constant 16 : i32
    %shift_right_logical3A_268 = vector.broadcast %shift_right_logical3A_267 : i32 to vector<16xi32>
    %shift_right_logical3A_269 = arith.shrui %get3A_259, %shift_right_logical3A_268 : vector<16xi32>
    %swap3A_270 = arith.constant 32 : index
    %swap3A_271 = tpu.vector_load %arg23[%swap3A_270] {strides = array<i32>} : memref<64xi32, #tpu.memory_space<vmem>>, vector<16xi32>,
    %swap3A_272 = vector.shape_cast %swap3A_271 : vector<16xi32> to vector<16xi32>
    %swap3A_273 = vector.shape_cast %shift_right_logical3A_269 : vector<16xi32> to vector<16xi32>
    tpu.vector_store %arg23[%swap3A_270], %swap3A_273 {strides = array<i32>} : memref<64xi32, #tpu.memory_space<vmem>>, vector<16xi32>,
    %get3A_274 = arith.constant 48 : index
    %get3A_275 = tpu.vector_load %arg13[%get3A_274] {strides = array<i32>} : memref<64xi32, #tpu.memory_space<vmem>>, vector<16xi32>,
    %get3A_276 = vector.shape_cast %get3A_275 : vector<16xi32> to vector<16xi32>
    %and3A_277 = arith.constant 65535 : i32
    %and3A_278 = vector.broadcast %and3A_277 : i32 to vector<16xi32>
    %and3A_279 = arith.andi %get3A_276, %and3A_278 : vector<16xi32>
    %swap3A_280 = arith.constant 48 : index
    %swap3A_281 = tpu.vector_load %arg18[%swap3A_280] {strides = array<i32>} : memref<64xi32, #tpu.memory_space<vmem>>, vector<16xi32>,
    %swap3A_282 = vector.shape_cast %swap3A_281 : vector<16xi32> to vector<16xi32>
    %swap3A_283 = vector.shape_cast %and3A_279 : vector<16xi32> to vector<16xi32>
    tpu.vector_store %arg18[%swap3A_280], %swap3A_283 {strides = array<i32>} : memref<64xi32, #tpu.memory_space<vmem>>, vector<16xi32>,
    %shift_right_logical3A_284 = arith.constant 16 : i32
    %shift_right_logical3A_285 = vector.broadcast %shift_right_logical3A_284 : i32 to vector<16xi32>
    %shift_right_logical3A_286 = arith.shrui %get3A_276, %shift_right_logical3A_285 : vector<16xi32>
    %swap3A_287 = arith.constant 48 : index
    %swap3A_288 = tpu.vector_load %arg23[%swap3A_287] {strides = array<i32>} : memref<64xi32, #tpu.memory_space<vmem>>, vector<16xi32>,
    %swap3A_289 = vector.shape_cast %swap3A_288 : vector<16xi32> to vector<16xi32>
    %swap3A_290 = vector.shape_cast %shift_right_logical3A_286 : vector<16xi32> to vector<16xi32>
    tpu.vector_store %arg23[%swap3A_287], %swap3A_290 {strides = array<i32>} : memref<64xi32, #tpu.memory_space<vmem>>, vector<16xi32>,
    %dma_start3A_291 = arith.constant 0 : i32
    %dma_start3A_292 = arith.constant 0 : i32
    %dma_start3A_293 = tpu.memref_slice %arg2[%dma_start3A_291, %dma_start3A_292] : memref<20000x128xf32, #tpu.memory_space<hbm>> -> memref<20000x128xf32, #tpu.memory_space<hbm>>
    tpu.enqueue_indirect_dma source(%dma_start3A_293 : memref<20000x128xf32, #tpu.memory_space<hbm>>) target(%arg8 : memref<64x128xf32, #tpu.memory_space<vmem>>) offsets(%arg18 : memref<64xi32, #tpu.memory_space<vmem>>) semaphore(%arg28 : memref<!tpu.dma_semaphore, #tpu.memory_space<semaphore_mem>>)
    %dma_wait3A_294 = tpu.memref_slice %arg3[%add3A_71] : memref<655360xi32, #tpu.memory_space<hbm>> -> memref<64xi32, #tpu.memory_space<hbm>>
    %dma_wait3A_295 = tpu.memref_slice %arg3[%add3A_71] : memref<655360xi32, #tpu.memory_space<hbm>> -> memref<64xi32, #tpu.memory_space<hbm>>
    tpu.wait_dma2 semaphore(%arg39 : memref<!tpu.dma_semaphore, #tpu.memory_space<semaphore_mem>>) src(%dma_wait3A_295 : memref<64xi32, #tpu.memory_space<hbm>>) dst(%arg14 : memref<64xi32, #tpu.memory_space<vmem>>)
    %get3A_296 = arith.constant 0 : index
    %get3A_297 = tpu.vector_load %arg14[%get3A_296] {strides = array<i32>} : memref<64xi32, #tpu.memory_space<vmem>>, vector<16xi32>,
    %get3A_298 = vector.shape_cast %get3A_297 : vector<16xi32> to vector<16xi32>
    %and3A_299 = arith.constant 65535 : i32
    %and3A_300 = vector.broadcast %and3A_299 : i32 to vector<16xi32>
    %and3A_301 = arith.andi %get3A_298, %and3A_300 : vector<16xi32>
    %swap3A_302 = arith.constant 0 : index
    %swap3A_303 = tpu.vector_load %arg19[%swap3A_302] {strides = array<i32>} : memref<64xi32, #tpu.memory_space<vmem>>, vector<16xi32>,
    %swap3A_304 = vector.shape_cast %swap3A_303 : vector<16xi32> to vector<16xi32>
    %swap3A_305 = vector.shape_cast %and3A_301 : vector<16xi32> to vector<16xi32>
    tpu.vector_store %arg19[%swap3A_302], %swap3A_305 {strides = array<i32>} : memref<64xi32, #tpu.memory_space<vmem>>, vector<16xi32>,
    %shift_right_logical3A_306 = arith.constant 16 : i32
    %shift_right_logical3A_307 = vector.broadcast %shift_right_logical3A_306 : i32 to vector<16xi32>
    %shift_right_logical3A_308 = arith.shrui %get3A_298, %shift_right_logical3A_307 : vector<16xi32>
    %swap3A_309 = arith.constant 0 : index
    %swap3A_310 = tpu.vector_load %arg24[%swap3A_309] {strides = array<i32>} : memref<64xi32, #tpu.memory_space<vmem>>, vector<16xi32>,
    %swap3A_311 = vector.shape_cast %swap3A_310 : vector<16xi32> to vector<16xi32>
    %swap3A_312 = vector.shape_cast %shift_right_logical3A_308 : vector<16xi32> to vector<16xi32>
    tpu.vector_store %arg24[%swap3A_309], %swap3A_312 {strides = array<i32>} : memref<64xi32, #tpu.memory_space<vmem>>, vector<16xi32>,
    %get3A_313 = arith.constant 16 : index
    %get3A_314 = tpu.vector_load %arg14[%get3A_313] {strides = array<i32>} : memref<64xi32, #tpu.memory_space<vmem>>, vector<16xi32>,
    %get3A_315 = vector.shape_cast %get3A_314 : vector<16xi32> to vector<16xi32>
    %and3A_316 = arith.constant 65535 : i32
    %and3A_317 = vector.broadcast %and3A_316 : i32 to vector<16xi32>
    %and3A_318 = arith.andi %get3A_315, %and3A_317 : vector<16xi32>
    %swap3A_319 = arith.constant 16 : index
    %swap3A_320 = tpu.vector_load %arg19[%swap3A_319] {strides = array<i32>} : memref<64xi32, #tpu.memory_space<vmem>>, vector<16xi32>,
    %swap3A_321 = vector.shape_cast %swap3A_320 : vector<16xi32> to vector<16xi32>
    %swap3A_322 = vector.shape_cast %and3A_318 : vector<16xi32> to vector<16xi32>
    tpu.vector_store %arg19[%swap3A_319], %swap3A_322 {strides = array<i32>} : memref<64xi32, #tpu.memory_space<vmem>>, vector<16xi32>,
    %shift_right_logical3A_323 = arith.constant 16 : i32
    %shift_right_logical3A_324 = vector.broadcast %shift_right_logical3A_323 : i32 to vector<16xi32>
    %shift_right_logical3A_325 = arith.shrui %get3A_315, %shift_right_logical3A_324 : vector<16xi32>
    %swap3A_326 = arith.constant 16 : index
    %swap3A_327 = tpu.vector_load %arg24[%swap3A_326] {strides = array<i32>} : memref<64xi32, #tpu.memory_space<vmem>>, vector<16xi32>,
    %swap3A_328 = vector.shape_cast %swap3A_327 : vector<16xi32> to vector<16xi32>
    %swap3A_329 = vector.shape_cast %shift_right_logical3A_325 : vector<16xi32> to vector<16xi32>
    tpu.vector_store %arg24[%swap3A_326], %swap3A_329 {strides = array<i32>} : memref<64xi32, #tpu.memory_space<vmem>>, vector<16xi32>,
    %get3A_330 = arith.constant 32 : index
    %get3A_331 = tpu.vector_load %arg14[%get3A_330] {strides = array<i32>} : memref<64xi32, #tpu.memory_space<vmem>>, vector<16xi32>,
    %get3A_332 = vector.shape_cast %get3A_331 : vector<16xi32> to vector<16xi32>
    %and3A_333 = arith.constant 65535 : i32
    %and3A_334 = vector.broadcast %and3A_333 : i32 to vector<16xi32>
    %and3A_335 = arith.andi %get3A_332, %and3A_334 : vector<16xi32>
    %swap3A_336 = arith.constant 32 : index
    %swap3A_337 = tpu.vector_load %arg19[%swap3A_336] {strides = array<i32>} : memref<64xi32, #tpu.memory_space<vmem>>, vector<16xi32>,
    %swap3A_338 = vector.shape_cast %swap3A_337 : vector<16xi32> to vector<16xi32>
    %swap3A_339 = vector.shape_cast %and3A_335 : vector<16xi32> to vector<16xi32>
    tpu.vector_store %arg19[%swap3A_336], %swap3A_339 {strides = array<i32>} : memref<64xi32, #tpu.memory_space<vmem>>, vector<16xi32>,
    %shift_right_logical3A_340 = arith.constant 16 : i32
    %shift_right_logical3A_341 = vector.broadcast %shift_right_logical3A_340 : i32 to vector<16xi32>
    %shift_right_logical3A_342 = arith.shrui %get3A_332, %shift_right_logical3A_341 : vector<16xi32>
    %swap3A_343 = arith.constant 32 : index
    %swap3A_344 = tpu.vector_load %arg24[%swap3A_343] {strides = array<i32>} : memref<64xi32, #tpu.memory_space<vmem>>, vector<16xi32>,
    %swap3A_345 = vector.shape_cast %swap3A_344 : vector<16xi32> to vector<16xi32>
    %swap3A_346 = vector.shape_cast %shift_right_logical3A_342 : vector<16xi32> to vector<16xi32>
    tpu.vector_store %arg24[%swap3A_343], %swap3A_346 {strides = array<i32>} : memref<64xi32, #tpu.memory_space<vmem>>, vector<16xi32>,
    %get3A_347 = arith.constant 48 : index
    %get3A_348 = tpu.vector_load %arg14[%get3A_347] {strides = array<i32>} : memref<64xi32, #tpu.memory_space<vmem>>, vector<16xi32>,
    %get3A_349 = vector.shape_cast %get3A_348 : vector<16xi32> to vector<16xi32>
    %and3A_350 = arith.constant 65535 : i32
    %and3A_351 = vector.broadcast %and3A_350 : i32 to vector<16xi32>
    %and3A_352 = arith.andi %get3A_349, %and3A_351 : vector<16xi32>
    %swap3A_353 = arith.constant 48 : index
    %swap3A_354 = tpu.vector_load %arg19[%swap3A_353] {strides = array<i32>} : memref<64xi32, #tpu.memory_space<vmem>>, vector<16xi32>,
    %swap3A_355 = vector.shape_cast %swap3A_354 : vector<16xi32> to vector<16xi32>
    %swap3A_356 = vector.shape_cast %and3A_352 : vector<16xi32> to vector<16xi32>
    tpu.vector_store %arg19[%swap3A_353], %swap3A_356 {strides = array<i32>} : memref<64xi32, #tpu.memory_space<vmem>>, vector<16xi32>,
    %shift_right_logical3A_357 = arith.constant 16 : i32
    %shift_right_logical3A_358 = vector.broadcast %shift_right_logical3A_357 : i32 to vector<16xi32>
    %shift_right_logical3A_359 = arith.shrui %get3A_349, %shift_right_logical3A_358 : vector<16xi32>
    %swap3A_360 = arith.constant 48 : index
    %swap3A_361 = tpu.vector_load %arg24[%swap3A_360] {strides = array<i32>} : memref<64xi32, #tpu.memory_space<vmem>>, vector<16xi32>,
    %swap3A_362 = vector.shape_cast %swap3A_361 : vector<16xi32> to vector<16xi32>
    %swap3A_363 = vector.shape_cast %shift_right_logical3A_359 : vector<16xi32> to vector<16xi32>
    tpu.vector_store %arg24[%swap3A_360], %swap3A_363 {strides = array<i32>} : memref<64xi32, #tpu.memory_space<vmem>>, vector<16xi32>,
    %dma_start3A_364 = arith.constant 0 : i32
    %dma_start3A_365 = arith.constant 0 : i32
    %dma_start3A_366 = tpu.memref_slice %arg2[%dma_start3A_364, %dma_start3A_365] : memref<20000x128xf32, #tpu.memory_space<hbm>> -> memref<20000x128xf32, #tpu.memory_space<hbm>>
    tpu.enqueue_indirect_dma source(%dma_start3A_366 : memref<20000x128xf32, #tpu.memory_space<hbm>>) target(%arg9 : memref<64x128xf32, #tpu.memory_space<vmem>>) offsets(%arg19 : memref<64xi32, #tpu.memory_space<vmem>>) semaphore(%arg29 : memref<!tpu.dma_semaphore, #tpu.memory_space<semaphore_mem>>)
    %add3A_367 = arith.constant 192 : i32
    %add3A_368 = arith.addi %add3A_71, %add3A_367 : i32
    %dma_start3A_369 = tpu.memref_slice %arg3[%add3A_368] : memref<655360xi32, #tpu.memory_space<hbm>> -> memref<64xi32, #tpu.memory_space<hbm>>
    %dma_start3A_370 = tpu.memref_slice %arg3[%add3A_368] : memref<655360xi32, #tpu.memory_space<hbm>> -> memref<64xi32, #tpu.memory_space<hbm>>
    tpu.enqueue_dma source(%dma_start3A_370 : memref<64xi32, #tpu.memory_space<hbm>>) target(%arg15 : memref<64xi32, #tpu.memory_space<vmem>>) target_semaphore(%arg40 : memref<!tpu.dma_semaphore, #tpu.memory_space<semaphore_mem>>)
    %scan3A = arith.constant 0 : i32
    %scan3A_371 = arith.constant 64 : i32
    %scan3A_372 = arith.addi %scan3A, %scan3A_371 : i32
    %scan3A_373 = arith.constant 1 : i32
    scf.for %scan3A_503 = %scan3A to %scan3A_372 step %scan3A_373  : i32 {
      %mul3A_504 = arith.constant 5 : i32
      %mul3A_505 = arith.muli %scan3A_503, %mul3A_504 : i32
      %add3A_506 = arith.constant 0 : i32
      %add3A_507 = arith.addi %add3A_506, %mul3A_505 : i32
      %add3A_508 = arith.constant 0 : i32
      %add3A_509 = arith.addi %add3A_507, %add3A_508 : i32
      %add3A_510 = arith.constant 4 : i32
      %add3A_511 = arith.addi %add3A_509, %add3A_510 : i32
      %lt3A_512 = arith.constant 320 : i32
      %lt3A_513 = arith.cmpi slt, %add3A_511, %lt3A_512 : i32
      %convert_element_type3A_514 = arith.extui %lt3A_513 : i1 to i32
      %cond3A_515 = arith.constant 0 : i32
      %cond3A_516 = arith.cmpi ne, %convert_element_type3A_514, %cond3A_515 : i32
      scf.if %cond3A_516 {
        %add3A_618 = arith.constant 4 : i32
        %add3A_619 = arith.addi %add3A_509, %add3A_618 : i32
        %mul3A_620 = arith.constant 64 : i32
        %mul3A_621 = arith.muli %add3A_619, %mul3A_620 : i32
        %add3A_622 = arith.addi %add3A_71, %mul3A_621 : i32
        %dma_start3A_623 = tpu.memref_slice %arg3[%add3A_622] : memref<655360xi32, #tpu.memory_space<hbm>> -> memref<64xi32, #tpu.memory_space<hbm>>
        %dma_start3A_624 = tpu.memref_slice %arg3[%add3A_622] : memref<655360xi32, #tpu.memory_space<hbm>> -> memref<64xi32, #tpu.memory_space<hbm>>
        tpu.enqueue_dma source(%dma_start3A_624 : memref<64xi32, #tpu.memory_space<hbm>>) target(%arg16 : memref<64xi32, #tpu.memory_space<vmem>>) target_semaphore(%arg41 : memref<!tpu.dma_semaphore, #tpu.memory_space<semaphore_mem>>)
      } else {
      }
      %dma_wait3A_517 = arith.constant 0 : i32
      %dma_wait3A_518 = arith.constant 0 : i32
      %dma_wait3A_519 = tpu.memref_slice %arg2[%dma_wait3A_517, %dma_wait3A_518] : memref<20000x128xf32, #tpu.memory_space<hbm>> -> memref<20000x128xf32, #tpu.memory_space<hbm>>
      tpu.wait_indirect_dma semaphore(%arg27 : memref<!tpu.dma_semaphore, #tpu.memory_space<semaphore_mem>>) src(%dma_wait3A_519 : memref<20000x128xf32, #tpu.memory_space<hbm>>) dst(%arg7 : memref<64x128xf32, #tpu.memory_space<vmem>>)
      %dma_start3A_520 = arith.constant 0 : i32
      %dma_start3A_521 = arith.constant 0 : i32
      %dma_start3A_522 = tpu.memref_slice %arg6[%dma_start3A_520, %dma_start3A_521] : memref<10048x128xf32, #tpu.memory_space<vmem_shared>> -> memref<10048x128xf32, #tpu.memory_space<vmem_shared>>
      tpu.enqueue_indirect_dma source(%arg7 : memref<64x128xf32, #tpu.memory_space<vmem>>) target(%dma_start3A_522 : memref<10048x128xf32, #tpu.memory_space<vmem_shared>>) offsets(%arg22 : memref<64xi32, #tpu.memory_space<vmem>>) semaphore(%arg32 : memref<!tpu.dma_semaphore, #tpu.memory_space<semaphore_mem>>) {add = true}
      %add3A_523 = arith.constant 3 : i32
      %add3A_524 = arith.addi %add3A_509, %add3A_523 : i32
      %lt3A_525 = arith.constant 320 : i32
      %lt3A_526 = arith.cmpi slt, %add3A_524, %lt3A_525 : i32
      %convert_element_type3A_527 = arith.extui %lt3A_526 : i1 to i32
      %cond3A_528 = arith.constant 0 : i32
      %cond3A_529 = arith.cmpi ne, %convert_element_type3A_527, %cond3A_528 : i32
      scf.if %cond3A_529 {
        %ge3A = arith.constant 5 : i32
        %ge3A_618 = arith.cmpi sge, %add3A_524, %ge3A : i32
        %convert_element_type3A_619 = arith.extui %ge3A_618 : i1 to i32
        %cond3A_620 = arith.constant 0 : i32
        %cond3A_621 = arith.cmpi ne, %convert_element_type3A_619, %cond3A_620 : i32
        scf.if %cond3A_621 {
          %dma_wait3A_695 = arith.constant 0 : i32
          %dma_wait3A_696 = arith.constant 0 : i32
          %dma_wait3A_697 = tpu.memref_slice %arg6[%dma_wait3A_695, %dma_wait3A_696] : memref<10048x128xf32, #tpu.memory_space<vmem_shared>> -> memref<10048x128xf32, #tpu.memory_space<vmem_shared>>
          tpu.wait_indirect_dma semaphore(%arg35 : memref<!tpu.dma_semaphore, #tpu.memory_space<semaphore_mem>>) src(%arg10 : memref<64x128xf32, #tpu.memory_space<vmem>>) dst(%dma_wait3A_697 : memref<10048x128xf32, #tpu.memory_space<vmem_shared>>)
        } else {
        }
        %dma_wait3A_622 = tpu.memref_slice %arg3[%add3A_71] : memref<655360xi32, #tpu.memory_space<hbm>> -> memref<64xi32, #tpu.memory_space<hbm>>
        %dma_wait3A_623 = tpu.memref_slice %arg3[%add3A_71] : memref<655360xi32, #tpu.memory_space<hbm>> -> memref<64xi32, #tpu.memory_space<hbm>>
        tpu.wait_dma2 semaphore(%arg40 : memref<!tpu.dma_semaphore, #tpu.memory_space<semaphore_mem>>) src(%dma_wait3A_623 : memref<64xi32, #tpu.memory_space<hbm>>) dst(%arg15 : memref<64xi32, #tpu.memory_space<vmem>>)
        %get3A_624 = arith.constant 0 : index
        %get3A_625 = tpu.vector_load %arg15[%get3A_624] {strides = array<i32>} : memref<64xi32, #tpu.memory_space<vmem>>, vector<16xi32>,
        %get3A_626 = vector.shape_cast %get3A_625 : vector<16xi32> to vector<16xi32>
        %and3A_627 = arith.constant 65535 : i32
        %and3A_628 = vector.broadcast %and3A_627 : i32 to vector<16xi32>
        %and3A_629 = arith.andi %get3A_626, %and3A_628 : vector<16xi32>
        %swap3A_630 = arith.constant 0 : index
        %swap3A_631 = tpu.vector_load %arg20[%swap3A_630] {strides = array<i32>} : memref<64xi32, #tpu.memory_space<vmem>>, vector<16xi32>,
        %swap3A_632 = vector.shape_cast %swap3A_631 : vector<16xi32> to vector<16xi32>
        %swap3A_633 = vector.shape_cast %and3A_629 : vector<16xi32> to vector<16xi32>
        tpu.vector_store %arg20[%swap3A_630], %swap3A_633 {strides = array<i32>} : memref<64xi32, #tpu.memory_space<vmem>>, vector<16xi32>,
        %shift_right_logical3A_634 = arith.constant 16 : i32
        %shift_right_logical3A_635 = vector.broadcast %shift_right_logical3A_634 : i32 to vector<16xi32>
        %shift_right_logical3A_636 = arith.shrui %get3A_626, %shift_right_logical3A_635 : vector<16xi32>
        %swap3A_637 = arith.constant 0 : index
        %swap3A_638 = tpu.vector_load %arg25[%swap3A_637] {strides = array<i32>} : memref<64xi32, #tpu.memory_space<vmem>>, vector<16xi32>,
        %swap3A_639 = vector.shape_cast %swap3A_638 : vector<16xi32> to vector<16xi32>
        %swap3A_640 = vector.shape_cast %shift_right_logical3A_636 : vector<16xi32> to vector<16xi32>
        tpu.vector_store %arg25[%swap3A_637], %swap3A_640 {strides = array<i32>} : memref<64xi32, #tpu.memory_space<vmem>>, vector<16xi32>,
        %get3A_641 = arith.constant 16 : index
        %get3A_642 = tpu.vector_load %arg15[%get3A_641] {strides = array<i32>} : memref<64xi32, #tpu.memory_space<vmem>>, vector<16xi32>,
        %get3A_643 = vector.shape_cast %get3A_642 : vector<16xi32> to vector<16xi32>
        %and3A_644 = arith.constant 65535 : i32
        %and3A_645 = vector.broadcast %and3A_644 : i32 to vector<16xi32>
        %and3A_646 = arith.andi %get3A_643, %and3A_645 : vector<16xi32>
        %swap3A_647 = arith.constant 16 : index
        %swap3A_648 = tpu.vector_load %arg20[%swap3A_647] {strides = array<i32>} : memref<64xi32, #tpu.memory_space<vmem>>, vector<16xi32>,
        %swap3A_649 = vector.shape_cast %swap3A_648 : vector<16xi32> to vector<16xi32>
        %swap3A_650 = vector.shape_cast %and3A_646 : vector<16xi32> to vector<16xi32>
        tpu.vector_store %arg20[%swap3A_647], %swap3A_650 {strides = array<i32>} : memref<64xi32, #tpu.memory_space<vmem>>, vector<16xi32>,
        %shift_right_logical3A_651 = arith.constant 16 : i32
        %shift_right_logical3A_652 = vector.broadcast %shift_right_logical3A_651 : i32 to vector<16xi32>
        %shift_right_logical3A_653 = arith.shrui %get3A_643, %shift_right_logical3A_652 : vector<16xi32>
        %swap3A_654 = arith.constant 16 : index
        %swap3A_655 = tpu.vector_load %arg25[%swap3A_654] {strides = array<i32>} : memref<64xi32, #tpu.memory_space<vmem>>, vector<16xi32>,
        %swap3A_656 = vector.shape_cast %swap3A_655 : vector<16xi32> to vector<16xi32>
        %swap3A_657 = vector.shape_cast %shift_right_logical3A_653 : vector<16xi32> to vector<16xi32>
        tpu.vector_store %arg25[%swap3A_654], %swap3A_657 {strides = array<i32>} : memref<64xi32, #tpu.memory_space<vmem>>, vector<16xi32>,
        %get3A_658 = arith.constant 32 : index
        %get3A_659 = tpu.vector_load %arg15[%get3A_658] {strides = array<i32>} : memref<64xi32, #tpu.memory_space<vmem>>, vector<16xi32>,
        %get3A_660 = vector.shape_cast %get3A_659 : vector<16xi32> to vector<16xi32>
        %and3A_661 = arith.constant 65535 : i32
        %and3A_662 = vector.broadcast %and3A_661 : i32 to vector<16xi32>
        %and3A_663 = arith.andi %get3A_660, %and3A_662 : vector<16xi32>
        %swap3A_664 = arith.constant 32 : index
        %swap3A_665 = tpu.vector_load %arg20[%swap3A_664] {strides = array<i32>} : memref<64xi32, #tpu.memory_space<vmem>>, vector<16xi32>,
        %swap3A_666 = vector.shape_cast %swap3A_665 : vector<16xi32> to vector<16xi32>
        %swap3A_667 = vector.shape_cast %and3A_663 : vector<16xi32> to vector<16xi32>
        tpu.vector_store %arg20[%swap3A_664], %swap3A_667 {strides = array<i32>} : memref<64xi32, #tpu.memory_space<vmem>>, vector<16xi32>,
        %shift_right_logical3A_668 = arith.constant 16 : i32
        %shift_right_logical3A_669 = vector.broadcast %shift_right_logical3A_668 : i32 to vector<16xi32>
        %shift_right_logical3A_670 = arith.shrui %get3A_660, %shift_right_logical3A_669 : vector<16xi32>
        %swap3A_671 = arith.constant 32 : index
        %swap3A_672 = tpu.vector_load %arg25[%swap3A_671] {strides = array<i32>} : memref<64xi32, #tpu.memory_space<vmem>>, vector<16xi32>,
        %swap3A_673 = vector.shape_cast %swap3A_672 : vector<16xi32> to vector<16xi32>
        %swap3A_674 = vector.shape_cast %shift_right_logical3A_670 : vector<16xi32> to vector<16xi32>
        tpu.vector_store %arg25[%swap3A_671], %swap3A_674 {strides = array<i32>} : memref<64xi32, #tpu.memory_space<vmem>>, vector<16xi32>,
        %get3A_675 = arith.constant 48 : index
        %get3A_676 = tpu.vector_load %arg15[%get3A_675] {strides = array<i32>} : memref<64xi32, #tpu.memory_space<vmem>>, vector<16xi32>,
        %get3A_677 = vector.shape_cast %get3A_676 : vector<16xi32> to vector<16xi32>
        %and3A_678 = arith.constant 65535 : i32
        %and3A_679 = vector.broadcast %and3A_678 : i32 to vector<16xi32>
        %and3A_680 = arith.andi %get3A_677, %and3A_679 : vector<16xi32>
        %swap3A_681 = arith.constant 48 : index
        %swap3A_682 = tpu.vector_load %arg20[%swap3A_681] {strides = array<i32>} : memref<64xi32, #tpu.memory_space<vmem>>, vector<16xi32>,
        %swap3A_683 = vector.shape_cast %swap3A_682 : vector<16xi32> to vector<16xi32>
        %swap3A_684 = vector.shape_cast %and3A_680 : vector<16xi32> to vector<16xi32>
        tpu.vector_store %arg20[%swap3A_681], %swap3A_684 {strides = array<i32>} : memref<64xi32, #tpu.memory_space<vmem>>, vector<16xi32>,
        %shift_right_logical3A_685 = arith.constant 16 : i32
        %shift_right_logical3A_686 = vector.broadcast %shift_right_logical3A_685 : i32 to vector<16xi32>
        %shift_right_logical3A_687 = arith.shrui %get3A_677, %shift_right_logical3A_686 : vector<16xi32>
        %swap3A_688 = arith.constant 48 : index
        %swap3A_689 = tpu.vector_load %arg25[%swap3A_688] {strides = array<i32>} : memref<64xi32, #tpu.memory_space<vmem>>, vector<16xi32>,
        %swap3A_690 = vector.shape_cast %swap3A_689 : vector<16xi32> to vector<16xi32>
        %swap3A_691 = vector.shape_cast %shift_right_logical3A_687 : vector<16xi32> to vector<16xi32>
        tpu.vector_store %arg25[%swap3A_688], %swap3A_691 {strides = array<i32>} : memref<64xi32, #tpu.memory_space<vmem>>, vector<16xi32>,
        %dma_start3A_692 = arith.constant 0 : i32
        %dma_start3A_693 = arith.constant 0 : i32
        %dma_start3A_694 = tpu.memref_slice %arg2[%dma_start3A_692, %dma_start3A_693] : memref<20000x128xf32, #tpu.memory_space<hbm>> -> memref<20000x128xf32, #tpu.memory_space<hbm>>
        tpu.enqueue_indirect_dma source(%dma_start3A_694 : memref<20000x128xf32, #tpu.memory_space<hbm>>) target(%arg10 : memref<64x128xf32, #tpu.memory_space<vmem>>) offsets(%arg20 : memref<64xi32, #tpu.memory_space<vmem>>) semaphore(%arg30 : memref<!tpu.dma_semaphore, #tpu.memory_space<semaphore_mem>>)
      } else {
      }
      %add3A_530 = arith.constant 1 : i32
      %add3A_531 = arith.addi %add3A_507, %add3A_530 : i32
      %add3A_532 = arith.constant 4 : i32
      %add3A_533 = arith.addi %add3A_531, %add3A_532 : i32
      %lt3A_534 = arith.constant 320 : i32
      %lt3A_535 = arith.cmpi slt, %add3A_533, %lt3A_534 : i32
      %convert_element_type3A_536 = arith.extui %lt3A_535 : i1 to i32
      %cond3A_537 = arith.constant 0 : i32
      %cond3A_538 = arith.cmpi ne, %convert_element_type3A_536, %cond3A_537 : i32
      scf.if %cond3A_538 {
        %add3A_618 = arith.constant 4 : i32
        %add3A_619 = arith.addi %add3A_531, %add3A_618 : i32
        %mul3A_620 = arith.constant 64 : i32
        %mul3A_621 = arith.muli %add3A_619, %mul3A_620 : i32
        %add3A_622 = arith.addi %add3A_71, %mul3A_621 : i32
        %dma_start3A_623 = tpu.memref_slice %arg3[%add3A_622] : memref<655360xi32, #tpu.memory_space<hbm>> -> memref<64xi32, #tpu.memory_space<hbm>>
        %dma_start3A_624 = tpu.memref_slice %arg3[%add3A_622] : memref<655360xi32, #tpu.memory_space<hbm>> -> memref<64xi32, #tpu.memory_space<hbm>>
        tpu.enqueue_dma source(%dma_start3A_624 : memref<64xi32, #tpu.memory_space<hbm>>) target(%arg12 : memref<64xi32, #tpu.memory_space<vmem>>) target_semaphore(%arg37 : memref<!tpu.dma_semaphore, #tpu.memory_space<semaphore_mem>>)
      } else {
      }
      %dma_wait3A_539 = arith.constant 0 : i32
      %dma_wait3A_540 = arith.constant 0 : i32
      %dma_wait3A_541 = tpu.memref_slice %arg2[%dma_wait3A_539, %dma_wait3A_540] : memref<20000x128xf32, #tpu.memory_space<hbm>> -> memref<20000x128xf32, #tpu.memory_space<hbm>>
      tpu.wait_indirect_dma semaphore(%arg28 : memref<!tpu.dma_semaphore, #tpu.memory_space<semaphore_mem>>) src(%dma_wait3A_541 : memref<20000x128xf32, #tpu.memory_space<hbm>>) dst(%arg8 : memref<64x128xf32, #tpu.memory_space<vmem>>)
      %dma_start3A_542 = arith.constant 0 : i32
      %dma_start3A_543 = arith.constant 0 : i32
      %dma_start3A_544 = tpu.memref_slice %arg6[%dma_start3A_542, %dma_start3A_543] : memref<10048x128xf32, #tpu.memory_space<vmem_shared>> -> memref<10048x128xf32, #tpu.memory_space<vmem_shared>>
      tpu.enqueue_indirect_dma source(%arg8 : memref<64x128xf32, #tpu.memory_space<vmem>>) target(%dma_start3A_544 : memref<10048x128xf32, #tpu.memory_space<vmem_shared>>) offsets(%arg23 : memref<64xi32, #tpu.memory_space<vmem>>) semaphore(%arg33 : memref<!tpu.dma_semaphore, #tpu.memory_space<semaphore_mem>>) {add = true}
      %add3A_545 = arith.constant 3 : i32
      %add3A_546 = arith.addi %add3A_531, %add3A_545 : i32
      %lt3A_547 = arith.constant 320 : i32
      %lt3A_548 = arith.cmpi slt, %add3A_546, %lt3A_547 : i32
      %convert_element_type3A_549 = arith.extui %lt3A_548 : i1 to i32
      %cond3A_550 = arith.constant 0 : i32
      %cond3A_551 = arith.cmpi ne, %convert_element_type3A_549, %cond3A_550 : i32
      scf.if %cond3A_551 {
        %ge3A = arith.constant 5 : i32
        %ge3A_618 = arith.cmpi sge, %add3A_546, %ge3A : i32
        %convert_element_type3A_619 = arith.extui %ge3A_618 : i1 to i32
        %cond3A_620 = arith.constant 0 : i32
        %cond3A_621 = arith.cmpi ne, %convert_element_type3A_619, %cond3A_620 : i32
        scf.if %cond3A_621 {
          %dma_wait3A_695 = arith.constant 0 : i32
          %dma_wait3A_696 = arith.constant 0 : i32
          %dma_wait3A_697 = tpu.memref_slice %arg6[%dma_wait3A_695, %dma_wait3A_696] : memref<10048x128xf32, #tpu.memory_space<vmem_shared>> -> memref<10048x128xf32, #tpu.memory_space<vmem_shared>>
          tpu.wait_indirect_dma semaphore(%arg36 : memref<!tpu.dma_semaphore, #tpu.memory_space<semaphore_mem>>) src(%arg11 : memref<64x128xf32, #tpu.memory_space<vmem>>) dst(%dma_wait3A_697 : memref<10048x128xf32, #tpu.memory_space<vmem_shared>>)
        } else {
        }
        %dma_wait3A_622 = tpu.memref_slice %arg3[%add3A_71] : memref<655360xi32, #tpu.memory_space<hbm>> -> memref<64xi32, #tpu.memory_space<hbm>>
        %dma_wait3A_623 = tpu.memref_slice %arg3[%add3A_71] : memref<655360xi32, #tpu.memory_space<hbm>> -> memref<64xi32, #tpu.memory_space<hbm>>
        tpu.wait_dma2 semaphore(%arg41 : memref<!tpu.dma_semaphore, #tpu.memory_space<semaphore_mem>>) src(%dma_wait3A_623 : memref<64xi32, #tpu.memory_space<hbm>>) dst(%arg16 : memref<64xi32, #tpu.memory_space<vmem>>)
        %get3A_624 = arith.constant 0 : index
        %get3A_625 = tpu.vector_load %arg16[%get3A_624] {strides = array<i32>} : memref<64xi32, #tpu.memory_space<vmem>>, vector<16xi32>,
        %get3A_626 = vector.shape_cast %get3A_625 : vector<16xi32> to vector<16xi32>
        %and3A_627 = arith.constant 65535 : i32
        %and3A_628 = vector.broadcast %and3A_627 : i32 to vector<16xi32>
        %and3A_629 = arith.andi %get3A_626, %and3A_628 : vector<16xi32>
        %swap3A_630 = arith.constant 0 : index
        %swap3A_631 = tpu.vector_load %arg21[%swap3A_630] {strides = array<i32>} : memref<64xi32, #tpu.memory_space<vmem>>, vector<16xi32>,
        %swap3A_632 = vector.shape_cast %swap3A_631 : vector<16xi32> to vector<16xi32>
        %swap3A_633 = vector.shape_cast %and3A_629 : vector<16xi32> to vector<16xi32>
        tpu.vector_store %arg21[%swap3A_630], %swap3A_633 {strides = array<i32>} : memref<64xi32, #tpu.memory_space<vmem>>, vector<16xi32>,
        %shift_right_logical3A_634 = arith.constant 16 : i32
        %shift_right_logical3A_635 = vector.broadcast %shift_right_logical3A_634 : i32 to vector<16xi32>
        %shift_right_logical3A_636 = arith.shrui %get3A_626, %shift_right_logical3A_635 : vector<16xi32>
        %swap3A_637 = arith.constant 0 : index
        %swap3A_638 = tpu.vector_load %arg26[%swap3A_637] {strides = array<i32>} : memref<64xi32, #tpu.memory_space<vmem>>, vector<16xi32>,
        %swap3A_639 = vector.shape_cast %swap3A_638 : vector<16xi32> to vector<16xi32>
        %swap3A_640 = vector.shape_cast %shift_right_logical3A_636 : vector<16xi32> to vector<16xi32>
        tpu.vector_store %arg26[%swap3A_637], %swap3A_640 {strides = array<i32>} : memref<64xi32, #tpu.memory_space<vmem>>, vector<16xi32>,
        %get3A_641 = arith.constant 16 : index
        %get3A_642 = tpu.vector_load %arg16[%get3A_641] {strides = array<i32>} : memref<64xi32, #tpu.memory_space<vmem>>, vector<16xi32>,
        %get3A_643 = vector.shape_cast %get3A_642 : vector<16xi32> to vector<16xi32>
        %and3A_644 = arith.constant 65535 : i32
        %and3A_645 = vector.broadcast %and3A_644 : i32 to vector<16xi32>
        %and3A_646 = arith.andi %get3A_643, %and3A_645 : vector<16xi32>
        %swap3A_647 = arith.constant 16 : index
        %swap3A_648 = tpu.vector_load %arg21[%swap3A_647] {strides = array<i32>} : memref<64xi32, #tpu.memory_space<vmem>>, vector<16xi32>,
        %swap3A_649 = vector.shape_cast %swap3A_648 : vector<16xi32> to vector<16xi32>
        %swap3A_650 = vector.shape_cast %and3A_646 : vector<16xi32> to vector<16xi32>
        tpu.vector_store %arg21[%swap3A_647], %swap3A_650 {strides = array<i32>} : memref<64xi32, #tpu.memory_space<vmem>>, vector<16xi32>,
        %shift_right_logical3A_651 = arith.constant 16 : i32
        %shift_right_logical3A_652 = vector.broadcast %shift_right_logical3A_651 : i32 to vector<16xi32>
        %shift_right_logical3A_653 = arith.shrui %get3A_643, %shift_right_logical3A_652 : vector<16xi32>
        %swap3A_654 = arith.constant 16 : index
        %swap3A_655 = tpu.vector_load %arg26[%swap3A_654] {strides = array<i32>} : memref<64xi32, #tpu.memory_space<vmem>>, vector<16xi32>,
        %swap3A_656 = vector.shape_cast %swap3A_655 : vector<16xi32> to vector<16xi32>
        %swap3A_657 = vector.shape_cast %shift_right_logical3A_653 : vector<16xi32> to vector<16xi32>
        tpu.vector_store %arg26[%swap3A_654], %swap3A_657 {strides = array<i32>} : memref<64xi32, #tpu.memory_space<vmem>>, vector<16xi32>,
        %get3A_658 = arith.constant 32 : index
        %get3A_659 = tpu.vector_load %arg16[%get3A_658] {strides = array<i32>} : memref<64xi32, #tpu.memory_space<vmem>>, vector<16xi32>,
        %get3A_660 = vector.shape_cast %get3A_659 : vector<16xi32> to vector<16xi32>
        %and3A_661 = arith.constant 65535 : i32
        %and3A_662 = vector.broadcast %and3A_661 : i32 to vector<16xi32>
        %and3A_663 = arith.andi %get3A_660, %and3A_662 : vector<16xi32>
        %swap3A_664 = arith.constant 32 : index
        %swap3A_665 = tpu.vector_load %arg21[%swap3A_664] {strides = array<i32>} : memref<64xi32, #tpu.memory_space<vmem>>, vector<16xi32>,
        %swap3A_666 = vector.shape_cast %swap3A_665 : vector<16xi32> to vector<16xi32>
        %swap3A_667 = vector.shape_cast %and3A_663 : vector<16xi32> to vector<16xi32>
        tpu.vector_store %arg21[%swap3A_664], %swap3A_667 {strides = array<i32>} : memref<64xi32, #tpu.memory_space<vmem>>, vector<16xi32>,
        %shift_right_logical3A_668 = arith.constant 16 : i32
        %shift_right_logical3A_669 = vector.broadcast %shift_right_logical3A_668 : i32 to vector<16xi32>
        %shift_right_logical3A_670 = arith.shrui %get3A_660, %shift_right_logical3A_669 : vector<16xi32>
        %swap3A_671 = arith.constant 32 : index
        %swap3A_672 = tpu.vector_load %arg26[%swap3A_671] {strides = array<i32>} : memref<64xi32, #tpu.memory_space<vmem>>, vector<16xi32>,
        %swap3A_673 = vector.shape_cast %swap3A_672 : vector<16xi32> to vector<16xi32>
        %swap3A_674 = vector.shape_cast %shift_right_logical3A_670 : vector<16xi32> to vector<16xi32>
        tpu.vector_store %arg26[%swap3A_671], %swap3A_674 {strides = array<i32>} : memref<64xi32, #tpu.memory_space<vmem>>, vector<16xi32>,
        %get3A_675 = arith.constant 48 : index
        %get3A_676 = tpu.vector_load %arg16[%get3A_675] {strides = array<i32>} : memref<64xi32, #tpu.memory_space<vmem>>, vector<16xi32>,
        %get3A_677 = vector.shape_cast %get3A_676 : vector<16xi32> to vector<16xi32>
        %and3A_678 = arith.constant 65535 : i32
        %and3A_679 = vector.broadcast %and3A_678 : i32 to vector<16xi32>
        %and3A_680 = arith.andi %get3A_677, %and3A_679 : vector<16xi32>
        %swap3A_681 = arith.constant 48 : index
        %swap3A_682 = tpu.vector_load %arg21[%swap3A_681] {strides = array<i32>} : memref<64xi32, #tpu.memory_space<vmem>>, vector<16xi32>,
        %swap3A_683 = vector.shape_cast %swap3A_682 : vector<16xi32> to vector<16xi32>
        %swap3A_684 = vector.shape_cast %and3A_680 : vector<16xi32> to vector<16xi32>
        tpu.vector_store %arg21[%swap3A_681], %swap3A_684 {strides = array<i32>} : memref<64xi32, #tpu.memory_space<vmem>>, vector<16xi32>,
        %shift_right_logical3A_685 = arith.constant 16 : i32
        %shift_right_logical3A_686 = vector.broadcast %shift_right_logical3A_685 : i32 to vector<16xi32>
        %shift_right_logical3A_687 = arith.shrui %get3A_677, %shift_right_logical3A_686 : vector<16xi32>
        %swap3A_688 = arith.constant 48 : index
        %swap3A_689 = tpu.vector_load %arg26[%swap3A_688] {strides = array<i32>} : memref<64xi32, #tpu.memory_space<vmem>>, vector<16xi32>,
        %swap3A_690 = vector.shape_cast %swap3A_689 : vector<16xi32> to vector<16xi32>
        %swap3A_691 = vector.shape_cast %shift_right_logical3A_687 : vector<16xi32> to vector<16xi32>
        tpu.vector_store %arg26[%swap3A_688], %swap3A_691 {strides = array<i32>} : memref<64xi32, #tpu.memory_space<vmem>>, vector<16xi32>,
        %dma_start3A_692 = arith.constant 0 : i32
        %dma_start3A_693 = arith.constant 0 : i32
        %dma_start3A_694 = tpu.memref_slice %arg2[%dma_start3A_692, %dma_start3A_693] : memref<20000x128xf32, #tpu.memory_space<hbm>> -> memref<20000x128xf32, #tpu.memory_space<hbm>>
        tpu.enqueue_indirect_dma source(%dma_start3A_694 : memref<20000x128xf32, #tpu.memory_space<hbm>>) target(%arg11 : memref<64x128xf32, #tpu.memory_space<vmem>>) offsets(%arg21 : memref<64xi32, #tpu.memory_space<vmem>>) semaphore(%arg31 : memref<!tpu.dma_semaphore, #tpu.memory_space<semaphore_mem>>)
      } else {
      }
      %add3A_552 = arith.constant 2 : i32
      %add3A_553 = arith.addi %add3A_507, %add3A_552 : i32
      %add3A_554 = arith.constant 4 : i32
      %add3A_555 = arith.addi %add3A_553, %add3A_554 : i32
      %lt3A_556 = arith.constant 320 : i32
      %lt3A_557 = arith.cmpi slt, %add3A_555, %lt3A_556 : i32
      %convert_element_type3A_558 = arith.extui %lt3A_557 : i1 to i32
      %cond3A_559 = arith.constant 0 : i32
      %cond3A_560 = arith.cmpi ne, %convert_element_type3A_558, %cond3A_559 : i32
      scf.if %cond3A_560 {
        %add3A_618 = arith.constant 4 : i32
        %add3A_619 = arith.addi %add3A_553, %add3A_618 : i32
        %mul3A_620 = arith.constant 64 : i32
        %mul3A_621 = arith.muli %add3A_619, %mul3A_620 : i32
        %add3A_622 = arith.addi %add3A_71, %mul3A_621 : i32
        %dma_start3A_623 = tpu.memref_slice %arg3[%add3A_622] : memref<655360xi32, #tpu.memory_space<hbm>> -> memref<64xi32, #tpu.memory_space<hbm>>
        %dma_start3A_624 = tpu.memref_slice %arg3[%add3A_622] : memref<655360xi32, #tpu.memory_space<hbm>> -> memref<64xi32, #tpu.memory_space<hbm>>
        tpu.enqueue_dma source(%dma_start3A_624 : memref<64xi32, #tpu.memory_space<hbm>>) target(%arg13 : memref<64xi32, #tpu.memory_space<vmem>>) target_semaphore(%arg38 : memref<!tpu.dma_semaphore, #tpu.memory_space<semaphore_mem>>)
      } else {
      }
      %dma_wait3A_561 = arith.constant 0 : i32
      %dma_wait3A_562 = arith.constant 0 : i32
      %dma_wait3A_563 = tpu.memref_slice %arg2[%dma_wait3A_561, %dma_wait3A_562] : memref<20000x128xf32, #tpu.memory_space<hbm>> -> memref<20000x128xf32, #tpu.memory_space<hbm>>
      tpu.wait_indirect_dma semaphore(%arg29 : memref<!tpu.dma_semaphore, #tpu.memory_space<semaphore_mem>>) src(%dma_wait3A_563 : memref<20000x128xf32, #tpu.memory_space<hbm>>) dst(%arg9 : memref<64x128xf32, #tpu.memory_space<vmem>>)
      %dma_start3A_564 = arith.constant 0 : i32
      %dma_start3A_565 = arith.constant 0 : i32
      %dma_start3A_566 = tpu.memref_slice %arg6[%dma_start3A_564, %dma_start3A_565] : memref<10048x128xf32, #tpu.memory_space<vmem_shared>> -> memref<10048x128xf32, #tpu.memory_space<vmem_shared>>
      tpu.enqueue_indirect_dma source(%arg9 : memref<64x128xf32, #tpu.memory_space<vmem>>) target(%dma_start3A_566 : memref<10048x128xf32, #tpu.memory_space<vmem_shared>>) offsets(%arg24 : memref<64xi32, #tpu.memory_space<vmem>>) semaphore(%arg34 : memref<!tpu.dma_semaphore, #tpu.memory_space<semaphore_mem>>) {add = true}
      %add3A_567 = arith.constant 3 : i32
      %add3A_568 = arith.addi %add3A_553, %add3A_567 : i32
      %lt3A_569 = arith.constant 320 : i32
      %lt3A_570 = arith.cmpi slt, %add3A_568, %lt3A_569 : i32
      %convert_element_type3A_571 = arith.extui %lt3A_570 : i1 to i32
      %cond3A_572 = arith.constant 0 : i32
      %cond3A_573 = arith.cmpi ne, %convert_element_type3A_571, %cond3A_572 : i32
      scf.if %cond3A_573 {
        %ge3A = arith.constant 5 : i32
        %ge3A_618 = arith.cmpi sge, %add3A_568, %ge3A : i32
        %convert_element_type3A_619 = arith.extui %ge3A_618 : i1 to i32
        %cond3A_620 = arith.constant 0 : i32
        %cond3A_621 = arith.cmpi ne, %convert_element_type3A_619, %cond3A_620 : i32
        scf.if %cond3A_621 {
          %dma_wait3A_695 = arith.constant 0 : i32
          %dma_wait3A_696 = arith.constant 0 : i32
          %dma_wait3A_697 = tpu.memref_slice %arg6[%dma_wait3A_695, %dma_wait3A_696] : memref<10048x128xf32, #tpu.memory_space<vmem_shared>> -> memref<10048x128xf32, #tpu.memory_space<vmem_shared>>
          tpu.wait_indirect_dma semaphore(%arg32 : memref<!tpu.dma_semaphore, #tpu.memory_space<semaphore_mem>>) src(%arg7 : memref<64x128xf32, #tpu.memory_space<vmem>>) dst(%dma_wait3A_697 : memref<10048x128xf32, #tpu.memory_space<vmem_shared>>)
        } else {
        }
        %dma_wait3A_622 = tpu.memref_slice %arg3[%add3A_71] : memref<655360xi32, #tpu.memory_space<hbm>> -> memref<64xi32, #tpu.memory_space<hbm>>
        %dma_wait3A_623 = tpu.memref_slice %arg3[%add3A_71] : memref<655360xi32, #tpu.memory_space<hbm>> -> memref<64xi32, #tpu.memory_space<hbm>>
        tpu.wait_dma2 semaphore(%arg37 : memref<!tpu.dma_semaphore, #tpu.memory_space<semaphore_mem>>) src(%dma_wait3A_623 : memref<64xi32, #tpu.memory_space<hbm>>) dst(%arg12 : memref<64xi32, #tpu.memory_space<vmem>>)
        %get3A_624 = arith.constant 0 : index
        %get3A_625 = tpu.vector_load %arg12[%get3A_624] {strides = array<i32>} : memref<64xi32, #tpu.memory_space<vmem>>, vector<16xi32>,
        %get3A_626 = vector.shape_cast %get3A_625 : vector<16xi32> to vector<16xi32>
        %and3A_627 = arith.constant 65535 : i32
        %and3A_628 = vector.broadcast %and3A_627 : i32 to vector<16xi32>
        %and3A_629 = arith.andi %get3A_626, %and3A_628 : vector<16xi32>
        %swap3A_630 = arith.constant 0 : index
        %swap3A_631 = tpu.vector_load %arg17[%swap3A_630] {strides = array<i32>} : memref<64xi32, #tpu.memory_space<vmem>>, vector<16xi32>,
        %swap3A_632 = vector.shape_cast %swap3A_631 : vector<16xi32> to vector<16xi32>
        %swap3A_633 = vector.shape_cast %and3A_629 : vector<16xi32> to vector<16xi32>
        tpu.vector_store %arg17[%swap3A_630], %swap3A_633 {strides = array<i32>} : memref<64xi32, #tpu.memory_space<vmem>>, vector<16xi32>,
        %shift_right_logical3A_634 = arith.constant 16 : i32
        %shift_right_logical3A_635 = vector.broadcast %shift_right_logical3A_634 : i32 to vector<16xi32>
        %shift_right_logical3A_636 = arith.shrui %get3A_626, %shift_right_logical3A_635 : vector<16xi32>
        %swap3A_637 = arith.constant 0 : index
        %swap3A_638 = tpu.vector_load %arg22[%swap3A_637] {strides = array<i32>} : memref<64xi32, #tpu.memory_space<vmem>>, vector<16xi32>,
        %swap3A_639 = vector.shape_cast %swap3A_638 : vector<16xi32> to vector<16xi32>
        %swap3A_640 = vector.shape_cast %shift_right_logical3A_636 : vector<16xi32> to vector<16xi32>
        tpu.vector_store %arg22[%swap3A_637], %swap3A_640 {strides = array<i32>} : memref<64xi32, #tpu.memory_space<vmem>>, vector<16xi32>,
        %get3A_641 = arith.constant 16 : index
        %get3A_642 = tpu.vector_load %arg12[%get3A_641] {strides = array<i32>} : memref<64xi32, #tpu.memory_space<vmem>>, vector<16xi32>,
        %get3A_643 = vector.shape_cast %get3A_642 : vector<16xi32> to vector<16xi32>
        %and3A_644 = arith.constant 65535 : i32
        %and3A_645 = vector.broadcast %and3A_644 : i32 to vector<16xi32>
        %and3A_646 = arith.andi %get3A_643, %and3A_645 : vector<16xi32>
        %swap3A_647 = arith.constant 16 : index
        %swap3A_648 = tpu.vector_load %arg17[%swap3A_647] {strides = array<i32>} : memref<64xi32, #tpu.memory_space<vmem>>, vector<16xi32>,
        %swap3A_649 = vector.shape_cast %swap3A_648 : vector<16xi32> to vector<16xi32>
        %swap3A_650 = vector.shape_cast %and3A_646 : vector<16xi32> to vector<16xi32>
        tpu.vector_store %arg17[%swap3A_647], %swap3A_650 {strides = array<i32>} : memref<64xi32, #tpu.memory_space<vmem>>, vector<16xi32>,
        %shift_right_logical3A_651 = arith.constant 16 : i32
        %shift_right_logical3A_652 = vector.broadcast %shift_right_logical3A_651 : i32 to vector<16xi32>
        %shift_right_logical3A_653 = arith.shrui %get3A_643, %shift_right_logical3A_652 : vector<16xi32>
        %swap3A_654 = arith.constant 16 : index
        %swap3A_655 = tpu.vector_load %arg22[%swap3A_654] {strides = array<i32>} : memref<64xi32, #tpu.memory_space<vmem>>, vector<16xi32>,
        %swap3A_656 = vector.shape_cast %swap3A_655 : vector<16xi32> to vector<16xi32>
        %swap3A_657 = vector.shape_cast %shift_right_logical3A_653 : vector<16xi32> to vector<16xi32>
        tpu.vector_store %arg22[%swap3A_654], %swap3A_657 {strides = array<i32>} : memref<64xi32, #tpu.memory_space<vmem>>, vector<16xi32>,
        %get3A_658 = arith.constant 32 : index
        %get3A_659 = tpu.vector_load %arg12[%get3A_658] {strides = array<i32>} : memref<64xi32, #tpu.memory_space<vmem>>, vector<16xi32>,
        %get3A_660 = vector.shape_cast %get3A_659 : vector<16xi32> to vector<16xi32>
        %and3A_661 = arith.constant 65535 : i32
        %and3A_662 = vector.broadcast %and3A_661 : i32 to vector<16xi32>
        %and3A_663 = arith.andi %get3A_660, %and3A_662 : vector<16xi32>
        %swap3A_664 = arith.constant 32 : index
        %swap3A_665 = tpu.vector_load %arg17[%swap3A_664] {strides = array<i32>} : memref<64xi32, #tpu.memory_space<vmem>>, vector<16xi32>,
        %swap3A_666 = vector.shape_cast %swap3A_665 : vector<16xi32> to vector<16xi32>
        %swap3A_667 = vector.shape_cast %and3A_663 : vector<16xi32> to vector<16xi32>
        tpu.vector_store %arg17[%swap3A_664], %swap3A_667 {strides = array<i32>} : memref<64xi32, #tpu.memory_space<vmem>>, vector<16xi32>,
        %shift_right_logical3A_668 = arith.constant 16 : i32
        %shift_right_logical3A_669 = vector.broadcast %shift_right_logical3A_668 : i32 to vector<16xi32>
        %shift_right_logical3A_670 = arith.shrui %get3A_660, %shift_right_logical3A_669 : vector<16xi32>
        %swap3A_671 = arith.constant 32 : index
        %swap3A_672 = tpu.vector_load %arg22[%swap3A_671] {strides = array<i32>} : memref<64xi32, #tpu.memory_space<vmem>>, vector<16xi32>,
        %swap3A_673 = vector.shape_cast %swap3A_672 : vector<16xi32> to vector<16xi32>
        %swap3A_674 = vector.shape_cast %shift_right_logical3A_670 : vector<16xi32> to vector<16xi32>
        tpu.vector_store %arg22[%swap3A_671], %swap3A_674 {strides = array<i32>} : memref<64xi32, #tpu.memory_space<vmem>>, vector<16xi32>,
        %get3A_675 = arith.constant 48 : index
        %get3A_676 = tpu.vector_load %arg12[%get3A_675] {strides = array<i32>} : memref<64xi32, #tpu.memory_space<vmem>>, vector<16xi32>,
        %get3A_677 = vector.shape_cast %get3A_676 : vector<16xi32> to vector<16xi32>
        %and3A_678 = arith.constant 65535 : i32
        %and3A_679 = vector.broadcast %and3A_678 : i32 to vector<16xi32>
        %and3A_680 = arith.andi %get3A_677, %and3A_679 : vector<16xi32>
        %swap3A_681 = arith.constant 48 : index
        %swap3A_682 = tpu.vector_load %arg17[%swap3A_681] {strides = array<i32>} : memref<64xi32, #tpu.memory_space<vmem>>, vector<16xi32>,
        %swap3A_683 = vector.shape_cast %swap3A_682 : vector<16xi32> to vector<16xi32>
        %swap3A_684 = vector.shape_cast %and3A_680 : vector<16xi32> to vector<16xi32>
        tpu.vector_store %arg17[%swap3A_681], %swap3A_684 {strides = array<i32>} : memref<64xi32, #tpu.memory_space<vmem>>, vector<16xi32>,
        %shift_right_logical3A_685 = arith.constant 16 : i32
        %shift_right_logical3A_686 = vector.broadcast %shift_right_logical3A_685 : i32 to vector<16xi32>
        %shift_right_logical3A_687 = arith.shrui %get3A_677, %shift_right_logical3A_686 : vector<16xi32>
        %swap3A_688 = arith.constant 48 : index
        %swap3A_689 = tpu.vector_load %arg22[%swap3A_688] {strides = array<i32>} : memref<64xi32, #tpu.memory_space<vmem>>, vector<16xi32>,
        %swap3A_690 = vector.shape_cast %swap3A_689 : vector<16xi32> to vector<16xi32>
        %swap3A_691 = vector.shape_cast %shift_right_logical3A_687 : vector<16xi32> to vector<16xi32>
        tpu.vector_store %arg22[%swap3A_688], %swap3A_691 {strides = array<i32>} : memref<64xi32, #tpu.memory_space<vmem>>, vector<16xi32>,
        %dma_start3A_692 = arith.constant 0 : i32
        %dma_start3A_693 = arith.constant 0 : i32
        %dma_start3A_694 = tpu.memref_slice %arg2[%dma_start3A_692, %dma_start3A_693] : memref<20000x128xf32, #tpu.memory_space<hbm>> -> memref<20000x128xf32, #tpu.memory_space<hbm>>
        tpu.enqueue_indirect_dma source(%dma_start3A_694 : memref<20000x128xf32, #tpu.memory_space<hbm>>) target(%arg7 : memref<64x128xf32, #tpu.memory_space<vmem>>) offsets(%arg17 : memref<64xi32, #tpu.memory_space<vmem>>) semaphore(%arg27 : memref<!tpu.dma_semaphore, #tpu.memory_space<semaphore_mem>>)
      } else {
      }
      %add3A_574 = arith.constant 3 : i32
      %add3A_575 = arith.addi %add3A_507, %add3A_574 : i32
      %add3A_576 = arith.constant 4 : i32
      %add3A_577 = arith.addi %add3A_575, %add3A_576 : i32
      %lt3A_578 = arith.constant 320 : i32
      %lt3A_579 = arith.cmpi slt, %add3A_577, %lt3A_578 : i32
      %convert_element_type3A_580 = arith.extui %lt3A_579 : i1 to i32
      %cond3A_581 = arith.constant 0 : i32
      %cond3A_582 = arith.cmpi ne, %convert_element_type3A_580, %cond3A_581 : i32
      scf.if %cond3A_582 {
        %add3A_618 = arith.constant 4 : i32
        %add3A_619 = arith.addi %add3A_575, %add3A_618 : i32
        %mul3A_620 = arith.constant 64 : i32
        %mul3A_621 = arith.muli %add3A_619, %mul3A_620 : i32
        %add3A_622 = arith.addi %add3A_71, %mul3A_621 : i32
        %dma_start3A_623 = tpu.memref_slice %arg3[%add3A_622] : memref<655360xi32, #tpu.memory_space<hbm>> -> memref<64xi32, #tpu.memory_space<hbm>>
        %dma_start3A_624 = tpu.memref_slice %arg3[%add3A_622] : memref<655360xi32, #tpu.memory_space<hbm>> -> memref<64xi32, #tpu.memory_space<hbm>>
        tpu.enqueue_dma source(%dma_start3A_624 : memref<64xi32, #tpu.memory_space<hbm>>) target(%arg14 : memref<64xi32, #tpu.memory_space<vmem>>) target_semaphore(%arg39 : memref<!tpu.dma_semaphore, #tpu.memory_space<semaphore_mem>>)
      } else {
      }
      %dma_wait3A_583 = arith.constant 0 : i32
      %dma_wait3A_584 = arith.constant 0 : i32
      %dma_wait3A_585 = tpu.memref_slice %arg2[%dma_wait3A_583, %dma_wait3A_584] : memref<20000x128xf32, #tpu.memory_space<hbm>> -> memref<20000x128xf32, #tpu.memory_space<hbm>>
      tpu.wait_indirect_dma semaphore(%arg30 : memref<!tpu.dma_semaphore, #tpu.memory_space<semaphore_mem>>) src(%dma_wait3A_585 : memref<20000x128xf32, #tpu.memory_space<hbm>>) dst(%arg10 : memref<64x128xf32, #tpu.memory_space<vmem>>)
      %dma_start3A_586 = arith.constant 0 : i32
      %dma_start3A_587 = arith.constant 0 : i32
      %dma_start3A_588 = tpu.memref_slice %arg6[%dma_start3A_586, %dma_start3A_587] : memref<10048x128xf32, #tpu.memory_space<vmem_shared>> -> memref<10048x128xf32, #tpu.memory_space<vmem_shared>>
      tpu.enqueue_indirect_dma source(%arg10 : memref<64x128xf32, #tpu.memory_space<vmem>>) target(%dma_start3A_588 : memref<10048x128xf32, #tpu.memory_space<vmem_shared>>) offsets(%arg25 : memref<64xi32, #tpu.memory_space<vmem>>) semaphore(%arg35 : memref<!tpu.dma_semaphore, #tpu.memory_space<semaphore_mem>>) {add = true}
      %add3A_589 = arith.constant 3 : i32
      %add3A_590 = arith.addi %add3A_575, %add3A_589 : i32
      %lt3A_591 = arith.constant 320 : i32
      %lt3A_592 = arith.cmpi slt, %add3A_590, %lt3A_591 : i32
      %convert_element_type3A_593 = arith.extui %lt3A_592 : i1 to i32
      %cond3A_594 = arith.constant 0 : i32
      %cond3A_595 = arith.cmpi ne, %convert_element_type3A_593, %cond3A_594 : i32
      scf.if %cond3A_595 {
        %ge3A = arith.constant 5 : i32
        %ge3A_618 = arith.cmpi sge, %add3A_590, %ge3A : i32
        %convert_element_type3A_619 = arith.extui %ge3A_618 : i1 to i32
        %cond3A_620 = arith.constant 0 : i32
        %cond3A_621 = arith.cmpi ne, %convert_element_type3A_619, %cond3A_620 : i32
        scf.if %cond3A_621 {
          %dma_wait3A_695 = arith.constant 0 : i32
          %dma_wait3A_696 = arith.constant 0 : i32
          %dma_wait3A_697 = tpu.memref_slice %arg6[%dma_wait3A_695, %dma_wait3A_696] : memref<10048x128xf32, #tpu.memory_space<vmem_shared>> -> memref<10048x128xf32, #tpu.memory_space<vmem_shared>>
          tpu.wait_indirect_dma semaphore(%arg33 : memref<!tpu.dma_semaphore, #tpu.memory_space<semaphore_mem>>) src(%arg8 : memref<64x128xf32, #tpu.memory_space<vmem>>) dst(%dma_wait3A_697 : memref<10048x128xf32, #tpu.memory_space<vmem_shared>>)
        } else {
        }
        %dma_wait3A_622 = tpu.memref_slice %arg3[%add3A_71] : memref<655360xi32, #tpu.memory_space<hbm>> -> memref<64xi32, #tpu.memory_space<hbm>>
        %dma_wait3A_623 = tpu.memref_slice %arg3[%add3A_71] : memref<655360xi32, #tpu.memory_space<hbm>> -> memref<64xi32, #tpu.memory_space<hbm>>
        tpu.wait_dma2 semaphore(%arg38 : memref<!tpu.dma_semaphore, #tpu.memory_space<semaphore_mem>>) src(%dma_wait3A_623 : memref<64xi32, #tpu.memory_space<hbm>>) dst(%arg13 : memref<64xi32, #tpu.memory_space<vmem>>)
        %get3A_624 = arith.constant 0 : index
        %get3A_625 = tpu.vector_load %arg13[%get3A_624] {strides = array<i32>} : memref<64xi32, #tpu.memory_space<vmem>>, vector<16xi32>,
        %get3A_626 = vector.shape_cast %get3A_625 : vector<16xi32> to vector<16xi32>
        %and3A_627 = arith.constant 65535 : i32
        %and3A_628 = vector.broadcast %and3A_627 : i32 to vector<16xi32>
        %and3A_629 = arith.andi %get3A_626, %and3A_628 : vector<16xi32>
        %swap3A_630 = arith.constant 0 : index
        %swap3A_631 = tpu.vector_load %arg18[%swap3A_630] {strides = array<i32>} : memref<64xi32, #tpu.memory_space<vmem>>, vector<16xi32>,
        %swap3A_632 = vector.shape_cast %swap3A_631 : vector<16xi32> to vector<16xi32>
        %swap3A_633 = vector.shape_cast %and3A_629 : vector<16xi32> to vector<16xi32>
        tpu.vector_store %arg18[%swap3A_630], %swap3A_633 {strides = array<i32>} : memref<64xi32, #tpu.memory_space<vmem>>, vector<16xi32>,
        %shift_right_logical3A_634 = arith.constant 16 : i32
        %shift_right_logical3A_635 = vector.broadcast %shift_right_logical3A_634 : i32 to vector<16xi32>
        %shift_right_logical3A_636 = arith.shrui %get3A_626, %shift_right_logical3A_635 : vector<16xi32>
        %swap3A_637 = arith.constant 0 : index
        %swap3A_638 = tpu.vector_load %arg23[%swap3A_637] {strides = array<i32>} : memref<64xi32, #tpu.memory_space<vmem>>, vector<16xi32>,
        %swap3A_639 = vector.shape_cast %swap3A_638 : vector<16xi32> to vector<16xi32>
        %swap3A_640 = vector.shape_cast %shift_right_logical3A_636 : vector<16xi32> to vector<16xi32>
        tpu.vector_store %arg23[%swap3A_637], %swap3A_640 {strides = array<i32>} : memref<64xi32, #tpu.memory_space<vmem>>, vector<16xi32>,
        %get3A_641 = arith.constant 16 : index
        %get3A_642 = tpu.vector_load %arg13[%get3A_641] {strides = array<i32>} : memref<64xi32, #tpu.memory_space<vmem>>, vector<16xi32>,
        %get3A_643 = vector.shape_cast %get3A_642 : vector<16xi32> to vector<16xi32>
        %and3A_644 = arith.constant 65535 : i32
        %and3A_645 = vector.broadcast %and3A_644 : i32 to vector<16xi32>
        %and3A_646 = arith.andi %get3A_643, %and3A_645 : vector<16xi32>
        %swap3A_647 = arith.constant 16 : index
        %swap3A_648 = tpu.vector_load %arg18[%swap3A_647] {strides = array<i32>} : memref<64xi32, #tpu.memory_space<vmem>>, vector<16xi32>,
        %swap3A_649 = vector.shape_cast %swap3A_648 : vector<16xi32> to vector<16xi32>
        %swap3A_650 = vector.shape_cast %and3A_646 : vector<16xi32> to vector<16xi32>
        tpu.vector_store %arg18[%swap3A_647], %swap3A_650 {strides = array<i32>} : memref<64xi32, #tpu.memory_space<vmem>>, vector<16xi32>,
        %shift_right_logical3A_651 = arith.constant 16 : i32
        %shift_right_logical3A_652 = vector.broadcast %shift_right_logical3A_651 : i32 to vector<16xi32>
        %shift_right_logical3A_653 = arith.shrui %get3A_643, %shift_right_logical3A_652 : vector<16xi32>
        %swap3A_654 = arith.constant 16 : index
        %swap3A_655 = tpu.vector_load %arg23[%swap3A_654] {strides = array<i32>} : memref<64xi32, #tpu.memory_space<vmem>>, vector<16xi32>,
        %swap3A_656 = vector.shape_cast %swap3A_655 : vector<16xi32> to vector<16xi32>
        %swap3A_657 = vector.shape_cast %shift_right_logical3A_653 : vector<16xi32> to vector<16xi32>
        tpu.vector_store %arg23[%swap3A_654], %swap3A_657 {strides = array<i32>} : memref<64xi32, #tpu.memory_space<vmem>>, vector<16xi32>,
        %get3A_658 = arith.constant 32 : index
        %get3A_659 = tpu.vector_load %arg13[%get3A_658] {strides = array<i32>} : memref<64xi32, #tpu.memory_space<vmem>>, vector<16xi32>,
        %get3A_660 = vector.shape_cast %get3A_659 : vector<16xi32> to vector<16xi32>
        %and3A_661 = arith.constant 65535 : i32
        %and3A_662 = vector.broadcast %and3A_661 : i32 to vector<16xi32>
        %and3A_663 = arith.andi %get3A_660, %and3A_662 : vector<16xi32>
        %swap3A_664 = arith.constant 32 : index
        %swap3A_665 = tpu.vector_load %arg18[%swap3A_664] {strides = array<i32>} : memref<64xi32, #tpu.memory_space<vmem>>, vector<16xi32>,
        %swap3A_666 = vector.shape_cast %swap3A_665 : vector<16xi32> to vector<16xi32>
        %swap3A_667 = vector.shape_cast %and3A_663 : vector<16xi32> to vector<16xi32>
        tpu.vector_store %arg18[%swap3A_664], %swap3A_667 {strides = array<i32>} : memref<64xi32, #tpu.memory_space<vmem>>, vector<16xi32>,
        %shift_right_logical3A_668 = arith.constant 16 : i32
        %shift_right_logical3A_669 = vector.broadcast %shift_right_logical3A_668 : i32 to vector<16xi32>
        %shift_right_logical3A_670 = arith.shrui %get3A_660, %shift_right_logical3A_669 : vector<16xi32>
        %swap3A_671 = arith.constant 32 : index
        %swap3A_672 = tpu.vector_load %arg23[%swap3A_671] {strides = array<i32>} : memref<64xi32, #tpu.memory_space<vmem>>, vector<16xi32>,
        %swap3A_673 = vector.shape_cast %swap3A_672 : vector<16xi32> to vector<16xi32>
        %swap3A_674 = vector.shape_cast %shift_right_logical3A_670 : vector<16xi32> to vector<16xi32>
        tpu.vector_store %arg23[%swap3A_671], %swap3A_674 {strides = array<i32>} : memref<64xi32, #tpu.memory_space<vmem>>, vector<16xi32>,
        %get3A_675 = arith.constant 48 : index
        %get3A_676 = tpu.vector_load %arg13[%get3A_675] {strides = array<i32>} : memref<64xi32, #tpu.memory_space<vmem>>, vector<16xi32>,
        %get3A_677 = vector.shape_cast %get3A_676 : vector<16xi32> to vector<16xi32>
        %and3A_678 = arith.constant 65535 : i32
        %and3A_679 = vector.broadcast %and3A_678 : i32 to vector<16xi32>
        %and3A_680 = arith.andi %get3A_677, %and3A_679 : vector<16xi32>
        %swap3A_681 = arith.constant 48 : index
        %swap3A_682 = tpu.vector_load %arg18[%swap3A_681] {strides = array<i32>} : memref<64xi32, #tpu.memory_space<vmem>>, vector<16xi32>,
        %swap3A_683 = vector.shape_cast %swap3A_682 : vector<16xi32> to vector<16xi32>
        %swap3A_684 = vector.shape_cast %and3A_680 : vector<16xi32> to vector<16xi32>
        tpu.vector_store %arg18[%swap3A_681], %swap3A_684 {strides = array<i32>} : memref<64xi32, #tpu.memory_space<vmem>>, vector<16xi32>,
        %shift_right_logical3A_685 = arith.constant 16 : i32
        %shift_right_logical3A_686 = vector.broadcast %shift_right_logical3A_685 : i32 to vector<16xi32>
        %shift_right_logical3A_687 = arith.shrui %get3A_677, %shift_right_logical3A_686 : vector<16xi32>
        %swap3A_688 = arith.constant 48 : index
        %swap3A_689 = tpu.vector_load %arg23[%swap3A_688] {strides = array<i32>} : memref<64xi32, #tpu.memory_space<vmem>>, vector<16xi32>,
        %swap3A_690 = vector.shape_cast %swap3A_689 : vector<16xi32> to vector<16xi32>
        %swap3A_691 = vector.shape_cast %shift_right_logical3A_687 : vector<16xi32> to vector<16xi32>
        tpu.vector_store %arg23[%swap3A_688], %swap3A_691 {strides = array<i32>} : memref<64xi32, #tpu.memory_space<vmem>>, vector<16xi32>,
        %dma_start3A_692 = arith.constant 0 : i32
        %dma_start3A_693 = arith.constant 0 : i32
        %dma_start3A_694 = tpu.memref_slice %arg2[%dma_start3A_692, %dma_start3A_693] : memref<20000x128xf32, #tpu.memory_space<hbm>> -> memref<20000x128xf32, #tpu.memory_space<hbm>>
        tpu.enqueue_indirect_dma source(%dma_start3A_694 : memref<20000x128xf32, #tpu.memory_space<hbm>>) target(%arg8 : memref<64x128xf32, #tpu.memory_space<vmem>>) offsets(%arg18 : memref<64xi32, #tpu.memory_space<vmem>>) semaphore(%arg28 : memref<!tpu.dma_semaphore, #tpu.memory_space<semaphore_mem>>)
      } else {
      }
      %add3A_596 = arith.constant 4 : i32
      %add3A_597 = arith.addi %add3A_507, %add3A_596 : i32
      %add3A_598 = arith.constant 4 : i32
      %add3A_599 = arith.addi %add3A_597, %add3A_598 : i32
      %lt3A_600 = arith.constant 320 : i32
      %lt3A_601 = arith.cmpi slt, %add3A_599, %lt3A_600 : i32
      %convert_element_type3A_602 = arith.extui %lt3A_601 : i1 to i32
      %cond3A_603 = arith.constant 0 : i32
      %cond3A_604 = arith.cmpi ne, %convert_element_type3A_602, %cond3A_603 : i32
      scf.if %cond3A_604 {
        %add3A_618 = arith.constant 4 : i32
        %add3A_619 = arith.addi %add3A_597, %add3A_618 : i32
        %mul3A_620 = arith.constant 64 : i32
        %mul3A_621 = arith.muli %add3A_619, %mul3A_620 : i32
        %add3A_622 = arith.addi %add3A_71, %mul3A_621 : i32
        %dma_start3A_623 = tpu.memref_slice %arg3[%add3A_622] : memref<655360xi32, #tpu.memory_space<hbm>> -> memref<64xi32, #tpu.memory_space<hbm>>
        %dma_start3A_624 = tpu.memref_slice %arg3[%add3A_622] : memref<655360xi32, #tpu.memory_space<hbm>> -> memref<64xi32, #tpu.memory_space<hbm>>
        tpu.enqueue_dma source(%dma_start3A_624 : memref<64xi32, #tpu.memory_space<hbm>>) target(%arg15 : memref<64xi32, #tpu.memory_space<vmem>>) target_semaphore(%arg40 : memref<!tpu.dma_semaphore, #tpu.memory_space<semaphore_mem>>)
      } else {
      }
      %dma_wait3A_605 = arith.constant 0 : i32
      %dma_wait3A_606 = arith.constant 0 : i32
      %dma_wait3A_607 = tpu.memref_slice %arg2[%dma_wait3A_605, %dma_wait3A_606] : memref<20000x128xf32, #tpu.memory_space<hbm>> -> memref<20000x128xf32, #tpu.memory_space<hbm>>
      tpu.wait_indirect_dma semaphore(%arg31 : memref<!tpu.dma_semaphore, #tpu.memory_space<semaphore_mem>>) src(%dma_wait3A_607 : memref<20000x128xf32, #tpu.memory_space<hbm>>) dst(%arg11 : memref<64x128xf32, #tpu.memory_space<vmem>>)
      %dma_start3A_608 = arith.constant 0 : i32
      %dma_start3A_609 = arith.constant 0 : i32
      %dma_start3A_610 = tpu.memref_slice %arg6[%dma_start3A_608, %dma_start3A_609] : memref<10048x128xf32, #tpu.memory_space<vmem_shared>> -> memref<10048x128xf32, #tpu.memory_space<vmem_shared>>
      tpu.enqueue_indirect_dma source(%arg11 : memref<64x128xf32, #tpu.memory_space<vmem>>) target(%dma_start3A_610 : memref<10048x128xf32, #tpu.memory_space<vmem_shared>>) offsets(%arg26 : memref<64xi32, #tpu.memory_space<vmem>>) semaphore(%arg36 : memref<!tpu.dma_semaphore, #tpu.memory_space<semaphore_mem>>) {add = true}
      %add3A_611 = arith.constant 3 : i32
      %add3A_612 = arith.addi %add3A_597, %add3A_611 : i32
      %lt3A_613 = arith.constant 320 : i32
      %lt3A_614 = arith.cmpi slt, %add3A_612, %lt3A_613 : i32
      %convert_element_type3A_615 = arith.extui %lt3A_614 : i1 to i32
      %cond3A_616 = arith.constant 0 : i32
      %cond3A_617 = arith.cmpi ne, %convert_element_type3A_615, %cond3A_616 : i32
      scf.if %cond3A_617 {
        %ge3A = arith.constant 5 : i32
        %ge3A_618 = arith.cmpi sge, %add3A_612, %ge3A : i32
        %convert_element_type3A_619 = arith.extui %ge3A_618 : i1 to i32
        %cond3A_620 = arith.constant 0 : i32
        %cond3A_621 = arith.cmpi ne, %convert_element_type3A_619, %cond3A_620 : i32
        scf.if %cond3A_621 {
          %dma_wait3A_695 = arith.constant 0 : i32
          %dma_wait3A_696 = arith.constant 0 : i32
          %dma_wait3A_697 = tpu.memref_slice %arg6[%dma_wait3A_695, %dma_wait3A_696] : memref<10048x128xf32, #tpu.memory_space<vmem_shared>> -> memref<10048x128xf32, #tpu.memory_space<vmem_shared>>
          tpu.wait_indirect_dma semaphore(%arg34 : memref<!tpu.dma_semaphore, #tpu.memory_space<semaphore_mem>>) src(%arg9 : memref<64x128xf32, #tpu.memory_space<vmem>>) dst(%dma_wait3A_697 : memref<10048x128xf32, #tpu.memory_space<vmem_shared>>)
        } else {
        }
        %dma_wait3A_622 = tpu.memref_slice %arg3[%add3A_71] : memref<655360xi32, #tpu.memory_space<hbm>> -> memref<64xi32, #tpu.memory_space<hbm>>
        %dma_wait3A_623 = tpu.memref_slice %arg3[%add3A_71] : memref<655360xi32, #tpu.memory_space<hbm>> -> memref<64xi32, #tpu.memory_space<hbm>>
        tpu.wait_dma2 semaphore(%arg39 : memref<!tpu.dma_semaphore, #tpu.memory_space<semaphore_mem>>) src(%dma_wait3A_623 : memref<64xi32, #tpu.memory_space<hbm>>) dst(%arg14 : memref<64xi32, #tpu.memory_space<vmem>>)
        %get3A_624 = arith.constant 0 : index
        %get3A_625 = tpu.vector_load %arg14[%get3A_624] {strides = array<i32>} : memref<64xi32, #tpu.memory_space<vmem>>, vector<16xi32>,
        %get3A_626 = vector.shape_cast %get3A_625 : vector<16xi32> to vector<16xi32>
        %and3A_627 = arith.constant 65535 : i32
        %and3A_628 = vector.broadcast %and3A_627 : i32 to vector<16xi32>
        %and3A_629 = arith.andi %get3A_626, %and3A_628 : vector<16xi32>
        %swap3A_630 = arith.constant 0 : index
        %swap3A_631 = tpu.vector_load %arg19[%swap3A_630] {strides = array<i32>} : memref<64xi32, #tpu.memory_space<vmem>>, vector<16xi32>,
        %swap3A_632 = vector.shape_cast %swap3A_631 : vector<16xi32> to vector<16xi32>
        %swap3A_633 = vector.shape_cast %and3A_629 : vector<16xi32> to vector<16xi32>
        tpu.vector_store %arg19[%swap3A_630], %swap3A_633 {strides = array<i32>} : memref<64xi32, #tpu.memory_space<vmem>>, vector<16xi32>,
        %shift_right_logical3A_634 = arith.constant 16 : i32
        %shift_right_logical3A_635 = vector.broadcast %shift_right_logical3A_634 : i32 to vector<16xi32>
        %shift_right_logical3A_636 = arith.shrui %get3A_626, %shift_right_logical3A_635 : vector<16xi32>
        %swap3A_637 = arith.constant 0 : index
        %swap3A_638 = tpu.vector_load %arg24[%swap3A_637] {strides = array<i32>} : memref<64xi32, #tpu.memory_space<vmem>>, vector<16xi32>,
        %swap3A_639 = vector.shape_cast %swap3A_638 : vector<16xi32> to vector<16xi32>
        %swap3A_640 = vector.shape_cast %shift_right_logical3A_636 : vector<16xi32> to vector<16xi32>
        tpu.vector_store %arg24[%swap3A_637], %swap3A_640 {strides = array<i32>} : memref<64xi32, #tpu.memory_space<vmem>>, vector<16xi32>,
        %get3A_641 = arith.constant 16 : index
        %get3A_642 = tpu.vector_load %arg14[%get3A_641] {strides = array<i32>} : memref<64xi32, #tpu.memory_space<vmem>>, vector<16xi32>,
        %get3A_643 = vector.shape_cast %get3A_642 : vector<16xi32> to vector<16xi32>
        %and3A_644 = arith.constant 65535 : i32
        %and3A_645 = vector.broadcast %and3A_644 : i32 to vector<16xi32>
        %and3A_646 = arith.andi %get3A_643, %and3A_645 : vector<16xi32>
        %swap3A_647 = arith.constant 16 : index
        %swap3A_648 = tpu.vector_load %arg19[%swap3A_647] {strides = array<i32>} : memref<64xi32, #tpu.memory_space<vmem>>, vector<16xi32>,
        %swap3A_649 = vector.shape_cast %swap3A_648 : vector<16xi32> to vector<16xi32>
        %swap3A_650 = vector.shape_cast %and3A_646 : vector<16xi32> to vector<16xi32>
        tpu.vector_store %arg19[%swap3A_647], %swap3A_650 {strides = array<i32>} : memref<64xi32, #tpu.memory_space<vmem>>, vector<16xi32>,
        %shift_right_logical3A_651 = arith.constant 16 : i32
        %shift_right_logical3A_652 = vector.broadcast %shift_right_logical3A_651 : i32 to vector<16xi32>
        %shift_right_logical3A_653 = arith.shrui %get3A_643, %shift_right_logical3A_652 : vector<16xi32>
        %swap3A_654 = arith.constant 16 : index
        %swap3A_655 = tpu.vector_load %arg24[%swap3A_654] {strides = array<i32>} : memref<64xi32, #tpu.memory_space<vmem>>, vector<16xi32>,
        %swap3A_656 = vector.shape_cast %swap3A_655 : vector<16xi32> to vector<16xi32>
        %swap3A_657 = vector.shape_cast %shift_right_logical3A_653 : vector<16xi32> to vector<16xi32>
        tpu.vector_store %arg24[%swap3A_654], %swap3A_657 {strides = array<i32>} : memref<64xi32, #tpu.memory_space<vmem>>, vector<16xi32>,
        %get3A_658 = arith.constant 32 : index
        %get3A_659 = tpu.vector_load %arg14[%get3A_658] {strides = array<i32>} : memref<64xi32, #tpu.memory_space<vmem>>, vector<16xi32>,
        %get3A_660 = vector.shape_cast %get3A_659 : vector<16xi32> to vector<16xi32>
        %and3A_661 = arith.constant 65535 : i32
        %and3A_662 = vector.broadcast %and3A_661 : i32 to vector<16xi32>
        %and3A_663 = arith.andi %get3A_660, %and3A_662 : vector<16xi32>
        %swap3A_664 = arith.constant 32 : index
        %swap3A_665 = tpu.vector_load %arg19[%swap3A_664] {strides = array<i32>} : memref<64xi32, #tpu.memory_space<vmem>>, vector<16xi32>,
        %swap3A_666 = vector.shape_cast %swap3A_665 : vector<16xi32> to vector<16xi32>
        %swap3A_667 = vector.shape_cast %and3A_663 : vector<16xi32> to vector<16xi32>
        tpu.vector_store %arg19[%swap3A_664], %swap3A_667 {strides = array<i32>} : memref<64xi32, #tpu.memory_space<vmem>>, vector<16xi32>,
        %shift_right_logical3A_668 = arith.constant 16 : i32
        %shift_right_logical3A_669 = vector.broadcast %shift_right_logical3A_668 : i32 to vector<16xi32>
        %shift_right_logical3A_670 = arith.shrui %get3A_660, %shift_right_logical3A_669 : vector<16xi32>
        %swap3A_671 = arith.constant 32 : index
        %swap3A_672 = tpu.vector_load %arg24[%swap3A_671] {strides = array<i32>} : memref<64xi32, #tpu.memory_space<vmem>>, vector<16xi32>,
        %swap3A_673 = vector.shape_cast %swap3A_672 : vector<16xi32> to vector<16xi32>
        %swap3A_674 = vector.shape_cast %shift_right_logical3A_670 : vector<16xi32> to vector<16xi32>
        tpu.vector_store %arg24[%swap3A_671], %swap3A_674 {strides = array<i32>} : memref<64xi32, #tpu.memory_space<vmem>>, vector<16xi32>,
        %get3A_675 = arith.constant 48 : index
        %get3A_676 = tpu.vector_load %arg14[%get3A_675] {strides = array<i32>} : memref<64xi32, #tpu.memory_space<vmem>>, vector<16xi32>,
        %get3A_677 = vector.shape_cast %get3A_676 : vector<16xi32> to vector<16xi32>
        %and3A_678 = arith.constant 65535 : i32
        %and3A_679 = vector.broadcast %and3A_678 : i32 to vector<16xi32>
        %and3A_680 = arith.andi %get3A_677, %and3A_679 : vector<16xi32>
        %swap3A_681 = arith.constant 48 : index
        %swap3A_682 = tpu.vector_load %arg19[%swap3A_681] {strides = array<i32>} : memref<64xi32, #tpu.memory_space<vmem>>, vector<16xi32>,
        %swap3A_683 = vector.shape_cast %swap3A_682 : vector<16xi32> to vector<16xi32>
        %swap3A_684 = vector.shape_cast %and3A_680 : vector<16xi32> to vector<16xi32>
        tpu.vector_store %arg19[%swap3A_681], %swap3A_684 {strides = array<i32>} : memref<64xi32, #tpu.memory_space<vmem>>, vector<16xi32>,
        %shift_right_logical3A_685 = arith.constant 16 : i32
        %shift_right_logical3A_686 = vector.broadcast %shift_right_logical3A_685 : i32 to vector<16xi32>
        %shift_right_logical3A_687 = arith.shrui %get3A_677, %shift_right_logical3A_686 : vector<16xi32>
        %swap3A_688 = arith.constant 48 : index
        %swap3A_689 = tpu.vector_load %arg24[%swap3A_688] {strides = array<i32>} : memref<64xi32, #tpu.memory_space<vmem>>, vector<16xi32>,
        %swap3A_690 = vector.shape_cast %swap3A_689 : vector<16xi32> to vector<16xi32>
        %swap3A_691 = vector.shape_cast %shift_right_logical3A_687 : vector<16xi32> to vector<16xi32>
        tpu.vector_store %arg24[%swap3A_688], %swap3A_691 {strides = array<i32>} : memref<64xi32, #tpu.memory_space<vmem>>, vector<16xi32>,
        %dma_start3A_692 = arith.constant 0 : i32
        %dma_start3A_693 = arith.constant 0 : i32
        %dma_start3A_694 = tpu.memref_slice %arg2[%dma_start3A_692, %dma_start3A_693] : memref<20000x128xf32, #tpu.memory_space<hbm>> -> memref<20000x128xf32, #tpu.memory_space<hbm>>
        tpu.enqueue_indirect_dma source(%dma_start3A_694 : memref<20000x128xf32, #tpu.memory_space<hbm>>) target(%arg9 : memref<64x128xf32, #tpu.memory_space<vmem>>) offsets(%arg19 : memref<64xi32, #tpu.memory_space<vmem>>) semaphore(%arg29 : memref<!tpu.dma_semaphore, #tpu.memory_space<semaphore_mem>>)
      } else {
      }
    }
    %scan3A_374 = arith.constant 64 : i32
    %dma_wait3A_375 = arith.constant 0 : i32
    %dma_wait3A_376 = arith.constant 0 : i32
    %dma_wait3A_377 = tpu.memref_slice %arg6[%dma_wait3A_375, %dma_wait3A_376] : memref<10048x128xf32, #tpu.memory_space<vmem_shared>> -> memref<10048x128xf32, #tpu.memory_space<vmem_shared>>
    tpu.wait_indirect_dma semaphore(%arg32 : memref<!tpu.dma_semaphore, #tpu.memory_space<semaphore_mem>>) src(%arg7 : memref<64x128xf32, #tpu.memory_space<vmem>>) dst(%dma_wait3A_377 : memref<10048x128xf32, #tpu.memory_space<vmem_shared>>)
    %dma_wait3A_378 = arith.constant 0 : i32
    %dma_wait3A_379 = arith.constant 0 : i32
    %dma_wait3A_380 = tpu.memref_slice %arg6[%dma_wait3A_378, %dma_wait3A_379] : memref<10048x128xf32, #tpu.memory_space<vmem_shared>> -> memref<10048x128xf32, #tpu.memory_space<vmem_shared>>
    tpu.wait_indirect_dma semaphore(%arg33 : memref<!tpu.dma_semaphore, #tpu.memory_space<semaphore_mem>>) src(%arg8 : memref<64x128xf32, #tpu.memory_space<vmem>>) dst(%dma_wait3A_380 : memref<10048x128xf32, #tpu.memory_space<vmem_shared>>)
    %dma_wait3A_381 = arith.constant 0 : i32
    %dma_wait3A_382 = arith.constant 0 : i32
    %dma_wait3A_383 = tpu.memref_slice %arg6[%dma_wait3A_381, %dma_wait3A_382] : memref<10048x128xf32, #tpu.memory_space<vmem_shared>> -> memref<10048x128xf32, #tpu.memory_space<vmem_shared>>
    tpu.wait_indirect_dma semaphore(%arg34 : memref<!tpu.dma_semaphore, #tpu.memory_space<semaphore_mem>>) src(%arg9 : memref<64x128xf32, #tpu.memory_space<vmem>>) dst(%dma_wait3A_383 : memref<10048x128xf32, #tpu.memory_space<vmem_shared>>)
    %dma_wait3A_384 = arith.constant 0 : i32
    %dma_wait3A_385 = arith.constant 0 : i32
    %dma_wait3A_386 = tpu.memref_slice %arg6[%dma_wait3A_384, %dma_wait3A_385] : memref<10048x128xf32, #tpu.memory_space<vmem_shared>> -> memref<10048x128xf32, #tpu.memory_space<vmem_shared>>
    tpu.wait_indirect_dma semaphore(%arg35 : memref<!tpu.dma_semaphore, #tpu.memory_space<semaphore_mem>>) src(%arg10 : memref<64x128xf32, #tpu.memory_space<vmem>>) dst(%dma_wait3A_386 : memref<10048x128xf32, #tpu.memory_space<vmem_shared>>)
    %dma_wait3A_387 = arith.constant 0 : i32
    %dma_wait3A_388 = arith.constant 0 : i32
    %dma_wait3A_389 = tpu.memref_slice %arg6[%dma_wait3A_387, %dma_wait3A_388] : memref<10048x128xf32, #tpu.memory_space<vmem_shared>> -> memref<10048x128xf32, #tpu.memory_space<vmem_shared>>
    tpu.wait_indirect_dma semaphore(%arg36 : memref<!tpu.dma_semaphore, #tpu.memory_space<semaphore_mem>>) src(%arg11 : memref<64x128xf32, #tpu.memory_space<vmem>>) dst(%dma_wait3A_389 : memref<10048x128xf32, #tpu.memory_space<vmem_shared>>)
    %barrier3A_390 = arith.constant 0 : index
    tpu.barrier barrier_id(%barrier3A_390)
    %add3A_391 = arith.constant 0 : i32
    %add3A_392 = arith.addi %arg1, %add3A_391 : i32
    %lt3A_393 = arith.constant 125 : i32
    %lt3A_394 = arith.cmpi slt, %add3A_392, %lt3A_393 : i32
    %convert_element_type3A_395 = arith.extui %lt3A_394 : i1 to i32
    %cond3A_396 = arith.constant 0 : i32
    %cond3A_397 = arith.cmpi ne, %convert_element_type3A_395, %cond3A_396 : i32
    scf.if %cond3A_397 {
      %mul3A_503 = arith.constant 80 : i32
      %mul3A_504 = arith.muli %add3A_392, %mul3A_503 : i32
      %mul3A_505 = arith.constant 80 : i32
      %mul3A_506 = arith.muli %add3A_392, %mul3A_505 : i32
      %dma_start3A_507 = arith.constant 0 : i32
      %dma_start3A_508 = tpu.memref_slice %arg5[%arg0, %mul3A_506, %dma_start3A_507] : memref<2x10000x128xf32, #tpu.memory_space<hbm>> -> memref<1x80x128xf32, #tpu.memory_space<hbm>>
      %dma_start3A_509 = tpu.memref_squeeze %dma_start3A_508 : memref<1x80x128xf32, #tpu.memory_space<hbm>> -> memref<80x128xf32, #tpu.memory_space<hbm>>
      %dma_start3A_510 = arith.constant 0 : i32
      %dma_start3A_511 = tpu.memref_slice %arg6[%mul3A_504, %dma_start3A_510] : memref<10048x128xf32, #tpu.memory_space<vmem_shared>> -> memref<80x128xf32, #tpu.memory_space<vmem_shared>>
      tpu.enqueue_dma source(%dma_start3A_511 : memref<80x128xf32, #tpu.memory_space<vmem_shared>>) target(%dma_start3A_509 : memref<80x128xf32, #tpu.memory_space<hbm>>) target_semaphore(%arg42 : memref<!tpu.dma_semaphore, #tpu.memory_space<semaphore_mem>>)
    } else {
    }
    %add3A_398 = arith.constant 16 : i32
    %add3A_399 = arith.addi %arg1, %add3A_398 : i32
    %lt3A_400 = arith.constant 125 : i32
    %lt3A_401 = arith.cmpi slt, %add3A_399, %lt3A_400 : i32
    %convert_element_type3A_402 = arith.extui %lt3A_401 : i1 to i32
    %cond3A_403 = arith.constant 0 : i32
    %cond3A_404 = arith.cmpi ne, %convert_element_type3A_402, %cond3A_403 : i32
    scf.if %cond3A_404 {
      %mul3A_503 = arith.constant 80 : i32
      %mul3A_504 = arith.muli %add3A_399, %mul3A_503 : i32
      %mul3A_505 = arith.constant 80 : i32
      %mul3A_506 = arith.muli %add3A_399, %mul3A_505 : i32
      %dma_start3A_507 = arith.constant 0 : i32
      %dma_start3A_508 = tpu.memref_slice %arg5[%arg0, %mul3A_506, %dma_start3A_507] : memref<2x10000x128xf32, #tpu.memory_space<hbm>> -> memref<1x80x128xf32, #tpu.memory_space<hbm>>
      %dma_start3A_509 = tpu.memref_squeeze %dma_start3A_508 : memref<1x80x128xf32, #tpu.memory_space<hbm>> -> memref<80x128xf32, #tpu.memory_space<hbm>>
      %dma_start3A_510 = arith.constant 0 : i32
      %dma_start3A_511 = tpu.memref_slice %arg6[%mul3A_504, %dma_start3A_510] : memref<10048x128xf32, #tpu.memory_space<vmem_shared>> -> memref<80x128xf32, #tpu.memory_space<vmem_shared>>
      tpu.enqueue_dma source(%dma_start3A_511 : memref<80x128xf32, #tpu.memory_space<vmem_shared>>) target(%dma_start3A_509 : memref<80x128xf32, #tpu.memory_space<hbm>>) target_semaphore(%arg42 : memref<!tpu.dma_semaphore, #tpu.memory_space<semaphore_mem>>)
    } else {
    }
    %add3A_405 = arith.constant 32 : i32
    %add3A_406 = arith.addi %arg1, %add3A_405 : i32
    %lt3A_407 = arith.constant 125 : i32
    %lt3A_408 = arith.cmpi slt, %add3A_406, %lt3A_407 : i32
    %convert_element_type3A_409 = arith.extui %lt3A_408 : i1 to i32
    %cond3A_410 = arith.constant 0 : i32
    %cond3A_411 = arith.cmpi ne, %convert_element_type3A_409, %cond3A_410 : i32
    scf.if %cond3A_411 {
      %mul3A_503 = arith.constant 80 : i32
      %mul3A_504 = arith.muli %add3A_406, %mul3A_503 : i32
      %mul3A_505 = arith.constant 80 : i32
      %mul3A_506 = arith.muli %add3A_406, %mul3A_505 : i32
      %dma_start3A_507 = arith.constant 0 : i32
      %dma_start3A_508 = tpu.memref_slice %arg5[%arg0, %mul3A_506, %dma_start3A_507] : memref<2x10000x128xf32, #tpu.memory_space<hbm>> -> memref<1x80x128xf32, #tpu.memory_space<hbm>>
      %dma_start3A_509 = tpu.memref_squeeze %dma_start3A_508 : memref<1x80x128xf32, #tpu.memory_space<hbm>> -> memref<80x128xf32, #tpu.memory_space<hbm>>
      %dma_start3A_510 = arith.constant 0 : i32
      %dma_start3A_511 = tpu.memref_slice %arg6[%mul3A_504, %dma_start3A_510] : memref<10048x128xf32, #tpu.memory_space<vmem_shared>> -> memref<80x128xf32, #tpu.memory_space<vmem_shared>>
      tpu.enqueue_dma source(%dma_start3A_511 : memref<80x128xf32, #tpu.memory_space<vmem_shared>>) target(%dma_start3A_509 : memref<80x128xf32, #tpu.memory_space<hbm>>) target_semaphore(%arg42 : memref<!tpu.dma_semaphore, #tpu.memory_space<semaphore_mem>>)
    } else {
    }
    %add3A_412 = arith.constant 48 : i32
    %add3A_413 = arith.addi %arg1, %add3A_412 : i32
    %lt3A_414 = arith.constant 125 : i32
    %lt3A_415 = arith.cmpi slt, %add3A_413, %lt3A_414 : i32
    %convert_element_type3A_416 = arith.extui %lt3A_415 : i1 to i32
    %cond3A_417 = arith.constant 0 : i32
    %cond3A_418 = arith.cmpi ne, %convert_element_type3A_416, %cond3A_417 : i32
    scf.if %cond3A_418 {
      %mul3A_503 = arith.constant 80 : i32
      %mul3A_504 = arith.muli %add3A_413, %mul3A_503 : i32
      %mul3A_505 = arith.constant 80 : i32
      %mul3A_506 = arith.muli %add3A_413, %mul3A_505 : i32
      %dma_start3A_507 = arith.constant 0 : i32
      %dma_start3A_508 = tpu.memref_slice %arg5[%arg0, %mul3A_506, %dma_start3A_507] : memref<2x10000x128xf32, #tpu.memory_space<hbm>> -> memref<1x80x128xf32, #tpu.memory_space<hbm>>
      %dma_start3A_509 = tpu.memref_squeeze %dma_start3A_508 : memref<1x80x128xf32, #tpu.memory_space<hbm>> -> memref<80x128xf32, #tpu.memory_space<hbm>>
      %dma_start3A_510 = arith.constant 0 : i32
      %dma_start3A_511 = tpu.memref_slice %arg6[%mul3A_504, %dma_start3A_510] : memref<10048x128xf32, #tpu.memory_space<vmem_shared>> -> memref<80x128xf32, #tpu.memory_space<vmem_shared>>
      tpu.enqueue_dma source(%dma_start3A_511 : memref<80x128xf32, #tpu.memory_space<vmem_shared>>) target(%dma_start3A_509 : memref<80x128xf32, #tpu.memory_space<hbm>>) target_semaphore(%arg42 : memref<!tpu.dma_semaphore, #tpu.memory_space<semaphore_mem>>)
    } else {
    }
    %add3A_419 = arith.constant 64 : i32
    %add3A_420 = arith.addi %arg1, %add3A_419 : i32
    %lt3A_421 = arith.constant 125 : i32
    %lt3A_422 = arith.cmpi slt, %add3A_420, %lt3A_421 : i32
    %convert_element_type3A_423 = arith.extui %lt3A_422 : i1 to i32
    %cond3A_424 = arith.constant 0 : i32
    %cond3A_425 = arith.cmpi ne, %convert_element_type3A_423, %cond3A_424 : i32
    scf.if %cond3A_425 {
      %mul3A_503 = arith.constant 80 : i32
      %mul3A_504 = arith.muli %add3A_420, %mul3A_503 : i32
      %mul3A_505 = arith.constant 80 : i32
      %mul3A_506 = arith.muli %add3A_420, %mul3A_505 : i32
      %dma_start3A_507 = arith.constant 0 : i32
      %dma_start3A_508 = tpu.memref_slice %arg5[%arg0, %mul3A_506, %dma_start3A_507] : memref<2x10000x128xf32, #tpu.memory_space<hbm>> -> memref<1x80x128xf32, #tpu.memory_space<hbm>>
      %dma_start3A_509 = tpu.memref_squeeze %dma_start3A_508 : memref<1x80x128xf32, #tpu.memory_space<hbm>> -> memref<80x128xf32, #tpu.memory_space<hbm>>
      %dma_start3A_510 = arith.constant 0 : i32
      %dma_start3A_511 = tpu.memref_slice %arg6[%mul3A_504, %dma_start3A_510] : memref<10048x128xf32, #tpu.memory_space<vmem_shared>> -> memref<80x128xf32, #tpu.memory_space<vmem_shared>>
      tpu.enqueue_dma source(%dma_start3A_511 : memref<80x128xf32, #tpu.memory_space<vmem_shared>>) target(%dma_start3A_509 : memref<80x128xf32, #tpu.memory_space<hbm>>) target_semaphore(%arg42 : memref<!tpu.dma_semaphore, #tpu.memory_space<semaphore_mem>>)
    } else {
    }
    %add3A_426 = arith.constant 80 : i32
    %add3A_427 = arith.addi %arg1, %add3A_426 : i32
    %lt3A_428 = arith.constant 125 : i32
    %lt3A_429 = arith.cmpi slt, %add3A_427, %lt3A_428 : i32
    %convert_element_type3A_430 = arith.extui %lt3A_429 : i1 to i32
    %cond3A_431 = arith.constant 0 : i32
    %cond3A_432 = arith.cmpi ne, %convert_element_type3A_430, %cond3A_431 : i32
    scf.if %cond3A_432 {
      %mul3A_503 = arith.constant 80 : i32
      %mul3A_504 = arith.muli %add3A_427, %mul3A_503 : i32
      %mul3A_505 = arith.constant 80 : i32
      %mul3A_506 = arith.muli %add3A_427, %mul3A_505 : i32
      %dma_start3A_507 = arith.constant 0 : i32
      %dma_start3A_508 = tpu.memref_slice %arg5[%arg0, %mul3A_506, %dma_start3A_507] : memref<2x10000x128xf32, #tpu.memory_space<hbm>> -> memref<1x80x128xf32, #tpu.memory_space<hbm>>
      %dma_start3A_509 = tpu.memref_squeeze %dma_start3A_508 : memref<1x80x128xf32, #tpu.memory_space<hbm>> -> memref<80x128xf32, #tpu.memory_space<hbm>>
      %dma_start3A_510 = arith.constant 0 : i32
      %dma_start3A_511 = tpu.memref_slice %arg6[%mul3A_504, %dma_start3A_510] : memref<10048x128xf32, #tpu.memory_space<vmem_shared>> -> memref<80x128xf32, #tpu.memory_space<vmem_shared>>
      tpu.enqueue_dma source(%dma_start3A_511 : memref<80x128xf32, #tpu.memory_space<vmem_shared>>) target(%dma_start3A_509 : memref<80x128xf32, #tpu.memory_space<hbm>>) target_semaphore(%arg42 : memref<!tpu.dma_semaphore, #tpu.memory_space<semaphore_mem>>)
    } else {
    }
    %add3A_433 = arith.constant 96 : i32
    %add3A_434 = arith.addi %arg1, %add3A_433 : i32
    %lt3A_435 = arith.constant 125 : i32
    %lt3A_436 = arith.cmpi slt, %add3A_434, %lt3A_435 : i32
    %convert_element_type3A_437 = arith.extui %lt3A_436 : i1 to i32
    %cond3A_438 = arith.constant 0 : i32
    %cond3A_439 = arith.cmpi ne, %convert_element_type3A_437, %cond3A_438 : i32
    scf.if %cond3A_439 {
      %mul3A_503 = arith.constant 80 : i32
      %mul3A_504 = arith.muli %add3A_434, %mul3A_503 : i32
      %mul3A_505 = arith.constant 80 : i32
      %mul3A_506 = arith.muli %add3A_434, %mul3A_505 : i32
      %dma_start3A_507 = arith.constant 0 : i32
      %dma_start3A_508 = tpu.memref_slice %arg5[%arg0, %mul3A_506, %dma_start3A_507] : memref<2x10000x128xf32, #tpu.memory_space<hbm>> -> memref<1x80x128xf32, #tpu.memory_space<hbm>>
      %dma_start3A_509 = tpu.memref_squeeze %dma_start3A_508 : memref<1x80x128xf32, #tpu.memory_space<hbm>> -> memref<80x128xf32, #tpu.memory_space<hbm>>
      %dma_start3A_510 = arith.constant 0 : i32
      %dma_start3A_511 = tpu.memref_slice %arg6[%mul3A_504, %dma_start3A_510] : memref<10048x128xf32, #tpu.memory_space<vmem_shared>> -> memref<80x128xf32, #tpu.memory_space<vmem_shared>>
      tpu.enqueue_dma source(%dma_start3A_511 : memref<80x128xf32, #tpu.memory_space<vmem_shared>>) target(%dma_start3A_509 : memref<80x128xf32, #tpu.memory_space<hbm>>) target_semaphore(%arg42 : memref<!tpu.dma_semaphore, #tpu.memory_space<semaphore_mem>>)
    } else {
    }
    %add3A_440 = arith.constant 112 : i32
    %add3A_441 = arith.addi %arg1, %add3A_440 : i32
    %lt3A_442 = arith.constant 125 : i32
    %lt3A_443 = arith.cmpi slt, %add3A_441, %lt3A_442 : i32
    %convert_element_type3A_444 = arith.extui %lt3A_443 : i1 to i32
    %cond3A_445 = arith.constant 0 : i32
    %cond3A_446 = arith.cmpi ne, %convert_element_type3A_444, %cond3A_445 : i32
    scf.if %cond3A_446 {
      %mul3A_503 = arith.constant 80 : i32
      %mul3A_504 = arith.muli %add3A_441, %mul3A_503 : i32
      %mul3A_505 = arith.constant 80 : i32
      %mul3A_506 = arith.muli %add3A_441, %mul3A_505 : i32
      %dma_start3A_507 = arith.constant 0 : i32
      %dma_start3A_508 = tpu.memref_slice %arg5[%arg0, %mul3A_506, %dma_start3A_507] : memref<2x10000x128xf32, #tpu.memory_space<hbm>> -> memref<1x80x128xf32, #tpu.memory_space<hbm>>
      %dma_start3A_509 = tpu.memref_squeeze %dma_start3A_508 : memref<1x80x128xf32, #tpu.memory_space<hbm>> -> memref<80x128xf32, #tpu.memory_space<hbm>>
      %dma_start3A_510 = arith.constant 0 : i32
      %dma_start3A_511 = tpu.memref_slice %arg6[%mul3A_504, %dma_start3A_510] : memref<10048x128xf32, #tpu.memory_space<vmem_shared>> -> memref<80x128xf32, #tpu.memory_space<vmem_shared>>
      tpu.enqueue_dma source(%dma_start3A_511 : memref<80x128xf32, #tpu.memory_space<vmem_shared>>) target(%dma_start3A_509 : memref<80x128xf32, #tpu.memory_space<hbm>>) target_semaphore(%arg42 : memref<!tpu.dma_semaphore, #tpu.memory_space<semaphore_mem>>)
    } else {
    }
    %add3A_447 = arith.constant 0 : i32
    %add3A_448 = arith.addi %arg1, %add3A_447 : i32
    %lt3A_449 = arith.constant 125 : i32
    %lt3A_450 = arith.cmpi slt, %add3A_448, %lt3A_449 : i32
    %convert_element_type3A_451 = arith.extui %lt3A_450 : i1 to i32
    %cond3A_452 = arith.constant 0 : i32
    %cond3A_453 = arith.cmpi ne, %convert_element_type3A_451, %cond3A_452 : i32
    scf.if %cond3A_453 {
      %dma_wait3A_503 = arith.constant 0 : i32
      %dma_wait3A_504 = arith.constant 0 : i32
      %dma_wait3A_505 = tpu.memref_slice %arg5[%arg0, %dma_wait3A_503, %dma_wait3A_504] : memref<2x10000x128xf32, #tpu.memory_space<hbm>> -> memref<1x80x128xf32, #tpu.memory_space<hbm>>
      %dma_wait3A_506 = tpu.memref_squeeze %dma_wait3A_505 : memref<1x80x128xf32, #tpu.memory_space<hbm>> -> memref<80x128xf32, #tpu.memory_space<hbm>>
      %dma_wait3A_507 = arith.constant 0 : i32
      %dma_wait3A_508 = arith.constant 0 : i32
      %dma_wait3A_509 = tpu.memref_slice %arg6[%dma_wait3A_507, %dma_wait3A_508] : memref<10048x128xf32, #tpu.memory_space<vmem_shared>> -> memref<80x128xf32, #tpu.memory_space<vmem_shared>>
      tpu.wait_dma2 semaphore(%arg42 : memref<!tpu.dma_semaphore, #tpu.memory_space<semaphore_mem>>) src(%dma_wait3A_509 : memref<80x128xf32, #tpu.memory_space<vmem_shared>>) dst(%dma_wait3A_506 : memref<80x128xf32, #tpu.memory_space<hbm>>)
    } else {
    }
    %add3A_454 = arith.constant 16 : i32
    %add3A_455 = arith.addi %arg1, %add3A_454 : i32
    %lt3A_456 = arith.constant 125 : i32
    %lt3A_457 = arith.cmpi slt, %add3A_455, %lt3A_456 : i32
    %convert_element_type3A_458 = arith.extui %lt3A_457 : i1 to i32
    %cond3A_459 = arith.constant 0 : i32
    %cond3A_460 = arith.cmpi ne, %convert_element_type3A_458, %cond3A_459 : i32
    scf.if %cond3A_460 {
      %dma_wait3A_503 = arith.constant 0 : i32
      %dma_wait3A_504 = arith.constant 0 : i32
      %dma_wait3A_505 = tpu.memref_slice %arg5[%arg0, %dma_wait3A_503, %dma_wait3A_504] : memref<2x10000x128xf32, #tpu.memory_space<hbm>> -> memref<1x80x128xf32, #tpu.memory_space<hbm>>
      %dma_wait3A_506 = tpu.memref_squeeze %dma_wait3A_505 : memref<1x80x128xf32, #tpu.memory_space<hbm>> -> memref<80x128xf32, #tpu.memory_space<hbm>>
      %dma_wait3A_507 = arith.constant 0 : i32
      %dma_wait3A_508 = arith.constant 0 : i32
      %dma_wait3A_509 = tpu.memref_slice %arg6[%dma_wait3A_507, %dma_wait3A_508] : memref<10048x128xf32, #tpu.memory_space<vmem_shared>> -> memref<80x128xf32, #tpu.memory_space<vmem_shared>>
      tpu.wait_dma2 semaphore(%arg42 : memref<!tpu.dma_semaphore, #tpu.memory_space<semaphore_mem>>) src(%dma_wait3A_509 : memref<80x128xf32, #tpu.memory_space<vmem_shared>>) dst(%dma_wait3A_506 : memref<80x128xf32, #tpu.memory_space<hbm>>)
    } else {
    }
    %add3A_461 = arith.constant 32 : i32
    %add3A_462 = arith.addi %arg1, %add3A_461 : i32
    %lt3A_463 = arith.constant 125 : i32
    %lt3A_464 = arith.cmpi slt, %add3A_462, %lt3A_463 : i32
    %convert_element_type3A_465 = arith.extui %lt3A_464 : i1 to i32
    %cond3A_466 = arith.constant 0 : i32
    %cond3A_467 = arith.cmpi ne, %convert_element_type3A_465, %cond3A_466 : i32
    scf.if %cond3A_467 {
      %dma_wait3A_503 = arith.constant 0 : i32
      %dma_wait3A_504 = arith.constant 0 : i32
      %dma_wait3A_505 = tpu.memref_slice %arg5[%arg0, %dma_wait3A_503, %dma_wait3A_504] : memref<2x10000x128xf32, #tpu.memory_space<hbm>> -> memref<1x80x128xf32, #tpu.memory_space<hbm>>
      %dma_wait3A_506 = tpu.memref_squeeze %dma_wait3A_505 : memref<1x80x128xf32, #tpu.memory_space<hbm>> -> memref<80x128xf32, #tpu.memory_space<hbm>>
      %dma_wait3A_507 = arith.constant 0 : i32
      %dma_wait3A_508 = arith.constant 0 : i32
      %dma_wait3A_509 = tpu.memref_slice %arg6[%dma_wait3A_507, %dma_wait3A_508] : memref<10048x128xf32, #tpu.memory_space<vmem_shared>> -> memref<80x128xf32, #tpu.memory_space<vmem_shared>>
      tpu.wait_dma2 semaphore(%arg42 : memref<!tpu.dma_semaphore, #tpu.memory_space<semaphore_mem>>) src(%dma_wait3A_509 : memref<80x128xf32, #tpu.memory_space<vmem_shared>>) dst(%dma_wait3A_506 : memref<80x128xf32, #tpu.memory_space<hbm>>)
    } else {
    }
    %add3A_468 = arith.constant 48 : i32
    %add3A_469 = arith.addi %arg1, %add3A_468 : i32
    %lt3A_470 = arith.constant 125 : i32
    %lt3A_471 = arith.cmpi slt, %add3A_469, %lt3A_470 : i32
    %convert_element_type3A_472 = arith.extui %lt3A_471 : i1 to i32
    %cond3A_473 = arith.constant 0 : i32
    %cond3A_474 = arith.cmpi ne, %convert_element_type3A_472, %cond3A_473 : i32
    scf.if %cond3A_474 {
      %dma_wait3A_503 = arith.constant 0 : i32
      %dma_wait3A_504 = arith.constant 0 : i32
      %dma_wait3A_505 = tpu.memref_slice %arg5[%arg0, %dma_wait3A_503, %dma_wait3A_504] : memref<2x10000x128xf32, #tpu.memory_space<hbm>> -> memref<1x80x128xf32, #tpu.memory_space<hbm>>
      %dma_wait3A_506 = tpu.memref_squeeze %dma_wait3A_505 : memref<1x80x128xf32, #tpu.memory_space<hbm>> -> memref<80x128xf32, #tpu.memory_space<hbm>>
      %dma_wait3A_507 = arith.constant 0 : i32
      %dma_wait3A_508 = arith.constant 0 : i32
      %dma_wait3A_509 = tpu.memref_slice %arg6[%dma_wait3A_507, %dma_wait3A_508] : memref<10048x128xf32, #tpu.memory_space<vmem_shared>> -> memref<80x128xf32, #tpu.memory_space<vmem_shared>>
      tpu.wait_dma2 semaphore(%arg42 : memref<!tpu.dma_semaphore, #tpu.memory_space<semaphore_mem>>) src(%dma_wait3A_509 : memref<80x128xf32, #tpu.memory_space<vmem_shared>>) dst(%dma_wait3A_506 : memref<80x128xf32, #tpu.memory_space<hbm>>)
    } else {
    }
    %add3A_475 = arith.constant 64 : i32
    %add3A_476 = arith.addi %arg1, %add3A_475 : i32
    %lt3A_477 = arith.constant 125 : i32
    %lt3A_478 = arith.cmpi slt, %add3A_476, %lt3A_477 : i32
    %convert_element_type3A_479 = arith.extui %lt3A_478 : i1 to i32
    %cond3A_480 = arith.constant 0 : i32
    %cond3A_481 = arith.cmpi ne, %convert_element_type3A_479, %cond3A_480 : i32
    scf.if %cond3A_481 {
      %dma_wait3A_503 = arith.constant 0 : i32
      %dma_wait3A_504 = arith.constant 0 : i32
      %dma_wait3A_505 = tpu.memref_slice %arg5[%arg0, %dma_wait3A_503, %dma_wait3A_504] : memref<2x10000x128xf32, #tpu.memory_space<hbm>> -> memref<1x80x128xf32, #tpu.memory_space<hbm>>
      %dma_wait3A_506 = tpu.memref_squeeze %dma_wait3A_505 : memref<1x80x128xf32, #tpu.memory_space<hbm>> -> memref<80x128xf32, #tpu.memory_space<hbm>>
      %dma_wait3A_507 = arith.constant 0 : i32
      %dma_wait3A_508 = arith.constant 0 : i32
      %dma_wait3A_509 = tpu.memref_slice %arg6[%dma_wait3A_507, %dma_wait3A_508] : memref<10048x128xf32, #tpu.memory_space<vmem_shared>> -> memref<80x128xf32, #tpu.memory_space<vmem_shared>>
      tpu.wait_dma2 semaphore(%arg42 : memref<!tpu.dma_semaphore, #tpu.memory_space<semaphore_mem>>) src(%dma_wait3A_509 : memref<80x128xf32, #tpu.memory_space<vmem_shared>>) dst(%dma_wait3A_506 : memref<80x128xf32, #tpu.memory_space<hbm>>)
    } else {
    }
    %add3A_482 = arith.constant 80 : i32
    %add3A_483 = arith.addi %arg1, %add3A_482 : i32
    %lt3A_484 = arith.constant 125 : i32
    %lt3A_485 = arith.cmpi slt, %add3A_483, %lt3A_484 : i32
    %convert_element_type3A_486 = arith.extui %lt3A_485 : i1 to i32
    %cond3A_487 = arith.constant 0 : i32
    %cond3A_488 = arith.cmpi ne, %convert_element_type3A_486, %cond3A_487 : i32
    scf.if %cond3A_488 {
      %dma_wait3A_503 = arith.constant 0 : i32
      %dma_wait3A_504 = arith.constant 0 : i32
      %dma_wait3A_505 = tpu.memref_slice %arg5[%arg0, %dma_wait3A_503, %dma_wait3A_504] : memref<2x10000x128xf32, #tpu.memory_space<hbm>> -> memref<1x80x128xf32, #tpu.memory_space<hbm>>
      %dma_wait3A_506 = tpu.memref_squeeze %dma_wait3A_505 : memref<1x80x128xf32, #tpu.memory_space<hbm>> -> memref<80x128xf32, #tpu.memory_space<hbm>>
      %dma_wait3A_507 = arith.constant 0 : i32
      %dma_wait3A_508 = arith.constant 0 : i32
      %dma_wait3A_509 = tpu.memref_slice %arg6[%dma_wait3A_507, %dma_wait3A_508] : memref<10048x128xf32, #tpu.memory_space<vmem_shared>> -> memref<80x128xf32, #tpu.memory_space<vmem_shared>>
      tpu.wait_dma2 semaphore(%arg42 : memref<!tpu.dma_semaphore, #tpu.memory_space<semaphore_mem>>) src(%dma_wait3A_509 : memref<80x128xf32, #tpu.memory_space<vmem_shared>>) dst(%dma_wait3A_506 : memref<80x128xf32, #tpu.memory_space<hbm>>)
    } else {
    }
    %add3A_489 = arith.constant 96 : i32
    %add3A_490 = arith.addi %arg1, %add3A_489 : i32
    %lt3A_491 = arith.constant 125 : i32
    %lt3A_492 = arith.cmpi slt, %add3A_490, %lt3A_491 : i32
    %convert_element_type3A_493 = arith.extui %lt3A_492 : i1 to i32
    %cond3A_494 = arith.constant 0 : i32
    %cond3A_495 = arith.cmpi ne, %convert_element_type3A_493, %cond3A_494 : i32
    scf.if %cond3A_495 {
      %dma_wait3A_503 = arith.constant 0 : i32
      %dma_wait3A_504 = arith.constant 0 : i32
      %dma_wait3A_505 = tpu.memref_slice %arg5[%arg0, %dma_wait3A_503, %dma_wait3A_504] : memref<2x10000x128xf32, #tpu.memory_space<hbm>> -> memref<1x80x128xf32, #tpu.memory_space<hbm>>
      %dma_wait3A_506 = tpu.memref_squeeze %dma_wait3A_505 : memref<1x80x128xf32, #tpu.memory_space<hbm>> -> memref<80x128xf32, #tpu.memory_space<hbm>>
      %dma_wait3A_507 = arith.constant 0 : i32
      %dma_wait3A_508 = arith.constant 0 : i32
      %dma_wait3A_509 = tpu.memref_slice %arg6[%dma_wait3A_507, %dma_wait3A_508] : memref<10048x128xf32, #tpu.memory_space<vmem_shared>> -> memref<80x128xf32, #tpu.memory_space<vmem_shared>>
      tpu.wait_dma2 semaphore(%arg42 : memref<!tpu.dma_semaphore, #tpu.memory_space<semaphore_mem>>) src(%dma_wait3A_509 : memref<80x128xf32, #tpu.memory_space<vmem_shared>>) dst(%dma_wait3A_506 : memref<80x128xf32, #tpu.memory_space<hbm>>)
    } else {
    }
    %add3A_496 = arith.constant 112 : i32
    %add3A_497 = arith.addi %arg1, %add3A_496 : i32
    %lt3A_498 = arith.constant 125 : i32
    %lt3A_499 = arith.cmpi slt, %add3A_497, %lt3A_498 : i32
    %convert_element_type3A_500 = arith.extui %lt3A_499 : i1 to i32
    %cond3A_501 = arith.constant 0 : i32
    %cond3A_502 = arith.cmpi ne, %convert_element_type3A_500, %cond3A_501 : i32
    scf.if %cond3A_502 {
      %dma_wait3A_503 = arith.constant 0 : i32
      %dma_wait3A_504 = arith.constant 0 : i32
      %dma_wait3A_505 = tpu.memref_slice %arg5[%arg0, %dma_wait3A_503, %dma_wait3A_504] : memref<2x10000x128xf32, #tpu.memory_space<hbm>> -> memref<1x80x128xf32, #tpu.memory_space<hbm>>
      %dma_wait3A_506 = tpu.memref_squeeze %dma_wait3A_505 : memref<1x80x128xf32, #tpu.memory_space<hbm>> -> memref<80x128xf32, #tpu.memory_space<hbm>>
      %dma_wait3A_507 = arith.constant 0 : i32
      %dma_wait3A_508 = arith.constant 0 : i32
      %dma_wait3A_509 = tpu.memref_slice %arg6[%dma_wait3A_507, %dma_wait3A_508] : memref<10048x128xf32, #tpu.memory_space<vmem_shared>> -> memref<80x128xf32, #tpu.memory_space<vmem_shared>>
      tpu.wait_dma2 semaphore(%arg42 : memref<!tpu.dma_semaphore, #tpu.memory_space<semaphore_mem>>) src(%dma_wait3A_509 : memref<80x128xf32, #tpu.memory_space<vmem_shared>>) dst(%dma_wait3A_506 : memref<80x128xf32, #tpu.memory_space<hbm>>)
    } else {
    }
    return
  }
}

#map = affine_map<(d0, d1) -> (0, 0)>
#map1 = affine_map<(d0, d1) -> (0)>
#map2 = affine_map<(d0, d1) -> (0, 0, 0)>
module attributes {stable_mosaic.version = 14 : i64} {
  func.func @k(%arg0: i32, %arg1: i32, %arg2: memref<20000x128xf32, #tpu.memory_space<hbm>>, %arg3: memref<655360xi32, #tpu.memory_space<hbm>>, %arg4: memref<64x128xf32, #tpu.memory_space<hbm>>, %arg5: memref<2x10000x128xf32, #tpu.memory_space<hbm>>, %arg6: memref<10048x128xf32, #tpu.memory_space<vmem_shared>>, %arg7: memref<64x128xf32, #tpu.memory_space<vmem>>, %arg8: memref<64x128xf32, #tpu.memory_space<vmem>>, %arg9: memref<64x128xf32, #tpu.memory_space<vmem>>, %arg10: memref<64x128xf32, #tpu.memory_space<vmem>>, %arg11: memref<64x128xf32, #tpu.memory_space<vmem>>, %arg12: memref<64xi32, #tpu.memory_space<vmem>>, %arg13: memref<64xi32, #tpu.memory_space<vmem>>, %arg14: memref<64xi32, #tpu.memory_space<vmem>>, %arg15: memref<64xi32, #tpu.memory_space<vmem>>, %arg16: memref<64xi32, #tpu.memory_space<vmem>>, %arg17: memref<64xi32, #tpu.memory_space<vmem>>, %arg18: memref<64xi32, #tpu.memory_space<vmem>>, %arg19: memref<64xi32, #tpu.memory_space<vmem>>, %arg20: memref<64xi32, #tpu.memory_space<vmem>>, %arg21: memref<64xi32, #tpu.memory_space<vmem>>, %arg22: memref<64xi32, #tpu.memory_space<vmem>>, %arg23: memref<64xi32, #tpu.memory_space<vmem>>, %arg24: memref<64xi32, #tpu.memory_space<vmem>>, %arg25: memref<64xi32, #tpu.memory_space<vmem>>, %arg26: memref<64xi32, #tpu.memory_space<vmem>>, %arg27: memref<!tpu.dma_semaphore, #tpu.memory_space<semaphore_mem>>, %arg28: memref<!tpu.dma_semaphore, #tpu.memory_space<semaphore_mem>>, %arg29: memref<!tpu.dma_semaphore, #tpu.memory_space<semaphore_mem>>, %arg30: memref<!tpu.dma_semaphore, #tpu.memory_space<semaphore_mem>>, %arg31: memref<!tpu.dma_semaphore, #tpu.memory_space<semaphore_mem>>, %arg32: memref<!tpu.dma_semaphore, #tpu.memory_space<semaphore_mem>>, %arg33: memref<!tpu.dma_semaphore, #tpu.memory_space<semaphore_mem>>, %arg34: memref<!tpu.dma_semaphore, #tpu.memory_space<semaphore_mem>>, %arg35: memref<!tpu.dma_semaphore, #tpu.memory_space<semaphore_mem>>, %arg36: memref<!tpu.dma_semaphore, #tpu.memory_space<semaphore_mem>>, %arg37: memref<!tpu.dma_semaphore, #tpu.memory_space<semaphore_mem>>, %arg38: memref<!tpu.dma_semaphore, #tpu.memory_space<semaphore_mem>>, %arg39: memref<!tpu.dma_semaphore, #tpu.memory_space<semaphore_mem>>, %arg40: memref<!tpu.dma_semaphore, #tpu.memory_space<semaphore_mem>>, %arg41: memref<!tpu.dma_semaphore, #tpu.memory_space<semaphore_mem>>, %arg42: memref<!tpu.dma_semaphore, #tpu.memory_space<semaphore_mem>>) attributes {dimension_semantics = [#tpu.dimension_semantics<core_parallel>, #tpu.dimension_semantics<subcore_parallel>], iteration_bounds = array<i64: 2, 16>, scalar_prefetch = 0 : i64, scratch_operands = 37 : i64, tpu.core_type = #tpu.core_type<sc_vector_subcore>, window_params = [{transform_indices = #map}, {transform_indices = #map1}, {transform_indices = #map}, {transform_indices = #map2}]} {
    "tpu.region"() ({
      %run_scoped3A = tpu.sem_alloc : memref<!tpu.dma_semaphore, #tpu.memory_space<semaphore_mem>>
      tpu.enqueue_dma source(%arg4 : memref<64x128xf32, #tpu.memory_space<hbm>>) target(%arg7 : memref<64x128xf32, #tpu.memory_space<vmem>>) target_semaphore(%run_scoped3A : memref<!tpu.dma_semaphore, #tpu.memory_space<semaphore_mem>>)
      tpu.wait_dma2 semaphore(%run_scoped3A : memref<!tpu.dma_semaphore, #tpu.memory_space<semaphore_mem>>) src(%arg4 : memref<64x128xf32, #tpu.memory_space<hbm>>) dst(%arg7 : memref<64x128xf32, #tpu.memory_space<vmem>>)
      tpu.yield
    }) : () -> ()
    %add3A = arith.constant 0 : i32
    %add3A_0 = arith.addi %arg1, %add3A : i32
    %lt3A = arith.constant 157 : i32
    %lt3A_1 = arith.cmpi slt, %add3A_0, %lt3A : i32
    %convert_element_type3A = arith.extui %lt3A_1 : i1 to i32
    %cond3A = arith.constant 0 : i32
    %cond3A_2 = arith.cmpi ne, %convert_element_type3A, %cond3A : i32
    scf.if %cond3A_2 {
      %mul3A_503 = arith.constant 64 : i32
      %mul3A_504 = arith.muli %add3A_0, %mul3A_503 : i32
      %dma_start3A_505 = arith.constant 0 : i32
      %dma_start3A_506 = tpu.memref_slice %arg6[%mul3A_504, %dma_start3A_505] : memref<10048x128xf32, #tpu.memory_space<vmem_shared>> -> memref<64x128xf32, #tpu.memory_space<vmem_shared>>
      %dma_start3A_507 = arith.constant 0 : i32
      %dma_start3A_508 = tpu.memref_slice %arg6[%mul3A_504, %dma_start3A_507] : memref<10048x128xf32, #tpu.memory_space<vmem_shared>> -> memref<64x128xf32, #tpu.memory_space<vmem_shared>>
      tpu.enqueue_dma source(%arg7 : memref<64x128xf32, #tpu.memory_space<vmem>>) target(%dma_start3A_508 : memref<64x128xf32, #tpu.memory_space<vmem_shared>>) target_semaphore(%arg42 : memref<!tpu.dma_semaphore, #tpu.memory_space<semaphore_mem>>)
    } else {
    }
    %add3A_3 = arith.constant 16 : i32
    %add3A_4 = arith.addi %arg1, %add3A_3 : i32
    %lt3A_5 = arith.constant 157 : i32
    %lt3A_6 = arith.cmpi slt, %add3A_4, %lt3A_5 : i32
    %convert_element_type3A_7 = arith.extui %lt3A_6 : i1 to i32
    %cond3A_8 = arith.constant 0 : i32
    %cond3A_9 = arith.cmpi ne, %convert_element_type3A_7, %cond3A_8 : i32
    scf.if %cond3A_9 {
      %mul3A_503 = arith.constant 64 : i32
      %mul3A_504 = arith.muli %add3A_4, %mul3A_503 : i32
      %dma_start3A_505 = arith.constant 0 : i32
      %dma_start3A_506 = tpu.memref_slice %arg6[%mul3A_504, %dma_start3A_505] : memref<10048x128xf32, #tpu.memory_space<vmem_shared>> -> memref<64x128xf32, #tpu.memory_space<vmem_shared>>
      %dma_start3A_507 = arith.constant 0 : i32
      %dma_start3A_508 = tpu.memref_slice %arg6[%mul3A_504, %dma_start3A_507] : memref<10048x128xf32, #tpu.memory_space<vmem_shared>> -> memref<64x128xf32, #tpu.memory_space<vmem_shared>>
      tpu.enqueue_dma source(%arg7 : memref<64x128xf32, #tpu.memory_space<vmem>>) target(%dma_start3A_508 : memref<64x128xf32, #tpu.memory_space<vmem_shared>>) target_semaphore(%arg42 : memref<!tpu.dma_semaphore, #tpu.memory_space<semaphore_mem>>)
    } else {
    }
    %add3A_10 = arith.constant 32 : i32
    %add3A_11 = arith.addi %arg1, %add3A_10 : i32
    %lt3A_12 = arith.constant 157 : i32
    %lt3A_13 = arith.cmpi slt, %add3A_11, %lt3A_12 : i32
    %convert_element_type3A_14 = arith.extui %lt3A_13 : i1 to i32
    %cond3A_15 = arith.constant 0 : i32
    %cond3A_16 = arith.cmpi ne, %convert_element_type3A_14, %cond3A_15 : i32
    scf.if %cond3A_16 {
      %mul3A_503 = arith.constant 64 : i32
      %mul3A_504 = arith.muli %add3A_11, %mul3A_503 : i32
      %dma_start3A_505 = arith.constant 0 : i32
      %dma_start3A_506 = tpu.memref_slice %arg6[%mul3A_504, %dma_start3A_505] : memref<10048x128xf32, #tpu.memory_space<vmem_shared>> -> memref<64x128xf32, #tpu.memory_space<vmem_shared>>
      %dma_start3A_507 = arith.constant 0 : i32
      %dma_start3A_508 = tpu.memref_slice %arg6[%mul3A_504, %dma_start3A_507] : memref<10048x128xf32, #tpu.memory_space<vmem_shared>> -> memref<64x128xf32, #tpu.memory_space<vmem_shared>>
      tpu.enqueue_dma source(%arg7 : memref<64x128xf32, #tpu.memory_space<vmem>>) target(%dma_start3A_508 : memref<64x128xf32, #tpu.memory_space<vmem_shared>>) target_semaphore(%arg42 : memref<!tpu.dma_semaphore, #tpu.memory_space<semaphore_mem>>)
    } else {
    }
    %add3A_17 = arith.constant 48 : i32
    %add3A_18 = arith.addi %arg1, %add3A_17 : i32
    %lt3A_19 = arith.constant 157 : i32
    %lt3A_20 = arith.cmpi slt, %add3A_18, %lt3A_19 : i32
    %convert_element_type3A_21 = arith.extui %lt3A_20 : i1 to i32
    %cond3A_22 = arith.constant 0 : i32
    %cond3A_23 = arith.cmpi ne, %convert_element_type3A_21, %cond3A_22 : i32
    scf.if %cond3A_23 {
      %mul3A_503 = arith.constant 64 : i32
      %mul3A_504 = arith.muli %add3A_18, %mul3A_503 : i32
      %dma_start3A_505 = arith.constant 0 : i32
      %dma_start3A_506 = tpu.memref_slice %arg6[%mul3A_504, %dma_start3A_505] : memref<10048x128xf32, #tpu.memory_space<vmem_shared>> -> memref<64x128xf32, #tpu.memory_space<vmem_shared>>
      %dma_start3A_507 = arith.constant 0 : i32
      %dma_start3A_508 = tpu.memref_slice %arg6[%mul3A_504, %dma_start3A_507] : memref<10048x128xf32, #tpu.memory_space<vmem_shared>> -> memref<64x128xf32, #tpu.memory_space<vmem_shared>>
      tpu.enqueue_dma source(%arg7 : memref<64x128xf32, #tpu.memory_space<vmem>>) target(%dma_start3A_508 : memref<64x128xf32, #tpu.memory_space<vmem_shared>>) target_semaphore(%arg42 : memref<!tpu.dma_semaphore, #tpu.memory_space<semaphore_mem>>)
    } else {
    }
    %add3A_24 = arith.constant 64 : i32
    %add3A_25 = arith.addi %arg1, %add3A_24 : i32
    %lt3A_26 = arith.constant 157 : i32
    %lt3A_27 = arith.cmpi slt, %add3A_25, %lt3A_26 : i32
    %convert_element_type3A_28 = arith.extui %lt3A_27 : i1 to i32
    %cond3A_29 = arith.constant 0 : i32
    %cond3A_30 = arith.cmpi ne, %convert_element_type3A_28, %cond3A_29 : i32
    scf.if %cond3A_30 {
      %mul3A_503 = arith.constant 64 : i32
      %mul3A_504 = arith.muli %add3A_25, %mul3A_503 : i32
      %dma_start3A_505 = arith.constant 0 : i32
      %dma_start3A_506 = tpu.memref_slice %arg6[%mul3A_504, %dma_start3A_505] : memref<10048x128xf32, #tpu.memory_space<vmem_shared>> -> memref<64x128xf32, #tpu.memory_space<vmem_shared>>
      %dma_start3A_507 = arith.constant 0 : i32
      %dma_start3A_508 = tpu.memref_slice %arg6[%mul3A_504, %dma_start3A_507] : memref<10048x128xf32, #tpu.memory_space<vmem_shared>> -> memref<64x128xf32, #tpu.memory_space<vmem_shared>>
      tpu.enqueue_dma source(%arg7 : memref<64x128xf32, #tpu.memory_space<vmem>>) target(%dma_start3A_508 : memref<64x128xf32, #tpu.memory_space<vmem_shared>>) target_semaphore(%arg42 : memref<!tpu.dma_semaphore, #tpu.memory_space<semaphore_mem>>)
    } else {
    }
    %add3A_31 = arith.constant 80 : i32
    %add3A_32 = arith.addi %arg1, %add3A_31 : i32
    %lt3A_33 = arith.constant 157 : i32
    %lt3A_34 = arith.cmpi slt, %add3A_32, %lt3A_33 : i32
    %convert_element_type3A_35 = arith.extui %lt3A_34 : i1 to i32
    %cond3A_36 = arith.constant 0 : i32
    %cond3A_37 = arith.cmpi ne, %convert_element_type3A_35, %cond3A_36 : i32
    scf.if %cond3A_37 {
      %mul3A_503 = arith.constant 64 : i32
      %mul3A_504 = arith.muli %add3A_32, %mul3A_503 : i32
      %dma_start3A_505 = arith.constant 0 : i32
      %dma_start3A_506 = tpu.memref_slice %arg6[%mul3A_504, %dma_start3A_505] : memref<10048x128xf32, #tpu.memory_space<vmem_shared>> -> memref<64x128xf32, #tpu.memory_space<vmem_shared>>
      %dma_start3A_507 = arith.constant 0 : i32
      %dma_start3A_508 = tpu.memref_slice %arg6[%mul3A_504, %dma_start3A_507] : memref<10048x128xf32, #tpu.memory_space<vmem_shared>> -> memref<64x128xf32, #tpu.memory_space<vmem_shared>>
      tpu.enqueue_dma source(%arg7 : memref<64x128xf32, #tpu.memory_space<vmem>>) target(%dma_start3A_508 : memref<64x128xf32, #tpu.memory_space<vmem_shared>>) target_semaphore(%arg42 : memref<!tpu.dma_semaphore, #tpu.memory_space<semaphore_mem>>)
    } else {
    }
    %add3A_38 = arith.constant 96 : i32
    %add3A_39 = arith.addi %arg1, %add3A_38 : i32
    %lt3A_40 = arith.constant 157 : i32
    %lt3A_41 = arith.cmpi slt, %add3A_39, %lt3A_40 : i32
    %convert_element_type3A_42 = arith.extui %lt3A_41 : i1 to i32
    %cond3A_43 = arith.constant 0 : i32
    %cond3A_44 = arith.cmpi ne, %convert_element_type3A_42, %cond3A_43 : i32
    scf.if %cond3A_44 {
      %mul3A_503 = arith.constant 64 : i32
      %mul3A_504 = arith.muli %add3A_39, %mul3A_503 : i32
      %dma_start3A_505 = arith.constant 0 : i32
      %dma_start3A_506 = tpu.memref_slice %arg6[%mul3A_504, %dma_start3A_505] : memref<10048x128xf32, #tpu.memory_space<vmem_shared>> -> memref<64x128xf32, #tpu.memory_space<vmem_shared>>
      %dma_start3A_507 = arith.constant 0 : i32
      %dma_start3A_508 = tpu.memref_slice %arg6[%mul3A_504, %dma_start3A_507] : memref<10048x128xf32, #tpu.memory_space<vmem_shared>> -> memref<64x128xf32, #tpu.memory_space<vmem_shared>>
      tpu.enqueue_dma source(%arg7 : memref<64x128xf32, #tpu.memory_space<vmem>>) target(%dma_start3A_508 : memref<64x128xf32, #tpu.memory_space<vmem_shared>>) target_semaphore(%arg42 : memref<!tpu.dma_semaphore, #tpu.memory_space<semaphore_mem>>)
    } else {
    }
    %add3A_45 = arith.constant 112 : i32
    %add3A_46 = arith.addi %arg1, %add3A_45 : i32
    %lt3A_47 = arith.constant 157 : i32
    %lt3A_48 = arith.cmpi slt, %add3A_46, %lt3A_47 : i32
    %convert_element_type3A_49 = arith.extui %lt3A_48 : i1 to i32
    %cond3A_50 = arith.constant 0 : i32
    %cond3A_51 = arith.cmpi ne, %convert_element_type3A_49, %cond3A_50 : i32
    scf.if %cond3A_51 {
      %mul3A_503 = arith.constant 64 : i32
      %mul3A_504 = arith.muli %add3A_46, %mul3A_503 : i32
      %dma_start3A_505 = arith.constant 0 : i32
      %dma_start3A_506 = tpu.memref_slice %arg6[%mul3A_504, %dma_start3A_505] : memref<10048x128xf32, #tpu.memory_space<vmem_shared>> -> memref<64x128xf32, #tpu.memory_space<vmem_shared>>
      %dma_start3A_507 = arith.constant 0 : i32
      %dma_start3A_508 = tpu.memref_slice %arg6[%mul3A_504, %dma_start3A_507] : memref<10048x128xf32, #tpu.memory_space<vmem_shared>> -> memref<64x128xf32, #tpu.memory_space<vmem_shared>>
      tpu.enqueue_dma source(%arg7 : memref<64x128xf32, #tpu.memory_space<vmem>>) target(%dma_start3A_508 : memref<64x128xf32, #tpu.memory_space<vmem_shared>>) target_semaphore(%arg42 : memref<!tpu.dma_semaphore, #tpu.memory_space<semaphore_mem>>)
    } else {
    }
    %add3A_52 = arith.constant 128 : i32
    %add3A_53 = arith.addi %arg1, %add3A_52 : i32
    %lt3A_54 = arith.constant 157 : i32
    %lt3A_55 = arith.cmpi slt, %add3A_53, %lt3A_54 : i32
    %convert_element_type3A_56 = arith.extui %lt3A_55 : i1 to i32
    %cond3A_57 = arith.constant 0 : i32
    %cond3A_58 = arith.cmpi ne, %convert_element_type3A_56, %cond3A_57 : i32
    scf.if %cond3A_58 {
      %mul3A_503 = arith.constant 64 : i32
      %mul3A_504 = arith.muli %add3A_53, %mul3A_503 : i32
      %dma_start3A_505 = arith.constant 0 : i32
      %dma_start3A_506 = tpu.memref_slice %arg6[%mul3A_504, %dma_start3A_505] : memref<10048x128xf32, #tpu.memory_space<vmem_shared>> -> memref<64x128xf32, #tpu.memory_space<vmem_shared>>
      %dma_start3A_507 = arith.constant 0 : i32
      %dma_start3A_508 = tpu.memref_slice %arg6[%mul3A_504, %dma_start3A_507] : memref<10048x128xf32, #tpu.memory_space<vmem_shared>> -> memref<64x128xf32, #tpu.memory_space<vmem_shared>>
      tpu.enqueue_dma source(%arg7 : memref<64x128xf32, #tpu.memory_space<vmem>>) target(%dma_start3A_508 : memref<64x128xf32, #tpu.memory_space<vmem_shared>>) target_semaphore(%arg42 : memref<!tpu.dma_semaphore, #tpu.memory_space<semaphore_mem>>)
    } else {
    }
    %add3A_59 = arith.constant 144 : i32
    %add3A_60 = arith.addi %arg1, %add3A_59 : i32
    %lt3A_61 = arith.constant 157 : i32
    %lt3A_62 = arith.cmpi slt, %add3A_60, %lt3A_61 : i32
    %convert_element_type3A_63 = arith.extui %lt3A_62 : i1 to i32
    %cond3A_64 = arith.constant 0 : i32
    %cond3A_65 = arith.cmpi ne, %convert_element_type3A_63, %cond3A_64 : i32
    scf.if %cond3A_65 {
      %mul3A_503 = arith.constant 64 : i32
      %mul3A_504 = arith.muli %add3A_60, %mul3A_503 : i32
      %dma_start3A_505 = arith.constant 0 : i32
      %dma_start3A_506 = tpu.memref_slice %arg6[%mul3A_504, %dma_start3A_505] : memref<10048x128xf32, #tpu.memory_space<vmem_shared>> -> memref<64x128xf32, #tpu.memory_space<vmem_shared>>
      %dma_start3A_507 = arith.constant 0 : i32
      %dma_start3A_508 = tpu.memref_slice %arg6[%mul3A_504, %dma_start3A_507] : memref<10048x128xf32, #tpu.memory_space<vmem_shared>> -> memref<64x128xf32, #tpu.memory_space<vmem_shared>>
      tpu.enqueue_dma source(%arg7 : memref<64x128xf32, #tpu.memory_space<vmem>>) target(%dma_start3A_508 : memref<64x128xf32, #tpu.memory_space<vmem_shared>>) target_semaphore(%arg42 : memref<!tpu.dma_semaphore, #tpu.memory_space<semaphore_mem>>)
    } else {
    }
    %mul3A = arith.constant 327680 : i32
    %mul3A_66 = arith.muli %arg0, %mul3A : i32
    %mul3A_67 = arith.constant 320 : i32
    %mul3A_68 = arith.muli %arg1, %mul3A_67 : i32
    %mul3A_69 = arith.constant 64 : i32
    %mul3A_70 = arith.muli %mul3A_68, %mul3A_69 : i32
    %add3A_71 = arith.addi %mul3A_66, %mul3A_70 : i32
    %add3A_72 = arith.constant 0 : i32
    %add3A_73 = arith.addi %arg1, %add3A_72 : i32
    %lt3A_74 = arith.constant 157 : i32
    %lt3A_75 = arith.cmpi slt, %add3A_73, %lt3A_74 : i32
    %convert_element_type3A_76 = arith.extui %lt3A_75 : i1 to i32
    %cond3A_77 = arith.constant 0 : i32
    %cond3A_78 = arith.cmpi ne, %convert_element_type3A_76, %cond3A_77 : i32
    scf.if %cond3A_78 {
      %dma_wait3A_503 = arith.constant 0 : i32
      %dma_wait3A_504 = arith.constant 0 : i32
      %dma_wait3A_505 = tpu.memref_slice %arg6[%dma_wait3A_503, %dma_wait3A_504] : memref<10048x128xf32, #tpu.memory_space<vmem_shared>> -> memref<64x128xf32, #tpu.memory_space<vmem_shared>>
      %dma_wait3A_506 = arith.constant 0 : i32
      %dma_wait3A_507 = arith.constant 0 : i32
      %dma_wait3A_508 = tpu.memref_slice %arg6[%dma_wait3A_506, %dma_wait3A_507] : memref<10048x128xf32, #tpu.memory_space<vmem_shared>> -> memref<64x128xf32, #tpu.memory_space<vmem_shared>>
      tpu.wait_dma2 semaphore(%arg42 : memref<!tpu.dma_semaphore, #tpu.memory_space<semaphore_mem>>) src(%arg7 : memref<64x128xf32, #tpu.memory_space<vmem>>) dst(%dma_wait3A_508 : memref<64x128xf32, #tpu.memory_space<vmem_shared>>)
    } else {
    }
    %add3A_79 = arith.constant 16 : i32
    %add3A_80 = arith.addi %arg1, %add3A_79 : i32
    %lt3A_81 = arith.constant 157 : i32
    %lt3A_82 = arith.cmpi slt, %add3A_80, %lt3A_81 : i32
    %convert_element_type3A_83 = arith.extui %lt3A_82 : i1 to i32
    %cond3A_84 = arith.constant 0 : i32
    %cond3A_85 = arith.cmpi ne, %convert_element_type3A_83, %cond3A_84 : i32
    scf.if %cond3A_85 {
      %dma_wait3A_503 = arith.constant 0 : i32
      %dma_wait3A_504 = arith.constant 0 : i32
      %dma_wait3A_505 = tpu.memref_slice %arg6[%dma_wait3A_503, %dma_wait3A_504] : memref<10048x128xf32, #tpu.memory_space<vmem_shared>> -> memref<64x128xf32, #tpu.memory_space<vmem_shared>>
      %dma_wait3A_506 = arith.constant 0 : i32
      %dma_wait3A_507 = arith.constant 0 : i32
      %dma_wait3A_508 = tpu.memref_slice %arg6[%dma_wait3A_506, %dma_wait3A_507] : memref<10048x128xf32, #tpu.memory_space<vmem_shared>> -> memref<64x128xf32, #tpu.memory_space<vmem_shared>>
      tpu.wait_dma2 semaphore(%arg42 : memref<!tpu.dma_semaphore, #tpu.memory_space<semaphore_mem>>) src(%arg7 : memref<64x128xf32, #tpu.memory_space<vmem>>) dst(%dma_wait3A_508 : memref<64x128xf32, #tpu.memory_space<vmem_shared>>)
    } else {
    }
    %add3A_86 = arith.constant 32 : i32
    %add3A_87 = arith.addi %arg1, %add3A_86 : i32
    %lt3A_88 = arith.constant 157 : i32
    %lt3A_89 = arith.cmpi slt, %add3A_87, %lt3A_88 : i32
    %convert_element_type3A_90 = arith.extui %lt3A_89 : i1 to i32
    %cond3A_91 = arith.constant 0 : i32
    %cond3A_92 = arith.cmpi ne, %convert_element_type3A_90, %cond3A_91 : i32
    scf.if %cond3A_92 {
      %dma_wait3A_503 = arith.constant 0 : i32
      %dma_wait3A_504 = arith.constant 0 : i32
      %dma_wait3A_505 = tpu.memref_slice %arg6[%dma_wait3A_503, %dma_wait3A_504] : memref<10048x128xf32, #tpu.memory_space<vmem_shared>> -> memref<64x128xf32, #tpu.memory_space<vmem_shared>>
      %dma_wait3A_506 = arith.constant 0 : i32
      %dma_wait3A_507 = arith.constant 0 : i32
      %dma_wait3A_508 = tpu.memref_slice %arg6[%dma_wait3A_506, %dma_wait3A_507] : memref<10048x128xf32, #tpu.memory_space<vmem_shared>> -> memref<64x128xf32, #tpu.memory_space<vmem_shared>>
      tpu.wait_dma2 semaphore(%arg42 : memref<!tpu.dma_semaphore, #tpu.memory_space<semaphore_mem>>) src(%arg7 : memref<64x128xf32, #tpu.memory_space<vmem>>) dst(%dma_wait3A_508 : memref<64x128xf32, #tpu.memory_space<vmem_shared>>)
    } else {
    }
    %add3A_93 = arith.constant 48 : i32
    %add3A_94 = arith.addi %arg1, %add3A_93 : i32
    %lt3A_95 = arith.constant 157 : i32
    %lt3A_96 = arith.cmpi slt, %add3A_94, %lt3A_95 : i32
    %convert_element_type3A_97 = arith.extui %lt3A_96 : i1 to i32
    %cond3A_98 = arith.constant 0 : i32
    %cond3A_99 = arith.cmpi ne, %convert_element_type3A_97, %cond3A_98 : i32
    scf.if %cond3A_99 {
      %dma_wait3A_503 = arith.constant 0 : i32
      %dma_wait3A_504 = arith.constant 0 : i32
      %dma_wait3A_505 = tpu.memref_slice %arg6[%dma_wait3A_503, %dma_wait3A_504] : memref<10048x128xf32, #tpu.memory_space<vmem_shared>> -> memref<64x128xf32, #tpu.memory_space<vmem_shared>>
      %dma_wait3A_506 = arith.constant 0 : i32
      %dma_wait3A_507 = arith.constant 0 : i32
      %dma_wait3A_508 = tpu.memref_slice %arg6[%dma_wait3A_506, %dma_wait3A_507] : memref<10048x128xf32, #tpu.memory_space<vmem_shared>> -> memref<64x128xf32, #tpu.memory_space<vmem_shared>>
      tpu.wait_dma2 semaphore(%arg42 : memref<!tpu.dma_semaphore, #tpu.memory_space<semaphore_mem>>) src(%arg7 : memref<64x128xf32, #tpu.memory_space<vmem>>) dst(%dma_wait3A_508 : memref<64x128xf32, #tpu.memory_space<vmem_shared>>)
    } else {
    }
    %add3A_100 = arith.constant 64 : i32
    %add3A_101 = arith.addi %arg1, %add3A_100 : i32
    %lt3A_102 = arith.constant 157 : i32
    %lt3A_103 = arith.cmpi slt, %add3A_101, %lt3A_102 : i32
    %convert_element_type3A_104 = arith.extui %lt3A_103 : i1 to i32
    %cond3A_105 = arith.constant 0 : i32
    %cond3A_106 = arith.cmpi ne, %convert_element_type3A_104, %cond3A_105 : i32
    scf.if %cond3A_106 {
      %dma_wait3A_503 = arith.constant 0 : i32
      %dma_wait3A_504 = arith.constant 0 : i32
      %dma_wait3A_505 = tpu.memref_slice %arg6[%dma_wait3A_503, %dma_wait3A_504] : memref<10048x128xf32, #tpu.memory_space<vmem_shared>> -> memref<64x128xf32, #tpu.memory_space<vmem_shared>>
      %dma_wait3A_506 = arith.constant 0 : i32
      %dma_wait3A_507 = arith.constant 0 : i32
      %dma_wait3A_508 = tpu.memref_slice %arg6[%dma_wait3A_506, %dma_wait3A_507] : memref<10048x128xf32, #tpu.memory_space<vmem_shared>> -> memref<64x128xf32, #tpu.memory_space<vmem_shared>>
      tpu.wait_dma2 semaphore(%arg42 : memref<!tpu.dma_semaphore, #tpu.memory_space<semaphore_mem>>) src(%arg7 : memref<64x128xf32, #tpu.memory_space<vmem>>) dst(%dma_wait3A_508 : memref<64x128xf32, #tpu.memory_space<vmem_shared>>)
    } else {
    }
    %add3A_107 = arith.constant 80 : i32
    %add3A_108 = arith.addi %arg1, %add3A_107 : i32
    %lt3A_109 = arith.constant 157 : i32
    %lt3A_110 = arith.cmpi slt, %add3A_108, %lt3A_109 : i32
    %convert_element_type3A_111 = arith.extui %lt3A_110 : i1 to i32
    %cond3A_112 = arith.constant 0 : i32
    %cond3A_113 = arith.cmpi ne, %convert_element_type3A_111, %cond3A_112 : i32
    scf.if %cond3A_113 {
      %dma_wait3A_503 = arith.constant 0 : i32
      %dma_wait3A_504 = arith.constant 0 : i32
      %dma_wait3A_505 = tpu.memref_slice %arg6[%dma_wait3A_503, %dma_wait3A_504] : memref<10048x128xf32, #tpu.memory_space<vmem_shared>> -> memref<64x128xf32, #tpu.memory_space<vmem_shared>>
      %dma_wait3A_506 = arith.constant 0 : i32
      %dma_wait3A_507 = arith.constant 0 : i32
      %dma_wait3A_508 = tpu.memref_slice %arg6[%dma_wait3A_506, %dma_wait3A_507] : memref<10048x128xf32, #tpu.memory_space<vmem_shared>> -> memref<64x128xf32, #tpu.memory_space<vmem_shared>>
      tpu.wait_dma2 semaphore(%arg42 : memref<!tpu.dma_semaphore, #tpu.memory_space<semaphore_mem>>) src(%arg7 : memref<64x128xf32, #tpu.memory_space<vmem>>) dst(%dma_wait3A_508 : memref<64x128xf32, #tpu.memory_space<vmem_shared>>)
    } else {
    }
    %add3A_114 = arith.constant 96 : i32
    %add3A_115 = arith.addi %arg1, %add3A_114 : i32
    %lt3A_116 = arith.constant 157 : i32
    %lt3A_117 = arith.cmpi slt, %add3A_115, %lt3A_116 : i32
    %convert_element_type3A_118 = arith.extui %lt3A_117 : i1 to i32
    %cond3A_119 = arith.constant 0 : i32
    %cond3A_120 = arith.cmpi ne, %convert_element_type3A_118, %cond3A_119 : i32
    scf.if %cond3A_120 {
      %dma_wait3A_503 = arith.constant 0 : i32
      %dma_wait3A_504 = arith.constant 0 : i32
      %dma_wait3A_505 = tpu.memref_slice %arg6[%dma_wait3A_503, %dma_wait3A_504] : memref<10048x128xf32, #tpu.memory_space<vmem_shared>> -> memref<64x128xf32, #tpu.memory_space<vmem_shared>>
      %dma_wait3A_506 = arith.constant 0 : i32
      %dma_wait3A_507 = arith.constant 0 : i32
      %dma_wait3A_508 = tpu.memref_slice %arg6[%dma_wait3A_506, %dma_wait3A_507] : memref<10048x128xf32, #tpu.memory_space<vmem_shared>> -> memref<64x128xf32, #tpu.memory_space<vmem_shared>>
      tpu.wait_dma2 semaphore(%arg42 : memref<!tpu.dma_semaphore, #tpu.memory_space<semaphore_mem>>) src(%arg7 : memref<64x128xf32, #tpu.memory_space<vmem>>) dst(%dma_wait3A_508 : memref<64x128xf32, #tpu.memory_space<vmem_shared>>)
    } else {
    }
    %add3A_121 = arith.constant 112 : i32
    %add3A_122 = arith.addi %arg1, %add3A_121 : i32
    %lt3A_123 = arith.constant 157 : i32
    %lt3A_124 = arith.cmpi slt, %add3A_122, %lt3A_123 : i32
    %convert_element_type3A_125 = arith.extui %lt3A_124 : i1 to i32
    %cond3A_126 = arith.constant 0 : i32
    %cond3A_127 = arith.cmpi ne, %convert_element_type3A_125, %cond3A_126 : i32
    scf.if %cond3A_127 {
      %dma_wait3A_503 = arith.constant 0 : i32
      %dma_wait3A_504 = arith.constant 0 : i32
      %dma_wait3A_505 = tpu.memref_slice %arg6[%dma_wait3A_503, %dma_wait3A_504] : memref<10048x128xf32, #tpu.memory_space<vmem_shared>> -> memref<64x128xf32, #tpu.memory_space<vmem_shared>>
      %dma_wait3A_506 = arith.constant 0 : i32
      %dma_wait3A_507 = arith.constant 0 : i32
      %dma_wait3A_508 = tpu.memref_slice %arg6[%dma_wait3A_506, %dma_wait3A_507] : memref<10048x128xf32, #tpu.memory_space<vmem_shared>> -> memref<64x128xf32, #tpu.memory_space<vmem_shared>>
      tpu.wait_dma2 semaphore(%arg42 : memref<!tpu.dma_semaphore, #tpu.memory_space<semaphore_mem>>) src(%arg7 : memref<64x128xf32, #tpu.memory_space<vmem>>) dst(%dma_wait3A_508 : memref<64x128xf32, #tpu.memory_space<vmem_shared>>)
    } else {
    }
    %add3A_128 = arith.constant 128 : i32
    %add3A_129 = arith.addi %arg1, %add3A_128 : i32
    %lt3A_130 = arith.constant 157 : i32
    %lt3A_131 = arith.cmpi slt, %add3A_129, %lt3A_130 : i32
    %convert_element_type3A_132 = arith.extui %lt3A_131 : i1 to i32
    %cond3A_133 = arith.constant 0 : i32
    %cond3A_134 = arith.cmpi ne, %convert_element_type3A_132, %cond3A_133 : i32
    scf.if %cond3A_134 {
      %dma_wait3A_503 = arith.constant 0 : i32
      %dma_wait3A_504 = arith.constant 0 : i32
      %dma_wait3A_505 = tpu.memref_slice %arg6[%dma_wait3A_503, %dma_wait3A_504] : memref<10048x128xf32, #tpu.memory_space<vmem_shared>> -> memref<64x128xf32, #tpu.memory_space<vmem_shared>>
      %dma_wait3A_506 = arith.constant 0 : i32
      %dma_wait3A_507 = arith.constant 0 : i32
      %dma_wait3A_508 = tpu.memref_slice %arg6[%dma_wait3A_506, %dma_wait3A_507] : memref<10048x128xf32, #tpu.memory_space<vmem_shared>> -> memref<64x128xf32, #tpu.memory_space<vmem_shared>>
      tpu.wait_dma2 semaphore(%arg42 : memref<!tpu.dma_semaphore, #tpu.memory_space<semaphore_mem>>) src(%arg7 : memref<64x128xf32, #tpu.memory_space<vmem>>) dst(%dma_wait3A_508 : memref<64x128xf32, #tpu.memory_space<vmem_shared>>)
    } else {
    }
    %add3A_135 = arith.constant 144 : i32
    %add3A_136 = arith.addi %arg1, %add3A_135 : i32
    %lt3A_137 = arith.constant 157 : i32
    %lt3A_138 = arith.cmpi slt, %add3A_136, %lt3A_137 : i32
    %convert_element_type3A_139 = arith.extui %lt3A_138 : i1 to i32
    %cond3A_140 = arith.constant 0 : i32
    %cond3A_141 = arith.cmpi ne, %convert_element_type3A_139, %cond3A_140 : i32
    scf.if %cond3A_141 {
      %dma_wait3A_503 = arith.constant 0 : i32
      %dma_wait3A_504 = arith.constant 0 : i32
      %dma_wait3A_505 = tpu.memref_slice %arg6[%dma_wait3A_503, %dma_wait3A_504] : memref<10048x128xf32, #tpu.memory_space<vmem_shared>> -> memref<64x128xf32, #tpu.memory_space<vmem_shared>>
      %dma_wait3A_506 = arith.constant 0 : i32
      %dma_wait3A_507 = arith.constant 0 : i32
      %dma_wait3A_508 = tpu.memref_slice %arg6[%dma_wait3A_506, %dma_wait3A_507] : memref<10048x128xf32, #tpu.memory_space<vmem_shared>> -> memref<64x128xf32, #tpu.memory_space<vmem_shared>>
      tpu.wait_dma2 semaphore(%arg42 : memref<!tpu.dma_semaphore, #tpu.memory_space<semaphore_mem>>) src(%arg7 : memref<64x128xf32, #tpu.memory_space<vmem>>) dst(%dma_wait3A_508 : memref<64x128xf32, #tpu.memory_space<vmem_shared>>)
    } else {
    }
    %barrier3A = arith.constant 0 : index
    tpu.barrier barrier_id(%barrier3A)
    %add3A_142 = arith.constant 0 : i32
    %add3A_143 = arith.addi %add3A_71, %add3A_142 : i32
    %dma_start3A = tpu.memref_slice %arg3[%add3A_143] : memref<655360xi32, #tpu.memory_space<hbm>> -> memref<64xi32, #tpu.memory_space<hbm>>
    %dma_start3A_144 = tpu.memref_slice %arg3[%add3A_143] : memref<655360xi32, #tpu.memory_space<hbm>> -> memref<64xi32, #tpu.memory_space<hbm>>
    tpu.enqueue_dma source(%dma_start3A_144 : memref<64xi32, #tpu.memory_space<hbm>>) target(%arg12 : memref<64xi32, #tpu.memory_space<vmem>>) target_semaphore(%arg37 : memref<!tpu.dma_semaphore, #tpu.memory_space<semaphore_mem>>)
    %add3A_145 = arith.constant 64 : i32
    %add3A_146 = arith.addi %add3A_71, %add3A_145 : i32
    %dma_start3A_147 = tpu.memref_slice %arg3[%add3A_146] : memref<655360xi32, #tpu.memory_space<hbm>> -> memref<64xi32, #tpu.memory_space<hbm>>
    %dma_start3A_148 = tpu.memref_slice %arg3[%add3A_146] : memref<655360xi32, #tpu.memory_space<hbm>> -> memref<64xi32, #tpu.memory_space<hbm>>
    tpu.enqueue_dma source(%dma_start3A_148 : memref<64xi32, #tpu.memory_space<hbm>>) target(%arg13 : memref<64xi32, #tpu.memory_space<vmem>>) target_semaphore(%arg38 : memref<!tpu.dma_semaphore, #tpu.memory_space<semaphore_mem>>)
    %add3A_149 = arith.constant 128 : i32
    %add3A_150 = arith.addi %add3A_71, %add3A_149 : i32
    %dma_start3A_151 = tpu.memref_slice %arg3[%add3A_150] : memref<655360xi32, #tpu.memory_space<hbm>> -> memref<64xi32, #tpu.memory_space<hbm>>
    %dma_start3A_152 = tpu.memref_slice %arg3[%add3A_150] : memref<655360xi32, #tpu.memory_space<hbm>> -> memref<64xi32, #tpu.memory_space<hbm>>
    tpu.enqueue_dma source(%dma_start3A_152 : memref<64xi32, #tpu.memory_space<hbm>>) target(%arg14 : memref<64xi32, #tpu.memory_space<vmem>>) target_semaphore(%arg39 : memref<!tpu.dma_semaphore, #tpu.memory_space<semaphore_mem>>)
    %dma_wait3A = tpu.memref_slice %arg3[%add3A_71] : memref<655360xi32, #tpu.memory_space<hbm>> -> memref<64xi32, #tpu.memory_space<hbm>>
    %dma_wait3A_153 = tpu.memref_slice %arg3[%add3A_71] : memref<655360xi32, #tpu.memory_space<hbm>> -> memref<64xi32, #tpu.memory_space<hbm>>
    tpu.wait_dma2 semaphore(%arg37 : memref<!tpu.dma_semaphore, #tpu.memory_space<semaphore_mem>>) src(%dma_wait3A_153 : memref<64xi32, #tpu.memory_space<hbm>>) dst(%arg12 : memref<64xi32, #tpu.memory_space<vmem>>)
    %get3A = arith.constant 0 : index
    %get3A_154 = tpu.vector_load %arg12[%get3A] {strides = array<i32>} : memref<64xi32, #tpu.memory_space<vmem>>, vector<16xi32>,
    %get3A_155 = vector.shape_cast %get3A_154 : vector<16xi32> to vector<16xi32>
    %and3A = arith.constant 65535 : i32
    %and3A_156 = vector.broadcast %and3A : i32 to vector<16xi32>
    %and3A_157 = arith.andi %get3A_155, %and3A_156 : vector<16xi32>
    %swap3A = arith.constant 0 : index
    %swap3A_158 = tpu.vector_load %arg17[%swap3A] {strides = array<i32>} : memref<64xi32, #tpu.memory_space<vmem>>, vector<16xi32>,
    %swap3A_159 = vector.shape_cast %swap3A_158 : vector<16xi32> to vector<16xi32>
    %swap3A_160 = vector.shape_cast %and3A_157 : vector<16xi32> to vector<16xi32>
    tpu.vector_store %arg17[%swap3A], %swap3A_160 {strides = array<i32>} : memref<64xi32, #tpu.memory_space<vmem>>, vector<16xi32>,
    %shift_right_logical3A = arith.constant 16 : i32
    %shift_right_logical3A_161 = vector.broadcast %shift_right_logical3A : i32 to vector<16xi32>
    %shift_right_logical3A_162 = arith.shrui %get3A_155, %shift_right_logical3A_161 : vector<16xi32>
    %swap3A_163 = arith.constant 0 : index
    %swap3A_164 = tpu.vector_load %arg22[%swap3A_163] {strides = array<i32>} : memref<64xi32, #tpu.memory_space<vmem>>, vector<16xi32>,
    %swap3A_165 = vector.shape_cast %swap3A_164 : vector<16xi32> to vector<16xi32>
    %swap3A_166 = vector.shape_cast %shift_right_logical3A_162 : vector<16xi32> to vector<16xi32>
    tpu.vector_store %arg22[%swap3A_163], %swap3A_166 {strides = array<i32>} : memref<64xi32, #tpu.memory_space<vmem>>, vector<16xi32>,
    %get3A_167 = arith.constant 16 : index
    %get3A_168 = tpu.vector_load %arg12[%get3A_167] {strides = array<i32>} : memref<64xi32, #tpu.memory_space<vmem>>, vector<16xi32>,
    %get3A_169 = vector.shape_cast %get3A_168 : vector<16xi32> to vector<16xi32>
    %and3A_170 = arith.constant 65535 : i32
    %and3A_171 = vector.broadcast %and3A_170 : i32 to vector<16xi32>
    %and3A_172 = arith.andi %get3A_169, %and3A_171 : vector<16xi32>
    %swap3A_173 = arith.constant 16 : index
    %swap3A_174 = tpu.vector_load %arg17[%swap3A_173] {strides = array<i32>} : memref<64xi32, #tpu.memory_space<vmem>>, vector<16xi32>,
    %swap3A_175 = vector.shape_cast %swap3A_174 : vector<16xi32> to vector<16xi32>
    %swap3A_176 = vector.shape_cast %and3A_172 : vector<16xi32> to vector<16xi32>
    tpu.vector_store %arg17[%swap3A_173], %swap3A_176 {strides = array<i32>} : memref<64xi32, #tpu.memory_space<vmem>>, vector<16xi32>,
    %shift_right_logical3A_177 = arith.constant 16 : i32
    %shift_right_logical3A_178 = vector.broadcast %shift_right_logical3A_177 : i32 to vector<16xi32>
    %shift_right_logical3A_179 = arith.shrui %get3A_169, %shift_right_logical3A_178 : vector<16xi32>
    %swap3A_180 = arith.constant 16 : index
    %swap3A_181 = tpu.vector_load %arg22[%swap3A_180] {strides = array<i32>} : memref<64xi32, #tpu.memory_space<vmem>>, vector<16xi32>,
    %swap3A_182 = vector.shape_cast %swap3A_181 : vector<16xi32> to vector<16xi32>
    %swap3A_183 = vector.shape_cast %shift_right_logical3A_179 : vector<16xi32> to vector<16xi32>
    tpu.vector_store %arg22[%swap3A_180], %swap3A_183 {strides = array<i32>} : memref<64xi32, #tpu.memory_space<vmem>>, vector<16xi32>,
    %get3A_184 = arith.constant 32 : index
    %get3A_185 = tpu.vector_load %arg12[%get3A_184] {strides = array<i32>} : memref<64xi32, #tpu.memory_space<vmem>>, vector<16xi32>,
    %get3A_186 = vector.shape_cast %get3A_185 : vector<16xi32> to vector<16xi32>
    %and3A_187 = arith.constant 65535 : i32
    %and3A_188 = vector.broadcast %and3A_187 : i32 to vector<16xi32>
    %and3A_189 = arith.andi %get3A_186, %and3A_188 : vector<16xi32>
    %swap3A_190 = arith.constant 32 : index
    %swap3A_191 = tpu.vector_load %arg17[%swap3A_190] {strides = array<i32>} : memref<64xi32, #tpu.memory_space<vmem>>, vector<16xi32>,
    %swap3A_192 = vector.shape_cast %swap3A_191 : vector<16xi32> to vector<16xi32>
    %swap3A_193 = vector.shape_cast %and3A_189 : vector<16xi32> to vector<16xi32>
    tpu.vector_store %arg17[%swap3A_190], %swap3A_193 {strides = array<i32>} : memref<64xi32, #tpu.memory_space<vmem>>, vector<16xi32>,
    %shift_right_logical3A_194 = arith.constant 16 : i32
    %shift_right_logical3A_195 = vector.broadcast %shift_right_logical3A_194 : i32 to vector<16xi32>
    %shift_right_logical3A_196 = arith.shrui %get3A_186, %shift_right_logical3A_195 : vector<16xi32>
    %swap3A_197 = arith.constant 32 : index
    %swap3A_198 = tpu.vector_load %arg22[%swap3A_197] {strides = array<i32>} : memref<64xi32, #tpu.memory_space<vmem>>, vector<16xi32>,
    %swap3A_199 = vector.shape_cast %swap3A_198 : vector<16xi32> to vector<16xi32>
    %swap3A_200 = vector.shape_cast %shift_right_logical3A_196 : vector<16xi32> to vector<16xi32>
    tpu.vector_store %arg22[%swap3A_197], %swap3A_200 {strides = array<i32>} : memref<64xi32, #tpu.memory_space<vmem>>, vector<16xi32>,
    %get3A_201 = arith.constant 48 : index
    %get3A_202 = tpu.vector_load %arg12[%get3A_201] {strides = array<i32>} : memref<64xi32, #tpu.memory_space<vmem>>, vector<16xi32>,
    %get3A_203 = vector.shape_cast %get3A_202 : vector<16xi32> to vector<16xi32>
    %and3A_204 = arith.constant 65535 : i32
    %and3A_205 = vector.broadcast %and3A_204 : i32 to vector<16xi32>
    %and3A_206 = arith.andi %get3A_203, %and3A_205 : vector<16xi32>
    %swap3A_207 = arith.constant 48 : index
    %swap3A_208 = tpu.vector_load %arg17[%swap3A_207] {strides = array<i32>} : memref<64xi32, #tpu.memory_space<vmem>>, vector<16xi32>,
    %swap3A_209 = vector.shape_cast %swap3A_208 : vector<16xi32> to vector<16xi32>
    %swap3A_210 = vector.shape_cast %and3A_206 : vector<16xi32> to vector<16xi32>
    tpu.vector_store %arg17[%swap3A_207], %swap3A_210 {strides = array<i32>} : memref<64xi32, #tpu.memory_space<vmem>>, vector<16xi32>,
    %shift_right_logical3A_211 = arith.constant 16 : i32
    %shift_right_logical3A_212 = vector.broadcast %shift_right_logical3A_211 : i32 to vector<16xi32>
    %shift_right_logical3A_213 = arith.shrui %get3A_203, %shift_right_logical3A_212 : vector<16xi32>
    %swap3A_214 = arith.constant 48 : index
    %swap3A_215 = tpu.vector_load %arg22[%swap3A_214] {strides = array<i32>} : memref<64xi32, #tpu.memory_space<vmem>>, vector<16xi32>,
    %swap3A_216 = vector.shape_cast %swap3A_215 : vector<16xi32> to vector<16xi32>
    %swap3A_217 = vector.shape_cast %shift_right_logical3A_213 : vector<16xi32> to vector<16xi32>
    tpu.vector_store %arg22[%swap3A_214], %swap3A_217 {strides = array<i32>} : memref<64xi32, #tpu.memory_space<vmem>>, vector<16xi32>,
    %dma_start3A_218 = arith.constant 0 : i32
    %dma_start3A_219 = arith.constant 0 : i32
    %dma_start3A_220 = tpu.memref_slice %arg2[%dma_start3A_218, %dma_start3A_219] : memref<20000x128xf32, #tpu.memory_space<hbm>> -> memref<20000x128xf32, #tpu.memory_space<hbm>>
    tpu.enqueue_indirect_dma source(%dma_start3A_220 : memref<20000x128xf32, #tpu.memory_space<hbm>>) target(%arg7 : memref<64x128xf32, #tpu.memory_space<vmem>>) offsets(%arg17 : memref<64xi32, #tpu.memory_space<vmem>>) semaphore(%arg27 : memref<!tpu.dma_semaphore, #tpu.memory_space<semaphore_mem>>)
    %dma_wait3A_221 = tpu.memref_slice %arg3[%add3A_71] : memref<655360xi32, #tpu.memory_space<hbm>> -> memref<64xi32, #tpu.memory_space<hbm>>
    %dma_wait3A_222 = tpu.memref_slice %arg3[%add3A_71] : memref<655360xi32, #tpu.memory_space<hbm>> -> memref<64xi32, #tpu.memory_space<hbm>>
    tpu.wait_dma2 semaphore(%arg38 : memref<!tpu.dma_semaphore, #tpu.memory_space<semaphore_mem>>) src(%dma_wait3A_222 : memref<64xi32, #tpu.memory_space<hbm>>) dst(%arg13 : memref<64xi32, #tpu.memory_space<vmem>>)
    %get3A_223 = arith.constant 0 : index
    %get3A_224 = tpu.vector_load %arg13[%get3A_223] {strides = array<i32>} : memref<64xi32, #tpu.memory_space<vmem>>, vector<16xi32>,
    %get3A_225 = vector.shape_cast %get3A_224 : vector<16xi32> to vector<16xi32>
    %and3A_226 = arith.constant 65535 : i32
    %and3A_227 = vector.broadcast %and3A_226 : i32 to vector<16xi32>
    %and3A_228 = arith.andi %get3A_225, %and3A_227 : vector<16xi32>
    %swap3A_229 = arith.constant 0 : index
    %swap3A_230 = tpu.vector_load %arg18[%swap3A_229] {strides = array<i32>} : memref<64xi32, #tpu.memory_space<vmem>>, vector<16xi32>,
    %swap3A_231 = vector.shape_cast %swap3A_230 : vector<16xi32> to vector<16xi32>
    %swap3A_232 = vector.shape_cast %and3A_228 : vector<16xi32> to vector<16xi32>
    tpu.vector_store %arg18[%swap3A_229], %swap3A_232 {strides = array<i32>} : memref<64xi32, #tpu.memory_space<vmem>>, vector<16xi32>,
    %shift_right_logical3A_233 = arith.constant 16 : i32
    %shift_right_logical3A_234 = vector.broadcast %shift_right_logical3A_233 : i32 to vector<16xi32>
    %shift_right_logical3A_235 = arith.shrui %get3A_225, %shift_right_logical3A_234 : vector<16xi32>
    %swap3A_236 = arith.constant 0 : index
    %swap3A_237 = tpu.vector_load %arg23[%swap3A_236] {strides = array<i32>} : memref<64xi32, #tpu.memory_space<vmem>>, vector<16xi32>,
    %swap3A_238 = vector.shape_cast %swap3A_237 : vector<16xi32> to vector<16xi32>
    %swap3A_239 = vector.shape_cast %shift_right_logical3A_235 : vector<16xi32> to vector<16xi32>
    tpu.vector_store %arg23[%swap3A_236], %swap3A_239 {strides = array<i32>} : memref<64xi32, #tpu.memory_space<vmem>>, vector<16xi32>,
    %get3A_240 = arith.constant 16 : index
    %get3A_241 = tpu.vector_load %arg13[%get3A_240] {strides = array<i32>} : memref<64xi32, #tpu.memory_space<vmem>>, vector<16xi32>,
    %get3A_242 = vector.shape_cast %get3A_241 : vector<16xi32> to vector<16xi32>
    %and3A_243 = arith.constant 65535 : i32
    %and3A_244 = vector.broadcast %and3A_243 : i32 to vector<16xi32>
    %and3A_245 = arith.andi %get3A_242, %and3A_244 : vector<16xi32>
    %swap3A_246 = arith.constant 16 : index
    %swap3A_247 = tpu.vector_load %arg18[%swap3A_246] {strides = array<i32>} : memref<64xi32, #tpu.memory_space<vmem>>, vector<16xi32>,
    %swap3A_248 = vector.shape_cast %swap3A_247 : vector<16xi32> to vector<16xi32>
    %swap3A_249 = vector.shape_cast %and3A_245 : vector<16xi32> to vector<16xi32>
    tpu.vector_store %arg18[%swap3A_246], %swap3A_249 {strides = array<i32>} : memref<64xi32, #tpu.memory_space<vmem>>, vector<16xi32>,
    %shift_right_logical3A_250 = arith.constant 16 : i32
    %shift_right_logical3A_251 = vector.broadcast %shift_right_logical3A_250 : i32 to vector<16xi32>
    %shift_right_logical3A_252 = arith.shrui %get3A_242, %shift_right_logical3A_251 : vector<16xi32>
    %swap3A_253 = arith.constant 16 : index
    %swap3A_254 = tpu.vector_load %arg23[%swap3A_253] {strides = array<i32>} : memref<64xi32, #tpu.memory_space<vmem>>, vector<16xi32>,
    %swap3A_255 = vector.shape_cast %swap3A_254 : vector<16xi32> to vector<16xi32>
    %swap3A_256 = vector.shape_cast %shift_right_logical3A_252 : vector<16xi32> to vector<16xi32>
    tpu.vector_store %arg23[%swap3A_253], %swap3A_256 {strides = array<i32>} : memref<64xi32, #tpu.memory_space<vmem>>, vector<16xi32>,
    %get3A_257 = arith.constant 32 : index
    %get3A_258 = tpu.vector_load %arg13[%get3A_257] {strides = array<i32>} : memref<64xi32, #tpu.memory_space<vmem>>, vector<16xi32>,
    %get3A_259 = vector.shape_cast %get3A_258 : vector<16xi32> to vector<16xi32>
    %and3A_260 = arith.constant 65535 : i32
    %and3A_261 = vector.broadcast %and3A_260 : i32 to vector<16xi32>
    %and3A_262 = arith.andi %get3A_259, %and3A_261 : vector<16xi32>
    %swap3A_263 = arith.constant 32 : index
    %swap3A_264 = tpu.vector_load %arg18[%swap3A_263] {strides = array<i32>} : memref<64xi32, #tpu.memory_space<vmem>>, vector<16xi32>,
    %swap3A_265 = vector.shape_cast %swap3A_264 : vector<16xi32> to vector<16xi32>
    %swap3A_266 = vector.shape_cast %and3A_262 : vector<16xi32> to vector<16xi32>
    tpu.vector_store %arg18[%swap3A_263], %swap3A_266 {strides = array<i32>} : memref<64xi32, #tpu.memory_space<vmem>>, vector<16xi32>,
    %shift_right_logical3A_267 = arith.constant 16 : i32
    %shift_right_logical3A_268 = vector.broadcast %shift_right_logical3A_267 : i32 to vector<16xi32>
    %shift_right_logical3A_269 = arith.shrui %get3A_259, %shift_right_logical3A_268 : vector<16xi32>
    %swap3A_270 = arith.constant 32 : index
    %swap3A_271 = tpu.vector_load %arg23[%swap3A_270] {strides = array<i32>} : memref<64xi32, #tpu.memory_space<vmem>>, vector<16xi32>,
    %swap3A_272 = vector.shape_cast %swap3A_271 : vector<16xi32> to vector<16xi32>
    %swap3A_273 = vector.shape_cast %shift_right_logical3A_269 : vector<16xi32> to vector<16xi32>
    tpu.vector_store %arg23[%swap3A_270], %swap3A_273 {strides = array<i32>} : memref<64xi32, #tpu.memory_space<vmem>>, vector<16xi32>,
    %get3A_274 = arith.constant 48 : index
    %get3A_275 = tpu.vector_load %arg13[%get3A_274] {strides = array<i32>} : memref<64xi32, #tpu.memory_space<vmem>>, vector<16xi32>,
    %get3A_276 = vector.shape_cast %get3A_275 : vector<16xi32> to vector<16xi32>
    %and3A_277 = arith.constant 65535 : i32
    %and3A_278 = vector.broadcast %and3A_277 : i32 to vector<16xi32>
    %and3A_279 = arith.andi %get3A_276, %and3A_278 : vector<16xi32>
    %swap3A_280 = arith.constant 48 : index
    %swap3A_281 = tpu.vector_load %arg18[%swap3A_280] {strides = array<i32>} : memref<64xi32, #tpu.memory_space<vmem>>, vector<16xi32>,
    %swap3A_282 = vector.shape_cast %swap3A_281 : vector<16xi32> to vector<16xi32>
    %swap3A_283 = vector.shape_cast %and3A_279 : vector<16xi32> to vector<16xi32>
    tpu.vector_store %arg18[%swap3A_280], %swap3A_283 {strides = array<i32>} : memref<64xi32, #tpu.memory_space<vmem>>, vector<16xi32>,
    %shift_right_logical3A_284 = arith.constant 16 : i32
    %shift_right_logical3A_285 = vector.broadcast %shift_right_logical3A_284 : i32 to vector<16xi32>
    %shift_right_logical3A_286 = arith.shrui %get3A_276, %shift_right_logical3A_285 : vector<16xi32>
    %swap3A_287 = arith.constant 48 : index
    %swap3A_288 = tpu.vector_load %arg23[%swap3A_287] {strides = array<i32>} : memref<64xi32, #tpu.memory_space<vmem>>, vector<16xi32>,
    %swap3A_289 = vector.shape_cast %swap3A_288 : vector<16xi32> to vector<16xi32>
    %swap3A_290 = vector.shape_cast %shift_right_logical3A_286 : vector<16xi32> to vector<16xi32>
    tpu.vector_store %arg23[%swap3A_287], %swap3A_290 {strides = array<i32>} : memref<64xi32, #tpu.memory_space<vmem>>, vector<16xi32>,
    %dma_start3A_291 = arith.constant 0 : i32
    %dma_start3A_292 = arith.constant 0 : i32
    %dma_start3A_293 = tpu.memref_slice %arg2[%dma_start3A_291, %dma_start3A_292] : memref<20000x128xf32, #tpu.memory_space<hbm>> -> memref<20000x128xf32, #tpu.memory_space<hbm>>
    tpu.enqueue_indirect_dma source(%dma_start3A_293 : memref<20000x128xf32, #tpu.memory_space<hbm>>) target(%arg8 : memref<64x128xf32, #tpu.memory_space<vmem>>) offsets(%arg18 : memref<64xi32, #tpu.memory_space<vmem>>) semaphore(%arg28 : memref<!tpu.dma_semaphore, #tpu.memory_space<semaphore_mem>>)
    %dma_wait3A_294 = tpu.memref_slice %arg3[%add3A_71] : memref<655360xi32, #tpu.memory_space<hbm>> -> memref<64xi32, #tpu.memory_space<hbm>>
    %dma_wait3A_295 = tpu.memref_slice %arg3[%add3A_71] : memref<655360xi32, #tpu.memory_space<hbm>> -> memref<64xi32, #tpu.memory_space<hbm>>
    tpu.wait_dma2 semaphore(%arg39 : memref<!tpu.dma_semaphore, #tpu.memory_space<semaphore_mem>>) src(%dma_wait3A_295 : memref<64xi32, #tpu.memory_space<hbm>>) dst(%arg14 : memref<64xi32, #tpu.memory_space<vmem>>)
    %get3A_296 = arith.constant 0 : index
    %get3A_297 = tpu.vector_load %arg14[%get3A_296] {strides = array<i32>} : memref<64xi32, #tpu.memory_space<vmem>>, vector<16xi32>,
    %get3A_298 = vector.shape_cast %get3A_297 : vector<16xi32> to vector<16xi32>
    %and3A_299 = arith.constant 65535 : i32
    %and3A_300 = vector.broadcast %and3A_299 : i32 to vector<16xi32>
    %and3A_301 = arith.andi %get3A_298, %and3A_300 : vector<16xi32>
    %swap3A_302 = arith.constant 0 : index
    %swap3A_303 = tpu.vector_load %arg19[%swap3A_302] {strides = array<i32>} : memref<64xi32, #tpu.memory_space<vmem>>, vector<16xi32>,
    %swap3A_304 = vector.shape_cast %swap3A_303 : vector<16xi32> to vector<16xi32>
    %swap3A_305 = vector.shape_cast %and3A_301 : vector<16xi32> to vector<16xi32>
    tpu.vector_store %arg19[%swap3A_302], %swap3A_305 {strides = array<i32>} : memref<64xi32, #tpu.memory_space<vmem>>, vector<16xi32>,
    %shift_right_logical3A_306 = arith.constant 16 : i32
    %shift_right_logical3A_307 = vector.broadcast %shift_right_logical3A_306 : i32 to vector<16xi32>
    %shift_right_logical3A_308 = arith.shrui %get3A_298, %shift_right_logical3A_307 : vector<16xi32>
    %swap3A_309 = arith.constant 0 : index
    %swap3A_310 = tpu.vector_load %arg24[%swap3A_309] {strides = array<i32>} : memref<64xi32, #tpu.memory_space<vmem>>, vector<16xi32>,
    %swap3A_311 = vector.shape_cast %swap3A_310 : vector<16xi32> to vector<16xi32>
    %swap3A_312 = vector.shape_cast %shift_right_logical3A_308 : vector<16xi32> to vector<16xi32>
    tpu.vector_store %arg24[%swap3A_309], %swap3A_312 {strides = array<i32>} : memref<64xi32, #tpu.memory_space<vmem>>, vector<16xi32>,
    %get3A_313 = arith.constant 16 : index
    %get3A_314 = tpu.vector_load %arg14[%get3A_313] {strides = array<i32>} : memref<64xi32, #tpu.memory_space<vmem>>, vector<16xi32>,
    %get3A_315 = vector.shape_cast %get3A_314 : vector<16xi32> to vector<16xi32>
    %and3A_316 = arith.constant 65535 : i32
    %and3A_317 = vector.broadcast %and3A_316 : i32 to vector<16xi32>
    %and3A_318 = arith.andi %get3A_315, %and3A_317 : vector<16xi32>
    %swap3A_319 = arith.constant 16 : index
    %swap3A_320 = tpu.vector_load %arg19[%swap3A_319] {strides = array<i32>} : memref<64xi32, #tpu.memory_space<vmem>>, vector<16xi32>,
    %swap3A_321 = vector.shape_cast %swap3A_320 : vector<16xi32> to vector<16xi32>
    %swap3A_322 = vector.shape_cast %and3A_318 : vector<16xi32> to vector<16xi32>
    tpu.vector_store %arg19[%swap3A_319], %swap3A_322 {strides = array<i32>} : memref<64xi32, #tpu.memory_space<vmem>>, vector<16xi32>,
    %shift_right_logical3A_323 = arith.constant 16 : i32
    %shift_right_logical3A_324 = vector.broadcast %shift_right_logical3A_323 : i32 to vector<16xi32>
    %shift_right_logical3A_325 = arith.shrui %get3A_315, %shift_right_logical3A_324 : vector<16xi32>
    %swap3A_326 = arith.constant 16 : index
    %swap3A_327 = tpu.vector_load %arg24[%swap3A_326] {strides = array<i32>} : memref<64xi32, #tpu.memory_space<vmem>>, vector<16xi32>,
    %swap3A_328 = vector.shape_cast %swap3A_327 : vector<16xi32> to vector<16xi32>
    %swap3A_329 = vector.shape_cast %shift_right_logical3A_325 : vector<16xi32> to vector<16xi32>
    tpu.vector_store %arg24[%swap3A_326], %swap3A_329 {strides = array<i32>} : memref<64xi32, #tpu.memory_space<vmem>>, vector<16xi32>,
    %get3A_330 = arith.constant 32 : index
    %get3A_331 = tpu.vector_load %arg14[%get3A_330] {strides = array<i32>} : memref<64xi32, #tpu.memory_space<vmem>>, vector<16xi32>,
    %get3A_332 = vector.shape_cast %get3A_331 : vector<16xi32> to vector<16xi32>
    %and3A_333 = arith.constant 65535 : i32
    %and3A_334 = vector.broadcast %and3A_333 : i32 to vector<16xi32>
    %and3A_335 = arith.andi %get3A_332, %and3A_334 : vector<16xi32>
    %swap3A_336 = arith.constant 32 : index
    %swap3A_337 = tpu.vector_load %arg19[%swap3A_336] {strides = array<i32>} : memref<64xi32, #tpu.memory_space<vmem>>, vector<16xi32>,
    %swap3A_338 = vector.shape_cast %swap3A_337 : vector<16xi32> to vector<16xi32>
    %swap3A_339 = vector.shape_cast %and3A_335 : vector<16xi32> to vector<16xi32>
    tpu.vector_store %arg19[%swap3A_336], %swap3A_339 {strides = array<i32>} : memref<64xi32, #tpu.memory_space<vmem>>, vector<16xi32>,
    %shift_right_logical3A_340 = arith.constant 16 : i32
    %shift_right_logical3A_341 = vector.broadcast %shift_right_logical3A_340 : i32 to vector<16xi32>
    %shift_right_logical3A_342 = arith.shrui %get3A_332, %shift_right_logical3A_341 : vector<16xi32>
    %swap3A_343 = arith.constant 32 : index
    %swap3A_344 = tpu.vector_load %arg24[%swap3A_343] {strides = array<i32>} : memref<64xi32, #tpu.memory_space<vmem>>, vector<16xi32>,
    %swap3A_345 = vector.shape_cast %swap3A_344 : vector<16xi32> to vector<16xi32>
    %swap3A_346 = vector.shape_cast %shift_right_logical3A_342 : vector<16xi32> to vector<16xi32>
    tpu.vector_store %arg24[%swap3A_343], %swap3A_346 {strides = array<i32>} : memref<64xi32, #tpu.memory_space<vmem>>, vector<16xi32>,
    %get3A_347 = arith.constant 48 : index
    %get3A_348 = tpu.vector_load %arg14[%get3A_347] {strides = array<i32>} : memref<64xi32, #tpu.memory_space<vmem>>, vector<16xi32>,
    %get3A_349 = vector.shape_cast %get3A_348 : vector<16xi32> to vector<16xi32>
    %and3A_350 = arith.constant 65535 : i32
    %and3A_351 = vector.broadcast %and3A_350 : i32 to vector<16xi32>
    %and3A_352 = arith.andi %get3A_349, %and3A_351 : vector<16xi32>
    %swap3A_353 = arith.constant 48 : index
    %swap3A_354 = tpu.vector_load %arg19[%swap3A_353] {strides = array<i32>} : memref<64xi32, #tpu.memory_space<vmem>>, vector<16xi32>,
    %swap3A_355 = vector.shape_cast %swap3A_354 : vector<16xi32> to vector<16xi32>
    %swap3A_356 = vector.shape_cast %and3A_352 : vector<16xi32> to vector<16xi32>
    tpu.vector_store %arg19[%swap3A_353], %swap3A_356 {strides = array<i32>} : memref<64xi32, #tpu.memory_space<vmem>>, vector<16xi32>,
    %shift_right_logical3A_357 = arith.constant 16 : i32
    %shift_right_logical3A_358 = vector.broadcast %shift_right_logical3A_357 : i32 to vector<16xi32>
    %shift_right_logical3A_359 = arith.shrui %get3A_349, %shift_right_logical3A_358 : vector<16xi32>
    %swap3A_360 = arith.constant 48 : index
    %swap3A_361 = tpu.vector_load %arg24[%swap3A_360] {strides = array<i32>} : memref<64xi32, #tpu.memory_space<vmem>>, vector<16xi32>,
    %swap3A_362 = vector.shape_cast %swap3A_361 : vector<16xi32> to vector<16xi32>
    %swap3A_363 = vector.shape_cast %shift_right_logical3A_359 : vector<16xi32> to vector<16xi32>
    tpu.vector_store %arg24[%swap3A_360], %swap3A_363 {strides = array<i32>} : memref<64xi32, #tpu.memory_space<vmem>>, vector<16xi32>,
    %dma_start3A_364 = arith.constant 0 : i32
    %dma_start3A_365 = arith.constant 0 : i32
    %dma_start3A_366 = tpu.memref_slice %arg2[%dma_start3A_364, %dma_start3A_365] : memref<20000x128xf32, #tpu.memory_space<hbm>> -> memref<20000x128xf32, #tpu.memory_space<hbm>>
    tpu.enqueue_indirect_dma source(%dma_start3A_366 : memref<20000x128xf32, #tpu.memory_space<hbm>>) target(%arg9 : memref<64x128xf32, #tpu.memory_space<vmem>>) offsets(%arg19 : memref<64xi32, #tpu.memory_space<vmem>>) semaphore(%arg29 : memref<!tpu.dma_semaphore, #tpu.memory_space<semaphore_mem>>)
    %add3A_367 = arith.constant 192 : i32
    %add3A_368 = arith.addi %add3A_71, %add3A_367 : i32
    %dma_start3A_369 = tpu.memref_slice %arg3[%add3A_368] : memref<655360xi32, #tpu.memory_space<hbm>> -> memref<64xi32, #tpu.memory_space<hbm>>
    %dma_start3A_370 = tpu.memref_slice %arg3[%add3A_368] : memref<655360xi32, #tpu.memory_space<hbm>> -> memref<64xi32, #tpu.memory_space<hbm>>
    tpu.enqueue_dma source(%dma_start3A_370 : memref<64xi32, #tpu.memory_space<hbm>>) target(%arg15 : memref<64xi32, #tpu.memory_space<vmem>>) target_semaphore(%arg40 : memref<!tpu.dma_semaphore, #tpu.memory_space<semaphore_mem>>)
    %scan3A = arith.constant 0 : i32
    %scan3A_371 = arith.constant 64 : i32
    %scan3A_372 = arith.addi %scan3A, %scan3A_371 : i32
    %scan3A_373 = arith.constant 1 : i32
    scf.for %scan3A_503 = %scan3A to %scan3A_372 step %scan3A_373  : i32 {
      %mul3A_504 = arith.constant 5 : i32
      %mul3A_505 = arith.muli %scan3A_503, %mul3A_504 : i32
      %add3A_506 = arith.constant 0 : i32
      %add3A_507 = arith.addi %add3A_506, %mul3A_505 : i32
      %add3A_508 = arith.constant 0 : i32
      %add3A_509 = arith.addi %add3A_507, %add3A_508 : i32
      %add3A_510 = arith.constant 4 : i32
      %add3A_511 = arith.addi %add3A_509, %add3A_510 : i32
      %lt3A_512 = arith.constant 320 : i32
      %lt3A_513 = arith.cmpi slt, %add3A_511, %lt3A_512 : i32
      %convert_element_type3A_514 = arith.extui %lt3A_513 : i1 to i32
      %cond3A_515 = arith.constant 0 : i32
      %cond3A_516 = arith.cmpi ne, %convert_element_type3A_514, %cond3A_515 : i32
      scf.if %cond3A_516 {
        %add3A_618 = arith.constant 4 : i32
        %add3A_619 = arith.addi %add3A_509, %add3A_618 : i32
        %mul3A_620 = arith.constant 64 : i32
        %mul3A_621 = arith.muli %add3A_619, %mul3A_620 : i32
        %add3A_622 = arith.addi %add3A_71, %mul3A_621 : i32
        %dma_start3A_623 = tpu.memref_slice %arg3[%add3A_622] : memref<655360xi32, #tpu.memory_space<hbm>> -> memref<64xi32, #tpu.memory_space<hbm>>
        %dma_start3A_624 = tpu.memref_slice %arg3[%add3A_622] : memref<655360xi32, #tpu.memory_space<hbm>> -> memref<64xi32, #tpu.memory_space<hbm>>
        tpu.enqueue_dma source(%dma_start3A_624 : memref<64xi32, #tpu.memory_space<hbm>>) target(%arg16 : memref<64xi32, #tpu.memory_space<vmem>>) target_semaphore(%arg41 : memref<!tpu.dma_semaphore, #tpu.memory_space<semaphore_mem>>)
      } else {
      }
      %dma_wait3A_517 = arith.constant 0 : i32
      %dma_wait3A_518 = arith.constant 0 : i32
      %dma_wait3A_519 = tpu.memref_slice %arg2[%dma_wait3A_517, %dma_wait3A_518] : memref<20000x128xf32, #tpu.memory_space<hbm>> -> memref<20000x128xf32, #tpu.memory_space<hbm>>
      tpu.wait_indirect_dma semaphore(%arg27 : memref<!tpu.dma_semaphore, #tpu.memory_space<semaphore_mem>>) src(%dma_wait3A_519 : memref<20000x128xf32, #tpu.memory_space<hbm>>) dst(%arg7 : memref<64x128xf32, #tpu.memory_space<vmem>>)
      %dma_start3A_520 = arith.constant 0 : i32
      %dma_start3A_521 = arith.constant 0 : i32
      %dma_start3A_522 = tpu.memref_slice %arg6[%dma_start3A_520, %dma_start3A_521] : memref<10048x128xf32, #tpu.memory_space<vmem_shared>> -> memref<10048x128xf32, #tpu.memory_space<vmem_shared>>
      tpu.enqueue_indirect_dma source(%arg7 : memref<64x128xf32, #tpu.memory_space<vmem>>) target(%dma_start3A_522 : memref<10048x128xf32, #tpu.memory_space<vmem_shared>>) offsets(%arg22 : memref<64xi32, #tpu.memory_space<vmem>>) semaphore(%arg32 : memref<!tpu.dma_semaphore, #tpu.memory_space<semaphore_mem>>) {add = true}
      %add3A_523 = arith.constant 3 : i32
      %add3A_524 = arith.addi %add3A_509, %add3A_523 : i32
      %lt3A_525 = arith.constant 320 : i32
      %lt3A_526 = arith.cmpi slt, %add3A_524, %lt3A_525 : i32
      %convert_element_type3A_527 = arith.extui %lt3A_526 : i1 to i32
      %cond3A_528 = arith.constant 0 : i32
      %cond3A_529 = arith.cmpi ne, %convert_element_type3A_527, %cond3A_528 : i32
      scf.if %cond3A_529 {
        %ge3A = arith.constant 5 : i32
        %ge3A_618 = arith.cmpi sge, %add3A_524, %ge3A : i32
        %convert_element_type3A_619 = arith.extui %ge3A_618 : i1 to i32
        %cond3A_620 = arith.constant 0 : i32
        %cond3A_621 = arith.cmpi ne, %convert_element_type3A_619, %cond3A_620 : i32
        scf.if %cond3A_621 {
          %dma_wait3A_695 = arith.constant 0 : i32
          %dma_wait3A_696 = arith.constant 0 : i32
          %dma_wait3A_697 = tpu.memref_slice %arg6[%dma_wait3A_695, %dma_wait3A_696] : memref<10048x128xf32, #tpu.memory_space<vmem_shared>> -> memref<10048x128xf32, #tpu.memory_space<vmem_shared>>
          tpu.wait_indirect_dma semaphore(%arg35 : memref<!tpu.dma_semaphore, #tpu.memory_space<semaphore_mem>>) src(%arg10 : memref<64x128xf32, #tpu.memory_space<vmem>>) dst(%dma_wait3A_697 : memref<10048x128xf32, #tpu.memory_space<vmem_shared>>)
        } else {
        }
        %dma_wait3A_622 = tpu.memref_slice %arg3[%add3A_71] : memref<655360xi32, #tpu.memory_space<hbm>> -> memref<64xi32, #tpu.memory_space<hbm>>
        %dma_wait3A_623 = tpu.memref_slice %arg3[%add3A_71] : memref<655360xi32, #tpu.memory_space<hbm>> -> memref<64xi32, #tpu.memory_space<hbm>>
        tpu.wait_dma2 semaphore(%arg40 : memref<!tpu.dma_semaphore, #tpu.memory_space<semaphore_mem>>) src(%dma_wait3A_623 : memref<64xi32, #tpu.memory_space<hbm>>) dst(%arg15 : memref<64xi32, #tpu.memory_space<vmem>>)
        %get3A_624 = arith.constant 0 : index
        %get3A_625 = tpu.vector_load %arg15[%get3A_624] {strides = array<i32>} : memref<64xi32, #tpu.memory_space<vmem>>, vector<16xi32>,
        %get3A_626 = vector.shape_cast %get3A_625 : vector<16xi32> to vector<16xi32>
        %and3A_627 = arith.constant 65535 : i32
        %and3A_628 = vector.broadcast %and3A_627 : i32 to vector<16xi32>
        %and3A_629 = arith.andi %get3A_626, %and3A_628 : vector<16xi32>
        %swap3A_630 = arith.constant 0 : index
        %swap3A_631 = tpu.vector_load %arg20[%swap3A_630] {strides = array<i32>} : memref<64xi32, #tpu.memory_space<vmem>>, vector<16xi32>,
        %swap3A_632 = vector.shape_cast %swap3A_631 : vector<16xi32> to vector<16xi32>
        %swap3A_633 = vector.shape_cast %and3A_629 : vector<16xi32> to vector<16xi32>
        tpu.vector_store %arg20[%swap3A_630], %swap3A_633 {strides = array<i32>} : memref<64xi32, #tpu.memory_space<vmem>>, vector<16xi32>,
        %shift_right_logical3A_634 = arith.constant 16 : i32
        %shift_right_logical3A_635 = vector.broadcast %shift_right_logical3A_634 : i32 to vector<16xi32>
        %shift_right_logical3A_636 = arith.shrui %get3A_626, %shift_right_logical3A_635 : vector<16xi32>
        %swap3A_637 = arith.constant 0 : index
        %swap3A_638 = tpu.vector_load %arg25[%swap3A_637] {strides = array<i32>} : memref<64xi32, #tpu.memory_space<vmem>>, vector<16xi32>,
        %swap3A_639 = vector.shape_cast %swap3A_638 : vector<16xi32> to vector<16xi32>
        %swap3A_640 = vector.shape_cast %shift_right_logical3A_636 : vector<16xi32> to vector<16xi32>
        tpu.vector_store %arg25[%swap3A_637], %swap3A_640 {strides = array<i32>} : memref<64xi32, #tpu.memory_space<vmem>>, vector<16xi32>,
        %get3A_641 = arith.constant 16 : index
        %get3A_642 = tpu.vector_load %arg15[%get3A_641] {strides = array<i32>} : memref<64xi32, #tpu.memory_space<vmem>>, vector<16xi32>,
        %get3A_643 = vector.shape_cast %get3A_642 : vector<16xi32> to vector<16xi32>
        %and3A_644 = arith.constant 65535 : i32
        %and3A_645 = vector.broadcast %and3A_644 : i32 to vector<16xi32>
        %and3A_646 = arith.andi %get3A_643, %and3A_645 : vector<16xi32>
        %swap3A_647 = arith.constant 16 : index
        %swap3A_648 = tpu.vector_load %arg20[%swap3A_647] {strides = array<i32>} : memref<64xi32, #tpu.memory_space<vmem>>, vector<16xi32>,
        %swap3A_649 = vector.shape_cast %swap3A_648 : vector<16xi32> to vector<16xi32>
        %swap3A_650 = vector.shape_cast %and3A_646 : vector<16xi32> to vector<16xi32>
        tpu.vector_store %arg20[%swap3A_647], %swap3A_650 {strides = array<i32>} : memref<64xi32, #tpu.memory_space<vmem>>, vector<16xi32>,
        %shift_right_logical3A_651 = arith.constant 16 : i32
        %shift_right_logical3A_652 = vector.broadcast %shift_right_logical3A_651 : i32 to vector<16xi32>
        %shift_right_logical3A_653 = arith.shrui %get3A_643, %shift_right_logical3A_652 : vector<16xi32>
        %swap3A_654 = arith.constant 16 : index
        %swap3A_655 = tpu.vector_load %arg25[%swap3A_654] {strides = array<i32>} : memref<64xi32, #tpu.memory_space<vmem>>, vector<16xi32>,
        %swap3A_656 = vector.shape_cast %swap3A_655 : vector<16xi32> to vector<16xi32>
        %swap3A_657 = vector.shape_cast %shift_right_logical3A_653 : vector<16xi32> to vector<16xi32>
        tpu.vector_store %arg25[%swap3A_654], %swap3A_657 {strides = array<i32>} : memref<64xi32, #tpu.memory_space<vmem>>, vector<16xi32>,
        %get3A_658 = arith.constant 32 : index
        %get3A_659 = tpu.vector_load %arg15[%get3A_658] {strides = array<i32>} : memref<64xi32, #tpu.memory_space<vmem>>, vector<16xi32>,
        %get3A_660 = vector.shape_cast %get3A_659 : vector<16xi32> to vector<16xi32>
        %and3A_661 = arith.constant 65535 : i32
        %and3A_662 = vector.broadcast %and3A_661 : i32 to vector<16xi32>
        %and3A_663 = arith.andi %get3A_660, %and3A_662 : vector<16xi32>
        %swap3A_664 = arith.constant 32 : index
        %swap3A_665 = tpu.vector_load %arg20[%swap3A_664] {strides = array<i32>} : memref<64xi32, #tpu.memory_space<vmem>>, vector<16xi32>,
        %swap3A_666 = vector.shape_cast %swap3A_665 : vector<16xi32> to vector<16xi32>
        %swap3A_667 = vector.shape_cast %and3A_663 : vector<16xi32> to vector<16xi32>
        tpu.vector_store %arg20[%swap3A_664], %swap3A_667 {strides = array<i32>} : memref<64xi32, #tpu.memory_space<vmem>>, vector<16xi32>,
        %shift_right_logical3A_668 = arith.constant 16 : i32
        %shift_right_logical3A_669 = vector.broadcast %shift_right_logical3A_668 : i32 to vector<16xi32>
        %shift_right_logical3A_670 = arith.shrui %get3A_660, %shift_right_logical3A_669 : vector<16xi32>
        %swap3A_671 = arith.constant 32 : index
        %swap3A_672 = tpu.vector_load %arg25[%swap3A_671] {strides = array<i32>} : memref<64xi32, #tpu.memory_space<vmem>>, vector<16xi32>,
        %swap3A_673 = vector.shape_cast %swap3A_672 : vector<16xi32> to vector<16xi32>
        %swap3A_674 = vector.shape_cast %shift_right_logical3A_670 : vector<16xi32> to vector<16xi32>
        tpu.vector_store %arg25[%swap3A_671], %swap3A_674 {strides = array<i32>} : memref<64xi32, #tpu.memory_space<vmem>>, vector<16xi32>,
        %get3A_675 = arith.constant 48 : index
        %get3A_676 = tpu.vector_load %arg15[%get3A_675] {strides = array<i32>} : memref<64xi32, #tpu.memory_space<vmem>>, vector<16xi32>,
        %get3A_677 = vector.shape_cast %get3A_676 : vector<16xi32> to vector<16xi32>
        %and3A_678 = arith.constant 65535 : i32
        %and3A_679 = vector.broadcast %and3A_678 : i32 to vector<16xi32>
        %and3A_680 = arith.andi %get3A_677, %and3A_679 : vector<16xi32>
        %swap3A_681 = arith.constant 48 : index
        %swap3A_682 = tpu.vector_load %arg20[%swap3A_681] {strides = array<i32>} : memref<64xi32, #tpu.memory_space<vmem>>, vector<16xi32>,
        %swap3A_683 = vector.shape_cast %swap3A_682 : vector<16xi32> to vector<16xi32>
        %swap3A_684 = vector.shape_cast %and3A_680 : vector<16xi32> to vector<16xi32>
        tpu.vector_store %arg20[%swap3A_681], %swap3A_684 {strides = array<i32>} : memref<64xi32, #tpu.memory_space<vmem>>, vector<16xi32>,
        %shift_right_logical3A_685 = arith.constant 16 : i32
        %shift_right_logical3A_686 = vector.broadcast %shift_right_logical3A_685 : i32 to vector<16xi32>
        %shift_right_logical3A_687 = arith.shrui %get3A_677, %shift_right_logical3A_686 : vector<16xi32>
        %swap3A_688 = arith.constant 48 : index
        %swap3A_689 = tpu.vector_load %arg25[%swap3A_688] {strides = array<i32>} : memref<64xi32, #tpu.memory_space<vmem>>, vector<16xi32>,
        %swap3A_690 = vector.shape_cast %swap3A_689 : vector<16xi32> to vector<16xi32>
        %swap3A_691 = vector.shape_cast %shift_right_logical3A_687 : vector<16xi32> to vector<16xi32>
        tpu.vector_store %arg25[%swap3A_688], %swap3A_691 {strides = array<i32>} : memref<64xi32, #tpu.memory_space<vmem>>, vector<16xi32>,
        %dma_start3A_692 = arith.constant 0 : i32
        %dma_start3A_693 = arith.constant 0 : i32
        %dma_start3A_694 = tpu.memref_slice %arg2[%dma_start3A_692, %dma_start3A_693] : memref<20000x128xf32, #tpu.memory_space<hbm>> -> memref<20000x128xf32, #tpu.memory_space<hbm>>
        tpu.enqueue_indirect_dma source(%dma_start3A_694 : memref<20000x128xf32, #tpu.memory_space<hbm>>) target(%arg10 : memref<64x128xf32, #tpu.memory_space<vmem>>) offsets(%arg20 : memref<64xi32, #tpu.memory_space<vmem>>) semaphore(%arg30 : memref<!tpu.dma_semaphore, #tpu.memory_space<semaphore_mem>>)
      } else {
      }
      %add3A_530 = arith.constant 1 : i32
      %add3A_531 = arith.addi %add3A_507, %add3A_530 : i32
      %add3A_532 = arith.constant 4 : i32
      %add3A_533 = arith.addi %add3A_531, %add3A_532 : i32
      %lt3A_534 = arith.constant 320 : i32
      %lt3A_535 = arith.cmpi slt, %add3A_533, %lt3A_534 : i32
      %convert_element_type3A_536 = arith.extui %lt3A_535 : i1 to i32
      %cond3A_537 = arith.constant 0 : i32
      %cond3A_538 = arith.cmpi ne, %convert_element_type3A_536, %cond3A_537 : i32
      scf.if %cond3A_538 {
        %add3A_618 = arith.constant 4 : i32
        %add3A_619 = arith.addi %add3A_531, %add3A_618 : i32
        %mul3A_620 = arith.constant 64 : i32
        %mul3A_621 = arith.muli %add3A_619, %mul3A_620 : i32
        %add3A_622 = arith.addi %add3A_71, %mul3A_621 : i32
        %dma_start3A_623 = tpu.memref_slice %arg3[%add3A_622] : memref<655360xi32, #tpu.memory_space<hbm>> -> memref<64xi32, #tpu.memory_space<hbm>>
        %dma_start3A_624 = tpu.memref_slice %arg3[%add3A_622] : memref<655360xi32, #tpu.memory_space<hbm>> -> memref<64xi32, #tpu.memory_space<hbm>>
        tpu.enqueue_dma source(%dma_start3A_624 : memref<64xi32, #tpu.memory_space<hbm>>) target(%arg12 : memref<64xi32, #tpu.memory_space<vmem>>) target_semaphore(%arg37 : memref<!tpu.dma_semaphore, #tpu.memory_space<semaphore_mem>>)
      } else {
      }
      %dma_wait3A_539 = arith.constant 0 : i32
      %dma_wait3A_540 = arith.constant 0 : i32
      %dma_wait3A_541 = tpu.memref_slice %arg2[%dma_wait3A_539, %dma_wait3A_540] : memref<20000x128xf32, #tpu.memory_space<hbm>> -> memref<20000x128xf32, #tpu.memory_space<hbm>>
      tpu.wait_indirect_dma semaphore(%arg28 : memref<!tpu.dma_semaphore, #tpu.memory_space<semaphore_mem>>) src(%dma_wait3A_541 : memref<20000x128xf32, #tpu.memory_space<hbm>>) dst(%arg8 : memref<64x128xf32, #tpu.memory_space<vmem>>)
      %dma_start3A_542 = arith.constant 0 : i32
      %dma_start3A_543 = arith.constant 0 : i32
      %dma_start3A_544 = tpu.memref_slice %arg6[%dma_start3A_542, %dma_start3A_543] : memref<10048x128xf32, #tpu.memory_space<vmem_shared>> -> memref<10048x128xf32, #tpu.memory_space<vmem_shared>>
      tpu.enqueue_indirect_dma source(%arg8 : memref<64x128xf32, #tpu.memory_space<vmem>>) target(%dma_start3A_544 : memref<10048x128xf32, #tpu.memory_space<vmem_shared>>) offsets(%arg23 : memref<64xi32, #tpu.memory_space<vmem>>) semaphore(%arg33 : memref<!tpu.dma_semaphore, #tpu.memory_space<semaphore_mem>>) {add = true}
      %add3A_545 = arith.constant 3 : i32
      %add3A_546 = arith.addi %add3A_531, %add3A_545 : i32
      %lt3A_547 = arith.constant 320 : i32
      %lt3A_548 = arith.cmpi slt, %add3A_546, %lt3A_547 : i32
      %convert_element_type3A_549 = arith.extui %lt3A_548 : i1 to i32
      %cond3A_550 = arith.constant 0 : i32
      %cond3A_551 = arith.cmpi ne, %convert_element_type3A_549, %cond3A_550 : i32
      scf.if %cond3A_551 {
        %ge3A = arith.constant 5 : i32
        %ge3A_618 = arith.cmpi sge, %add3A_546, %ge3A : i32
        %convert_element_type3A_619 = arith.extui %ge3A_618 : i1 to i32
        %cond3A_620 = arith.constant 0 : i32
        %cond3A_621 = arith.cmpi ne, %convert_element_type3A_619, %cond3A_620 : i32
        scf.if %cond3A_621 {
          %dma_wait3A_695 = arith.constant 0 : i32
          %dma_wait3A_696 = arith.constant 0 : i32
          %dma_wait3A_697 = tpu.memref_slice %arg6[%dma_wait3A_695, %dma_wait3A_696] : memref<10048x128xf32, #tpu.memory_space<vmem_shared>> -> memref<10048x128xf32, #tpu.memory_space<vmem_shared>>
          tpu.wait_indirect_dma semaphore(%arg36 : memref<!tpu.dma_semaphore, #tpu.memory_space<semaphore_mem>>) src(%arg11 : memref<64x128xf32, #tpu.memory_space<vmem>>) dst(%dma_wait3A_697 : memref<10048x128xf32, #tpu.memory_space<vmem_shared>>)
        } else {
        }
        %dma_wait3A_622 = tpu.memref_slice %arg3[%add3A_71] : memref<655360xi32, #tpu.memory_space<hbm>> -> memref<64xi32, #tpu.memory_space<hbm>>
        %dma_wait3A_623 = tpu.memref_slice %arg3[%add3A_71] : memref<655360xi32, #tpu.memory_space<hbm>> -> memref<64xi32, #tpu.memory_space<hbm>>
        tpu.wait_dma2 semaphore(%arg41 : memref<!tpu.dma_semaphore, #tpu.memory_space<semaphore_mem>>) src(%dma_wait3A_623 : memref<64xi32, #tpu.memory_space<hbm>>) dst(%arg16 : memref<64xi32, #tpu.memory_space<vmem>>)
        %get3A_624 = arith.constant 0 : index
        %get3A_625 = tpu.vector_load %arg16[%get3A_624] {strides = array<i32>} : memref<64xi32, #tpu.memory_space<vmem>>, vector<16xi32>,
        %get3A_626 = vector.shape_cast %get3A_625 : vector<16xi32> to vector<16xi32>
        %and3A_627 = arith.constant 65535 : i32
        %and3A_628 = vector.broadcast %and3A_627 : i32 to vector<16xi32>
        %and3A_629 = arith.andi %get3A_626, %and3A_628 : vector<16xi32>
        %swap3A_630 = arith.constant 0 : index
        %swap3A_631 = tpu.vector_load %arg21[%swap3A_630] {strides = array<i32>} : memref<64xi32, #tpu.memory_space<vmem>>, vector<16xi32>,
        %swap3A_632 = vector.shape_cast %swap3A_631 : vector<16xi32> to vector<16xi32>
        %swap3A_633 = vector.shape_cast %and3A_629 : vector<16xi32> to vector<16xi32>
        tpu.vector_store %arg21[%swap3A_630], %swap3A_633 {strides = array<i32>} : memref<64xi32, #tpu.memory_space<vmem>>, vector<16xi32>,
        %shift_right_logical3A_634 = arith.constant 16 : i32
        %shift_right_logical3A_635 = vector.broadcast %shift_right_logical3A_634 : i32 to vector<16xi32>
        %shift_right_logical3A_636 = arith.shrui %get3A_626, %shift_right_logical3A_635 : vector<16xi32>
        %swap3A_637 = arith.constant 0 : index
        %swap3A_638 = tpu.vector_load %arg26[%swap3A_637] {strides = array<i32>} : memref<64xi32, #tpu.memory_space<vmem>>, vector<16xi32>,
        %swap3A_639 = vector.shape_cast %swap3A_638 : vector<16xi32> to vector<16xi32>
        %swap3A_640 = vector.shape_cast %shift_right_logical3A_636 : vector<16xi32> to vector<16xi32>
        tpu.vector_store %arg26[%swap3A_637], %swap3A_640 {strides = array<i32>} : memref<64xi32, #tpu.memory_space<vmem>>, vector<16xi32>,
        %get3A_641 = arith.constant 16 : index
        %get3A_642 = tpu.vector_load %arg16[%get3A_641] {strides = array<i32>} : memref<64xi32, #tpu.memory_space<vmem>>, vector<16xi32>,
        %get3A_643 = vector.shape_cast %get3A_642 : vector<16xi32> to vector<16xi32>
        %and3A_644 = arith.constant 65535 : i32
        %and3A_645 = vector.broadcast %and3A_644 : i32 to vector<16xi32>
        %and3A_646 = arith.andi %get3A_643, %and3A_645 : vector<16xi32>
        %swap3A_647 = arith.constant 16 : index
        %swap3A_648 = tpu.vector_load %arg21[%swap3A_647] {strides = array<i32>} : memref<64xi32, #tpu.memory_space<vmem>>, vector<16xi32>,
        %swap3A_649 = vector.shape_cast %swap3A_648 : vector<16xi32> to vector<16xi32>
        %swap3A_650 = vector.shape_cast %and3A_646 : vector<16xi32> to vector<16xi32>
        tpu.vector_store %arg21[%swap3A_647], %swap3A_650 {strides = array<i32>} : memref<64xi32, #tpu.memory_space<vmem>>, vector<16xi32>,
        %shift_right_logical3A_651 = arith.constant 16 : i32
        %shift_right_logical3A_652 = vector.broadcast %shift_right_logical3A_651 : i32 to vector<16xi32>
        %shift_right_logical3A_653 = arith.shrui %get3A_643, %shift_right_logical3A_652 : vector<16xi32>
        %swap3A_654 = arith.constant 16 : index
        %swap3A_655 = tpu.vector_load %arg26[%swap3A_654] {strides = array<i32>} : memref<64xi32, #tpu.memory_space<vmem>>, vector<16xi32>,
        %swap3A_656 = vector.shape_cast %swap3A_655 : vector<16xi32> to vector<16xi32>
        %swap3A_657 = vector.shape_cast %shift_right_logical3A_653 : vector<16xi32> to vector<16xi32>
        tpu.vector_store %arg26[%swap3A_654], %swap3A_657 {strides = array<i32>} : memref<64xi32, #tpu.memory_space<vmem>>, vector<16xi32>,
        %get3A_658 = arith.constant 32 : index
        %get3A_659 = tpu.vector_load %arg16[%get3A_658] {strides = array<i32>} : memref<64xi32, #tpu.memory_space<vmem>>, vector<16xi32>,
        %get3A_660 = vector.shape_cast %get3A_659 : vector<16xi32> to vector<16xi32>
        %and3A_661 = arith.constant 65535 : i32
        %and3A_662 = vector.broadcast %and3A_661 : i32 to vector<16xi32>
        %and3A_663 = arith.andi %get3A_660, %and3A_662 : vector<16xi32>
        %swap3A_664 = arith.constant 32 : index
        %swap3A_665 = tpu.vector_load %arg21[%swap3A_664] {strides = array<i32>} : memref<64xi32, #tpu.memory_space<vmem>>, vector<16xi32>,
        %swap3A_666 = vector.shape_cast %swap3A_665 : vector<16xi32> to vector<16xi32>
        %swap3A_667 = vector.shape_cast %and3A_663 : vector<16xi32> to vector<16xi32>
        tpu.vector_store %arg21[%swap3A_664], %swap3A_667 {strides = array<i32>} : memref<64xi32, #tpu.memory_space<vmem>>, vector<16xi32>,
        %shift_right_logical3A_668 = arith.constant 16 : i32
        %shift_right_logical3A_669 = vector.broadcast %shift_right_logical3A_668 : i32 to vector<16xi32>
        %shift_right_logical3A_670 = arith.shrui %get3A_660, %shift_right_logical3A_669 : vector<16xi32>
        %swap3A_671 = arith.constant 32 : index
        %swap3A_672 = tpu.vector_load %arg26[%swap3A_671] {strides = array<i32>} : memref<64xi32, #tpu.memory_space<vmem>>, vector<16xi32>,
        %swap3A_673 = vector.shape_cast %swap3A_672 : vector<16xi32> to vector<16xi32>
        %swap3A_674 = vector.shape_cast %shift_right_logical3A_670 : vector<16xi32> to vector<16xi32>
        tpu.vector_store %arg26[%swap3A_671], %swap3A_674 {strides = array<i32>} : memref<64xi32, #tpu.memory_space<vmem>>, vector<16xi32>,
        %get3A_675 = arith.constant 48 : index
        %get3A_676 = tpu.vector_load %arg16[%get3A_675] {strides = array<i32>} : memref<64xi32, #tpu.memory_space<vmem>>, vector<16xi32>,
        %get3A_677 = vector.shape_cast %get3A_676 : vector<16xi32> to vector<16xi32>
        %and3A_678 = arith.constant 65535 : i32
        %and3A_679 = vector.broadcast %and3A_678 : i32 to vector<16xi32>
        %and3A_680 = arith.andi %get3A_677, %and3A_679 : vector<16xi32>
        %swap3A_681 = arith.constant 48 : index
        %swap3A_682 = tpu.vector_load %arg21[%swap3A_681] {strides = array<i32>} : memref<64xi32, #tpu.memory_space<vmem>>, vector<16xi32>,
        %swap3A_683 = vector.shape_cast %swap3A_682 : vector<16xi32> to vector<16xi32>
        %swap3A_684 = vector.shape_cast %and3A_680 : vector<16xi32> to vector<16xi32>
        tpu.vector_store %arg21[%swap3A_681], %swap3A_684 {strides = array<i32>} : memref<64xi32, #tpu.memory_space<vmem>>, vector<16xi32>,
        %shift_right_logical3A_685 = arith.constant 16 : i32
        %shift_right_logical3A_686 = vector.broadcast %shift_right_logical3A_685 : i32 to vector<16xi32>
        %shift_right_logical3A_687 = arith.shrui %get3A_677, %shift_right_logical3A_686 : vector<16xi32>
        %swap3A_688 = arith.constant 48 : index
        %swap3A_689 = tpu.vector_load %arg26[%swap3A_688] {strides = array<i32>} : memref<64xi32, #tpu.memory_space<vmem>>, vector<16xi32>,
        %swap3A_690 = vector.shape_cast %swap3A_689 : vector<16xi32> to vector<16xi32>
        %swap3A_691 = vector.shape_cast %shift_right_logical3A_687 : vector<16xi32> to vector<16xi32>
        tpu.vector_store %arg26[%swap3A_688], %swap3A_691 {strides = array<i32>} : memref<64xi32, #tpu.memory_space<vmem>>, vector<16xi32>,
        %dma_start3A_692 = arith.constant 0 : i32
        %dma_start3A_693 = arith.constant 0 : i32
        %dma_start3A_694 = tpu.memref_slice %arg2[%dma_start3A_692, %dma_start3A_693] : memref<20000x128xf32, #tpu.memory_space<hbm>> -> memref<20000x128xf32, #tpu.memory_space<hbm>>
        tpu.enqueue_indirect_dma source(%dma_start3A_694 : memref<20000x128xf32, #tpu.memory_space<hbm>>) target(%arg11 : memref<64x128xf32, #tpu.memory_space<vmem>>) offsets(%arg21 : memref<64xi32, #tpu.memory_space<vmem>>) semaphore(%arg31 : memref<!tpu.dma_semaphore, #tpu.memory_space<semaphore_mem>>)
      } else {
      }
      %add3A_552 = arith.constant 2 : i32
      %add3A_553 = arith.addi %add3A_507, %add3A_552 : i32
      %add3A_554 = arith.constant 4 : i32
      %add3A_555 = arith.addi %add3A_553, %add3A_554 : i32
      %lt3A_556 = arith.constant 320 : i32
      %lt3A_557 = arith.cmpi slt, %add3A_555, %lt3A_556 : i32
      %convert_element_type3A_558 = arith.extui %lt3A_557 : i1 to i32
      %cond3A_559 = arith.constant 0 : i32
      %cond3A_560 = arith.cmpi ne, %convert_element_type3A_558, %cond3A_559 : i32
      scf.if %cond3A_560 {
        %add3A_618 = arith.constant 4 : i32
        %add3A_619 = arith.addi %add3A_553, %add3A_618 : i32
        %mul3A_620 = arith.constant 64 : i32
        %mul3A_621 = arith.muli %add3A_619, %mul3A_620 : i32
        %add3A_622 = arith.addi %add3A_71, %mul3A_621 : i32
        %dma_start3A_623 = tpu.memref_slice %arg3[%add3A_622] : memref<655360xi32, #tpu.memory_space<hbm>> -> memref<64xi32, #tpu.memory_space<hbm>>
        %dma_start3A_624 = tpu.memref_slice %arg3[%add3A_622] : memref<655360xi32, #tpu.memory_space<hbm>> -> memref<64xi32, #tpu.memory_space<hbm>>
        tpu.enqueue_dma source(%dma_start3A_624 : memref<64xi32, #tpu.memory_space<hbm>>) target(%arg13 : memref<64xi32, #tpu.memory_space<vmem>>) target_semaphore(%arg38 : memref<!tpu.dma_semaphore, #tpu.memory_space<semaphore_mem>>)
      } else {
      }
      %dma_wait3A_561 = arith.constant 0 : i32
      %dma_wait3A_562 = arith.constant 0 : i32
      %dma_wait3A_563 = tpu.memref_slice %arg2[%dma_wait3A_561, %dma_wait3A_562] : memref<20000x128xf32, #tpu.memory_space<hbm>> -> memref<20000x128xf32, #tpu.memory_space<hbm>>
      tpu.wait_indirect_dma semaphore(%arg29 : memref<!tpu.dma_semaphore, #tpu.memory_space<semaphore_mem>>) src(%dma_wait3A_563 : memref<20000x128xf32, #tpu.memory_space<hbm>>) dst(%arg9 : memref<64x128xf32, #tpu.memory_space<vmem>>)
      %dma_start3A_564 = arith.constant 0 : i32
      %dma_start3A_565 = arith.constant 0 : i32
      %dma_start3A_566 = tpu.memref_slice %arg6[%dma_start3A_564, %dma_start3A_565] : memref<10048x128xf32, #tpu.memory_space<vmem_shared>> -> memref<10048x128xf32, #tpu.memory_space<vmem_shared>>
      tpu.enqueue_indirect_dma source(%arg9 : memref<64x128xf32, #tpu.memory_space<vmem>>) target(%dma_start3A_566 : memref<10048x128xf32, #tpu.memory_space<vmem_shared>>) offsets(%arg24 : memref<64xi32, #tpu.memory_space<vmem>>) semaphore(%arg34 : memref<!tpu.dma_semaphore, #tpu.memory_space<semaphore_mem>>) {add = true}
      %add3A_567 = arith.constant 3 : i32
      %add3A_568 = arith.addi %add3A_553, %add3A_567 : i32
      %lt3A_569 = arith.constant 320 : i32
      %lt3A_570 = arith.cmpi slt, %add3A_568, %lt3A_569 : i32
      %convert_element_type3A_571 = arith.extui %lt3A_570 : i1 to i32
      %cond3A_572 = arith.constant 0 : i32
      %cond3A_573 = arith.cmpi ne, %convert_element_type3A_571, %cond3A_572 : i32
      scf.if %cond3A_573 {
        %ge3A = arith.constant 5 : i32
        %ge3A_618 = arith.cmpi sge, %add3A_568, %ge3A : i32
        %convert_element_type3A_619 = arith.extui %ge3A_618 : i1 to i32
        %cond3A_620 = arith.constant 0 : i32
        %cond3A_621 = arith.cmpi ne, %convert_element_type3A_619, %cond3A_620 : i32
        scf.if %cond3A_621 {
          %dma_wait3A_695 = arith.constant 0 : i32
          %dma_wait3A_696 = arith.constant 0 : i32
          %dma_wait3A_697 = tpu.memref_slice %arg6[%dma_wait3A_695, %dma_wait3A_696] : memref<10048x128xf32, #tpu.memory_space<vmem_shared>> -> memref<10048x128xf32, #tpu.memory_space<vmem_shared>>
          tpu.wait_indirect_dma semaphore(%arg32 : memref<!tpu.dma_semaphore, #tpu.memory_space<semaphore_mem>>) src(%arg7 : memref<64x128xf32, #tpu.memory_space<vmem>>) dst(%dma_wait3A_697 : memref<10048x128xf32, #tpu.memory_space<vmem_shared>>)
        } else {
        }
        %dma_wait3A_622 = tpu.memref_slice %arg3[%add3A_71] : memref<655360xi32, #tpu.memory_space<hbm>> -> memref<64xi32, #tpu.memory_space<hbm>>
        %dma_wait3A_623 = tpu.memref_slice %arg3[%add3A_71] : memref<655360xi32, #tpu.memory_space<hbm>> -> memref<64xi32, #tpu.memory_space<hbm>>
        tpu.wait_dma2 semaphore(%arg37 : memref<!tpu.dma_semaphore, #tpu.memory_space<semaphore_mem>>) src(%dma_wait3A_623 : memref<64xi32, #tpu.memory_space<hbm>>) dst(%arg12 : memref<64xi32, #tpu.memory_space<vmem>>)
        %get3A_624 = arith.constant 0 : index
        %get3A_625 = tpu.vector_load %arg12[%get3A_624] {strides = array<i32>} : memref<64xi32, #tpu.memory_space<vmem>>, vector<16xi32>,
        %get3A_626 = vector.shape_cast %get3A_625 : vector<16xi32> to vector<16xi32>
        %and3A_627 = arith.constant 65535 : i32
        %and3A_628 = vector.broadcast %and3A_627 : i32 to vector<16xi32>
        %and3A_629 = arith.andi %get3A_626, %and3A_628 : vector<16xi32>
        %swap3A_630 = arith.constant 0 : index
        %swap3A_631 = tpu.vector_load %arg17[%swap3A_630] {strides = array<i32>} : memref<64xi32, #tpu.memory_space<vmem>>, vector<16xi32>,
        %swap3A_632 = vector.shape_cast %swap3A_631 : vector<16xi32> to vector<16xi32>
        %swap3A_633 = vector.shape_cast %and3A_629 : vector<16xi32> to vector<16xi32>
        tpu.vector_store %arg17[%swap3A_630], %swap3A_633 {strides = array<i32>} : memref<64xi32, #tpu.memory_space<vmem>>, vector<16xi32>,
        %shift_right_logical3A_634 = arith.constant 16 : i32
        %shift_right_logical3A_635 = vector.broadcast %shift_right_logical3A_634 : i32 to vector<16xi32>
        %shift_right_logical3A_636 = arith.shrui %get3A_626, %shift_right_logical3A_635 : vector<16xi32>
        %swap3A_637 = arith.constant 0 : index
        %swap3A_638 = tpu.vector_load %arg22[%swap3A_637] {strides = array<i32>} : memref<64xi32, #tpu.memory_space<vmem>>, vector<16xi32>,
        %swap3A_639 = vector.shape_cast %swap3A_638 : vector<16xi32> to vector<16xi32>
        %swap3A_640 = vector.shape_cast %shift_right_logical3A_636 : vector<16xi32> to vector<16xi32>
        tpu.vector_store %arg22[%swap3A_637], %swap3A_640 {strides = array<i32>} : memref<64xi32, #tpu.memory_space<vmem>>, vector<16xi32>,
        %get3A_641 = arith.constant 16 : index
        %get3A_642 = tpu.vector_load %arg12[%get3A_641] {strides = array<i32>} : memref<64xi32, #tpu.memory_space<vmem>>, vector<16xi32>,
        %get3A_643 = vector.shape_cast %get3A_642 : vector<16xi32> to vector<16xi32>
        %and3A_644 = arith.constant 65535 : i32
        %and3A_645 = vector.broadcast %and3A_644 : i32 to vector<16xi32>
        %and3A_646 = arith.andi %get3A_643, %and3A_645 : vector<16xi32>
        %swap3A_647 = arith.constant 16 : index
        %swap3A_648 = tpu.vector_load %arg17[%swap3A_647] {strides = array<i32>} : memref<64xi32, #tpu.memory_space<vmem>>, vector<16xi32>,
        %swap3A_649 = vector.shape_cast %swap3A_648 : vector<16xi32> to vector<16xi32>
        %swap3A_650 = vector.shape_cast %and3A_646 : vector<16xi32> to vector<16xi32>
        tpu.vector_store %arg17[%swap3A_647], %swap3A_650 {strides = array<i32>} : memref<64xi32, #tpu.memory_space<vmem>>, vector<16xi32>,
        %shift_right_logical3A_651 = arith.constant 16 : i32
        %shift_right_logical3A_652 = vector.broadcast %shift_right_logical3A_651 : i32 to vector<16xi32>
        %shift_right_logical3A_653 = arith.shrui %get3A_643, %shift_right_logical3A_652 : vector<16xi32>
        %swap3A_654 = arith.constant 16 : index
        %swap3A_655 = tpu.vector_load %arg22[%swap3A_654] {strides = array<i32>} : memref<64xi32, #tpu.memory_space<vmem>>, vector<16xi32>,
        %swap3A_656 = vector.shape_cast %swap3A_655 : vector<16xi32> to vector<16xi32>
        %swap3A_657 = vector.shape_cast %shift_right_logical3A_653 : vector<16xi32> to vector<16xi32>
        tpu.vector_store %arg22[%swap3A_654], %swap3A_657 {strides = array<i32>} : memref<64xi32, #tpu.memory_space<vmem>>, vector<16xi32>,
        %get3A_658 = arith.constant 32 : index
        %get3A_659 = tpu.vector_load %arg12[%get3A_658] {strides = array<i32>} : memref<64xi32, #tpu.memory_space<vmem>>, vector<16xi32>,
        %get3A_660 = vector.shape_cast %get3A_659 : vector<16xi32> to vector<16xi32>
        %and3A_661 = arith.constant 65535 : i32
        %and3A_662 = vector.broadcast %and3A_661 : i32 to vector<16xi32>
        %and3A_663 = arith.andi %get3A_660, %and3A_662 : vector<16xi32>
        %swap3A_664 = arith.constant 32 : index
        %swap3A_665 = tpu.vector_load %arg17[%swap3A_664] {strides = array<i32>} : memref<64xi32, #tpu.memory_space<vmem>>, vector<16xi32>,
        %swap3A_666 = vector.shape_cast %swap3A_665 : vector<16xi32> to vector<16xi32>
        %swap3A_667 = vector.shape_cast %and3A_663 : vector<16xi32> to vector<16xi32>
        tpu.vector_store %arg17[%swap3A_664], %swap3A_667 {strides = array<i32>} : memref<64xi32, #tpu.memory_space<vmem>>, vector<16xi32>,
        %shift_right_logical3A_668 = arith.constant 16 : i32
        %shift_right_logical3A_669 = vector.broadcast %shift_right_logical3A_668 : i32 to vector<16xi32>
        %shift_right_logical3A_670 = arith.shrui %get3A_660, %shift_right_logical3A_669 : vector<16xi32>
        %swap3A_671 = arith.constant 32 : index
        %swap3A_672 = tpu.vector_load %arg22[%swap3A_671] {strides = array<i32>} : memref<64xi32, #tpu.memory_space<vmem>>, vector<16xi32>,
        %swap3A_673 = vector.shape_cast %swap3A_672 : vector<16xi32> to vector<16xi32>
        %swap3A_674 = vector.shape_cast %shift_right_logical3A_670 : vector<16xi32> to vector<16xi32>
        tpu.vector_store %arg22[%swap3A_671], %swap3A_674 {strides = array<i32>} : memref<64xi32, #tpu.memory_space<vmem>>, vector<16xi32>,
        %get3A_675 = arith.constant 48 : index
        %get3A_676 = tpu.vector_load %arg12[%get3A_675] {strides = array<i32>} : memref<64xi32, #tpu.memory_space<vmem>>, vector<16xi32>,
        %get3A_677 = vector.shape_cast %get3A_676 : vector<16xi32> to vector<16xi32>
        %and3A_678 = arith.constant 65535 : i32
        %and3A_679 = vector.broadcast %and3A_678 : i32 to vector<16xi32>
        %and3A_680 = arith.andi %get3A_677, %and3A_679 : vector<16xi32>
        %swap3A_681 = arith.constant 48 : index
        %swap3A_682 = tpu.vector_load %arg17[%swap3A_681] {strides = array<i32>} : memref<64xi32, #tpu.memory_space<vmem>>, vector<16xi32>,
        %swap3A_683 = vector.shape_cast %swap3A_682 : vector<16xi32> to vector<16xi32>
        %swap3A_684 = vector.shape_cast %and3A_680 : vector<16xi32> to vector<16xi32>
        tpu.vector_store %arg17[%swap3A_681], %swap3A_684 {strides = array<i32>} : memref<64xi32, #tpu.memory_space<vmem>>, vector<16xi32>,
        %shift_right_logical3A_685 = arith.constant 16 : i32
        %shift_right_logical3A_686 = vector.broadcast %shift_right_logical3A_685 : i32 to vector<16xi32>
        %shift_right_logical3A_687 = arith.shrui %get3A_677, %shift_right_logical3A_686 : vector<16xi32>
        %swap3A_688 = arith.constant 48 : index
        %swap3A_689 = tpu.vector_load %arg22[%swap3A_688] {strides = array<i32>} : memref<64xi32, #tpu.memory_space<vmem>>, vector<16xi32>,
        %swap3A_690 = vector.shape_cast %swap3A_689 : vector<16xi32> to vector<16xi32>
        %swap3A_691 = vector.shape_cast %shift_right_logical3A_687 : vector<16xi32> to vector<16xi32>
        tpu.vector_store %arg22[%swap3A_688], %swap3A_691 {strides = array<i32>} : memref<64xi32, #tpu.memory_space<vmem>>, vector<16xi32>,
        %dma_start3A_692 = arith.constant 0 : i32
        %dma_start3A_693 = arith.constant 0 : i32
        %dma_start3A_694 = tpu.memref_slice %arg2[%dma_start3A_692, %dma_start3A_693] : memref<20000x128xf32, #tpu.memory_space<hbm>> -> memref<20000x128xf32, #tpu.memory_space<hbm>>
        tpu.enqueue_indirect_dma source(%dma_start3A_694 : memref<20000x128xf32, #tpu.memory_space<hbm>>) target(%arg7 : memref<64x128xf32, #tpu.memory_space<vmem>>) offsets(%arg17 : memref<64xi32, #tpu.memory_space<vmem>>) semaphore(%arg27 : memref<!tpu.dma_semaphore, #tpu.memory_space<semaphore_mem>>)
      } else {
      }
      %add3A_574 = arith.constant 3 : i32
      %add3A_575 = arith.addi %add3A_507, %add3A_574 : i32
      %add3A_576 = arith.constant 4 : i32
      %add3A_577 = arith.addi %add3A_575, %add3A_576 : i32
      %lt3A_578 = arith.constant 320 : i32
      %lt3A_579 = arith.cmpi slt, %add3A_577, %lt3A_578 : i32
      %convert_element_type3A_580 = arith.extui %lt3A_579 : i1 to i32
      %cond3A_581 = arith.constant 0 : i32
      %cond3A_582 = arith.cmpi ne, %convert_element_type3A_580, %cond3A_581 : i32
      scf.if %cond3A_582 {
        %add3A_618 = arith.constant 4 : i32
        %add3A_619 = arith.addi %add3A_575, %add3A_618 : i32
        %mul3A_620 = arith.constant 64 : i32
        %mul3A_621 = arith.muli %add3A_619, %mul3A_620 : i32
        %add3A_622 = arith.addi %add3A_71, %mul3A_621 : i32
        %dma_start3A_623 = tpu.memref_slice %arg3[%add3A_622] : memref<655360xi32, #tpu.memory_space<hbm>> -> memref<64xi32, #tpu.memory_space<hbm>>
        %dma_start3A_624 = tpu.memref_slice %arg3[%add3A_622] : memref<655360xi32, #tpu.memory_space<hbm>> -> memref<64xi32, #tpu.memory_space<hbm>>
        tpu.enqueue_dma source(%dma_start3A_624 : memref<64xi32, #tpu.memory_space<hbm>>) target(%arg14 : memref<64xi32, #tpu.memory_space<vmem>>) target_semaphore(%arg39 : memref<!tpu.dma_semaphore, #tpu.memory_space<semaphore_mem>>)
      } else {
      }
      %dma_wait3A_583 = arith.constant 0 : i32
      %dma_wait3A_584 = arith.constant 0 : i32
      %dma_wait3A_585 = tpu.memref_slice %arg2[%dma_wait3A_583, %dma_wait3A_584] : memref<20000x128xf32, #tpu.memory_space<hbm>> -> memref<20000x128xf32, #tpu.memory_space<hbm>>
      tpu.wait_indirect_dma semaphore(%arg30 : memref<!tpu.dma_semaphore, #tpu.memory_space<semaphore_mem>>) src(%dma_wait3A_585 : memref<20000x128xf32, #tpu.memory_space<hbm>>) dst(%arg10 : memref<64x128xf32, #tpu.memory_space<vmem>>)
      %dma_start3A_586 = arith.constant 0 : i32
      %dma_start3A_587 = arith.constant 0 : i32
      %dma_start3A_588 = tpu.memref_slice %arg6[%dma_start3A_586, %dma_start3A_587] : memref<10048x128xf32, #tpu.memory_space<vmem_shared>> -> memref<10048x128xf32, #tpu.memory_space<vmem_shared>>
      tpu.enqueue_indirect_dma source(%arg10 : memref<64x128xf32, #tpu.memory_space<vmem>>) target(%dma_start3A_588 : memref<10048x128xf32, #tpu.memory_space<vmem_shared>>) offsets(%arg25 : memref<64xi32, #tpu.memory_space<vmem>>) semaphore(%arg35 : memref<!tpu.dma_semaphore, #tpu.memory_space<semaphore_mem>>) {add = true}
      %add3A_589 = arith.constant 3 : i32
      %add3A_590 = arith.addi %add3A_575, %add3A_589 : i32
      %lt3A_591 = arith.constant 320 : i32
      %lt3A_592 = arith.cmpi slt, %add3A_590, %lt3A_591 : i32
      %convert_element_type3A_593 = arith.extui %lt3A_592 : i1 to i32
      %cond3A_594 = arith.constant 0 : i32
      %cond3A_595 = arith.cmpi ne, %convert_element_type3A_593, %cond3A_594 : i32
      scf.if %cond3A_595 {
        %ge3A = arith.constant 5 : i32
        %ge3A_618 = arith.cmpi sge, %add3A_590, %ge3A : i32
        %convert_element_type3A_619 = arith.extui %ge3A_618 : i1 to i32
        %cond3A_620 = arith.constant 0 : i32
        %cond3A_621 = arith.cmpi ne, %convert_element_type3A_619, %cond3A_620 : i32
        scf.if %cond3A_621 {
          %dma_wait3A_695 = arith.constant 0 : i32
          %dma_wait3A_696 = arith.constant 0 : i32
          %dma_wait3A_697 = tpu.memref_slice %arg6[%dma_wait3A_695, %dma_wait3A_696] : memref<10048x128xf32, #tpu.memory_space<vmem_shared>> -> memref<10048x128xf32, #tpu.memory_space<vmem_shared>>
          tpu.wait_indirect_dma semaphore(%arg33 : memref<!tpu.dma_semaphore, #tpu.memory_space<semaphore_mem>>) src(%arg8 : memref<64x128xf32, #tpu.memory_space<vmem>>) dst(%dma_wait3A_697 : memref<10048x128xf32, #tpu.memory_space<vmem_shared>>)
        } else {
        }
        %dma_wait3A_622 = tpu.memref_slice %arg3[%add3A_71] : memref<655360xi32, #tpu.memory_space<hbm>> -> memref<64xi32, #tpu.memory_space<hbm>>
        %dma_wait3A_623 = tpu.memref_slice %arg3[%add3A_71] : memref<655360xi32, #tpu.memory_space<hbm>> -> memref<64xi32, #tpu.memory_space<hbm>>
        tpu.wait_dma2 semaphore(%arg38 : memref<!tpu.dma_semaphore, #tpu.memory_space<semaphore_mem>>) src(%dma_wait3A_623 : memref<64xi32, #tpu.memory_space<hbm>>) dst(%arg13 : memref<64xi32, #tpu.memory_space<vmem>>)
        %get3A_624 = arith.constant 0 : index
        %get3A_625 = tpu.vector_load %arg13[%get3A_624] {strides = array<i32>} : memref<64xi32, #tpu.memory_space<vmem>>, vector<16xi32>,
        %get3A_626 = vector.shape_cast %get3A_625 : vector<16xi32> to vector<16xi32>
        %and3A_627 = arith.constant 65535 : i32
        %and3A_628 = vector.broadcast %and3A_627 : i32 to vector<16xi32>
        %and3A_629 = arith.andi %get3A_626, %and3A_628 : vector<16xi32>
        %swap3A_630 = arith.constant 0 : index
        %swap3A_631 = tpu.vector_load %arg18[%swap3A_630] {strides = array<i32>} : memref<64xi32, #tpu.memory_space<vmem>>, vector<16xi32>,
        %swap3A_632 = vector.shape_cast %swap3A_631 : vector<16xi32> to vector<16xi32>
        %swap3A_633 = vector.shape_cast %and3A_629 : vector<16xi32> to vector<16xi32>
        tpu.vector_store %arg18[%swap3A_630], %swap3A_633 {strides = array<i32>} : memref<64xi32, #tpu.memory_space<vmem>>, vector<16xi32>,
        %shift_right_logical3A_634 = arith.constant 16 : i32
        %shift_right_logical3A_635 = vector.broadcast %shift_right_logical3A_634 : i32 to vector<16xi32>
        %shift_right_logical3A_636 = arith.shrui %get3A_626, %shift_right_logical3A_635 : vector<16xi32>
        %swap3A_637 = arith.constant 0 : index
        %swap3A_638 = tpu.vector_load %arg23[%swap3A_637] {strides = array<i32>} : memref<64xi32, #tpu.memory_space<vmem>>, vector<16xi32>,
        %swap3A_639 = vector.shape_cast %swap3A_638 : vector<16xi32> to vector<16xi32>
        %swap3A_640 = vector.shape_cast %shift_right_logical3A_636 : vector<16xi32> to vector<16xi32>
        tpu.vector_store %arg23[%swap3A_637], %swap3A_640 {strides = array<i32>} : memref<64xi32, #tpu.memory_space<vmem>>, vector<16xi32>,
        %get3A_641 = arith.constant 16 : index
        %get3A_642 = tpu.vector_load %arg13[%get3A_641] {strides = array<i32>} : memref<64xi32, #tpu.memory_space<vmem>>, vector<16xi32>,
        %get3A_643 = vector.shape_cast %get3A_642 : vector<16xi32> to vector<16xi32>
        %and3A_644 = arith.constant 65535 : i32
        %and3A_645 = vector.broadcast %and3A_644 : i32 to vector<16xi32>
        %and3A_646 = arith.andi %get3A_643, %and3A_645 : vector<16xi32>
        %swap3A_647 = arith.constant 16 : index
        %swap3A_648 = tpu.vector_load %arg18[%swap3A_647] {strides = array<i32>} : memref<64xi32, #tpu.memory_space<vmem>>, vector<16xi32>,
        %swap3A_649 = vector.shape_cast %swap3A_648 : vector<16xi32> to vector<16xi32>
        %swap3A_650 = vector.shape_cast %and3A_646 : vector<16xi32> to vector<16xi32>
        tpu.vector_store %arg18[%swap3A_647], %swap3A_650 {strides = array<i32>} : memref<64xi32, #tpu.memory_space<vmem>>, vector<16xi32>,
        %shift_right_logical3A_651 = arith.constant 16 : i32
        %shift_right_logical3A_652 = vector.broadcast %shift_right_logical3A_651 : i32 to vector<16xi32>
        %shift_right_logical3A_653 = arith.shrui %get3A_643, %shift_right_logical3A_652 : vector<16xi32>
        %swap3A_654 = arith.constant 16 : index
        %swap3A_655 = tpu.vector_load %arg23[%swap3A_654] {strides = array<i32>} : memref<64xi32, #tpu.memory_space<vmem>>, vector<16xi32>,
        %swap3A_656 = vector.shape_cast %swap3A_655 : vector<16xi32> to vector<16xi32>
        %swap3A_657 = vector.shape_cast %shift_right_logical3A_653 : vector<16xi32> to vector<16xi32>
        tpu.vector_store %arg23[%swap3A_654], %swap3A_657 {strides = array<i32>} : memref<64xi32, #tpu.memory_space<vmem>>, vector<16xi32>,
        %get3A_658 = arith.constant 32 : index
        %get3A_659 = tpu.vector_load %arg13[%get3A_658] {strides = array<i32>} : memref<64xi32, #tpu.memory_space<vmem>>, vector<16xi32>,
        %get3A_660 = vector.shape_cast %get3A_659 : vector<16xi32> to vector<16xi32>
        %and3A_661 = arith.constant 65535 : i32
        %and3A_662 = vector.broadcast %and3A_661 : i32 to vector<16xi32>
        %and3A_663 = arith.andi %get3A_660, %and3A_662 : vector<16xi32>
        %swap3A_664 = arith.constant 32 : index
        %swap3A_665 = tpu.vector_load %arg18[%swap3A_664] {strides = array<i32>} : memref<64xi32, #tpu.memory_space<vmem>>, vector<16xi32>,
        %swap3A_666 = vector.shape_cast %swap3A_665 : vector<16xi32> to vector<16xi32>
        %swap3A_667 = vector.shape_cast %and3A_663 : vector<16xi32> to vector<16xi32>
        tpu.vector_store %arg18[%swap3A_664], %swap3A_667 {strides = array<i32>} : memref<64xi32, #tpu.memory_space<vmem>>, vector<16xi32>,
        %shift_right_logical3A_668 = arith.constant 16 : i32
        %shift_right_logical3A_669 = vector.broadcast %shift_right_logical3A_668 : i32 to vector<16xi32>
        %shift_right_logical3A_670 = arith.shrui %get3A_660, %shift_right_logical3A_669 : vector<16xi32>
        %swap3A_671 = arith.constant 32 : index
        %swap3A_672 = tpu.vector_load %arg23[%swap3A_671] {strides = array<i32>} : memref<64xi32, #tpu.memory_space<vmem>>, vector<16xi32>,
        %swap3A_673 = vector.shape_cast %swap3A_672 : vector<16xi32> to vector<16xi32>
        %swap3A_674 = vector.shape_cast %shift_right_logical3A_670 : vector<16xi32> to vector<16xi32>
        tpu.vector_store %arg23[%swap3A_671], %swap3A_674 {strides = array<i32>} : memref<64xi32, #tpu.memory_space<vmem>>, vector<16xi32>,
        %get3A_675 = arith.constant 48 : index
        %get3A_676 = tpu.vector_load %arg13[%get3A_675] {strides = array<i32>} : memref<64xi32, #tpu.memory_space<vmem>>, vector<16xi32>,
        %get3A_677 = vector.shape_cast %get3A_676 : vector<16xi32> to vector<16xi32>
        %and3A_678 = arith.constant 65535 : i32
        %and3A_679 = vector.broadcast %and3A_678 : i32 to vector<16xi32>
        %and3A_680 = arith.andi %get3A_677, %and3A_679 : vector<16xi32>
        %swap3A_681 = arith.constant 48 : index
        %swap3A_682 = tpu.vector_load %arg18[%swap3A_681] {strides = array<i32>} : memref<64xi32, #tpu.memory_space<vmem>>, vector<16xi32>,
        %swap3A_683 = vector.shape_cast %swap3A_682 : vector<16xi32> to vector<16xi32>
        %swap3A_684 = vector.shape_cast %and3A_680 : vector<16xi32> to vector<16xi32>
        tpu.vector_store %arg18[%swap3A_681], %swap3A_684 {strides = array<i32>} : memref<64xi32, #tpu.memory_space<vmem>>, vector<16xi32>,
        %shift_right_logical3A_685 = arith.constant 16 : i32
        %shift_right_logical3A_686 = vector.broadcast %shift_right_logical3A_685 : i32 to vector<16xi32>
        %shift_right_logical3A_687 = arith.shrui %get3A_677, %shift_right_logical3A_686 : vector<16xi32>
        %swap3A_688 = arith.constant 48 : index
        %swap3A_689 = tpu.vector_load %arg23[%swap3A_688] {strides = array<i32>} : memref<64xi32, #tpu.memory_space<vmem>>, vector<16xi32>,
        %swap3A_690 = vector.shape_cast %swap3A_689 : vector<16xi32> to vector<16xi32>
        %swap3A_691 = vector.shape_cast %shift_right_logical3A_687 : vector<16xi32> to vector<16xi32>
        tpu.vector_store %arg23[%swap3A_688], %swap3A_691 {strides = array<i32>} : memref<64xi32, #tpu.memory_space<vmem>>, vector<16xi32>,
        %dma_start3A_692 = arith.constant 0 : i32
        %dma_start3A_693 = arith.constant 0 : i32
        %dma_start3A_694 = tpu.memref_slice %arg2[%dma_start3A_692, %dma_start3A_693] : memref<20000x128xf32, #tpu.memory_space<hbm>> -> memref<20000x128xf32, #tpu.memory_space<hbm>>
        tpu.enqueue_indirect_dma source(%dma_start3A_694 : memref<20000x128xf32, #tpu.memory_space<hbm>>) target(%arg8 : memref<64x128xf32, #tpu.memory_space<vmem>>) offsets(%arg18 : memref<64xi32, #tpu.memory_space<vmem>>) semaphore(%arg28 : memref<!tpu.dma_semaphore, #tpu.memory_space<semaphore_mem>>)
      } else {
      }
      %add3A_596 = arith.constant 4 : i32
      %add3A_597 = arith.addi %add3A_507, %add3A_596 : i32
      %add3A_598 = arith.constant 4 : i32
      %add3A_599 = arith.addi %add3A_597, %add3A_598 : i32
      %lt3A_600 = arith.constant 320 : i32
      %lt3A_601 = arith.cmpi slt, %add3A_599, %lt3A_600 : i32
      %convert_element_type3A_602 = arith.extui %lt3A_601 : i1 to i32
      %cond3A_603 = arith.constant 0 : i32
      %cond3A_604 = arith.cmpi ne, %convert_element_type3A_602, %cond3A_603 : i32
      scf.if %cond3A_604 {
        %add3A_618 = arith.constant 4 : i32
        %add3A_619 = arith.addi %add3A_597, %add3A_618 : i32
        %mul3A_620 = arith.constant 64 : i32
        %mul3A_621 = arith.muli %add3A_619, %mul3A_620 : i32
        %add3A_622 = arith.addi %add3A_71, %mul3A_621 : i32
        %dma_start3A_623 = tpu.memref_slice %arg3[%add3A_622] : memref<655360xi32, #tpu.memory_space<hbm>> -> memref<64xi32, #tpu.memory_space<hbm>>
        %dma_start3A_624 = tpu.memref_slice %arg3[%add3A_622] : memref<655360xi32, #tpu.memory_space<hbm>> -> memref<64xi32, #tpu.memory_space<hbm>>
        tpu.enqueue_dma source(%dma_start3A_624 : memref<64xi32, #tpu.memory_space<hbm>>) target(%arg15 : memref<64xi32, #tpu.memory_space<vmem>>) target_semaphore(%arg40 : memref<!tpu.dma_semaphore, #tpu.memory_space<semaphore_mem>>)
      } else {
      }
      %dma_wait3A_605 = arith.constant 0 : i32
      %dma_wait3A_606 = arith.constant 0 : i32
      %dma_wait3A_607 = tpu.memref_slice %arg2[%dma_wait3A_605, %dma_wait3A_606] : memref<20000x128xf32, #tpu.memory_space<hbm>> -> memref<20000x128xf32, #tpu.memory_space<hbm>>
      tpu.wait_indirect_dma semaphore(%arg31 : memref<!tpu.dma_semaphore, #tpu.memory_space<semaphore_mem>>) src(%dma_wait3A_607 : memref<20000x128xf32, #tpu.memory_space<hbm>>) dst(%arg11 : memref<64x128xf32, #tpu.memory_space<vmem>>)
      %dma_start3A_608 = arith.constant 0 : i32
      %dma_start3A_609 = arith.constant 0 : i32
      %dma_start3A_610 = tpu.memref_slice %arg6[%dma_start3A_608, %dma_start3A_609] : memref<10048x128xf32, #tpu.memory_space<vmem_shared>> -> memref<10048x128xf32, #tpu.memory_space<vmem_shared>>
      tpu.enqueue_indirect_dma source(%arg11 : memref<64x128xf32, #tpu.memory_space<vmem>>) target(%dma_start3A_610 : memref<10048x128xf32, #tpu.memory_space<vmem_shared>>) offsets(%arg26 : memref<64xi32, #tpu.memory_space<vmem>>) semaphore(%arg36 : memref<!tpu.dma_semaphore, #tpu.memory_space<semaphore_mem>>) {add = true}
      %add3A_611 = arith.constant 3 : i32
      %add3A_612 = arith.addi %add3A_597, %add3A_611 : i32
      %lt3A_613 = arith.constant 320 : i32
      %lt3A_614 = arith.cmpi slt, %add3A_612, %lt3A_613 : i32
      %convert_element_type3A_615 = arith.extui %lt3A_614 : i1 to i32
      %cond3A_616 = arith.constant 0 : i32
      %cond3A_617 = arith.cmpi ne, %convert_element_type3A_615, %cond3A_616 : i32
      scf.if %cond3A_617 {
        %ge3A = arith.constant 5 : i32
        %ge3A_618 = arith.cmpi sge, %add3A_612, %ge3A : i32
        %convert_element_type3A_619 = arith.extui %ge3A_618 : i1 to i32
        %cond3A_620 = arith.constant 0 : i32
        %cond3A_621 = arith.cmpi ne, %convert_element_type3A_619, %cond3A_620 : i32
        scf.if %cond3A_621 {
          %dma_wait3A_695 = arith.constant 0 : i32
          %dma_wait3A_696 = arith.constant 0 : i32
          %dma_wait3A_697 = tpu.memref_slice %arg6[%dma_wait3A_695, %dma_wait3A_696] : memref<10048x128xf32, #tpu.memory_space<vmem_shared>> -> memref<10048x128xf32, #tpu.memory_space<vmem_shared>>
          tpu.wait_indirect_dma semaphore(%arg34 : memref<!tpu.dma_semaphore, #tpu.memory_space<semaphore_mem>>) src(%arg9 : memref<64x128xf32, #tpu.memory_space<vmem>>) dst(%dma_wait3A_697 : memref<10048x128xf32, #tpu.memory_space<vmem_shared>>)
        } else {
        }
        %dma_wait3A_622 = tpu.memref_slice %arg3[%add3A_71] : memref<655360xi32, #tpu.memory_space<hbm>> -> memref<64xi32, #tpu.memory_space<hbm>>
        %dma_wait3A_623 = tpu.memref_slice %arg3[%add3A_71] : memref<655360xi32, #tpu.memory_space<hbm>> -> memref<64xi32, #tpu.memory_space<hbm>>
        tpu.wait_dma2 semaphore(%arg39 : memref<!tpu.dma_semaphore, #tpu.memory_space<semaphore_mem>>) src(%dma_wait3A_623 : memref<64xi32, #tpu.memory_space<hbm>>) dst(%arg14 : memref<64xi32, #tpu.memory_space<vmem>>)
        %get3A_624 = arith.constant 0 : index
        %get3A_625 = tpu.vector_load %arg14[%get3A_624] {strides = array<i32>} : memref<64xi32, #tpu.memory_space<vmem>>, vector<16xi32>,
        %get3A_626 = vector.shape_cast %get3A_625 : vector<16xi32> to vector<16xi32>
        %and3A_627 = arith.constant 65535 : i32
        %and3A_628 = vector.broadcast %and3A_627 : i32 to vector<16xi32>
        %and3A_629 = arith.andi %get3A_626, %and3A_628 : vector<16xi32>
        %swap3A_630 = arith.constant 0 : index
        %swap3A_631 = tpu.vector_load %arg19[%swap3A_630] {strides = array<i32>} : memref<64xi32, #tpu.memory_space<vmem>>, vector<16xi32>,
        %swap3A_632 = vector.shape_cast %swap3A_631 : vector<16xi32> to vector<16xi32>
        %swap3A_633 = vector.shape_cast %and3A_629 : vector<16xi32> to vector<16xi32>
        tpu.vector_store %arg19[%swap3A_630], %swap3A_633 {strides = array<i32>} : memref<64xi32, #tpu.memory_space<vmem>>, vector<16xi32>,
        %shift_right_logical3A_634 = arith.constant 16 : i32
        %shift_right_logical3A_635 = vector.broadcast %shift_right_logical3A_634 : i32 to vector<16xi32>
        %shift_right_logical3A_636 = arith.shrui %get3A_626, %shift_right_logical3A_635 : vector<16xi32>
        %swap3A_637 = arith.constant 0 : index
        %swap3A_638 = tpu.vector_load %arg24[%swap3A_637] {strides = array<i32>} : memref<64xi32, #tpu.memory_space<vmem>>, vector<16xi32>,
        %swap3A_639 = vector.shape_cast %swap3A_638 : vector<16xi32> to vector<16xi32>
        %swap3A_640 = vector.shape_cast %shift_right_logical3A_636 : vector<16xi32> to vector<16xi32>
        tpu.vector_store %arg24[%swap3A_637], %swap3A_640 {strides = array<i32>} : memref<64xi32, #tpu.memory_space<vmem>>, vector<16xi32>,
        %get3A_641 = arith.constant 16 : index
        %get3A_642 = tpu.vector_load %arg14[%get3A_641] {strides = array<i32>} : memref<64xi32, #tpu.memory_space<vmem>>, vector<16xi32>,
        %get3A_643 = vector.shape_cast %get3A_642 : vector<16xi32> to vector<16xi32>
        %and3A_644 = arith.constant 65535 : i32
        %and3A_645 = vector.broadcast %and3A_644 : i32 to vector<16xi32>
        %and3A_646 = arith.andi %get3A_643, %and3A_645 : vector<16xi32>
        %swap3A_647 = arith.constant 16 : index
        %swap3A_648 = tpu.vector_load %arg19[%swap3A_647] {strides = array<i32>} : memref<64xi32, #tpu.memory_space<vmem>>, vector<16xi32>,
        %swap3A_649 = vector.shape_cast %swap3A_648 : vector<16xi32> to vector<16xi32>
        %swap3A_650 = vector.shape_cast %and3A_646 : vector<16xi32> to vector<16xi32>
        tpu.vector_store %arg19[%swap3A_647], %swap3A_650 {strides = array<i32>} : memref<64xi32, #tpu.memory_space<vmem>>, vector<16xi32>,
        %shift_right_logical3A_651 = arith.constant 16 : i32
        %shift_right_logical3A_652 = vector.broadcast %shift_right_logical3A_651 : i32 to vector<16xi32>
        %shift_right_logical3A_653 = arith.shrui %get3A_643, %shift_right_logical3A_652 : vector<16xi32>
        %swap3A_654 = arith.constant 16 : index
        %swap3A_655 = tpu.vector_load %arg24[%swap3A_654] {strides = array<i32>} : memref<64xi32, #tpu.memory_space<vmem>>, vector<16xi32>,
        %swap3A_656 = vector.shape_cast %swap3A_655 : vector<16xi32> to vector<16xi32>
        %swap3A_657 = vector.shape_cast %shift_right_logical3A_653 : vector<16xi32> to vector<16xi32>
        tpu.vector_store %arg24[%swap3A_654], %swap3A_657 {strides = array<i32>} : memref<64xi32, #tpu.memory_space<vmem>>, vector<16xi32>,
        %get3A_658 = arith.constant 32 : index
        %get3A_659 = tpu.vector_load %arg14[%get3A_658] {strides = array<i32>} : memref<64xi32, #tpu.memory_space<vmem>>, vector<16xi32>,
        %get3A_660 = vector.shape_cast %get3A_659 : vector<16xi32> to vector<16xi32>
        %and3A_661 = arith.constant 65535 : i32
        %and3A_662 = vector.broadcast %and3A_661 : i32 to vector<16xi32>
        %and3A_663 = arith.andi %get3A_660, %and3A_662 : vector<16xi32>
        %swap3A_664 = arith.constant 32 : index
        %swap3A_665 = tpu.vector_load %arg19[%swap3A_664] {strides = array<i32>} : memref<64xi32, #tpu.memory_space<vmem>>, vector<16xi32>,
        %swap3A_666 = vector.shape_cast %swap3A_665 : vector<16xi32> to vector<16xi32>
        %swap3A_667 = vector.shape_cast %and3A_663 : vector<16xi32> to vector<16xi32>
        tpu.vector_store %arg19[%swap3A_664], %swap3A_667 {strides = array<i32>} : memref<64xi32, #tpu.memory_space<vmem>>, vector<16xi32>,
        %shift_right_logical3A_668 = arith.constant 16 : i32
        %shift_right_logical3A_669 = vector.broadcast %shift_right_logical3A_668 : i32 to vector<16xi32>
        %shift_right_logical3A_670 = arith.shrui %get3A_660, %shift_right_logical3A_669 : vector<16xi32>
        %swap3A_671 = arith.constant 32 : index
        %swap3A_672 = tpu.vector_load %arg24[%swap3A_671] {strides = array<i32>} : memref<64xi32, #tpu.memory_space<vmem>>, vector<16xi32>,
        %swap3A_673 = vector.shape_cast %swap3A_672 : vector<16xi32> to vector<16xi32>
        %swap3A_674 = vector.shape_cast %shift_right_logical3A_670 : vector<16xi32> to vector<16xi32>
        tpu.vector_store %arg24[%swap3A_671], %swap3A_674 {strides = array<i32>} : memref<64xi32, #tpu.memory_space<vmem>>, vector<16xi32>,
        %get3A_675 = arith.constant 48 : index
        %get3A_676 = tpu.vector_load %arg14[%get3A_675] {strides = array<i32>} : memref<64xi32, #tpu.memory_space<vmem>>, vector<16xi32>,
        %get3A_677 = vector.shape_cast %get3A_676 : vector<16xi32> to vector<16xi32>
        %and3A_678 = arith.constant 65535 : i32
        %and3A_679 = vector.broadcast %and3A_678 : i32 to vector<16xi32>
        %and3A_680 = arith.andi %get3A_677, %and3A_679 : vector<16xi32>
        %swap3A_681 = arith.constant 48 : index
        %swap3A_682 = tpu.vector_load %arg19[%swap3A_681] {strides = array<i32>} : memref<64xi32, #tpu.memory_space<vmem>>, vector<16xi32>,
        %swap3A_683 = vector.shape_cast %swap3A_682 : vector<16xi32> to vector<16xi32>
        %swap3A_684 = vector.shape_cast %and3A_680 : vector<16xi32> to vector<16xi32>
        tpu.vector_store %arg19[%swap3A_681], %swap3A_684 {strides = array<i32>} : memref<64xi32, #tpu.memory_space<vmem>>, vector<16xi32>,
        %shift_right_logical3A_685 = arith.constant 16 : i32
        %shift_right_logical3A_686 = vector.broadcast %shift_right_logical3A_685 : i32 to vector<16xi32>
        %shift_right_logical3A_687 = arith.shrui %get3A_677, %shift_right_logical3A_686 : vector<16xi32>
        %swap3A_688 = arith.constant 48 : index
        %swap3A_689 = tpu.vector_load %arg24[%swap3A_688] {strides = array<i32>} : memref<64xi32, #tpu.memory_space<vmem>>, vector<16xi32>,
        %swap3A_690 = vector.shape_cast %swap3A_689 : vector<16xi32> to vector<16xi32>
        %swap3A_691 = vector.shape_cast %shift_right_logical3A_687 : vector<16xi32> to vector<16xi32>
        tpu.vector_store %arg24[%swap3A_688], %swap3A_691 {strides = array<i32>} : memref<64xi32, #tpu.memory_space<vmem>>, vector<16xi32>,
        %dma_start3A_692 = arith.constant 0 : i32
        %dma_start3A_693 = arith.constant 0 : i32
        %dma_start3A_694 = tpu.memref_slice %arg2[%dma_start3A_692, %dma_start3A_693] : memref<20000x128xf32, #tpu.memory_space<hbm>> -> memref<20000x128xf32, #tpu.memory_space<hbm>>
        tpu.enqueue_indirect_dma source(%dma_start3A_694 : memref<20000x128xf32, #tpu.memory_space<hbm>>) target(%arg9 : memref<64x128xf32, #tpu.memory_space<vmem>>) offsets(%arg19 : memref<64xi32, #tpu.memory_space<vmem>>) semaphore(%arg29 : memref<!tpu.dma_semaphore, #tpu.memory_space<semaphore_mem>>)
      } else {
      }
    }
    %scan3A_374 = arith.constant 64 : i32
    %dma_wait3A_375 = arith.constant 0 : i32
    %dma_wait3A_376 = arith.constant 0 : i32
    %dma_wait3A_377 = tpu.memref_slice %arg6[%dma_wait3A_375, %dma_wait3A_376] : memref<10048x128xf32, #tpu.memory_space<vmem_shared>> -> memref<10048x128xf32, #tpu.memory_space<vmem_shared>>
    tpu.wait_indirect_dma semaphore(%arg32 : memref<!tpu.dma_semaphore, #tpu.memory_space<semaphore_mem>>) src(%arg7 : memref<64x128xf32, #tpu.memory_space<vmem>>) dst(%dma_wait3A_377 : memref<10048x128xf32, #tpu.memory_space<vmem_shared>>)
    %dma_wait3A_378 = arith.constant 0 : i32
    %dma_wait3A_379 = arith.constant 0 : i32
    %dma_wait3A_380 = tpu.memref_slice %arg6[%dma_wait3A_378, %dma_wait3A_379] : memref<10048x128xf32, #tpu.memory_space<vmem_shared>> -> memref<10048x128xf32, #tpu.memory_space<vmem_shared>>
    tpu.wait_indirect_dma semaphore(%arg33 : memref<!tpu.dma_semaphore, #tpu.memory_space<semaphore_mem>>) src(%arg8 : memref<64x128xf32, #tpu.memory_space<vmem>>) dst(%dma_wait3A_380 : memref<10048x128xf32, #tpu.memory_space<vmem_shared>>)
    %dma_wait3A_381 = arith.constant 0 : i32
    %dma_wait3A_382 = arith.constant 0 : i32
    %dma_wait3A_383 = tpu.memref_slice %arg6[%dma_wait3A_381, %dma_wait3A_382] : memref<10048x128xf32, #tpu.memory_space<vmem_shared>> -> memref<10048x128xf32, #tpu.memory_space<vmem_shared>>
    tpu.wait_indirect_dma semaphore(%arg34 : memref<!tpu.dma_semaphore, #tpu.memory_space<semaphore_mem>>) src(%arg9 : memref<64x128xf32, #tpu.memory_space<vmem>>) dst(%dma_wait3A_383 : memref<10048x128xf32, #tpu.memory_space<vmem_shared>>)
    %dma_wait3A_384 = arith.constant 0 : i32
    %dma_wait3A_385 = arith.constant 0 : i32
    %dma_wait3A_386 = tpu.memref_slice %arg6[%dma_wait3A_384, %dma_wait3A_385] : memref<10048x128xf32, #tpu.memory_space<vmem_shared>> -> memref<10048x128xf32, #tpu.memory_space<vmem_shared>>
    tpu.wait_indirect_dma semaphore(%arg35 : memref<!tpu.dma_semaphore, #tpu.memory_space<semaphore_mem>>) src(%arg10 : memref<64x128xf32, #tpu.memory_space<vmem>>) dst(%dma_wait3A_386 : memref<10048x128xf32, #tpu.memory_space<vmem_shared>>)
    %dma_wait3A_387 = arith.constant 0 : i32
    %dma_wait3A_388 = arith.constant 0 : i32
    %dma_wait3A_389 = tpu.memref_slice %arg6[%dma_wait3A_387, %dma_wait3A_388] : memref<10048x128xf32, #tpu.memory_space<vmem_shared>> -> memref<10048x128xf32, #tpu.memory_space<vmem_shared>>
    tpu.wait_indirect_dma semaphore(%arg36 : memref<!tpu.dma_semaphore, #tpu.memory_space<semaphore_mem>>) src(%arg11 : memref<64x128xf32, #tpu.memory_space<vmem>>) dst(%dma_wait3A_389 : memref<10048x128xf32, #tpu.memory_space<vmem_shared>>)
    %barrier3A_390 = arith.constant 0 : index
    tpu.barrier barrier_id(%barrier3A_390)
    %add3A_391 = arith.constant 0 : i32
    %add3A_392 = arith.addi %arg1, %add3A_391 : i32
    %lt3A_393 = arith.constant 125 : i32
    %lt3A_394 = arith.cmpi slt, %add3A_392, %lt3A_393 : i32
    %convert_element_type3A_395 = arith.extui %lt3A_394 : i1 to i32
    %cond3A_396 = arith.constant 0 : i32
    %cond3A_397 = arith.cmpi ne, %convert_element_type3A_395, %cond3A_396 : i32
    scf.if %cond3A_397 {
      %mul3A_503 = arith.constant 80 : i32
      %mul3A_504 = arith.muli %add3A_392, %mul3A_503 : i32
      %mul3A_505 = arith.constant 80 : i32
      %mul3A_506 = arith.muli %add3A_392, %mul3A_505 : i32
      %dma_start3A_507 = arith.constant 0 : i32
      %dma_start3A_508 = tpu.memref_slice %arg5[%arg0, %mul3A_506, %dma_start3A_507] : memref<2x10000x128xf32, #tpu.memory_space<hbm>> -> memref<1x80x128xf32, #tpu.memory_space<hbm>>
      %dma_start3A_509 = tpu.memref_squeeze %dma_start3A_508 : memref<1x80x128xf32, #tpu.memory_space<hbm>> -> memref<80x128xf32, #tpu.memory_space<hbm>>
      %dma_start3A_510 = arith.constant 0 : i32
      %dma_start3A_511 = tpu.memref_slice %arg6[%mul3A_504, %dma_start3A_510] : memref<10048x128xf32, #tpu.memory_space<vmem_shared>> -> memref<80x128xf32, #tpu.memory_space<vmem_shared>>
      tpu.enqueue_dma source(%dma_start3A_511 : memref<80x128xf32, #tpu.memory_space<vmem_shared>>) target(%dma_start3A_509 : memref<80x128xf32, #tpu.memory_space<hbm>>) target_semaphore(%arg42 : memref<!tpu.dma_semaphore, #tpu.memory_space<semaphore_mem>>)
    } else {
    }
    %add3A_398 = arith.constant 16 : i32
    %add3A_399 = arith.addi %arg1, %add3A_398 : i32
    %lt3A_400 = arith.constant 125 : i32
    %lt3A_401 = arith.cmpi slt, %add3A_399, %lt3A_400 : i32
    %convert_element_type3A_402 = arith.extui %lt3A_401 : i1 to i32
    %cond3A_403 = arith.constant 0 : i32
    %cond3A_404 = arith.cmpi ne, %convert_element_type3A_402, %cond3A_403 : i32
    scf.if %cond3A_404 {
      %mul3A_503 = arith.constant 80 : i32
      %mul3A_504 = arith.muli %add3A_399, %mul3A_503 : i32
      %mul3A_505 = arith.constant 80 : i32
      %mul3A_506 = arith.muli %add3A_399, %mul3A_505 : i32
      %dma_start3A_507 = arith.constant 0 : i32
      %dma_start3A_508 = tpu.memref_slice %arg5[%arg0, %mul3A_506, %dma_start3A_507] : memref<2x10000x128xf32, #tpu.memory_space<hbm>> -> memref<1x80x128xf32, #tpu.memory_space<hbm>>
      %dma_start3A_509 = tpu.memref_squeeze %dma_start3A_508 : memref<1x80x128xf32, #tpu.memory_space<hbm>> -> memref<80x128xf32, #tpu.memory_space<hbm>>
      %dma_start3A_510 = arith.constant 0 : i32
      %dma_start3A_511 = tpu.memref_slice %arg6[%mul3A_504, %dma_start3A_510] : memref<10048x128xf32, #tpu.memory_space<vmem_shared>> -> memref<80x128xf32, #tpu.memory_space<vmem_shared>>
      tpu.enqueue_dma source(%dma_start3A_511 : memref<80x128xf32, #tpu.memory_space<vmem_shared>>) target(%dma_start3A_509 : memref<80x128xf32, #tpu.memory_space<hbm>>) target_semaphore(%arg42 : memref<!tpu.dma_semaphore, #tpu.memory_space<semaphore_mem>>)
    } else {
    }
    %add3A_405 = arith.constant 32 : i32
    %add3A_406 = arith.addi %arg1, %add3A_405 : i32
    %lt3A_407 = arith.constant 125 : i32
    %lt3A_408 = arith.cmpi slt, %add3A_406, %lt3A_407 : i32
    %convert_element_type3A_409 = arith.extui %lt3A_408 : i1 to i32
    %cond3A_410 = arith.constant 0 : i32
    %cond3A_411 = arith.cmpi ne, %convert_element_type3A_409, %cond3A_410 : i32
    scf.if %cond3A_411 {
      %mul3A_503 = arith.constant 80 : i32
      %mul3A_504 = arith.muli %add3A_406, %mul3A_503 : i32
      %mul3A_505 = arith.constant 80 : i32
      %mul3A_506 = arith.muli %add3A_406, %mul3A_505 : i32
      %dma_start3A_507 = arith.constant 0 : i32
      %dma_start3A_508 = tpu.memref_slice %arg5[%arg0, %mul3A_506, %dma_start3A_507] : memref<2x10000x128xf32, #tpu.memory_space<hbm>> -> memref<1x80x128xf32, #tpu.memory_space<hbm>>
      %dma_start3A_509 = tpu.memref_squeeze %dma_start3A_508 : memref<1x80x128xf32, #tpu.memory_space<hbm>> -> memref<80x128xf32, #tpu.memory_space<hbm>>
      %dma_start3A_510 = arith.constant 0 : i32
      %dma_start3A_511 = tpu.memref_slice %arg6[%mul3A_504, %dma_start3A_510] : memref<10048x128xf32, #tpu.memory_space<vmem_shared>> -> memref<80x128xf32, #tpu.memory_space<vmem_shared>>
      tpu.enqueue_dma source(%dma_start3A_511 : memref<80x128xf32, #tpu.memory_space<vmem_shared>>) target(%dma_start3A_509 : memref<80x128xf32, #tpu.memory_space<hbm>>) target_semaphore(%arg42 : memref<!tpu.dma_semaphore, #tpu.memory_space<semaphore_mem>>)
    } else {
    }
    %add3A_412 = arith.constant 48 : i32
    %add3A_413 = arith.addi %arg1, %add3A_412 : i32
    %lt3A_414 = arith.constant 125 : i32
    %lt3A_415 = arith.cmpi slt, %add3A_413, %lt3A_414 : i32
    %convert_element_type3A_416 = arith.extui %lt3A_415 : i1 to i32
    %cond3A_417 = arith.constant 0 : i32
    %cond3A_418 = arith.cmpi ne, %convert_element_type3A_416, %cond3A_417 : i32
    scf.if %cond3A_418 {
      %mul3A_503 = arith.constant 80 : i32
      %mul3A_504 = arith.muli %add3A_413, %mul3A_503 : i32
      %mul3A_505 = arith.constant 80 : i32
      %mul3A_506 = arith.muli %add3A_413, %mul3A_505 : i32
      %dma_start3A_507 = arith.constant 0 : i32
      %dma_start3A_508 = tpu.memref_slice %arg5[%arg0, %mul3A_506, %dma_start3A_507] : memref<2x10000x128xf32, #tpu.memory_space<hbm>> -> memref<1x80x128xf32, #tpu.memory_space<hbm>>
      %dma_start3A_509 = tpu.memref_squeeze %dma_start3A_508 : memref<1x80x128xf32, #tpu.memory_space<hbm>> -> memref<80x128xf32, #tpu.memory_space<hbm>>
      %dma_start3A_510 = arith.constant 0 : i32
      %dma_start3A_511 = tpu.memref_slice %arg6[%mul3A_504, %dma_start3A_510] : memref<10048x128xf32, #tpu.memory_space<vmem_shared>> -> memref<80x128xf32, #tpu.memory_space<vmem_shared>>
      tpu.enqueue_dma source(%dma_start3A_511 : memref<80x128xf32, #tpu.memory_space<vmem_shared>>) target(%dma_start3A_509 : memref<80x128xf32, #tpu.memory_space<hbm>>) target_semaphore(%arg42 : memref<!tpu.dma_semaphore, #tpu.memory_space<semaphore_mem>>)
    } else {
    }
    %add3A_419 = arith.constant 64 : i32
    %add3A_420 = arith.addi %arg1, %add3A_419 : i32
    %lt3A_421 = arith.constant 125 : i32
    %lt3A_422 = arith.cmpi slt, %add3A_420, %lt3A_421 : i32
    %convert_element_type3A_423 = arith.extui %lt3A_422 : i1 to i32
    %cond3A_424 = arith.constant 0 : i32
    %cond3A_425 = arith.cmpi ne, %convert_element_type3A_423, %cond3A_424 : i32
    scf.if %cond3A_425 {
      %mul3A_503 = arith.constant 80 : i32
      %mul3A_504 = arith.muli %add3A_420, %mul3A_503 : i32
      %mul3A_505 = arith.constant 80 : i32
      %mul3A_506 = arith.muli %add3A_420, %mul3A_505 : i32
      %dma_start3A_507 = arith.constant 0 : i32
      %dma_start3A_508 = tpu.memref_slice %arg5[%arg0, %mul3A_506, %dma_start3A_507] : memref<2x10000x128xf32, #tpu.memory_space<hbm>> -> memref<1x80x128xf32, #tpu.memory_space<hbm>>
      %dma_start3A_509 = tpu.memref_squeeze %dma_start3A_508 : memref<1x80x128xf32, #tpu.memory_space<hbm>> -> memref<80x128xf32, #tpu.memory_space<hbm>>
      %dma_start3A_510 = arith.constant 0 : i32
      %dma_start3A_511 = tpu.memref_slice %arg6[%mul3A_504, %dma_start3A_510] : memref<10048x128xf32, #tpu.memory_space<vmem_shared>> -> memref<80x128xf32, #tpu.memory_space<vmem_shared>>
      tpu.enqueue_dma source(%dma_start3A_511 : memref<80x128xf32, #tpu.memory_space<vmem_shared>>) target(%dma_start3A_509 : memref<80x128xf32, #tpu.memory_space<hbm>>) target_semaphore(%arg42 : memref<!tpu.dma_semaphore, #tpu.memory_space<semaphore_mem>>)
    } else {
    }
    %add3A_426 = arith.constant 80 : i32
    %add3A_427 = arith.addi %arg1, %add3A_426 : i32
    %lt3A_428 = arith.constant 125 : i32
    %lt3A_429 = arith.cmpi slt, %add3A_427, %lt3A_428 : i32
    %convert_element_type3A_430 = arith.extui %lt3A_429 : i1 to i32
    %cond3A_431 = arith.constant 0 : i32
    %cond3A_432 = arith.cmpi ne, %convert_element_type3A_430, %cond3A_431 : i32
    scf.if %cond3A_432 {
      %mul3A_503 = arith.constant 80 : i32
      %mul3A_504 = arith.muli %add3A_427, %mul3A_503 : i32
      %mul3A_505 = arith.constant 80 : i32
      %mul3A_506 = arith.muli %add3A_427, %mul3A_505 : i32
      %dma_start3A_507 = arith.constant 0 : i32
      %dma_start3A_508 = tpu.memref_slice %arg5[%arg0, %mul3A_506, %dma_start3A_507] : memref<2x10000x128xf32, #tpu.memory_space<hbm>> -> memref<1x80x128xf32, #tpu.memory_space<hbm>>
      %dma_start3A_509 = tpu.memref_squeeze %dma_start3A_508 : memref<1x80x128xf32, #tpu.memory_space<hbm>> -> memref<80x128xf32, #tpu.memory_space<hbm>>
      %dma_start3A_510 = arith.constant 0 : i32
      %dma_start3A_511 = tpu.memref_slice %arg6[%mul3A_504, %dma_start3A_510] : memref<10048x128xf32, #tpu.memory_space<vmem_shared>> -> memref<80x128xf32, #tpu.memory_space<vmem_shared>>
      tpu.enqueue_dma source(%dma_start3A_511 : memref<80x128xf32, #tpu.memory_space<vmem_shared>>) target(%dma_start3A_509 : memref<80x128xf32, #tpu.memory_space<hbm>>) target_semaphore(%arg42 : memref<!tpu.dma_semaphore, #tpu.memory_space<semaphore_mem>>)
    } else {
    }
    %add3A_433 = arith.constant 96 : i32
    %add3A_434 = arith.addi %arg1, %add3A_433 : i32
    %lt3A_435 = arith.constant 125 : i32
    %lt3A_436 = arith.cmpi slt, %add3A_434, %lt3A_435 : i32
    %convert_element_type3A_437 = arith.extui %lt3A_436 : i1 to i32
    %cond3A_438 = arith.constant 0 : i32
    %cond3A_439 = arith.cmpi ne, %convert_element_type3A_437, %cond3A_438 : i32
    scf.if %cond3A_439 {
      %mul3A_503 = arith.constant 80 : i32
      %mul3A_504 = arith.muli %add3A_434, %mul3A_503 : i32
      %mul3A_505 = arith.constant 80 : i32
      %mul3A_506 = arith.muli %add3A_434, %mul3A_505 : i32
      %dma_start3A_507 = arith.constant 0 : i32
      %dma_start3A_508 = tpu.memref_slice %arg5[%arg0, %mul3A_506, %dma_start3A_507] : memref<2x10000x128xf32, #tpu.memory_space<hbm>> -> memref<1x80x128xf32, #tpu.memory_space<hbm>>
      %dma_start3A_509 = tpu.memref_squeeze %dma_start3A_508 : memref<1x80x128xf32, #tpu.memory_space<hbm>> -> memref<80x128xf32, #tpu.memory_space<hbm>>
      %dma_start3A_510 = arith.constant 0 : i32
      %dma_start3A_511 = tpu.memref_slice %arg6[%mul3A_504, %dma_start3A_510] : memref<10048x128xf32, #tpu.memory_space<vmem_shared>> -> memref<80x128xf32, #tpu.memory_space<vmem_shared>>
      tpu.enqueue_dma source(%dma_start3A_511 : memref<80x128xf32, #tpu.memory_space<vmem_shared>>) target(%dma_start3A_509 : memref<80x128xf32, #tpu.memory_space<hbm>>) target_semaphore(%arg42 : memref<!tpu.dma_semaphore, #tpu.memory_space<semaphore_mem>>)
    } else {
    }
    %add3A_440 = arith.constant 112 : i32
    %add3A_441 = arith.addi %arg1, %add3A_440 : i32
    %lt3A_442 = arith.constant 125 : i32
    %lt3A_443 = arith.cmpi slt, %add3A_441, %lt3A_442 : i32
    %convert_element_type3A_444 = arith.extui %lt3A_443 : i1 to i32
    %cond3A_445 = arith.constant 0 : i32
    %cond3A_446 = arith.cmpi ne, %convert_element_type3A_444, %cond3A_445 : i32
    scf.if %cond3A_446 {
      %mul3A_503 = arith.constant 80 : i32
      %mul3A_504 = arith.muli %add3A_441, %mul3A_503 : i32
      %mul3A_505 = arith.constant 80 : i32
      %mul3A_506 = arith.muli %add3A_441, %mul3A_505 : i32
      %dma_start3A_507 = arith.constant 0 : i32
      %dma_start3A_508 = tpu.memref_slice %arg5[%arg0, %mul3A_506, %dma_start3A_507] : memref<2x10000x128xf32, #tpu.memory_space<hbm>> -> memref<1x80x128xf32, #tpu.memory_space<hbm>>
      %dma_start3A_509 = tpu.memref_squeeze %dma_start3A_508 : memref<1x80x128xf32, #tpu.memory_space<hbm>> -> memref<80x128xf32, #tpu.memory_space<hbm>>
      %dma_start3A_510 = arith.constant 0 : i32
      %dma_start3A_511 = tpu.memref_slice %arg6[%mul3A_504, %dma_start3A_510] : memref<10048x128xf32, #tpu.memory_space<vmem_shared>> -> memref<80x128xf32, #tpu.memory_space<vmem_shared>>
      tpu.enqueue_dma source(%dma_start3A_511 : memref<80x128xf32, #tpu.memory_space<vmem_shared>>) target(%dma_start3A_509 : memref<80x128xf32, #tpu.memory_space<hbm>>) target_semaphore(%arg42 : memref<!tpu.dma_semaphore, #tpu.memory_space<semaphore_mem>>)
    } else {
    }
    %add3A_447 = arith.constant 0 : i32
    %add3A_448 = arith.addi %arg1, %add3A_447 : i32
    %lt3A_449 = arith.constant 125 : i32
    %lt3A_450 = arith.cmpi slt, %add3A_448, %lt3A_449 : i32
    %convert_element_type3A_451 = arith.extui %lt3A_450 : i1 to i32
    %cond3A_452 = arith.constant 0 : i32
    %cond3A_453 = arith.cmpi ne, %convert_element_type3A_451, %cond3A_452 : i32
    scf.if %cond3A_453 {
      %dma_wait3A_503 = arith.constant 0 : i32
      %dma_wait3A_504 = arith.constant 0 : i32
      %dma_wait3A_505 = tpu.memref_slice %arg5[%arg0, %dma_wait3A_503, %dma_wait3A_504] : memref<2x10000x128xf32, #tpu.memory_space<hbm>> -> memref<1x80x128xf32, #tpu.memory_space<hbm>>
      %dma_wait3A_506 = tpu.memref_squeeze %dma_wait3A_505 : memref<1x80x128xf32, #tpu.memory_space<hbm>> -> memref<80x128xf32, #tpu.memory_space<hbm>>
      %dma_wait3A_507 = arith.constant 0 : i32
      %dma_wait3A_508 = arith.constant 0 : i32
      %dma_wait3A_509 = tpu.memref_slice %arg6[%dma_wait3A_507, %dma_wait3A_508] : memref<10048x128xf32, #tpu.memory_space<vmem_shared>> -> memref<80x128xf32, #tpu.memory_space<vmem_shared>>
      tpu.wait_dma2 semaphore(%arg42 : memref<!tpu.dma_semaphore, #tpu.memory_space<semaphore_mem>>) src(%dma_wait3A_509 : memref<80x128xf32, #tpu.memory_space<vmem_shared>>) dst(%dma_wait3A_506 : memref<80x128xf32, #tpu.memory_space<hbm>>)
    } else {
    }
    %add3A_454 = arith.constant 16 : i32
    %add3A_455 = arith.addi %arg1, %add3A_454 : i32
    %lt3A_456 = arith.constant 125 : i32
    %lt3A_457 = arith.cmpi slt, %add3A_455, %lt3A_456 : i32
    %convert_element_type3A_458 = arith.extui %lt3A_457 : i1 to i32
    %cond3A_459 = arith.constant 0 : i32
    %cond3A_460 = arith.cmpi ne, %convert_element_type3A_458, %cond3A_459 : i32
    scf.if %cond3A_460 {
      %dma_wait3A_503 = arith.constant 0 : i32
      %dma_wait3A_504 = arith.constant 0 : i32
      %dma_wait3A_505 = tpu.memref_slice %arg5[%arg0, %dma_wait3A_503, %dma_wait3A_504] : memref<2x10000x128xf32, #tpu.memory_space<hbm>> -> memref<1x80x128xf32, #tpu.memory_space<hbm>>
      %dma_wait3A_506 = tpu.memref_squeeze %dma_wait3A_505 : memref<1x80x128xf32, #tpu.memory_space<hbm>> -> memref<80x128xf32, #tpu.memory_space<hbm>>
      %dma_wait3A_507 = arith.constant 0 : i32
      %dma_wait3A_508 = arith.constant 0 : i32
      %dma_wait3A_509 = tpu.memref_slice %arg6[%dma_wait3A_507, %dma_wait3A_508] : memref<10048x128xf32, #tpu.memory_space<vmem_shared>> -> memref<80x128xf32, #tpu.memory_space<vmem_shared>>
      tpu.wait_dma2 semaphore(%arg42 : memref<!tpu.dma_semaphore, #tpu.memory_space<semaphore_mem>>) src(%dma_wait3A_509 : memref<80x128xf32, #tpu.memory_space<vmem_shared>>) dst(%dma_wait3A_506 : memref<80x128xf32, #tpu.memory_space<hbm>>)
    } else {
    }
    %add3A_461 = arith.constant 32 : i32
    %add3A_462 = arith.addi %arg1, %add3A_461 : i32
    %lt3A_463 = arith.constant 125 : i32
    %lt3A_464 = arith.cmpi slt, %add3A_462, %lt3A_463 : i32
    %convert_element_type3A_465 = arith.extui %lt3A_464 : i1 to i32
    %cond3A_466 = arith.constant 0 : i32
    %cond3A_467 = arith.cmpi ne, %convert_element_type3A_465, %cond3A_466 : i32
    scf.if %cond3A_467 {
      %dma_wait3A_503 = arith.constant 0 : i32
      %dma_wait3A_504 = arith.constant 0 : i32
      %dma_wait3A_505 = tpu.memref_slice %arg5[%arg0, %dma_wait3A_503, %dma_wait3A_504] : memref<2x10000x128xf32, #tpu.memory_space<hbm>> -> memref<1x80x128xf32, #tpu.memory_space<hbm>>
      %dma_wait3A_506 = tpu.memref_squeeze %dma_wait3A_505 : memref<1x80x128xf32, #tpu.memory_space<hbm>> -> memref<80x128xf32, #tpu.memory_space<hbm>>
      %dma_wait3A_507 = arith.constant 0 : i32
      %dma_wait3A_508 = arith.constant 0 : i32
      %dma_wait3A_509 = tpu.memref_slice %arg6[%dma_wait3A_507, %dma_wait3A_508] : memref<10048x128xf32, #tpu.memory_space<vmem_shared>> -> memref<80x128xf32, #tpu.memory_space<vmem_shared>>
      tpu.wait_dma2 semaphore(%arg42 : memref<!tpu.dma_semaphore, #tpu.memory_space<semaphore_mem>>) src(%dma_wait3A_509 : memref<80x128xf32, #tpu.memory_space<vmem_shared>>) dst(%dma_wait3A_506 : memref<80x128xf32, #tpu.memory_space<hbm>>)
    } else {
    }
    %add3A_468 = arith.constant 48 : i32
    %add3A_469 = arith.addi %arg1, %add3A_468 : i32
    %lt3A_470 = arith.constant 125 : i32
    %lt3A_471 = arith.cmpi slt, %add3A_469, %lt3A_470 : i32
    %convert_element_type3A_472 = arith.extui %lt3A_471 : i1 to i32
    %cond3A_473 = arith.constant 0 : i32
    %cond3A_474 = arith.cmpi ne, %convert_element_type3A_472, %cond3A_473 : i32
    scf.if %cond3A_474 {
      %dma_wait3A_503 = arith.constant 0 : i32
      %dma_wait3A_504 = arith.constant 0 : i32
      %dma_wait3A_505 = tpu.memref_slice %arg5[%arg0, %dma_wait3A_503, %dma_wait3A_504] : memref<2x10000x128xf32, #tpu.memory_space<hbm>> -> memref<1x80x128xf32, #tpu.memory_space<hbm>>
      %dma_wait3A_506 = tpu.memref_squeeze %dma_wait3A_505 : memref<1x80x128xf32, #tpu.memory_space<hbm>> -> memref<80x128xf32, #tpu.memory_space<hbm>>
      %dma_wait3A_507 = arith.constant 0 : i32
      %dma_wait3A_508 = arith.constant 0 : i32
      %dma_wait3A_509 = tpu.memref_slice %arg6[%dma_wait3A_507, %dma_wait3A_508] : memref<10048x128xf32, #tpu.memory_space<vmem_shared>> -> memref<80x128xf32, #tpu.memory_space<vmem_shared>>
      tpu.wait_dma2 semaphore(%arg42 : memref<!tpu.dma_semaphore, #tpu.memory_space<semaphore_mem>>) src(%dma_wait3A_509 : memref<80x128xf32, #tpu.memory_space<vmem_shared>>) dst(%dma_wait3A_506 : memref<80x128xf32, #tpu.memory_space<hbm>>)
    } else {
    }
    %add3A_475 = arith.constant 64 : i32
    %add3A_476 = arith.addi %arg1, %add3A_475 : i32
    %lt3A_477 = arith.constant 125 : i32
    %lt3A_478 = arith.cmpi slt, %add3A_476, %lt3A_477 : i32
    %convert_element_type3A_479 = arith.extui %lt3A_478 : i1 to i32
    %cond3A_480 = arith.constant 0 : i32
    %cond3A_481 = arith.cmpi ne, %convert_element_type3A_479, %cond3A_480 : i32
    scf.if %cond3A_481 {
      %dma_wait3A_503 = arith.constant 0 : i32
      %dma_wait3A_504 = arith.constant 0 : i32
      %dma_wait3A_505 = tpu.memref_slice %arg5[%arg0, %dma_wait3A_503, %dma_wait3A_504] : memref<2x10000x128xf32, #tpu.memory_space<hbm>> -> memref<1x80x128xf32, #tpu.memory_space<hbm>>
      %dma_wait3A_506 = tpu.memref_squeeze %dma_wait3A_505 : memref<1x80x128xf32, #tpu.memory_space<hbm>> -> memref<80x128xf32, #tpu.memory_space<hbm>>
      %dma_wait3A_507 = arith.constant 0 : i32
      %dma_wait3A_508 = arith.constant 0 : i32
      %dma_wait3A_509 = tpu.memref_slice %arg6[%dma_wait3A_507, %dma_wait3A_508] : memref<10048x128xf32, #tpu.memory_space<vmem_shared>> -> memref<80x128xf32, #tpu.memory_space<vmem_shared>>
      tpu.wait_dma2 semaphore(%arg42 : memref<!tpu.dma_semaphore, #tpu.memory_space<semaphore_mem>>) src(%dma_wait3A_509 : memref<80x128xf32, #tpu.memory_space<vmem_shared>>) dst(%dma_wait3A_506 : memref<80x128xf32, #tpu.memory_space<hbm>>)
    } else {
    }
    %add3A_482 = arith.constant 80 : i32
    %add3A_483 = arith.addi %arg1, %add3A_482 : i32
    %lt3A_484 = arith.constant 125 : i32
    %lt3A_485 = arith.cmpi slt, %add3A_483, %lt3A_484 : i32
    %convert_element_type3A_486 = arith.extui %lt3A_485 : i1 to i32
    %cond3A_487 = arith.constant 0 : i32
    %cond3A_488 = arith.cmpi ne, %convert_element_type3A_486, %cond3A_487 : i32
    scf.if %cond3A_488 {
      %dma_wait3A_503 = arith.constant 0 : i32
      %dma_wait3A_504 = arith.constant 0 : i32
      %dma_wait3A_505 = tpu.memref_slice %arg5[%arg0, %dma_wait3A_503, %dma_wait3A_504] : memref<2x10000x128xf32, #tpu.memory_space<hbm>> -> memref<1x80x128xf32, #tpu.memory_space<hbm>>
      %dma_wait3A_506 = tpu.memref_squeeze %dma_wait3A_505 : memref<1x80x128xf32, #tpu.memory_space<hbm>> -> memref<80x128xf32, #tpu.memory_space<hbm>>
      %dma_wait3A_507 = arith.constant 0 : i32
      %dma_wait3A_508 = arith.constant 0 : i32
      %dma_wait3A_509 = tpu.memref_slice %arg6[%dma_wait3A_507, %dma_wait3A_508] : memref<10048x128xf32, #tpu.memory_space<vmem_shared>> -> memref<80x128xf32, #tpu.memory_space<vmem_shared>>
      tpu.wait_dma2 semaphore(%arg42 : memref<!tpu.dma_semaphore, #tpu.memory_space<semaphore_mem>>) src(%dma_wait3A_509 : memref<80x128xf32, #tpu.memory_space<vmem_shared>>) dst(%dma_wait3A_506 : memref<80x128xf32, #tpu.memory_space<hbm>>)
    } else {
    }
    %add3A_489 = arith.constant 96 : i32
    %add3A_490 = arith.addi %arg1, %add3A_489 : i32
    %lt3A_491 = arith.constant 125 : i32
    %lt3A_492 = arith.cmpi slt, %add3A_490, %lt3A_491 : i32
    %convert_element_type3A_493 = arith.extui %lt3A_492 : i1 to i32
    %cond3A_494 = arith.constant 0 : i32
    %cond3A_495 = arith.cmpi ne, %convert_element_type3A_493, %cond3A_494 : i32
    scf.if %cond3A_495 {
      %dma_wait3A_503 = arith.constant 0 : i32
      %dma_wait3A_504 = arith.constant 0 : i32
      %dma_wait3A_505 = tpu.memref_slice %arg5[%arg0, %dma_wait3A_503, %dma_wait3A_504] : memref<2x10000x128xf32, #tpu.memory_space<hbm>> -> memref<1x80x128xf32, #tpu.memory_space<hbm>>
      %dma_wait3A_506 = tpu.memref_squeeze %dma_wait3A_505 : memref<1x80x128xf32, #tpu.memory_space<hbm>> -> memref<80x128xf32, #tpu.memory_space<hbm>>
      %dma_wait3A_507 = arith.constant 0 : i32
      %dma_wait3A_508 = arith.constant 0 : i32
      %dma_wait3A_509 = tpu.memref_slice %arg6[%dma_wait3A_507, %dma_wait3A_508] : memref<10048x128xf32, #tpu.memory_space<vmem_shared>> -> memref<80x128xf32, #tpu.memory_space<vmem_shared>>
      tpu.wait_dma2 semaphore(%arg42 : memref<!tpu.dma_semaphore, #tpu.memory_space<semaphore_mem>>) src(%dma_wait3A_509 : memref<80x128xf32, #tpu.memory_space<vmem_shared>>) dst(%dma_wait3A_506 : memref<80x128xf32, #tpu.memory_space<hbm>>)
    } else {
    }
    %add3A_496 = arith.constant 112 : i32
    %add3A_497 = arith.addi %arg1, %add3A_496 : i32
    %lt3A_498 = arith.constant 125 : i32
    %lt3A_499 = arith.cmpi slt, %add3A_497, %lt3A_498 : i32
    %convert_element_type3A_500 = arith.extui %lt3A_499 : i1 to i32
    %cond3A_501 = arith.constant 0 : i32
    %cond3A_502 = arith.cmpi ne, %convert_element_type3A_500, %cond3A_501 : i32
    scf.if %cond3A_502 {
      %dma_wait3A_503 = arith.constant 0 : i32
      %dma_wait3A_504 = arith.constant 0 : i32
      %dma_wait3A_505 = tpu.memref_slice %arg5[%arg0, %dma_wait3A_503, %dma_wait3A_504] : memref<2x10000x128xf32, #tpu.memory_space<hbm>> -> memref<1x80x128xf32, #tpu.memory_space<hbm>>
      %dma_wait3A_506 = tpu.memref_squeeze %dma_wait3A_505 : memref<1x80x128xf32, #tpu.memory_space<hbm>> -> memref<80x128xf32, #tpu.memory_space<hbm>>
      %dma_wait3A_507 = arith.constant 0 : i32
      %dma_wait3A_508 = arith.constant 0 : i32
      %dma_wait3A_509 = tpu.memref_slice %arg6[%dma_wait3A_507, %dma_wait3A_508] : memref<10048x128xf32, #tpu.memory_space<vmem_shared>> -> memref<80x128xf32, #tpu.memory_space<vmem_shared>>
      tpu.wait_dma2 semaphore(%arg42 : memref<!tpu.dma_semaphore, #tpu.memory_space<semaphore_mem>>) src(%dma_wait3A_509 : memref<80x128xf32, #tpu.memory_space<vmem_shared>>) dst(%dma_wait3A_506 : memref<80x128xf32, #tpu.memory_space<hbm>>)
    } else {
    }
    return
  }
}

#map = affine_map<(d0, d1) -> (0, 0)>
#map1 = affine_map<(d0, d1) -> (0)>
module attributes {stable_mosaic.version = 14 : i64} {
  func.func @k(%arg0: i32, %arg1: i32, %arg2: memref<5120x128xi32, #tpu.memory_space<hbm>>, %arg3: memref<128xf32, #tpu.memory_space<hbm>>, %arg4: memref<128xf32, #tpu.memory_space<hbm>>, %arg5: memref<20480xf32, #tpu.memory_space<hbm>>, %arg6: memref<10240xf32, #tpu.memory_space<vmem_shared>>, %arg7: memref<128xf32, #tpu.memory_space<vmem>>, %arg8: memref<128xf32, #tpu.memory_space<vmem>>, %arg9: memref<160x128xi32, #tpu.memory_space<vmem>>, %arg10: memref<!tpu.dma_semaphore, #tpu.memory_space<semaphore_mem>>) attributes {dimension_semantics = [#tpu.dimension_semantics<core_parallel>, #tpu.dimension_semantics<subcore_parallel>], iteration_bounds = array<i64: 2, 16>, scalar_prefetch = 0 : i64, scratch_operands = 5 : i64, tpu.core_type = #tpu.core_type<sc_vector_subcore>, window_params = [{transform_indices = #map}, {transform_indices = #map1}, {transform_indices = #map1}, {transform_indices = #map1}]} {
    "tpu.region"() ({
      %run_scoped3A = tpu.sem_alloc : memref<!tpu.dma_semaphore, #tpu.memory_space<semaphore_mem>>
      tpu.enqueue_dma source(%arg3 : memref<128xf32, #tpu.memory_space<hbm>>) target(%arg7 : memref<128xf32, #tpu.memory_space<vmem>>) target_semaphore(%run_scoped3A : memref<!tpu.dma_semaphore, #tpu.memory_space<semaphore_mem>>)
      tpu.wait_dma2 semaphore(%run_scoped3A : memref<!tpu.dma_semaphore, #tpu.memory_space<semaphore_mem>>) src(%arg3 : memref<128xf32, #tpu.memory_space<hbm>>) dst(%arg7 : memref<128xf32, #tpu.memory_space<vmem>>)
      tpu.yield
    }) : () -> ()
    "tpu.region"() ({
      %run_scoped3A = tpu.sem_alloc : memref<!tpu.dma_semaphore, #tpu.memory_space<semaphore_mem>>
      tpu.enqueue_dma source(%arg4 : memref<128xf32, #tpu.memory_space<hbm>>) target(%arg8 : memref<128xf32, #tpu.memory_space<vmem>>) target_semaphore(%run_scoped3A : memref<!tpu.dma_semaphore, #tpu.memory_space<semaphore_mem>>)
      tpu.wait_dma2 semaphore(%run_scoped3A : memref<!tpu.dma_semaphore, #tpu.memory_space<semaphore_mem>>) src(%arg4 : memref<128xf32, #tpu.memory_space<hbm>>) dst(%arg8 : memref<128xf32, #tpu.memory_space<vmem>>)
      tpu.yield
    }) : () -> ()
    %add3A = arith.constant 0 : i32
    %add3A_0 = arith.addi %arg1, %add3A : i32
    %mul3A = arith.constant 128 : i32
    %mul3A_1 = arith.muli %add3A_0, %mul3A : i32
    "tpu.region"() ({
      %run_scoped3A = tpu.sem_alloc : memref<!tpu.dma_semaphore, #tpu.memory_space<semaphore_mem>>
      %dma_start3A = tpu.memref_slice %arg6[%mul3A_1] : memref<10240xf32, #tpu.memory_space<vmem_shared>> -> memref<128xf32, #tpu.memory_space<vmem_shared>>
      %dma_start3A_68 = tpu.memref_slice %arg6[%mul3A_1] : memref<10240xf32, #tpu.memory_space<vmem_shared>> -> memref<128xf32, #tpu.memory_space<vmem_shared>>
      tpu.enqueue_dma source(%arg8 : memref<128xf32, #tpu.memory_space<vmem>>) target(%dma_start3A_68 : memref<128xf32, #tpu.memory_space<vmem_shared>>) target_semaphore(%run_scoped3A : memref<!tpu.dma_semaphore, #tpu.memory_space<semaphore_mem>>)
      %dma_wait3A = tpu.memref_slice %arg6[%mul3A_1] : memref<10240xf32, #tpu.memory_space<vmem_shared>> -> memref<128xf32, #tpu.memory_space<vmem_shared>>
      %dma_wait3A_69 = tpu.memref_slice %arg6[%mul3A_1] : memref<10240xf32, #tpu.memory_space<vmem_shared>> -> memref<128xf32, #tpu.memory_space<vmem_shared>>
      tpu.wait_dma2 semaphore(%run_scoped3A : memref<!tpu.dma_semaphore, #tpu.memory_space<semaphore_mem>>) src(%arg8 : memref<128xf32, #tpu.memory_space<vmem>>) dst(%dma_wait3A_69 : memref<128xf32, #tpu.memory_space<vmem_shared>>)
      tpu.yield
    }) : () -> ()
    %add3A_2 = arith.constant 16 : i32
    %add3A_3 = arith.addi %arg1, %add3A_2 : i32
    %mul3A_4 = arith.constant 128 : i32
    %mul3A_5 = arith.muli %add3A_3, %mul3A_4 : i32
    "tpu.region"() ({
      %run_scoped3A = tpu.sem_alloc : memref<!tpu.dma_semaphore, #tpu.memory_space<semaphore_mem>>
      %dma_start3A = tpu.memref_slice %arg6[%mul3A_5] : memref<10240xf32, #tpu.memory_space<vmem_shared>> -> memref<128xf32, #tpu.memory_space<vmem_shared>>
      %dma_start3A_68 = tpu.memref_slice %arg6[%mul3A_5] : memref<10240xf32, #tpu.memory_space<vmem_shared>> -> memref<128xf32, #tpu.memory_space<vmem_shared>>
      tpu.enqueue_dma source(%arg8 : memref<128xf32, #tpu.memory_space<vmem>>) target(%dma_start3A_68 : memref<128xf32, #tpu.memory_space<vmem_shared>>) target_semaphore(%run_scoped3A : memref<!tpu.dma_semaphore, #tpu.memory_space<semaphore_mem>>)
      %dma_wait3A = tpu.memref_slice %arg6[%mul3A_5] : memref<10240xf32, #tpu.memory_space<vmem_shared>> -> memref<128xf32, #tpu.memory_space<vmem_shared>>
      %dma_wait3A_69 = tpu.memref_slice %arg6[%mul3A_5] : memref<10240xf32, #tpu.memory_space<vmem_shared>> -> memref<128xf32, #tpu.memory_space<vmem_shared>>
      tpu.wait_dma2 semaphore(%run_scoped3A : memref<!tpu.dma_semaphore, #tpu.memory_space<semaphore_mem>>) src(%arg8 : memref<128xf32, #tpu.memory_space<vmem>>) dst(%dma_wait3A_69 : memref<128xf32, #tpu.memory_space<vmem_shared>>)
      tpu.yield
    }) : () -> ()
    %add3A_6 = arith.constant 32 : i32
    %add3A_7 = arith.addi %arg1, %add3A_6 : i32
    %mul3A_8 = arith.constant 128 : i32
    %mul3A_9 = arith.muli %add3A_7, %mul3A_8 : i32
    "tpu.region"() ({
      %run_scoped3A = tpu.sem_alloc : memref<!tpu.dma_semaphore, #tpu.memory_space<semaphore_mem>>
      %dma_start3A = tpu.memref_slice %arg6[%mul3A_9] : memref<10240xf32, #tpu.memory_space<vmem_shared>> -> memref<128xf32, #tpu.memory_space<vmem_shared>>
      %dma_start3A_68 = tpu.memref_slice %arg6[%mul3A_9] : memref<10240xf32, #tpu.memory_space<vmem_shared>> -> memref<128xf32, #tpu.memory_space<vmem_shared>>
      tpu.enqueue_dma source(%arg8 : memref<128xf32, #tpu.memory_space<vmem>>) target(%dma_start3A_68 : memref<128xf32, #tpu.memory_space<vmem_shared>>) target_semaphore(%run_scoped3A : memref<!tpu.dma_semaphore, #tpu.memory_space<semaphore_mem>>)
      %dma_wait3A = tpu.memref_slice %arg6[%mul3A_9] : memref<10240xf32, #tpu.memory_space<vmem_shared>> -> memref<128xf32, #tpu.memory_space<vmem_shared>>
      %dma_wait3A_69 = tpu.memref_slice %arg6[%mul3A_9] : memref<10240xf32, #tpu.memory_space<vmem_shared>> -> memref<128xf32, #tpu.memory_space<vmem_shared>>
      tpu.wait_dma2 semaphore(%run_scoped3A : memref<!tpu.dma_semaphore, #tpu.memory_space<semaphore_mem>>) src(%arg8 : memref<128xf32, #tpu.memory_space<vmem>>) dst(%dma_wait3A_69 : memref<128xf32, #tpu.memory_space<vmem_shared>>)
      tpu.yield
    }) : () -> ()
    %add3A_10 = arith.constant 48 : i32
    %add3A_11 = arith.addi %arg1, %add3A_10 : i32
    %mul3A_12 = arith.constant 128 : i32
    %mul3A_13 = arith.muli %add3A_11, %mul3A_12 : i32
    "tpu.region"() ({
      %run_scoped3A = tpu.sem_alloc : memref<!tpu.dma_semaphore, #tpu.memory_space<semaphore_mem>>
      %dma_start3A = tpu.memref_slice %arg6[%mul3A_13] : memref<10240xf32, #tpu.memory_space<vmem_shared>> -> memref<128xf32, #tpu.memory_space<vmem_shared>>
      %dma_start3A_68 = tpu.memref_slice %arg6[%mul3A_13] : memref<10240xf32, #tpu.memory_space<vmem_shared>> -> memref<128xf32, #tpu.memory_space<vmem_shared>>
      tpu.enqueue_dma source(%arg8 : memref<128xf32, #tpu.memory_space<vmem>>) target(%dma_start3A_68 : memref<128xf32, #tpu.memory_space<vmem_shared>>) target_semaphore(%run_scoped3A : memref<!tpu.dma_semaphore, #tpu.memory_space<semaphore_mem>>)
      %dma_wait3A = tpu.memref_slice %arg6[%mul3A_13] : memref<10240xf32, #tpu.memory_space<vmem_shared>> -> memref<128xf32, #tpu.memory_space<vmem_shared>>
      %dma_wait3A_69 = tpu.memref_slice %arg6[%mul3A_13] : memref<10240xf32, #tpu.memory_space<vmem_shared>> -> memref<128xf32, #tpu.memory_space<vmem_shared>>
      tpu.wait_dma2 semaphore(%run_scoped3A : memref<!tpu.dma_semaphore, #tpu.memory_space<semaphore_mem>>) src(%arg8 : memref<128xf32, #tpu.memory_space<vmem>>) dst(%dma_wait3A_69 : memref<128xf32, #tpu.memory_space<vmem_shared>>)
      tpu.yield
    }) : () -> ()
    %add3A_14 = arith.constant 64 : i32
    %add3A_15 = arith.addi %arg1, %add3A_14 : i32
    %mul3A_16 = arith.constant 128 : i32
    %mul3A_17 = arith.muli %add3A_15, %mul3A_16 : i32
    "tpu.region"() ({
      %run_scoped3A = tpu.sem_alloc : memref<!tpu.dma_semaphore, #tpu.memory_space<semaphore_mem>>
      %dma_start3A = tpu.memref_slice %arg6[%mul3A_17] : memref<10240xf32, #tpu.memory_space<vmem_shared>> -> memref<128xf32, #tpu.memory_space<vmem_shared>>
      %dma_start3A_68 = tpu.memref_slice %arg6[%mul3A_17] : memref<10240xf32, #tpu.memory_space<vmem_shared>> -> memref<128xf32, #tpu.memory_space<vmem_shared>>
      tpu.enqueue_dma source(%arg8 : memref<128xf32, #tpu.memory_space<vmem>>) target(%dma_start3A_68 : memref<128xf32, #tpu.memory_space<vmem_shared>>) target_semaphore(%run_scoped3A : memref<!tpu.dma_semaphore, #tpu.memory_space<semaphore_mem>>)
      %dma_wait3A = tpu.memref_slice %arg6[%mul3A_17] : memref<10240xf32, #tpu.memory_space<vmem_shared>> -> memref<128xf32, #tpu.memory_space<vmem_shared>>
      %dma_wait3A_69 = tpu.memref_slice %arg6[%mul3A_17] : memref<10240xf32, #tpu.memory_space<vmem_shared>> -> memref<128xf32, #tpu.memory_space<vmem_shared>>
      tpu.wait_dma2 semaphore(%run_scoped3A : memref<!tpu.dma_semaphore, #tpu.memory_space<semaphore_mem>>) src(%arg8 : memref<128xf32, #tpu.memory_space<vmem>>) dst(%dma_wait3A_69 : memref<128xf32, #tpu.memory_space<vmem_shared>>)
      tpu.yield
    }) : () -> ()
    %mul3A_18 = arith.constant 2560 : i32
    %mul3A_19 = arith.muli %arg0, %mul3A_18 : i32
    %mul3A_20 = arith.constant 160 : i32
    %mul3A_21 = arith.muli %arg1, %mul3A_20 : i32
    %add3A_22 = arith.addi %mul3A_19, %mul3A_21 : i32
    "tpu.region"() ({
      %run_scoped3A = tpu.sem_alloc : memref<!tpu.dma_semaphore, #tpu.memory_space<semaphore_mem>>
      %dma_start3A = arith.constant 0 : i32
      %dma_start3A_68 = tpu.memref_slice %arg2[%add3A_22, %dma_start3A] : memref<5120x128xi32, #tpu.memory_space<hbm>> -> memref<160x128xi32, #tpu.memory_space<hbm>>
      %dma_start3A_69 = arith.constant 0 : i32
      %dma_start3A_70 = tpu.memref_slice %arg2[%add3A_22, %dma_start3A_69] : memref<5120x128xi32, #tpu.memory_space<hbm>> -> memref<160x128xi32, #tpu.memory_space<hbm>>
      tpu.enqueue_dma source(%dma_start3A_70 : memref<160x128xi32, #tpu.memory_space<hbm>>) target(%arg9 : memref<160x128xi32, #tpu.memory_space<vmem>>) target_semaphore(%run_scoped3A : memref<!tpu.dma_semaphore, #tpu.memory_space<semaphore_mem>>)
      %dma_wait3A = arith.constant 0 : i32
      %dma_wait3A_71 = tpu.memref_slice %arg2[%add3A_22, %dma_wait3A] : memref<5120x128xi32, #tpu.memory_space<hbm>> -> memref<160x128xi32, #tpu.memory_space<hbm>>
      %dma_wait3A_72 = arith.constant 0 : i32
      %dma_wait3A_73 = tpu.memref_slice %arg2[%add3A_22, %dma_wait3A_72] : memref<5120x128xi32, #tpu.memory_space<hbm>> -> memref<160x128xi32, #tpu.memory_space<hbm>>
      tpu.wait_dma2 semaphore(%run_scoped3A : memref<!tpu.dma_semaphore, #tpu.memory_space<semaphore_mem>>) src(%dma_wait3A_73 : memref<160x128xi32, #tpu.memory_space<hbm>>) dst(%arg9 : memref<160x128xi32, #tpu.memory_space<vmem>>)
      tpu.yield
    }) : () -> ()
    %barrier3A = arith.constant 0 : index
    tpu.barrier barrier_id(%barrier3A)
    %scan3A = arith.constant 0 : i32
    %scan3A_23 = arith.constant 160 : i32
    %scan3A_24 = arith.addi %scan3A, %scan3A_23 : i32
    %scan3A_25 = arith.constant 1 : i32
    scf.for %scan3A_68 = %scan3A to %scan3A_24 step %scan3A_25  : i32 {
      %mul3A_69 = arith.constant 1 : i32
      %mul3A_70 = arith.muli %scan3A_68, %mul3A_69 : i32
      %add3A_71 = arith.constant 0 : i32
      %add3A_72 = arith.addi %add3A_71, %mul3A_70 : i32
      %dma_start3A = arith.constant 0 : i32
      %dma_start3A_73 = tpu.memref_slice %arg9[%add3A_72, %dma_start3A] : memref<160x128xi32, #tpu.memory_space<vmem>> -> memref<1x128xi32, #tpu.memory_space<vmem>>
      %dma_start3A_74 = tpu.memref_squeeze %dma_start3A_73 : memref<1x128xi32, #tpu.memory_space<vmem>> -> memref<128xi32, #tpu.memory_space<vmem>>
      %dma_start3A_75 = arith.constant 0 : i32
      %dma_start3A_76 = tpu.memref_slice %arg6[%dma_start3A_75] : memref<10240xf32, #tpu.memory_space<vmem_shared>> -> memref<10240xf32, #tpu.memory_space<vmem_shared>>
      tpu.enqueue_indirect_dma source(%arg7 : memref<128xf32, #tpu.memory_space<vmem>>) target(%dma_start3A_76 : memref<10240xf32, #tpu.memory_space<vmem_shared>>) offsets(%dma_start3A_74 : memref<128xi32, #tpu.memory_space<vmem>>) semaphore(%arg10 : memref<!tpu.dma_semaphore, #tpu.memory_space<semaphore_mem>>) {add = true}
    }
    %scan3A_26 = arith.constant 160 : i32
    %scan3A_27 = arith.constant 0 : i32
    %scan3A_28 = arith.constant 160 : i32
    %scan3A_29 = arith.addi %scan3A_27, %scan3A_28 : i32
    %scan3A_30 = arith.constant 1 : i32
    scf.for %scan3A_68 = %scan3A_27 to %scan3A_29 step %scan3A_30  : i32 {
      %mul3A_69 = arith.constant 1 : i32
      %mul3A_70 = arith.muli %scan3A_68, %mul3A_69 : i32
      %add3A_71 = arith.constant 0 : i32
      %add3A_72 = arith.addi %add3A_71, %mul3A_70 : i32
      %dma_wait3A = arith.constant 0 : i32
      %dma_wait3A_73 = arith.constant 0 : i32
      %dma_wait3A_74 = tpu.memref_slice %arg9[%dma_wait3A, %dma_wait3A_73] : memref<160x128xi32, #tpu.memory_space<vmem>> -> memref<1x128xi32, #tpu.memory_space<vmem>>
      %dma_wait3A_75 = tpu.memref_squeeze %dma_wait3A_74 : memref<1x128xi32, #tpu.memory_space<vmem>> -> memref<128xi32, #tpu.memory_space<vmem>>
      %dma_wait3A_76 = arith.constant 0 : i32
      %dma_wait3A_77 = tpu.memref_slice %arg6[%dma_wait3A_76] : memref<10240xf32, #tpu.memory_space<vmem_shared>> -> memref<10240xf32, #tpu.memory_space<vmem_shared>>
      tpu.wait_indirect_dma semaphore(%arg10 : memref<!tpu.dma_semaphore, #tpu.memory_space<semaphore_mem>>) src(%arg7 : memref<128xf32, #tpu.memory_space<vmem>>) dst(%dma_wait3A_77 : memref<10240xf32, #tpu.memory_space<vmem_shared>>)
    }
    %scan3A_31 = arith.constant 160 : i32
    %barrier3A_32 = arith.constant 0 : index
    tpu.barrier barrier_id(%barrier3A_32)
    %add3A_33 = arith.constant 0 : i32
    %add3A_34 = arith.addi %arg1, %add3A_33 : i32
    %mul3A_35 = arith.constant 128 : i32
    %mul3A_36 = arith.muli %add3A_34, %mul3A_35 : i32
    %mul3A_37 = arith.constant 10240 : i32
    %mul3A_38 = arith.muli %arg0, %mul3A_37 : i32
    %add3A_39 = arith.addi %mul3A_38, %mul3A_36 : i32
    "tpu.region"() ({
      %run_scoped3A = tpu.sem_alloc : memref<!tpu.dma_semaphore, #tpu.memory_space<semaphore_mem>>
      %dma_start3A = tpu.memref_slice %arg5[%add3A_39] : memref<20480xf32, #tpu.memory_space<hbm>> -> memref<128xf32, #tpu.memory_space<hbm>>
      %dma_start3A_68 = tpu.memref_slice %arg6[%mul3A_36] : memref<10240xf32, #tpu.memory_space<vmem_shared>> -> memref<128xf32, #tpu.memory_space<vmem_shared>>
      tpu.enqueue_dma source(%dma_start3A_68 : memref<128xf32, #tpu.memory_space<vmem_shared>>) target(%dma_start3A : memref<128xf32, #tpu.memory_space<hbm>>) target_semaphore(%run_scoped3A : memref<!tpu.dma_semaphore, #tpu.memory_space<semaphore_mem>>)
      %dma_wait3A = tpu.memref_slice %arg5[%add3A_39] : memref<20480xf32, #tpu.memory_space<hbm>> -> memref<128xf32, #tpu.memory_space<hbm>>
      %dma_wait3A_69 = tpu.memref_slice %arg6[%mul3A_36] : memref<10240xf32, #tpu.memory_space<vmem_shared>> -> memref<128xf32, #tpu.memory_space<vmem_shared>>
      tpu.wait_dma2 semaphore(%run_scoped3A : memref<!tpu.dma_semaphore, #tpu.memory_space<semaphore_mem>>) src(%dma_wait3A_69 : memref<128xf32, #tpu.memory_space<vmem_shared>>) dst(%dma_wait3A : memref<128xf32, #tpu.memory_space<hbm>>)
      tpu.yield
    }) : () -> ()
    %add3A_40 = arith.constant 16 : i32
    %add3A_41 = arith.addi %arg1, %add3A_40 : i32
    %mul3A_42 = arith.constant 128 : i32
    %mul3A_43 = arith.muli %add3A_41, %mul3A_42 : i32
    %mul3A_44 = arith.constant 10240 : i32
    %mul3A_45 = arith.muli %arg0, %mul3A_44 : i32
    %add3A_46 = arith.addi %mul3A_45, %mul3A_43 : i32
    "tpu.region"() ({
      %run_scoped3A = tpu.sem_alloc : memref<!tpu.dma_semaphore, #tpu.memory_space<semaphore_mem>>
      %dma_start3A = tpu.memref_slice %arg5[%add3A_46] : memref<20480xf32, #tpu.memory_space<hbm>> -> memref<128xf32, #tpu.memory_space<hbm>>
      %dma_start3A_68 = tpu.memref_slice %arg6[%mul3A_43] : memref<10240xf32, #tpu.memory_space<vmem_shared>> -> memref<128xf32, #tpu.memory_space<vmem_shared>>
      tpu.enqueue_dma source(%dma_start3A_68 : memref<128xf32, #tpu.memory_space<vmem_shared>>) target(%dma_start3A : memref<128xf32, #tpu.memory_space<hbm>>) target_semaphore(%run_scoped3A : memref<!tpu.dma_semaphore, #tpu.memory_space<semaphore_mem>>)
      %dma_wait3A = tpu.memref_slice %arg5[%add3A_46] : memref<20480xf32, #tpu.memory_space<hbm>> -> memref<128xf32, #tpu.memory_space<hbm>>
      %dma_wait3A_69 = tpu.memref_slice %arg6[%mul3A_43] : memref<10240xf32, #tpu.memory_space<vmem_shared>> -> memref<128xf32, #tpu.memory_space<vmem_shared>>
      tpu.wait_dma2 semaphore(%run_scoped3A : memref<!tpu.dma_semaphore, #tpu.memory_space<semaphore_mem>>) src(%dma_wait3A_69 : memref<128xf32, #tpu.memory_space<vmem_shared>>) dst(%dma_wait3A : memref<128xf32, #tpu.memory_space<hbm>>)
      tpu.yield
    }) : () -> ()
    %add3A_47 = arith.constant 32 : i32
    %add3A_48 = arith.addi %arg1, %add3A_47 : i32
    %mul3A_49 = arith.constant 128 : i32
    %mul3A_50 = arith.muli %add3A_48, %mul3A_49 : i32
    %mul3A_51 = arith.constant 10240 : i32
    %mul3A_52 = arith.muli %arg0, %mul3A_51 : i32
    %add3A_53 = arith.addi %mul3A_52, %mul3A_50 : i32
    "tpu.region"() ({
      %run_scoped3A = tpu.sem_alloc : memref<!tpu.dma_semaphore, #tpu.memory_space<semaphore_mem>>
      %dma_start3A = tpu.memref_slice %arg5[%add3A_53] : memref<20480xf32, #tpu.memory_space<hbm>> -> memref<128xf32, #tpu.memory_space<hbm>>
      %dma_start3A_68 = tpu.memref_slice %arg6[%mul3A_50] : memref<10240xf32, #tpu.memory_space<vmem_shared>> -> memref<128xf32, #tpu.memory_space<vmem_shared>>
      tpu.enqueue_dma source(%dma_start3A_68 : memref<128xf32, #tpu.memory_space<vmem_shared>>) target(%dma_start3A : memref<128xf32, #tpu.memory_space<hbm>>) target_semaphore(%run_scoped3A : memref<!tpu.dma_semaphore, #tpu.memory_space<semaphore_mem>>)
      %dma_wait3A = tpu.memref_slice %arg5[%add3A_53] : memref<20480xf32, #tpu.memory_space<hbm>> -> memref<128xf32, #tpu.memory_space<hbm>>
      %dma_wait3A_69 = tpu.memref_slice %arg6[%mul3A_50] : memref<10240xf32, #tpu.memory_space<vmem_shared>> -> memref<128xf32, #tpu.memory_space<vmem_shared>>
      tpu.wait_dma2 semaphore(%run_scoped3A : memref<!tpu.dma_semaphore, #tpu.memory_space<semaphore_mem>>) src(%dma_wait3A_69 : memref<128xf32, #tpu.memory_space<vmem_shared>>) dst(%dma_wait3A : memref<128xf32, #tpu.memory_space<hbm>>)
      tpu.yield
    }) : () -> ()
    %add3A_54 = arith.constant 48 : i32
    %add3A_55 = arith.addi %arg1, %add3A_54 : i32
    %mul3A_56 = arith.constant 128 : i32
    %mul3A_57 = arith.muli %add3A_55, %mul3A_56 : i32
    %mul3A_58 = arith.constant 10240 : i32
    %mul3A_59 = arith.muli %arg0, %mul3A_58 : i32
    %add3A_60 = arith.addi %mul3A_59, %mul3A_57 : i32
    "tpu.region"() ({
      %run_scoped3A = tpu.sem_alloc : memref<!tpu.dma_semaphore, #tpu.memory_space<semaphore_mem>>
      %dma_start3A = tpu.memref_slice %arg5[%add3A_60] : memref<20480xf32, #tpu.memory_space<hbm>> -> memref<128xf32, #tpu.memory_space<hbm>>
      %dma_start3A_68 = tpu.memref_slice %arg6[%mul3A_57] : memref<10240xf32, #tpu.memory_space<vmem_shared>> -> memref<128xf32, #tpu.memory_space<vmem_shared>>
      tpu.enqueue_dma source(%dma_start3A_68 : memref<128xf32, #tpu.memory_space<vmem_shared>>) target(%dma_start3A : memref<128xf32, #tpu.memory_space<hbm>>) target_semaphore(%run_scoped3A : memref<!tpu.dma_semaphore, #tpu.memory_space<semaphore_mem>>)
      %dma_wait3A = tpu.memref_slice %arg5[%add3A_60] : memref<20480xf32, #tpu.memory_space<hbm>> -> memref<128xf32, #tpu.memory_space<hbm>>
      %dma_wait3A_69 = tpu.memref_slice %arg6[%mul3A_57] : memref<10240xf32, #tpu.memory_space<vmem_shared>> -> memref<128xf32, #tpu.memory_space<vmem_shared>>
      tpu.wait_dma2 semaphore(%run_scoped3A : memref<!tpu.dma_semaphore, #tpu.memory_space<semaphore_mem>>) src(%dma_wait3A_69 : memref<128xf32, #tpu.memory_space<vmem_shared>>) dst(%dma_wait3A : memref<128xf32, #tpu.memory_space<hbm>>)
      tpu.yield
    }) : () -> ()
    %add3A_61 = arith.constant 64 : i32
    %add3A_62 = arith.addi %arg1, %add3A_61 : i32
    %mul3A_63 = arith.constant 128 : i32
    %mul3A_64 = arith.muli %add3A_62, %mul3A_63 : i32
    %mul3A_65 = arith.constant 10240 : i32
    %mul3A_66 = arith.muli %arg0, %mul3A_65 : i32
    %add3A_67 = arith.addi %mul3A_66, %mul3A_64 : i32
    "tpu.region"() ({
      %run_scoped3A = tpu.sem_alloc : memref<!tpu.dma_semaphore, #tpu.memory_space<semaphore_mem>>
      %dma_start3A = tpu.memref_slice %arg5[%add3A_67] : memref<20480xf32, #tpu.memory_space<hbm>> -> memref<128xf32, #tpu.memory_space<hbm>>
      %dma_start3A_68 = tpu.memref_slice %arg6[%mul3A_64] : memref<10240xf32, #tpu.memory_space<vmem_shared>> -> memref<128xf32, #tpu.memory_space<vmem_shared>>
      tpu.enqueue_dma source(%dma_start3A_68 : memref<128xf32, #tpu.memory_space<vmem_shared>>) target(%dma_start3A : memref<128xf32, #tpu.memory_space<hbm>>) target_semaphore(%run_scoped3A : memref<!tpu.dma_semaphore, #tpu.memory_space<semaphore_mem>>)
      %dma_wait3A = tpu.memref_slice %arg5[%add3A_67] : memref<20480xf32, #tpu.memory_space<hbm>> -> memref<128xf32, #tpu.memory_space<hbm>>
      %dma_wait3A_69 = tpu.memref_slice %arg6[%mul3A_64] : memref<10240xf32, #tpu.memory_space<vmem_shared>> -> memref<128xf32, #tpu.memory_space<vmem_shared>>
      tpu.wait_dma2 semaphore(%run_scoped3A : memref<!tpu.dma_semaphore, #tpu.memory_space<semaphore_mem>>) src(%dma_wait3A_69 : memref<128xf32, #tpu.memory_space<vmem_shared>>) dst(%dma_wait3A : memref<128xf32, #tpu.memory_space<hbm>>)
      tpu.yield
    }) : () -> ()
    return
  }
}

module attributes {stable_mosaic.version = 14 : i64} {
  func.func @body(%arg0: i32, %arg1: i32, %arg2: memref<2000x128xf32, #tpu.memory_space<vmem>>, %arg3: memref<2000x128xf32, #tpu.memory_space<vmem>>, %arg4: memref<1x128x128xf32, #tpu.memory_space<vmem>>, %arg5: memref<1x1x128xf32, #tpu.memory_space<vmem>>, %arg6: memref<1x128x128xf32, #tpu.memory_space<vmem>>, %arg7: memref<1x5x2000xf32, #tpu.memory_space<vmem>>, %arg8: memref<1x2000x128xf32, #tpu.memory_space<vmem>>) attributes {dimension_semantics = [#tpu.dimension_semantics<arbitrary>, #tpu.dimension_semantics<arbitrary>], iteration_bounds = array<i64: 2, 5>, scalar_prefetch = 0 : i64, scratch_operands = 0 : i64, tpu.core_type = #tpu.core_type<tc>, window_params = [{transform_indices = @transform_0, window_bounds = array<i64: 2000, 128>}, {transform_indices = @transform_1, window_bounds = array<i64: 2000, 128>}, {transform_indices = @transform_2, window_bounds = array<i64: 1, 128, 128>}, {transform_indices = @transform_3, window_bounds = array<i64: 1, 1, 128>}, {transform_indices = @transform_4, window_bounds = array<i64: 1, 128, 128>}, {transform_indices = @transform_5, window_bounds = array<i64: 1, 5, 2000>}, {transform_indices = @transform_6, window_bounds = array<i64: 1, 2000, 128>}]} {
    %eq3A = arith.constant 0 : i32
    %eq3A_0 = arith.cmpi eq, %arg0, %eq3A : i32
    %get3A = arith.constant 0 : index
    %get3A_1 = arith.constant 0 : index
    %get3A_2 = vector.load %arg2[%get3A, %get3A_1] : memref<2000x128xf32, #tpu.memory_space<vmem>>, vector<2000x128xf32>
    %get3A_3 = arith.constant 0 : index
    %get3A_4 = arith.constant 0 : index
    %get3A_5 = vector.load %arg3[%get3A_3, %get3A_4] : memref<2000x128xf32, #tpu.memory_space<vmem>>, vector<2000x128xf32>
    %select_n3A = arith.select %eq3A_0, %get3A_2, %get3A_5 : vector<2000x128xf32>
    %get3A_6 = arith.constant 0 : index
    %get3A_7 = arith.constant 0 : index
    %get3A_8 = arith.constant 0 : index
    %get3A_9 = vector.load %arg4[%get3A_6, %get3A_7, %get3A_8] : memref<1x128x128xf32, #tpu.memory_space<vmem>>, vector<1x128x128xf32>
    %get3A_10 = vector.shape_cast %get3A_9 : vector<1x128x128xf32> to vector<128x128xf32>
    %dot_general3A = arith.constant dense<0.000000e+00> : vector<2000x128xf32>
    %dot_general3A_11 = tpu.matmul %select_n3A, %get3A_10, %dot_general3A {dimension_numbers = #tpu.dot_dimension_numbers<[1], [0], [0], [1], [0, 0, 1, 1], [], []>, transpose_lhs_hint = false} : vector<2000x128xf32>, vector<128x128xf32>, vector<2000x128xf32> -> vector<2000x128xf32>
    %get3A_12 = arith.constant 0 : index
    %get3A_13 = arith.constant 0 : index
    %get3A_14 = arith.constant 0 : index
    %get3A_15 = vector.load %arg5[%get3A_12, %get3A_13, %get3A_14] : memref<1x1x128xf32, #tpu.memory_space<vmem>>, vector<1x1x128xf32>
    %get3A_16 = vector.shape_cast %get3A_15 : vector<1x1x128xf32> to vector<1x128xf32>
    %add3A = vector.broadcast %get3A_16 : vector<1x128xf32> to vector<2000x128xf32>
    %add3A_17 = arith.addf %dot_general3A_11, %add3A : vector<2000x128xf32>
    %get3A_18 = arith.constant 0 : index
    %get3A_19 = arith.index_cast %arg1 : i32 to index
    %get3A_20 = arith.constant 0 : index
    %get3A_21 = vector.load %arg7[%get3A_18, %get3A_19, %get3A_20] : memref<1x5x2000xf32, #tpu.memory_space<vmem>>, vector<1x1x2000xf32>
    %get3A_22 = vector.shape_cast %get3A_21 : vector<1x1x2000xf32> to vector<1x2000xf32>
    %squeeze3A = vector.shape_cast %get3A_22 : vector<1x2000xf32> to vector<2000xf32>
    %max3A = arith.constant 1.000000e+00 : f32
    %max3A_23 = vector.broadcast %max3A : f32 to vector<2000xf32>
    %max3A_24 = arith.maximumf %squeeze3A, %max3A_23 : vector<2000xf32>
    %rsqrt3A = math.rsqrt %max3A_24 : vector<2000xf32>
    %reshape3A = vector.shape_cast %rsqrt3A : vector<2000xf32> to vector<2000x1xf32>
    %mul3A = vector.broadcast %reshape3A : vector<2000x1xf32> to vector<2000x128xf32>
    %mul3A_25 = arith.mulf %add3A_17, %mul3A : vector<2000x128xf32>
    %get3A_26 = arith.constant 0 : index
    %get3A_27 = arith.constant 0 : index
    %get3A_28 = arith.constant 0 : index
    %get3A_29 = vector.load %arg6[%get3A_26, %get3A_27, %get3A_28] : memref<1x128x128xf32, #tpu.memory_space<vmem>>, vector<1x128x128xf32>
    %get3A_30 = vector.shape_cast %get3A_29 : vector<1x128x128xf32> to vector<128x128xf32>
    %dot_general3A_31 = arith.constant dense<0.000000e+00> : vector<2000x128xf32>
    %dot_general3A_32 = tpu.matmul %mul3A_25, %get3A_30, %dot_general3A_31 {dimension_numbers = #tpu.dot_dimension_numbers<[1], [0], [0], [1], [0, 0, 1, 1], [], []>, transpose_lhs_hint = false} : vector<2000x128xf32>, vector<128x128xf32>, vector<2000x128xf32> -> vector<2000x128xf32>
    %swap3A = arith.constant 0 : index
    %swap3A_33 = arith.constant 0 : index
    %swap3A_34 = arith.constant 0 : index
    %swap3A_35 = vector.load %arg8[%swap3A, %swap3A_33, %swap3A_34] : memref<1x2000x128xf32, #tpu.memory_space<vmem>>, vector<1x2000x128xf32>
    %swap3A_36 = vector.shape_cast %swap3A_35 : vector<1x2000x128xf32> to vector<2000x128xf32>
    %swap3A_37 = vector.shape_cast %dot_general3A_32 : vector<2000x128xf32> to vector<1x2000x128xf32>
    tpu.vector_store %arg8[%swap3A, %swap3A_33, %swap3A_34], %swap3A_37 {strides = array<i32>} : memref<1x2000x128xf32, #tpu.memory_space<vmem>>, vector<1x2000x128xf32>,
    return
  }
  func.func @transform_0(%arg0: i32, %arg1: i32) -> (i32, i32) {
    %c0_i32 = arith.constant 0 : i32
    %c0_i32_0 = arith.constant 0 : i32
    return %arg1, %c0_i32 : i32, i32
  }
  func.func @transform_1(%arg0: i32, %arg1: i32) -> (i32, i32) {
    %c0_i32 = arith.constant 0 : i32
    %c0_i32_0 = arith.constant 0 : i32
    return %arg1, %c0_i32 : i32, i32
  }
  func.func @transform_2(%arg0: i32, %arg1: i32) -> (i32, i32, i32) {
    %c0_i32 = arith.constant 0 : i32
    %c0_i32_0 = arith.constant 0 : i32
    %c0_i32_1 = arith.constant 0 : i32
    return %arg0, %c0_i32, %c0_i32_0 : i32, i32, i32
  }
  func.func @transform_3(%arg0: i32, %arg1: i32) -> (i32, i32, i32) {
    %c0_i32 = arith.constant 0 : i32
    %c0_i32_0 = arith.constant 0 : i32
    %c0_i32_1 = arith.constant 0 : i32
    return %arg0, %c0_i32, %c0_i32_0 : i32, i32, i32
  }
  func.func @transform_4(%arg0: i32, %arg1: i32) -> (i32, i32, i32) {
    %c0_i32 = arith.constant 0 : i32
    %c0_i32_0 = arith.constant 0 : i32
    %c0_i32_1 = arith.constant 0 : i32
    return %arg0, %c0_i32, %c0_i32_0 : i32, i32, i32
  }
  func.func @transform_5(%arg0: i32, %arg1: i32) -> (i32, i32, i32) {
    %c0_i32 = arith.constant 0 : i32
    %c0_i32_0 = arith.constant 0 : i32
    %c0_i32_1 = arith.constant 0 : i32
    return %arg0, %c0_i32, %c0_i32_0 : i32, i32, i32
  }
  func.func @transform_6(%arg0: i32, %arg1: i32) -> (i32, i32, i32) {
    %c0_i32 = arith.constant 0 : i32
    %c0_i32_0 = arith.constant 0 : i32
    return %arg0, %arg1, %c0_i32 : i32, i32, i32
  }
}

module attributes {stable_mosaic.version = 14 : i64} {
  func.func @body(%arg0: i32, %arg1: i32, %arg2: memref<1x2000x128xf32, #tpu.memory_space<vmem>>, %arg3: memref<1x5x2000xf32, #tpu.memory_space<vmem>>, %arg4: memref<1x1x128xf32, #tpu.memory_space<vmem>>, %arg5: memref<1x128x128xf32, #tpu.memory_space<vmem>>, %arg6: memref<1x2000x128xf32, #tpu.memory_space<vmem>>) attributes {dimension_semantics = [#tpu.dimension_semantics<arbitrary>, #tpu.dimension_semantics<arbitrary>], iteration_bounds = array<i64: 2, 5>, scalar_prefetch = 0 : i64, scratch_operands = 0 : i64, tpu.core_type = #tpu.core_type<tc>, window_params = [{transform_indices = @transform_0, window_bounds = array<i64: 1, 2000, 128>}, {transform_indices = @transform_1, window_bounds = array<i64: 1, 5, 2000>}, {transform_indices = @transform_2, window_bounds = array<i64: 1, 1, 128>}, {transform_indices = @transform_3, window_bounds = array<i64: 1, 128, 128>}, {transform_indices = @transform_4, window_bounds = array<i64: 1, 2000, 128>}]} {
    %get3A = arith.constant 0 : index
    %get3A_0 = arith.index_cast %arg1 : i32 to index
    %get3A_1 = arith.constant 0 : index
    %get3A_2 = vector.load %arg3[%get3A, %get3A_0, %get3A_1] : memref<1x5x2000xf32, #tpu.memory_space<vmem>>, vector<1x1x2000xf32>
    %get3A_3 = vector.shape_cast %get3A_2 : vector<1x1x2000xf32> to vector<1x2000xf32>
    %squeeze3A = vector.shape_cast %get3A_3 : vector<1x2000xf32> to vector<2000xf32>
    %max3A = arith.constant 1.000000e+00 : f32
    %max3A_4 = vector.broadcast %max3A : f32 to vector<2000xf32>
    %max3A_5 = arith.maximumf %squeeze3A, %max3A_4 : vector<2000xf32>
    %rsqrt3A = math.rsqrt %max3A_5 : vector<2000xf32>
    %reshape3A = vector.shape_cast %rsqrt3A : vector<2000xf32> to vector<2000x1xf32>
    %get3A_6 = arith.constant 0 : index
    %get3A_7 = arith.constant 0 : index
    %get3A_8 = arith.constant 0 : index
    %get3A_9 = vector.load %arg2[%get3A_6, %get3A_7, %get3A_8] : memref<1x2000x128xf32, #tpu.memory_space<vmem>>, vector<1x2000x128xf32>
    %get3A_10 = vector.shape_cast %get3A_9 : vector<1x2000x128xf32> to vector<2000x128xf32>
    %mul3A = vector.broadcast %reshape3A : vector<2000x1xf32> to vector<2000x128xf32>
    %mul3A_11 = arith.mulf %get3A_10, %mul3A : vector<2000x128xf32>
    %get3A_12 = arith.constant 0 : index
    %get3A_13 = arith.constant 0 : index
    %get3A_14 = arith.constant 0 : index
    %get3A_15 = vector.load %arg4[%get3A_12, %get3A_13, %get3A_14] : memref<1x1x128xf32, #tpu.memory_space<vmem>>, vector<1x1x128xf32>
    %get3A_16 = vector.shape_cast %get3A_15 : vector<1x1x128xf32> to vector<1x128xf32>
    %add3A = vector.broadcast %get3A_16 : vector<1x128xf32> to vector<2000x128xf32>
    %add3A_17 = arith.addf %mul3A_11, %add3A : vector<2000x128xf32>
    %max3A_18 = arith.constant 0.000000e+00 : f32
    %max3A_19 = vector.broadcast %max3A_18 : f32 to vector<2000x128xf32>
    %max3A_20 = arith.maximumf %add3A_17, %max3A_19 : vector<2000x128xf32>
    %mul3A_21 = vector.broadcast %reshape3A : vector<2000x1xf32> to vector<2000x128xf32>
    %mul3A_22 = arith.mulf %max3A_20, %mul3A_21 : vector<2000x128xf32>
    %get3A_23 = arith.constant 0 : index
    %get3A_24 = arith.constant 0 : index
    %get3A_25 = arith.constant 0 : index
    %get3A_26 = vector.load %arg5[%get3A_23, %get3A_24, %get3A_25] : memref<1x128x128xf32, #tpu.memory_space<vmem>>, vector<1x128x128xf32>
    %get3A_27 = vector.shape_cast %get3A_26 : vector<1x128x128xf32> to vector<128x128xf32>
    %dot_general3A = arith.constant dense<0.000000e+00> : vector<2000x128xf32>
    %dot_general3A_28 = tpu.matmul %mul3A_22, %get3A_27, %dot_general3A {dimension_numbers = #tpu.dot_dimension_numbers<[1], [0], [0], [1], [0, 0, 1, 1], [], []>, transpose_lhs_hint = false} : vector<2000x128xf32>, vector<128x128xf32>, vector<2000x128xf32> -> vector<2000x128xf32>
    %swap3A = arith.constant 0 : index
    %swap3A_29 = arith.constant 0 : index
    %swap3A_30 = arith.constant 0 : index
    %swap3A_31 = vector.load %arg6[%swap3A, %swap3A_29, %swap3A_30] : memref<1x2000x128xf32, #tpu.memory_space<vmem>>, vector<1x2000x128xf32>
    %swap3A_32 = vector.shape_cast %swap3A_31 : vector<1x2000x128xf32> to vector<2000x128xf32>
    %swap3A_33 = vector.shape_cast %dot_general3A_28 : vector<2000x128xf32> to vector<1x2000x128xf32>
    tpu.vector_store %arg6[%swap3A, %swap3A_29, %swap3A_30], %swap3A_33 {strides = array<i32>} : memref<1x2000x128xf32, #tpu.memory_space<vmem>>, vector<1x2000x128xf32>,
    return
  }
  func.func @transform_0(%arg0: i32, %arg1: i32) -> (i32, i32, i32) {
    %c0_i32 = arith.constant 0 : i32
    %c0_i32_0 = arith.constant 0 : i32
    return %arg0, %arg1, %c0_i32 : i32, i32, i32
  }
  func.func @transform_1(%arg0: i32, %arg1: i32) -> (i32, i32, i32) {
    %c0_i32 = arith.constant 0 : i32
    %c0_i32_0 = arith.constant 0 : i32
    %c0_i32_1 = arith.constant 0 : i32
    return %arg0, %c0_i32, %c0_i32_0 : i32, i32, i32
  }
  func.func @transform_2(%arg0: i32, %arg1: i32) -> (i32, i32, i32) {
    %c0_i32 = arith.constant 0 : i32
    %c0_i32_0 = arith.constant 0 : i32
    %c0_i32_1 = arith.constant 0 : i32
    return %arg0, %c0_i32, %c0_i32_0 : i32, i32, i32
  }
  func.func @transform_3(%arg0: i32, %arg1: i32) -> (i32, i32, i32) {
    %c0_i32 = arith.constant 0 : i32
    %c0_i32_0 = arith.constant 0 : i32
    %c0_i32_1 = arith.constant 0 : i32
    return %arg0, %c0_i32, %c0_i32_0 : i32, i32, i32
  }
  func.func @transform_4(%arg0: i32, %arg1: i32) -> (i32, i32, i32) {
    %c0_i32 = arith.constant 0 : i32
    %c0_i32_0 = arith.constant 0 : i32
    return %arg0, %arg1, %c0_i32 : i32, i32, i32
  }
}

module attributes {stable_mosaic.version = 14 : i64} {
  func.func @body(%arg0: i32, %arg1: i32, %arg2: memref<1x2000x128xf32, #tpu.memory_space<vmem>>, %arg3: memref<1x5x2000xf32, #tpu.memory_space<vmem>>, %arg4: memref<1x1x128xf32, #tpu.memory_space<vmem>>, %arg5: memref<256x128xf32, #tpu.memory_space<vmem>>, %arg6: memref<1x128xf32, #tpu.memory_space<vmem>>, %arg7: memref<1x128xf32, #tpu.memory_space<vmem>>, %arg8: memref<2x128xf32, #tpu.memory_space<vmem>>) attributes {dimension_semantics = [#tpu.dimension_semantics<arbitrary>, #tpu.dimension_semantics<arbitrary>], iteration_bounds = array<i64: 2, 5>, scalar_prefetch = 0 : i64, scratch_operands = 1 : i64, tpu.core_type = #tpu.core_type<tc>, window_params = [{transform_indices = @transform_0, window_bounds = array<i64: 1, 2000, 128>}, {transform_indices = @transform_1, window_bounds = array<i64: 1, 5, 2000>}, {transform_indices = @transform_2, window_bounds = array<i64: 1, 1, 128>}, {pipeline_mode = #tpu.pipeline_mode<synchronous>, transform_indices = @transform_3, window_bounds = array<i64: 256, 128>}, {pipeline_mode = #tpu.pipeline_mode<synchronous>, transform_indices = @transform_4, window_bounds = array<i64: 1, 128>}, {pipeline_mode = #tpu.pipeline_mode<synchronous>, transform_indices = @transform_5, window_bounds = array<i64: 1, 128>}]} {
    %get3A = arith.constant 0 : index
    %get3A_0 = arith.index_cast %arg1 : i32 to index
    %get3A_1 = arith.constant 0 : index
    %get3A_2 = vector.load %arg3[%get3A, %get3A_0, %get3A_1] : memref<1x5x2000xf32, #tpu.memory_space<vmem>>, vector<1x1x2000xf32>
    %get3A_3 = vector.shape_cast %get3A_2 : vector<1x1x2000xf32> to vector<1x2000xf32>
    %squeeze3A = vector.shape_cast %get3A_3 : vector<1x2000xf32> to vector<2000xf32>
    %max3A = arith.constant 1.000000e+00 : f32
    %max3A_4 = vector.broadcast %max3A : f32 to vector<2000xf32>
    %max3A_5 = arith.maximumf %squeeze3A, %max3A_4 : vector<2000xf32>
    %rsqrt3A = math.rsqrt %max3A_5 : vector<2000xf32>
    %reshape3A = vector.shape_cast %rsqrt3A : vector<2000xf32> to vector<2000x1xf32>
    %get3A_6 = arith.constant 0 : index
    %get3A_7 = arith.constant 0 : index
    %get3A_8 = arith.constant 0 : index
    %get3A_9 = vector.load %arg2[%get3A_6, %get3A_7, %get3A_8] : memref<1x2000x128xf32, #tpu.memory_space<vmem>>, vector<1x2000x128xf32>
    %get3A_10 = vector.shape_cast %get3A_9 : vector<1x2000x128xf32> to vector<2000x128xf32>
    %mul3A = vector.broadcast %reshape3A : vector<2000x1xf32> to vector<2000x128xf32>
    %mul3A_11 = arith.mulf %get3A_10, %mul3A : vector<2000x128xf32>
    %get3A_12 = arith.constant 0 : index
    %get3A_13 = arith.constant 0 : index
    %get3A_14 = arith.constant 0 : index
    %get3A_15 = vector.load %arg4[%get3A_12, %get3A_13, %get3A_14] : memref<1x1x128xf32, #tpu.memory_space<vmem>>, vector<1x1x128xf32>
    %get3A_16 = vector.shape_cast %get3A_15 : vector<1x1x128xf32> to vector<1x128xf32>
    %add3A = vector.broadcast %get3A_16 : vector<1x128xf32> to vector<2000x128xf32>
    %add3A_17 = arith.addf %mul3A_11, %add3A : vector<2000x128xf32>
    %max3A_18 = arith.constant 0.000000e+00 : f32
    %max3A_19 = vector.broadcast %max3A_18 : f32 to vector<2000x128xf32>
    %max3A_20 = arith.maximumf %add3A_17, %max3A_19 : vector<2000x128xf32>
    %reduce_max3A = arith.constant dense<0xFF800000> : vector<128xf32>
    %reduce_max3A_21 = vector.multi_reduction <maximumf>, %max3A_20, %reduce_max3A [0] : vector<2000x128xf32> to vector<128xf32>
    %broadcast_in_dim3A = vector.shape_cast %reduce_max3A_21 : vector<128xf32> to vector<1x128xf32>
    %eq3A = arith.constant 0 : i32
    %eq3A_22 = arith.cmpi eq, %arg1, %eq3A : i32
    %convert_element_type3A = arith.extui %eq3A_22 : i1 to i32
    %cond3A = arith.constant 0 : i32
    %cond3A_23 = arith.cmpi ne, %convert_element_type3A, %cond3A : i32
    scf.if %cond3A_23 {
      %swap3A_37 = arith.index_cast %arg0 : i32 to index
      %swap3A_38 = arith.constant 0 : index
      %swap3A_39 = vector.load %arg8[%swap3A_37, %swap3A_38] : memref<2x128xf32, #tpu.memory_space<vmem>>, vector<1x128xf32>
      tpu.vector_store %arg8[%swap3A_37, %swap3A_38], %broadcast_in_dim3A {strides = array<i32>} : memref<2x128xf32, #tpu.memory_space<vmem>>, vector<1x128xf32>,
    } else {
    }
    %get3A_24 = arith.index_cast %arg0 : i32 to index
    %get3A_25 = arith.constant 0 : index
    %get3A_26 = vector.load %arg8[%get3A_24, %get3A_25] : memref<2x128xf32, #tpu.memory_space<vmem>>, vector<1x128xf32>
    %max3A_27 = arith.maximumf %get3A_26, %broadcast_in_dim3A : vector<1x128xf32>
    %swap3A = arith.index_cast %arg0 : i32 to index
    %swap3A_28 = arith.constant 0 : index
    %swap3A_29 = vector.load %arg8[%swap3A, %swap3A_28] : memref<2x128xf32, #tpu.memory_space<vmem>>, vector<1x128xf32>
    tpu.vector_store %arg8[%swap3A, %swap3A_28], %max3A_27 {strides = array<i32>} : memref<2x128xf32, #tpu.memory_space<vmem>>, vector<1x128xf32>,
    %eq3A_30 = arith.constant 1 : i32
    %eq3A_31 = arith.cmpi eq, %arg0, %eq3A_30 : i32
    %eq3A_32 = arith.constant 4 : i32
    %eq3A_33 = arith.cmpi eq, %arg1, %eq3A_32 : i32
    %and3A = arith.andi %eq3A_31, %eq3A_33 : i1
    %convert_element_type3A_34 = arith.extui %and3A : i1 to i32
    %cond3A_35 = arith.constant 0 : i32
    %cond3A_36 = arith.cmpi ne, %convert_element_type3A_34, %cond3A_35 : i32
    scf.if %cond3A_36 {
      %get3A_37 = arith.constant 0 : index
      %get3A_38 = arith.constant 0 : index
      %get3A_39 = vector.load %arg8[%get3A_37, %get3A_38] : memref<2x128xf32, #tpu.memory_space<vmem>>, vector<1x128xf32>
      %get3A_40 = arith.constant 1 : index
      %get3A_41 = arith.constant 0 : index
      %get3A_42 = vector.load %arg8[%get3A_40, %get3A_41] : memref<2x128xf32, #tpu.memory_space<vmem>>, vector<1x128xf32>
      %concatenate3A = tpu.concatenate %get3A_39, %get3A_42 in 1 : vector<1x128xf32>, vector<1x128xf32> -> vector<1x256xf32>
      %get3A_43 = arith.constant 0 : index
      %get3A_44 = arith.constant 0 : index
      %get3A_45 = vector.load %arg5[%get3A_43, %get3A_44] : memref<256x128xf32, #tpu.memory_space<vmem>>, vector<256x128xf32>
      %dot_general3A = arith.constant dense<0.000000e+00> : vector<1x128xf32>
      %dot_general3A_46 = tpu.matmul %concatenate3A, %get3A_45, %dot_general3A {dimension_numbers = #tpu.dot_dimension_numbers<[1], [0], [0], [1], [0, 0, 1, 1], [], []>, transpose_lhs_hint = false} : vector<1x256xf32>, vector<256x128xf32>, vector<1x128xf32> -> vector<1x128xf32>
      %get3A_47 = arith.constant 0 : index
      %get3A_48 = arith.constant 0 : index
      %get3A_49 = vector.load %arg6[%get3A_47, %get3A_48] : memref<1x128xf32, #tpu.memory_space<vmem>>, vector<1x128xf32>
      %add3A_50 = arith.addf %dot_general3A_46, %get3A_49 : vector<1x128xf32>
      %ge3A = arith.constant 0.000000e+00 : f32
      %ge3A_51 = vector.broadcast %ge3A : f32 to vector<1x128xf32>
      %ge3A_52 = arith.cmpf oge, %add3A_50, %ge3A_51 : vector<1x128xf32>
      %mul3A_53 = arith.constant 0.00999999977 : f32
      %mul3A_54 = vector.broadcast %mul3A_53 : f32 to vector<1x128xf32>
      %mul3A_55 = arith.mulf %mul3A_54, %add3A_50 : vector<1x128xf32>
      %select_n3A = arith.select %ge3A_52, %add3A_50, %mul3A_55 : vector<1x128xi1>, vector<1x128xf32>
      %iota3A = tpu.iota {dimensions = array<i32: 1>} : vector<1x128xi32>
      %lt3A = arith.constant 2 : i32
      %lt3A_56 = vector.broadcast %lt3A : i32 to vector<1x128xi32>
      %lt3A_57 = arith.cmpi slt, %iota3A, %lt3A_56 : vector<1x128xi32>
      %jit3A = arith.constant 0xFF800000 : f32
      %broadcast_in_dim3A_58 = vector.broadcast %jit3A : f32 to vector<1x128xf32>
      %select_n3A_59 = arith.select %lt3A_57, %select_n3A, %broadcast_in_dim3A_58 : vector<1x128xi1>, vector<1x128xf32>
      %reduce_max3A_60 = arith.constant dense<0xFF800000> : vector<1xf32>
      %reduce_max3A_61 = vector.multi_reduction <maximumf>, %select_n3A_59, %reduce_max3A_60 [1] : vector<1x128xf32> to vector<1xf32>
      %broadcast_in_dim3A_62 = vector.shape_cast %reduce_max3A_61 : vector<1xf32> to vector<1x1xf32>
      %lt3A_63 = arith.constant 2 : i32
      %lt3A_64 = vector.broadcast %lt3A_63 : i32 to vector<1x128xi32>
      %lt3A_65 = arith.cmpi slt, %iota3A, %lt3A_64 : vector<1x128xi32>
      %sub3A = vector.broadcast %broadcast_in_dim3A_62 : vector<1x1xf32> to vector<1x128xf32>
      %sub3A_66 = arith.subf %select_n3A_59, %sub3A : vector<1x128xf32>
      %exp3A = math.exp %sub3A_66 : vector<1x128xf32>
      %jit3A_67 = arith.constant 0.000000e+00 : f32
      %broadcast_in_dim3A_68 = vector.broadcast %jit3A_67 : f32 to vector<1x128xf32>
      %select_n3A_69 = arith.select %lt3A_65, %exp3A, %broadcast_in_dim3A_68 : vector<1x128xi1>, vector<1x128xf32>
      %reduce_sum3A = arith.constant dense<0.000000e+00> : vector<1xf32>
      %reduce_sum3A_70 = vector.multi_reduction <add>, %select_n3A_69, %reduce_sum3A [1] : vector<1x128xf32> to vector<1xf32>
      %broadcast_in_dim3A_71 = vector.shape_cast %reduce_sum3A_70 : vector<1xf32> to vector<1x1xf32>
      %div3A = vector.broadcast %broadcast_in_dim3A_71 : vector<1x1xf32> to vector<1x128xf32>
      %div3A_72 = arith.divf %select_n3A_69, %div3A : vector<1x128xf32>
      %swap3A_73 = arith.constant 0 : index
      %swap3A_74 = arith.constant 0 : index
      %swap3A_75 = vector.load %arg7[%swap3A_73, %swap3A_74] : memref<1x128xf32, #tpu.memory_space<vmem>>, vector<1x128xf32>
      tpu.vector_store %arg7[%swap3A_73, %swap3A_74], %div3A_72 {strides = array<i32>} : memref<1x128xf32, #tpu.memory_space<vmem>>, vector<1x128xf32>,
    } else {
    }
    return
  }
  func.func @transform_0(%arg0: i32, %arg1: i32) -> (i32, i32, i32) {
    %c0_i32 = arith.constant 0 : i32
    %c0_i32_0 = arith.constant 0 : i32
    return %arg0, %arg1, %c0_i32 : i32, i32, i32
  }
  func.func @transform_1(%arg0: i32, %arg1: i32) -> (i32, i32, i32) {
    %c0_i32 = arith.constant 0 : i32
    %c0_i32_0 = arith.constant 0 : i32
    %c0_i32_1 = arith.constant 0 : i32
    return %arg0, %c0_i32, %c0_i32_0 : i32, i32, i32
  }
  func.func @transform_2(%arg0: i32, %arg1: i32) -> (i32, i32, i32) {
    %c0_i32 = arith.constant 0 : i32
    %c0_i32_0 = arith.constant 0 : i32
    %c0_i32_1 = arith.constant 0 : i32
    return %arg0, %c0_i32, %c0_i32_0 : i32, i32, i32
  }
  func.func @transform_3(%arg0: i32, %arg1: i32) -> (i32, i32) {
    %c0_i32 = arith.constant 0 : i32
    %c0_i32_0 = arith.constant 0 : i32
    %c0_i32_1 = arith.constant 0 : i32
    return %c0_i32, %c0_i32_0 : i32, i32
  }
  func.func @transform_4(%arg0: i32, %arg1: i32) -> (i32, i32) {
    %c0_i32 = arith.constant 0 : i32
    %c0_i32_0 = arith.constant 0 : i32
    %c0_i32_1 = arith.constant 0 : i32
    return %c0_i32, %c0_i32_0 : i32, i32
  }
  func.func @transform_5(%arg0: i32, %arg1: i32) -> (i32, i32) {
    %c0_i32 = arith.constant 0 : i32
    %c0_i32_0 = arith.constant 0 : i32
    %c0_i32_1 = arith.constant 0 : i32
    return %c0_i32, %c0_i32_0 : i32, i32
  }
}

</mosaic_0001>

<sc_bundles>
// kernel: kernel.11.cloned.1.call-start
scs
__scs_entry_jumppad:
0x0: {  	(pc) =	sbr.rel $0x88, $3  }
0x1: {  	(tag) =	ssettag $0x0;
	lr =	simm.s32 $0x1  }
0x2: {  	[smem:$0x3F8F] =	sst lr;
	_ =	strace $0xD0000000  }
0x3: {  	_ = 	snop  }
0x4: {  	_ = 	snop  }
0x5: {  	_ = 	snop  }
0x6: {  	_ = 	snop  }
0x7: {  	_ = 	snop  }
__scs_overlays_trampoline_lowered:
0x8: {  	[smem:$0x3F9E] =	sst s0  }
0x9: {  	[smem:$0x3F9F] =	sst s1  }
0xa: {  	[smem:$0x3FA0] =	sst s2  }
0xb: {  	[smem:$0x3FA1] =	sst s3  }
0xc: {  	[smem:$0x3FA2] =	sst s4  }
0xd: {  	[smem:$0x3FA3] =	sst s5  }
0xe: {  	[smem:$0x3FA4] =	sst s6  }
0xf: {  	[smem:$0x3FA5] =	sst s7  }
0x10: {  	[smem:$0x3FA6] =	sst s8  }
0x11: {  	[smem:$0x3FA7] =	sst s9;
	s0 =	simm.s32 @!p0 $0x0  }
0x12: {  	s1 =	sld [smem:$0x3F8D];
	s0 =	simm.s32 @p0 $0x1  }
0x13: {  	[smem:$0x3FA8] =	sst s0;
	s0 =	simm.s32 @!p1 $0x0  }
0x14: {  	s2 =	sld [smem:$0x3F8C];
	s0 =	simm.s32 @p1 $0x1  }
0x15: {  	[smem:$0x3FA9] =	sst s0;
	s0 =	simm.s32 @!p2 $0x0  }
0x16: {  	s3 =	sld [smem:$0x3FDB];
	s0 =	simm.s32 @p2 $0x1  }
0x17: {  	s4 =	simm.s32 $0x1BF5;
	[smem:$0x3FAB] =	sst s0  }
0x18: {  	s0 =	sld [smem:$0x3F8E];
	_ =	swait.ge [sflag:s4], $0x0  }
0x19: {  	s7 =	sld [smem:$0x3F8F]  }
0x1a: {  	s8 =	sadd.s32 $0xFFFFE003, lr  }
0x1b: {  	s9 =	sadd.s32 $0xFFFFFEF7, lr;
	s5 =	simm.s32 $0xFFFFFFFF;
	p2 =	slt.u32 s8, $0xFFFFF086  }
0x1c: {  	p1 =	slt.u32 s9, $0xF7A;
	s5 =	simm.s32 @!p2 $0x0  }
0x1d: {  	s5 =	simm.s32 @p1 $0x1;
	p0 =	seq.s32 s7, s2  }
0x1e: {  	s7 =	smul.u32 @!p0 $0xF7A, s2;
	p2 =	seq.s32 @!p0 s5, $0x0  }
0x1f: {  	s9 =	smul.u32 $0xF7A, s1;
	s8 =	simm.s32 @!p0 $0x1BF5;
	p2 =	por !p2, p0  }
0x20: {  	[sflag:s8] =	ssyncset.s32 @!p0 $0xFFFFF086;
	s6 =	sadd.s32 @!p0 s3, s7;
	s7 =	simm.s32 @!p0 $0x108  }
0x21: {  	s3 =	sadd.s32 s3, s9;
	s6 =	sadd.s32 @!p0 $0x88, s6;
	s7 =	simm.s32 @p2 $0x1082  }
0x22: {  	[simem:s7], [sflag:s8] =	dma.local @!p0 [hbm:s6], $0xF7A  }
0x23: {  	s9 =	sor.u32 $0xD0000000, s2;
	s6 =	simm.s32 $0x108;
	_ =	swait.ge @!p0 [sflag:s8], $0x0  }
0x24: {  	s3 =	sadd.s32 $0x88, s3;
	s6 =	simm.s32 @!p1 $0x1082;
	[sflag:s4] =	ssyncset.s32 $0xFFFFF086  }
0x25: {  	[simem:s6], [sflag:s4] =	dma.local [hbm:s3], $0xF7A  }
0x26: {  	[smem:$0x3F8F] =	sst s1;
	(tag) =	ssettag s2;
	_ =	strace s9  }
0x27: {  	s1 =	sld [smem:$0x3F9F]  }
0x28: {  	s2 =	sld [smem:$0x3FA0]  }
0x29: {  	s4 =	sld [smem:$0x3FA2]  }
0x2a: {  	p0 =	seq.s32 s5, $0x0;
	s5 =	sld [smem:$0x3FA3]  }
0x2b: {  	s6 =	sld [smem:$0x3FA4]  }
0x2c: {  	s7 =	sld [smem:$0x3FA5]  }
0x2d: {  	s3 =	simm.s32 $0x108;
	s8 =	sld [smem:$0x3FA6]  }
0x2e: {  	s3 =	simm.s32 @!p0 $0x1082;
	s9 =	sld [smem:$0x3FA7]  }
0x2f: {  	lr =	sadd.s32 s0, s3;
	s0 =	sld [smem:$0x3F9E]  }
0x30: {  	s3 =	sld [smem:$0x3FA1]  }
0x31: {  	[smem:$0x3FAA] =	sst s10  }
0x32: {  	s10 =	sld [smem:$0x3FA8];
	_ =	sdelay $0x3  }
0x33: {  	p0 =	seq.s32 s10, $0x1;
	s10 =	sld [smem:$0x3FAA];
	_ =	sdelay $0x3  }
0x34: {  	[smem:$0x3FAA] =	sst s10  }
0x35: {  	s10 =	sld [smem:$0x3FA9];
	_ =	sdelay $0x3  }
0x36: {  	p1 =	seq.s32 s10, $0x1;
	s10 =	sld [smem:$0x3FAA];
	_ =	sdelay $0x3  }
0x37: {  	[smem:$0x3FAA] =	sst s10  }
0x38: {  	s10 =	sld [smem:$0x3FAB]  }
0x39: {  	_ = 	snop;
	(pc) =	sbr.ind lr, $3  }
0x3a: {  	_ = 	snop  }
0x3b: {  	_ = 	snop  }
0x3c: {  	p2 =	seq.s32 s10, $0x1;
	s10 =	sld [smem:$0x3FAA]  }
0x3d: {  	_ =	shalt  }
0x3e: {  	_ =	shalt  }
0x3f: {  	_ =	shalt  }
0x40: {  	_ =	shalt  }
0x41: {  	_ =	shalt  }
0x42: {  	_ =	shalt  }
0x43: {  	_ =	shalt  }
0x44: {  	_ =	shalt  }
0x45: {  	_ =	shalt  }
0x46: {  	_ =	shalt  }
0x47: {  	_ =	shalt  }
0x48: {  	_ =	shalt  }
0x49: {  	_ =	shalt  }
0x4a: {  	_ =	shalt  }
0x4b: {  	_ =	shalt  }
0x4c: {  	_ =	shalt  }
0x4d: {  	_ =	shalt  }
0x4e: {  	_ =	shalt  }
0x4f: {  	_ =	shalt  }
0x50: {  	_ =	shalt  }
0x51: {  	_ =	shalt  }
0x52: {  	_ =	shalt  }
0x53: {  	_ =	shalt  }
0x54: {  	_ =	shalt  }
0x55: {  	_ =	shalt  }
0x56: {  	_ =	shalt  }
0x57: {  	_ =	shalt  }
0x58: {  	_ =	shalt  }
0x59: {  	_ =	shalt  }
0x5a: {  	_ =	shalt  }
0x5b: {  	_ =	shalt  }
0x5c: {  	_ =	shalt  }
0x5d: {  	_ =	shalt  }
0x5e: {  	_ =	shalt  }
0x5f: {  	_ =	shalt  }
0x60: {  	_ =	shalt  }
0x61: {  	_ =	shalt  }
0x62: {  	_ =	shalt  }
0x63: {  	_ =	shalt  }
0x64: {  	_ =	shalt  }
0x65: {  	_ =	shalt  }
0x66: {  	_ =	shalt  }
0x67: {  	_ =	shalt  }
0x68: {  	_ =	shalt  }
0x69: {  	_ =	shalt  }
0x6a: {  	_ =	shalt  }
0x6b: {  	_ =	shalt  }
0x6c: {  	_ =	shalt  }
0x6d: {  	_ =	shalt  }
0x6e: {  	_ =	shalt  }
0x6f: {  	_ =	shalt  }
0x70: {  	_ =	shalt  }
0x71: {  	_ =	shalt  }
0x72: {  	_ =	shalt  }
0x73: {  	_ =	shalt  }
0x74: {  	_ =	shalt  }
0x75: {  	_ =	shalt  }
0x76: {  	_ =	shalt  }
0x77: {  	_ =	shalt  }
0x78: {  	_ =	shalt  }
0x79: {  	_ =	shalt  }
0x7a: {  	_ =	shalt  }
0x7b: {  	_ =	shalt  }
0x7c: {  	_ =	shalt  }
0x7d: {  	_ =	shalt  }
0x7e: {  	_ =	shalt  }
0x7f: {  	_ =	shalt  }
0x80: {  	_ =	shalt  }
0x81: {  	_ =	shalt  }
0x82: {  	_ =	shalt  }
0x83: {  	_ =	shalt  }
0x84: {  	_ =	shalt  }
0x85: {  	_ =	shalt  }
0x86: {  	_ =	shalt  }
0x87: {  	_ =	shalt  }
.Lfunc_end0:
.L_simem_size_0:
called_computation.1_lowered:
.L_overlay_start_0:
0x88: {  	s2 =	sld [smem:$0x3FD9]  }
0x89: {  	s3 =	sld [smem:$0x3FFE];
	_ =	sdelay $0x1  }
0x8a: {  	s1 =	srdreg.scid  }
0x8b: {  	s0 =	sand.u32 $0x1, s1  }
0x8c: {  	s16 =	sshll.u32 s0, $0xA;
	s2 =	sadd.s32 s3, s2  }
0x8d: {  	s2 =	sadd.s32 s2, s16  }
0x8e: {  	[smem:$0x3FB6] =	sst s2  }
0x8f: {  	_ = 	snop  }
0x90: {  	(tm) =	ssettm $0x1  }
0x91: {  	s17 =	sld [smem:$0x3FFB];
	_ =	sdelay $0x3  }
0x92: {  	_ =	strace s17  }
0x93: {  	s2 =	sld [smem:$0x3FFC];
	_ =	sdelay $0x3  }
0x94: {  	_ =	strace s2  }
0x95: {  	s2 =	sld [smem:$0x3FFD];
	_ =	sdelay $0x3  }
0x96: {  	_ =	strace s2  }
0x97: {  	_ =	strace $0x8FFFFFFF  }
0x98: {  	s18 =	sld [smem:$0x3FDB];
	_ =	sdelay $0x1  }
0x99: {  	s19 =	simm.s32 $_scs_section_size  }
0x9a: {  	s4 =	simm.s32 $_size__tile_overlayer_lowered;
	s5 =	simm.s32 $_tile_overlayer_lowered  }
0x9b: {  	s22 =	simm.s32 $0x1BFF;
	s21 =	sshll.u32 s5, $0x1;
	s2 =	sadd.s32 s19, s18  }
0x9c: {  	s6 =	simm.s32 $0x0;
	s20 =	sshll.u32 s4, $0x1;
	s4 =	sadd.s32 s21, s2  }
0x9d: {  	[timem:s6], [sflag:s22] =	dma.local [hbm:s4], s20  }
0x9e: {  	_ =	swait.ge [sflag:s22], s20  }
0x9f: {  	s3 =	ssub.s32 $0x0, s20;
	[sflag:s22] =	ssyncset.done $0x0  }
0xa0: {  	[sflag:s22] =	ssyncadd.s32 s3;
	_ =	sdelay $0x1  }
0xa1: {  	s23 =	simm.s32 $0x1B8B  }
0xa2: {  	_ =	swait.ge [sflag:s23], $0x1  }
0xa3: {  	[sflag:s23] =	ssyncset.done $0x0  }
0xa4: {  	s25 =	simm.s32 $0x1B8E;
	s24 =	sld [smem:$0x3FFE];
	[sflag:s23] =	ssyncadd.s32 $0xFFFFFFFF  }
0xa5: {  	s26 =	simm.s32 $execute0_lowered;
	[smem:$0x3FD2] =	sst s25  }
0xa6: {  	s4 =	sshll.u32 s26, $0x1;
	_ =	strace $0x80000049;
	[dreg:$0x1] =	wrdreg $0xFFFFFFFF  }
0xa7: {  	s28 =	simm.s32 $_size_execute0_lowered;
	s2 =	sadd.s32 s2, s4;
	[dreg:$0x0] =	wrdreg $0x0  }
0xa8: {  	s4 =	sshll.u32 s28, $0x1;
	[dreg:$0x2] =	wrdreg s2  }
0xa9: {  	[dreg:$0x3] =	wrdreg s4  }
0xaa: {  	[dreg:$0x4] =	wrdreg $0xC0  }
0xab: {  	_ =	task [dreg:s6], $0x5FFFF  }
0xac: {  	[dreg:$0x1] =	wrdreg $0xFFFFFFFF  }
0xad: {  	[dreg:$0x0] =	wrdreg $0x60  }
0xae: {  	[dreg:$0x2] =	wrdreg s24  }
0xaf: {  	[dreg:$0x3] =	wrdreg $0x0  }
0xb0: {  	[dreg:$0x4] =	wrdreg $0x9  }
0xb1: {  	_ =	task.clear_ibuf [dreg:s6], $0x5FFFF;
	_ =	strace $0x90000049  }
0xb2: {  	s29 =	simm.s32 $0x9;
	_ =	strace $0x8000004B  }
0xb3: {  	_ =	swait.ge [sflag:s29], $0x1  }
0xb4: {  	[sflag:s29] =	ssyncadd.s32 $0xFFFFFFFF  }
0xb5: {  	_ =	strace $0x9000004B  }
0xb6: {  	_ =	sfence  }
0xb7: {  	s30 =	sld [smem:$0x0];
	_ =	sdelay $0x2  }
0xb8: {  	s31 =	sshll.u32 s1, $0xD;
	s1 =	sshrl.u32 s1, $0x2  }
0xb9: {  	s3 =	sand.u32 $0x4000, s31;
	s1 =	sadd.s32 s1, s30  }
0xba: {  	s0 =	sor.u32 s3, s0;
	s1 =	sshll.u32 s1, $0x11  }
0xbb: {  	s0 =	sor.u32 s1, s0  }
0xbc: {  	s0 =	sadd.s32 $0x8F2B, s0  }
0xbd: {  	[sflag:s0] =	ssyncadd.remote.s32 $0x1  }
0xbe: {  	_ =	sfence.sel $0xFFFF  }
0xbf: {  	[dreg:$0x0] =	wrdreg $0xFFFFFFFF;
	(pc) =	sbr.abs _section_cstart, $3  }
0xc0: {  	[dreg:$0x1] =	wrdreg $0xFFFFFFFF  }
0xc1: {  	_ =	task.clear_ibuf [dreg:s6], $0x2FFFF;
	_ =	strace $0x9FFFFFFF  }
0xc2: {  	(tm) =	ssettm $0x7FFFFFFF  }
0xc3: {  	_ =	shalt  }
tec
execute0_lowered:
.L_overlay_start_1:
0x0: {  	(tag) =	ssettag $0x1  }
0x1: {  	s8 =	rddreg [dreg:$0x0];
	s0 =	simm.s32 $0x0  }
0x2: {  	s1 =	srdreg.scid;
	s19 =	stileid.u32;
	s28 =	simm.s32 $0x15A00  }
0x3: {  	s29 =	simm.s32 $0x1E100;
	s30 =	simm.s32 $0x7;
	s12 =	smul.u32 $0x5000, s19  }
0x4: {  	s31 =	simm.s32 $0x8;
	s2 =	sand.u32 $0x1, s1;
	s14 =	smul.u32 $0x2800, s19  }
0x5: {  	[smem:$0x7FF] =	sst s0;
	s10 =	sadd.s32 $0x16A00, s8;
	s5 =	smul.u32 $0x50000, s2  }
0x6: {  	s11 =	sadd.s32 $0x78C00, s8;
	s9 =	sor.u32 $0x10, s19;
	s13 =	smul.u32 $0x138800, s2  }
0x7: {  	s7 =	sor.u32 $0x20, s19;
	s6 =	sor.u32 $0x30, s19;
	s21 =	smul.u32 $0x2800, s9  }
0x8: {  	s4 =	sor.u32 $0x40, s19;
	s1 =	ssub.s32 $0x2, s2;
	s17 =	smul.u32 $0x2800, s7  }
0x9: {  	p0 =	sgt.u32 s19, $0xC;
	s25 =	smul.u32 $0x2800, s6;
	s3 =	sshrl.u32 s1, $0x1  }
0xa: {  	s2 =	sor.u32 $0x60, s19;
	s26 =	smul.u32 $0x2800, s4;
	s1 =	ssub.s32 s1, s3  }
0xb: {  	s3 =	sor.u32 $0x50, s19;
	s15 =	sadd.s32 s12, s5;
	s20 =	sadd.s32 s14, s13  }
0xc: {  	s5 =	sor.u32 $0x70, s19;
	s12 =	sadd.s32 s13, s21;
	s24 =	sadd.s32 s13, s17  }
0xd: {  	s22 =	sshrl.u32 s15, $0x3;
	s16 =	sshrl.u32 s20, $0x3;
	s21 =	smul.u32 $0x2800, s3  }
0xe: {  	s12 =	sshrl.u32 s12, $0x3;
	s14 =	sshrl.u32 s24, $0x3;
	s24 =	smul.u32 $0x2800, s2  }
0xf: {  	s17 =	sor.u32 $0x1C0, s15;
	s1 =	smax.u32 s1, $0x1;
	s23 =	sadd.s32 s11, s16  }
0x10: {  	s20 =	sadd.s32 s10, s22;
	s12 =	sadd.s32 s11, s12;
	[dreg:$0x4] =	wrdreg s23  }
0x11: {  	s18 =	sadd.s32 s11, s14;
	s22 =	sadd.s32 s13, s25;
	[dreg:$0x5] =	wrdreg s12  }
0x12: {  	[dreg:$0x6] =	wrdreg s18;
	s23 =	sadd.s32 s13, s26;
	s14 =	sshrl.u32 s22, $0x3  }
0x13: {  	s18 =	smul.u32 $0x2800, s5;
	s12 =	sadd.s32 s13, s21;
	s26 =	sadd.s32 s13, s24  }
0x14: {  	s21 =	sor.u32 $0x140, s15;
	s22 =	sor.u32 $0x100, s15;
	s24 =	sshll.u32 s19, $0xD  }
0x15: {  	s16 =	sshrl.u32 s23, $0x3;
	s14 =	sadd.s32 s11, s14;
	s12 =	sshrl.u32 s12, $0x3  }
0x16: {  	s23 =	sshrl.u32 s22, $0x3;
	s22 =	sshll.u32 s4, $0xD;
	s4 =	smul.u32 $0xA000, s4  }
0x17: {  	[dreg:$0x7] =	wrdreg s14;
	s25 =	sadd.s32 s11, s16;
	s13 =	sadd.s32 s13, s18  }
0x18: {  	s16 =	sor.u32 $0x200, s15;
	s18 =	sor.u32 $0x180, s15;
	s15 =	rddreg [dreg:$0x1]  }
0x19: {  	s12 =	sadd.s32 s11, s12;
	s14 =	sshrl.u32 s26, $0x3;
	[dreg:$0x8] =	wrdreg s25  }
0x1a: {  	[dreg:$0x9] =	wrdreg s12;
	s13 =	sshrl.u32 s13, $0x3;
	s12 =	sadd.s32 s11, s14  }
0x1b: {  	s14 =	sshrl.u32 s21, $0x3;
	s25 =	sshll.u32 s9, $0xD;
	s21 =	sadd.s32 s24, s15  }
0x1c: {  	s24 =	sshll.u32 s3, $0xD;
	s3 =	smul.u32 $0xA000, s3;
	s4 =	sshrl.u32 s4, $0x2  }
0x1d: {  	[dreg:$0xa] =	wrdreg s12;
	s11 =	sadd.s32 s11, s13;
	s12 =	sshrl.u32 s17, $0x3  }
0x1e: {  	s13 =	sshrl.u32 s18, $0x3;
	s17 =	sadd.s32 s23, s10;
	s18 =	sadd.s32 $0x2AA00, s8  }
0x1f: {  	s8 =	sadd.s32 $0x2A00, s8;
	s26 =	sadd.s32 s25, s15;
	s23 =	sadd.s32 s22, s15  }
0x20: {  	s25 =	sshll.u32 s2, $0xD;
	s2 =	smul.u32 $0xA000, s2;
	s4 =	sadd.s32 s4, s15  }
0x21: {  	[dreg:$0xb] =	wrdreg s11;
	s11 =	sshrl.u32 s16, $0x3;
	s12 =	sadd.s32 s12, s10  }
0x22: {  	s13 =	sadd.s32 s13, s10;
	_ =	strace $0x8000004A;
	[dreg:$0xc] =	wrdreg s8  }
0x23: {  	s16 =	sadd.s32 s14, s10;
	s14 =	sshll.u32 s6, $0xD;
	[dreg:$0xe] =	wrdreg s26  }
0x24: {  	s22 =	sadd.s32 s25, s15;
	s6 =	smul.u32 $0xA000, s6;
	[dreg:$0x11] =	wrdreg s23  }
0x25: {  	s3 =	sshrl.u32 s3, $0x2;
	s11 =	sadd.s32 s11, s10;
	[dreg:$0x13] =	wrdreg s22  }
0x26: {  	s10 =	sshll.u32 s7, $0xD;
	s26 =	smul.u32 $0xA000, s19;
	[dreg:$0x15] =	wrdreg s1  }
0x27: {  	s7 =	smul.u32 $0xA000, s7;
	s3 =	sadd.s32 s3, s15;
	[dreg:$0xd] =	wrdreg s21  }
0x28: {  	s2 =	sshrl.u32 s2, $0x2;
	s22 =	sadd.s32 $0x100000, s21;
	[dreg:$0x3] =	wrdreg s20  }
0x29: {  	s8 =	sadd.s32 s10, s15;
	s6 =	sshrl.u32 s6, $0x2;
	[dreg:$0x1e] =	wrdreg s22  }
0x2a: {  	s2 =	sadd.s32 s2, s15;
	s22 =	simm.s32 $0x10;
	[dreg:$0xf] =	wrdreg s8  }
0x2b: {  	s8 =	sadd.s32 s14, s15;
	s23 =	sshrl.u32 s26, $0x2;
	s7 =	sshrl.u32 s7, $0x2  }
0x2c: {  	s6 =	sadd.s32 s6, s15;
	s14 =	sshrl.u32 s3, $0x3;
	s19 =	sshrl.u32 s2, $0x3  }
0x2d: {  	s2 =	simm.s32 $0x1BA00;
	[dreg:$0x10] =	wrdreg s8;
	s8 =	smul.u32 $0xA000, s9  }
0x2e: {  	s9 =	sadd.s32 s24, s15;
	s24 =	sshll.u32 s5, $0xD;
	[dreg:$0x1b] =	wrdreg s14  }
0x2f: {  	s7 =	sadd.s32 s7, s15;
	s5 =	smul.u32 $0xA000, s5;
	[dreg:$0x1c] =	wrdreg s19  }
0x30: {  	s19 =	simm.s32 $0x13A00;
	[dreg:$0x12] =	wrdreg s9;
	s10 =	sadd.s32 s24, s15  }
0x31: {  	s9 =	sadd.s32 s23, s15;
	s23 =	sadd.s32 $0x120000, s21;
	s24 =	sadd.s32 $0x8, s20  }
0x32: {  	s21 =	simm.s32 $0x4;
	[dreg:$0x14] =	wrdreg s10;
	s8 =	sshrl.u32 s8, $0x2  }
0x33: {  	s5 =	sshrl.u32 s5, $0x2;
	s25 =	sshrl.u32 s9, $0x3;
	[dreg:$0x1f] =	wrdreg s23  }
0x34: {  	s9 =	sshrl.u32 s6, $0x3;
	s10 =	sshrl.u32 s4, $0x3;
	[smem:$0x7FB] =	sst s24  }
0x35: {  	s24 =	simm.s32 $0x40;
	s4 =	simm.s32 $0xE;
	[dreg:$0x16] =	wrdreg s25  }
0x36: {  	s6 =	simm.s32 $0x19A00;
	s23 =	simm.s32 $0x1E080;
	[dreg:$0x19] =	wrdreg s9  }
0x37: {  	s8 =	sadd.s32 s8, s15;
	[dreg:$0x1a] =	wrdreg s10;
	s25 =	sadd.s32 $0x10, s20  }
0x38: {  	s5 =	sadd.s32 s5, s15;
	s26 =	sshrl.u32 s8, $0x3;
	[smem:$0x7FC] =	sst s25  }
.Ltmp0:
0x39: {  	s8 =	sshrl.u32 s7, $0x3;
	[dreg:$0x17] =	wrdreg s26;
	(pc) =	sbr.rel .LBB2_1-.Ltmp0, $4  }
0x3a: {  	s9 =	simm.s32 $0xF;
	s1 =	sshrl.u32 @!p0 s5, $0x3;
	[dreg:$0x18] =	wrdreg s8  }
0x3b: {  	s25 =	simm.s32 $0xC;
	s7 =	simm.s32 $0x2;
	[dreg:$0x1d] =	wrdreg s1  }
0x3c: {  	s26 =	sadd.s32 $0x18, s20;
	s20 =	simm.s32 $0xD;
	s1 =	simm.s32 $0x1  }
0x3d: {  	s8 =	simm.s32 $0x0;
	[smem:$0x7FD] =	sst s26;
	s26 =	simm.s32 $0x5  }
.LBB2_4:
0x3e: {  	_ =	swait.ge [sflag:s26], $0x2000  }
0x3f: {  	[sflag:s26] =	ssyncset.done $0x0  }
0x40: {  	s3 =	simm.s32 $0x6;
	[sflag:s26] =	ssyncadd.s32 $0xFFFFE000  }
0x41: {  	[spmem:s15] =	stream.indirect.scatter.add.f32 [tilespmem:s2], [sflag:$0xA], $0x80, s29, s24, $0xb8;
	[tilespmem:$0x1E180] =	vst v63  }
0x42: {  	_ =	swait.ge [sflag:s3], $0x2000  }
0x43: {  	[sflag:s3] =	ssyncset.done $0x0  }
0x44: {  	[sflag:s3] =	ssyncadd.s32 $0xFFFFE000  }
0x45: {  	_ =	swait.ge [sflag:s30], $0x2000  }
0x46: {  	[sflag:s30] =	ssyncset.done $0x0  }
0x47: {  	[sflag:s30] =	ssyncadd.s32 $0xFFFFE000  }
0x48: {  	_ =	swait.ge [sflag:s31], $0x2000  }
0x49: {  	[sflag:s31] =	ssyncset.done $0x0  }
0x4a: {  	s14 =	simm.s32 $0x9;
	[sflag:s31] =	ssyncadd.s32 $0xFFFFE000  }
0x4b: {  	_ =	swait.ge [sflag:s14], $0x2000  }
0x4c: {  	[sflag:s14] =	ssyncset.done $0x0  }
0x4d: {  	s5 =	simm.s32 $0xA;
	[sflag:s14] =	ssyncadd.s32 $0xFFFFE000  }
0x4e: {  	_ =	swait.ge [sflag:s5], $0x2000  }
0x4f: {  	[sflag:s5] =	ssyncset.done $0x0  }
0x50: {  	[sflag:s5] =	ssyncadd.s32 $0xFFFFE000  }
0x51: {  	s8 =	stileid.u32;
	[bflag:$0x0] =	sbarrier.arrive $0xFFFF  }
0x52: {  	s3 =	sshll.u32 s8, $0x6;
	s5 =	rddreg [dreg:$0x4]  }
0x53: {  	s3 =	sor.u32 $0x1C10, s3;
	s8 =	rddreg [dreg:$0x16]  }
0x54: {  	[hbm:s5], [sflag:s3] =	dma.local [spmem:s8], $0x500  }
0x55: {  	s5 =	rddreg [dreg:$0x5]  }
0x56: {  	s8 =	rddreg [dreg:$0x17]  }
0x57: {  	[hbm:s5], [sflag:s3] =	dma.local [spmem:s8], $0x500  }
0x58: {  	s5 =	rddreg [dreg:$0x6]  }
0x59: {  	s8 =	rddreg [dreg:$0x18]  }
0x5a: {  	[hbm:s5], [sflag:s3] =	dma.local [spmem:s8], $0x500  }
0x5b: {  	s5 =	rddreg [dreg:$0x7]  }
0x5c: {  	s8 =	rddreg [dreg:$0x19]  }
0x5d: {  	[hbm:s5], [sflag:s3] =	dma.local [spmem:s8], $0x500  }
0x5e: {  	s5 =	rddreg [dreg:$0x8]  }
0x5f: {  	s8 =	rddreg [dreg:$0x1a]  }
0x60: {  	[hbm:s5], [sflag:s3] =	dma.local [spmem:s8], $0x500  }
0x61: {  	s5 =	rddreg [dreg:$0x9]  }
0x62: {  	s8 =	rddreg [dreg:$0x1b]  }
0x63: {  	[hbm:s5], [sflag:s3] =	dma.local [spmem:s8], $0x500  }
0x64: {  	s5 =	rddreg [dreg:$0xa]  }
0x65: {  	s8 =	rddreg [dreg:$0x1c]  }
0x66: {  	[hbm:s5], [sflag:s3] =	dma.local [spmem:s8], $0x500  }
0x67: {  	s5 =	rddreg [dreg:$0xb]  }
0x68: {  	s8 =	rddreg [dreg:$0x1d]  }
0x69: {  	[hbm:s5], [sflag:s3] =	dma.local @!p0 [spmem:s8], $0x500  }
0x6a: {  	_ =	swait.ge [sflag:s22], $0x500  }
0x6b: {  	[sflag:s22] =	ssyncset.done $0x0  }
0x6c: {  	[sflag:s22] =	ssyncadd.s32 $0xFFFFFB00  }
0x6d: {  	_ =	swait.ge [sflag:s22], $0x500  }
0x6e: {  	[sflag:s22] =	ssyncset.done $0x0  }
0x6f: {  	[sflag:s22] =	ssyncadd.s32 $0xFFFFFB00  }
0x70: {  	_ =	swait.ge [sflag:s22], $0x500  }
0x71: {  	[sflag:s22] =	ssyncset.done $0x0  }
0x72: {  	[sflag:s22] =	ssyncadd.s32 $0xFFFFFB00  }
0x73: {  	_ =	swait.ge [sflag:s22], $0x500  }
0x74: {  	[sflag:s22] =	ssyncset.done $0x0  }
0x75: {  	[sflag:s22] =	ssyncadd.s32 $0xFFFFFB00  }
0x76: {  	_ =	swait.ge [sflag:s22], $0x500  }
0x77: {  	[sflag:s22] =	ssyncset.done $0x0  }
0x78: {  	[sflag:s22] =	ssyncadd.s32 $0xFFFFFB00  }
0x79: {  	_ =	swait.ge [sflag:s22], $0x500  }
0x7a: {  	[sflag:s22] =	ssyncset.done $0x0  }
0x7b: {  	[sflag:s22] =	ssyncadd.s32 $0xFFFFFB00  }
0x7c: {  	_ =	swait.ge [sflag:s22], $0x500  }
0x7d: {  	[sflag:s22] =	ssyncset.done $0x0  }
0x7e: {  	s3 =	simm.s32 @!p0 $0x10;
	[sflag:s22] =	ssyncadd.s32 $0xFFFFFB00  }
0x7f: {  	_ =	swait.ge @!p0 [sflag:s3], $0x500  }
0x80: {  	s10 =	sld [smem:$0x7FA];
	_ =	sdelay $0x2  }
0x81: {  	s14 =	rddreg [dreg:$0x15];
	s8 =	sadd.s32 $0x1, s10  }
0x82: {  	p1 =	sne.s32 s8, s14  }
.Ltmp1:
0x83: {  	_ = 	snop;
	(pc) =	sbr.rel @!p1 .LBB2_5-.Ltmp1, $3  }
0x84: {  	_ =	sdelay $0x1  }
0x85: {  	[sflag:s3] =	ssyncset.done @!p0 $0x0  }
0x86: {  	[sflag:s3] =	ssyncadd.s32 @!p0 $0xFFFFFB00  }
.LBB2_1:
0x87: {  	[smem:$0x7FA] =	sst s8  }
0x88: {  	s3 =	rddreg [dreg:$0xc];
	s5 =	simm.s32 $0x11  }
0x89: {  	[tilespmem:s19], [sflag:$0x11] =	stream.linear.gather [hbm4b:s3+s0], $0x2000, $0x38;
	[tilespmem:$0x1E180] =	vst v63  }
0x8a: {  	_ =	swait.ge [sflag:s5], $0x2000  }
0x8b: {  	[sflag:s5] =	ssyncset.done $0x0  }
0x8c: {  	s8 =	rddreg [dreg:$0xd];
	[sflag:s5] =	ssyncadd.s32 $0xFFFFE000  }
0x8d: {  	[spmem:s8] =	stream.linear.scatter [tilespmem:s19], [sflag:$0x10], $0x2000, $0x38;
	[tilespmem:$0x1E180] =	vst v63  }
0x8e: {  	s10 =	rddreg [dreg:$0xe]  }
0x8f: {  	[spmem:s10] =	stream.linear.scatter [tilespmem:s19], [sflag:$0x10], $0x2000, $0x38;
	[tilespmem:$0x1E180] =	vst v63  }
0x90: {  	s14 =	rddreg [dreg:$0xf]  }
0x91: {  	[spmem:s14] =	stream.linear.scatter [tilespmem:s19], [sflag:$0x10], $0x2000, $0x38;
	[tilespmem:$0x1E180] =	vst v63  }
0x92: {  	s5 =	rddreg [dreg:$0x10]  }
0x93: {  	[spmem:s5] =	stream.linear.scatter [tilespmem:s19], [sflag:$0x10], $0x2000, $0x38;
	[tilespmem:$0x1E180] =	vst v63  }
0x94: {  	s8 =	rddreg [dreg:$0x11]  }
0x95: {  	[spmem:s8] =	stream.linear.scatter [tilespmem:s19], [sflag:$0x10], $0x2000, $0x38;
	[tilespmem:$0x1E180] =	vst v63  }
0x96: {  	s10 =	rddreg [dreg:$0x12]  }
0x97: {  	[spmem:s10] =	stream.linear.scatter [tilespmem:s19], [sflag:$0x10], $0x2000, $0x38;
	[tilespmem:$0x1E180] =	vst v63  }
0x98: {  	s14 =	rddreg [dreg:$0x13]  }
0x99: {  	[spmem:s14] =	stream.linear.scatter [tilespmem:s19], [sflag:$0x10], $0x2000, $0x38;
	[tilespmem:$0x1E180] =	vst v63  }
0x9a: {  	s5 =	rddreg [dreg:$0x14]  }
0x9b: {  	[spmem:s5] =	stream.linear.scatter [tilespmem:s19], [sflag:$0x10], $0x2000, $0x38;
	[tilespmem:$0x1E180] =	vst v63  }
0x9c: {  	s8 =	rddreg [dreg:$0x1e]  }
0x9d: {  	[spmem:s8] =	stream.linear.scatter [tilespmem:s19], [sflag:$0x10], $0x2000, $0x38;
	[tilespmem:$0x1E180] =	vst v63  }
0x9e: {  	s3 =	simm.s32 @!p0 $0x13A00;
	s5 =	rddreg [dreg:$0x1f]  }
0x9f: {  	[spmem:s5] =	stream.linear.scatter @!p0 [tilespmem:s3], [sflag:$0x10], $0x2000, $0x38;
	[tilespmem:$0x1E180] =	vst v63  }
0xa0: {  	_ =	swait.ge [sflag:s22], $0x2000  }
0xa1: {  	[sflag:s22] =	ssyncset.done $0x0  }
0xa2: {  	[sflag:s22] =	ssyncadd.s32 $0xFFFFE000  }
0xa3: {  	_ =	swait.ge [sflag:s22], $0x2000  }
0xa4: {  	[sflag:s22] =	ssyncset.done $0x0  }
0xa5: {  	[sflag:s22] =	ssyncadd.s32 $0xFFFFE000  }
0xa6: {  	_ =	swait.ge [sflag:s22], $0x2000  }
0xa7: {  	[sflag:s22] =	ssyncset.done $0x0  }
0xa8: {  	[sflag:s22] =	ssyncadd.s32 $0xFFFFE000  }
0xa9: {  	_ =	swait.ge [sflag:s22], $0x2000  }
0xaa: {  	[sflag:s22] =	ssyncset.done $0x0  }
0xab: {  	[sflag:s22] =	ssyncadd.s32 $0xFFFFE000  }
0xac: {  	_ =	swait.ge [sflag:s22], $0x2000  }
0xad: {  	[sflag:s22] =	ssyncset.done $0x0  }
0xae: {  	[sflag:s22] =	ssyncadd.s32 $0xFFFFE000  }
0xaf: {  	_ =	swait.ge [sflag:s22], $0x2000  }
0xb0: {  	[sflag:s22] =	ssyncset.done $0x0  }
0xb1: {  	[sflag:s22] =	ssyncadd.s32 $0xFFFFE000  }
0xb2: {  	_ =	swait.ge [sflag:s22], $0x2000  }
0xb3: {  	[sflag:s22] =	ssyncset.done $0x0  }
0xb4: {  	[sflag:s22] =	ssyncadd.s32 $0xFFFFE000  }
0xb5: {  	_ =	swait.ge [sflag:s22], $0x2000  }
0xb6: {  	[sflag:s22] =	ssyncset.done $0x0  }
0xb7: {  	[sflag:s22] =	ssyncadd.s32 $0xFFFFE000  }
0xb8: {  	_ =	swait.ge [sflag:s22], $0x2000  }
0xb9: {  	[sflag:s22] =	ssyncset.done $0x0  }
0xba: {  	s3 =	simm.s32 @!p0 $0x10;
	[sflag:s22] =	ssyncadd.s32 $0xFFFFE000  }
0xbb: {  	_ =	swait.ge @!p0 [sflag:s3], $0x2000  }
0xbc: {  	[sflag:s3] =	ssyncset.done @!p0 $0x0  }
0xbd: {  	[sflag:s3] =	ssyncadd.s32 @!p0 $0xFFFFE000  }
0xbe: {  	[bflag:$0x0] =	sbarrier.arrive $0xFFFF  }
0xbf: {  	s10 =	rddreg [dreg:$0x3]  }
0xc0: {  	s14 =	simm.s32 $0x1DA00;
	s5 =	sld [smem:$0x7FB]  }
0xc1: {  	[tilespmem:s14], [sflag:$0xB] =	stream.linear.gather [hbm4b:s10+s0], $0x40, $0x38;
	[tilespmem:$0x1E180] =	vst v63  }
0xc2: {  	s8 =	simm.s32 $0x1DA80;
	s10 =	sld [smem:$0x7FC]  }
0xc3: {  	[tilespmem:s8], [sflag:$0xC] =	stream.linear.gather [hbm4b:s5+s0], $0x40, $0x38;
	[tilespmem:$0x1E180] =	vst v63  }
0xc4: {  	s14 =	simm.s32 $0x1DB00;
	s8 =	simm.s32 $0xB  }
0xc5: {  	[tilespmem:s14], [sflag:$0xD] =	stream.linear.gather [hbm4b:s10+s0], $0x40, $0x38;
	[tilespmem:$0x1E180] =	vst v63  }
0xc6: {  	_ =	swait.ge [sflag:s8], $0x40  }
0xc7: {  	[sflag:s8] =	ssyncset.done $0x0  }
0xc8: {  	[sflag:s8] =	ssyncadd.s32 $0xFFFFFFC0  }
0xc9: {  	v0 =	vld [tilespmem:$0x1DA00];
	_ =	sdelay $0x1  }
0xca: {  	v1 =	vld [tilespmem:$0x1DA10];
	_ =	sdelay $0x1  }
0xcb: {  	v2 =	vld [tilespmem:$0x1DA20]  }
0xcc: {  	v3 =	vand.u32 $0xFFFF, v0  }
0xcd: {  	v35 =	vld [tilespmem:$0x1DA30];
	v0 =	vshrl.u32 v0, $0x10;
	[tilespmem:$0x1DC80] =	vst v3  }
0xce: {  	v36 =	vand.u32 $0xFFFF, v1;
	[tilespmem:$0x1DF00] =	vst v0  }
0xcf: {  	v37 =	vshrl.u32 v1, $0x10;
	[tilespmem:$0x1DC90] =	vst v36  }
0xd0: {  	v38 =	vand.u32 $0xFFFF, v2;
	[tilespmem:$0x1DF10] =	vst v37  }
0xd1: {  	v39 =	vshrl.u32 v2, $0x10;
	[tilespmem:$0x1DCA0] =	vst v38  }
0xd2: {  	v40 =	vand.u32 $0xFFFF, v35;
	[tilespmem:$0x1DF20] =	vst v39  }
0xd3: {  	v41 =	vshrl.u32 v35, $0x10;
	[tilespmem:$0x1DCB0] =	vst v40  }
0xd4: {  	s10 =	simm.s32 $0x1DC80;
	[tilespmem:$0x1DF30] =	vst v41  }
0xd5: {  	[tilespmem:s19], [sflag:$0x1] =	stream.indirect.gather [hbm4b:s18+s24], $0x80, s10, s24, $0xb8;
	[tilespmem:$0x1E180] =	vst v63  }
0xd6: {  	_ =	swait.ge [sflag:s25], $0x40  }
0xd7: {  	[sflag:s25] =	ssyncset.done $0x0  }
0xd8: {  	[sflag:s25] =	ssyncadd.s32 $0xFFFFFFC0  }
0xd9: {  	v42 =	vld [tilespmem:$0x1DA80];
	_ =	sdelay $0x1  }
0xda: {  	v43 =	vld [tilespmem:$0x1DA90];
	_ =	sdelay $0x1  }
0xdb: {  	v44 =	vld [tilespmem:$0x1DAA0]  }
0xdc: {  	v45 =	vand.u32 $0xFFFF, v42  }
0xdd: {  	v46 =	vld [tilespmem:$0x1DAB0];
	v0 =	vshrl.u32 v42, $0x10;
	[tilespmem:$0x1DD00] =	vst v45  }
0xde: {  	v47 =	vand.u32 $0xFFFF, v43;
	[tilespmem:$0x1DF80] =	vst v0  }
0xdf: {  	v48 =	vshrl.u32 v43, $0x10;
	[tilespmem:$0x1DD10] =	vst v47  }
0xe0: {  	v49 =	vand.u32 $0xFFFF, v44;
	[tilespmem:$0x1DF90] =	vst v48  }
0xe1: {  	v50 =	vshrl.u32 v44, $0x10;
	[tilespmem:$0x1DD20] =	vst v49  }
0xe2: {  	v51 =	vand.u32 $0xFFFF, v46;
	[tilespmem:$0x1DFA0] =	vst v50  }
0xe3: {  	v52 =	vshrl.u32 v46, $0x10;
	[tilespmem:$0x1DD30] =	vst v51  }
0xe4: {  	s14 =	simm.s32 $0x1DD00;
	[tilespmem:$0x1DFB0] =	vst v52  }
0xe5: {  	[tilespmem:s28], [sflag:$0x2] =	stream.indirect.gather [hbm4b:s18+s24], $0x80, s14, s24, $0xb8;
	[tilespmem:$0x1E180] =	vst v63  }
0xe6: {  	_ =	swait.ge [sflag:s20], $0x40  }
0xe7: {  	[sflag:s20] =	ssyncset.done $0x0  }
0xe8: {  	[sflag:s20] =	ssyncadd.s32 $0xFFFFFFC0  }
0xe9: {  	v53 =	vld [tilespmem:$0x1DB00];
	_ =	sdelay $0x1  }
0xea: {  	v54 =	vld [tilespmem:$0x1DB10];
	_ =	sdelay $0x1  }
0xeb: {  	v55 =	vld [tilespmem:$0x1DB20]  }
0xec: {  	v56 =	vand.u32 $0xFFFF, v53  }
0xed: {  	v57 =	vld [tilespmem:$0x1DB30];
	v0 =	vshrl.u32 v53, $0x10;
	[tilespmem:$0x1DD80] =	vst v56  }
0xee: {  	v58 =	vand.u32 $0xFFFF, v54;
	[tilespmem:$0x1E000] =	vst v0  }
0xef: {  	v59 =	vshrl.u32 v54, $0x10;
	[tilespmem:$0x1DD90] =	vst v58  }
0xf0: {  	v60 =	vand.u32 $0xFFFF, v55;
	[tilespmem:$0x1E010] =	vst v59  }
0xf1: {  	v61 =	vshrl.u32 v55, $0x10;
	[tilespmem:$0x1DDA0] =	vst v60  }
0xf2: {  	v62 =	vand.u32 $0xFFFF, v57;
	[tilespmem:$0x1E020] =	vst v61  }
0xf3: {  	v63 =	vshrl.u32 v57, $0x10;
	[tilespmem:$0x1DDB0] =	vst v62  }
0xf4: {  	s5 =	simm.s32 $0x1DD80;
	s8 =	simm.s32 $0x17A00;
	s10 =	sld [smem:$0x7FD];
	[tilespmem:$0x1E030] =	vst v63  }
0xf5: {  	[tilespmem:s8], [sflag:$0x3] =	stream.indirect.gather [hbm4b:s18+s24], $0x80, s5, s24, $0xb8;
	[tilespmem:$0x1E180] =	vst v63  }
0xf6: {  	s14 =	simm.s32 $0x1DB80  }
0xf7: {  	[tilespmem:s14], [sflag:$0xE] =	stream.linear.gather [hbm4b:s10+s0], $0x40, $0x38;
	[tilespmem:$0x1E180] =	vst v63  }
0xf8: {  	s14 =	simm.s32 $0x0  }
.LBB2_2:
0xf9: {  	s3 =	sadd.s32 s14, s17;
	s5 =	simm.s32 $0x1DC00  }
0xfa: {  	[tilespmem:s5], [sflag:$0xF] =	stream.linear.gather [hbm4b:s3+s0], $0x40, $0x38;
	[tilespmem:$0x1E180] =	vst v63  }
0xfb: {  	_ =	swait.ge [sflag:s1], $0x2000  }
0xfc: {  	p2 =	seq.s32 s14, $0x0;
	[sflag:s1] =	ssyncset.done $0x0  }
0xfd: {  	s10 =	simm.s32 $0x1DF00;
	s3 =	simm.s32 @!p2 $0x9;
	[sflag:s1] =	ssyncadd.s32 $0xFFFFE000  }
0xfe: {  	[spmem:s15] =	stream.indirect.scatter.add.f32 [tilespmem:s19], [sflag:$0x6], $0x80, s10, s24, $0xb8;
	[tilespmem:$0x1E180] =	vst v63  }
0xff: {  	_ =	swait.ge @!p2 [sflag:s3], $0x2000  }
0x100: {  	[sflag:s3] =	ssyncset.done @!p2 $0x0  }
0x101: {  	[sflag:s3] =	ssyncadd.s32 @!p2 $0xFFFFE000  }
0x102: {  	_ =	swait.ge [sflag:s4], $0x40  }
0x103: {  	[sflag:s4] =	ssyncset.done $0x0  }
0x104: {  	[sflag:s4] =	ssyncadd.s32 $0xFFFFFFC0  }
0x105: {  	v0 =	vld [tilespmem:$0x1DB80];
	_ =	sdelay $0x1  }
0x106: {  	v1 =	vld [tilespmem:$0x1DB90];
	_ =	sdelay $0x1  }
0x107: {  	v2 =	vld [tilespmem:$0x1DBA0]  }
0x108: {  	v3 =	vand.u32 $0xFFFF, v0  }
0x109: {  	v46 =	vld [tilespmem:$0x1DBB0];
	v0 =	vshrl.u32 v0, $0x10;
	[tilespmem:$0x1DE00] =	vst v3  }
0x10a: {  	v47 =	vand.u32 $0xFFFF, v1;
	[tilespmem:$0x1E080] =	vst v0  }
0x10b: {  	v48 =	vshrl.u32 v1, $0x10;
	[tilespmem:$0x1DE10] =	vst v47  }
0x10c: {  	v49 =	vand.u32 $0xFFFF, v2;
	[tilespmem:$0x1E090] =	vst v48  }
0x10d: {  	v50 =	vshrl.u32 v2, $0x10;
	[tilespmem:$0x1DE20] =	vst v49  }
0x10e: {  	v51 =	vand.u32 $0xFFFF, v46;
	[tilespmem:$0x1E0A0] =	vst v50  }
0x10f: {  	v52 =	vshrl.u32 v46, $0x10;
	[tilespmem:$0x1DE30] =	vst v51  }
0x110: {  	p1 =	seq.s32 s14, $0x9D8;
	s5 =	simm.s32 $0x1DE00;
	[tilespmem:$0x1E0B0] =	vst v52  }
0x111: {  	[tilespmem:s6], [sflag:$0x4] =	stream.indirect.gather [hbm4b:s18+s24], $0x80, s5, s24, $0xb8;
	[tilespmem:$0x1E180] =	vst v63  }
0x112: {  	s8 =	simm.s32 @!p1 $0x1DA00;
	s3 =	simm.s32 @!p1 $0x0;
	s5 =	sadd.s32 @!p1 s14, s16  }
0x113: {  	[tilespmem:s8], [sflag:$0xB] =	stream.linear.gather @!p1 [hbm4b:s5+s3], $0x40, $0x38;
	[tilespmem:$0x1E180] =	vst v63  }
0x114: {  	_ =	swait.ge [sflag:s7], $0x2000  }
0x115: {  	[sflag:s7] =	ssyncset.done $0x0  }
0x116: {  	s8 =	simm.s32 $0x1DF80;
	s5 =	simm.s32 @!p2 $0xA;
	[sflag:s7] =	ssyncadd.s32 $0xFFFFE000  }
0x117: {  	[spmem:s15] =	stream.indirect.scatter.add.f32 [tilespmem:s28], [sflag:$0x7], $0x80, s8, s24, $0xb8;
	[tilespmem:$0x1E180] =	vst v63  }
0x118: {  	_ =	swait.ge @!p2 [sflag:s5], $0x2000  }
0x119: {  	[sflag:s5] =	ssyncset.done @!p2 $0x0  }
0x11a: {  	[sflag:s5] =	ssyncadd.s32 @!p2 $0xFFFFE000  }
0x11b: {  	_ =	swait.ge [sflag:s9], $0x40  }
0x11c: {  	[sflag:s9] =	ssyncset.done $0x0  }
0x11d: {  	[sflag:s9] =	ssyncadd.s32 $0xFFFFFFC0  }
0x11e: {  	v53 =	vld [tilespmem:$0x1DC00];
	_ =	sdelay $0x1  }
0x11f: {  	v54 =	vld [tilespmem:$0x1DC10];
	_ =	sdelay $0x1  }
0x120: {  	v55 =	vld [tilespmem:$0x1DC20]  }
0x121: {  	v56 =	vand.u32 $0xFFFF, v53  }
0x122: {  	v57 =	vld [tilespmem:$0x1DC30];
	v0 =	vshrl.u32 v53, $0x10;
	[tilespmem:$0x1DE80] =	vst v56  }
0x123: {  	v58 =	vand.u32 $0xFFFF, v54;
	[tilespmem:$0x1E100] =	vst v0  }
0x124: {  	v59 =	vshrl.u32 v54, $0x10;
	[tilespmem:$0x1DE90] =	vst v58  }
0x125: {  	v60 =	vand.u32 $0xFFFF, v55;
	[tilespmem:$0x1E110] =	vst v59  }
0x126: {  	v61 =	vshrl.u32 v55, $0x10;
	[tilespmem:$0x1DEA0] =	vst v60  }
0x127: {  	v62 =	vand.u32 $0xFFFF, v57;
	[tilespmem:$0x1E120] =	vst v61  }
0x128: {  	v63 =	vshrl.u32 v57, $0x10;
	[tilespmem:$0x1DEB0] =	vst v62  }
0x129: {  	s10 =	simm.s32 $0x1DE80;
	s5 =	simm.s32 @p1 $0x3;
	[tilespmem:$0x1E130] =	vst v63  }
0x12a: {  	[tilespmem:s2], [sflag:$0x5] =	stream.indirect.gather [hbm4b:s18+s24], $0x80, s10, s24, $0xb8;
	[tilespmem:$0x1E180] =	vst v63  }
0x12b: {  	_ =	swait.ge @p1 [sflag:s5], $0x2000  }
0x12c: {  	s8 =	simm.s32 @p1 $0x1E000;
	[sflag:s5] =	ssyncset.done @p1 $0x0  }
0x12d: {  	s10 =	simm.s32 @p1 $0x17A00;
	[sflag:s5] =	ssyncadd.s32 @p1 $0xFFFFE000;
	s5 =	simm.s32 @p1 $0x40  }
0x12e: {  	[spmem:s15] =	stream.indirect.scatter.add.f32 @p1 [tilespmem:s10], [sflag:$0x8], $0x80, s8, s5, $0xb8;
	[tilespmem:$0x1E180] =	vst v63  }
0x12f: {  	s5 =	sadd.s32 @!p1 s14, s13;
	s8 =	simm.s32 @!p1 $0x1DA80  }
0x130: {  	[tilespmem:s8], [sflag:$0xC] =	stream.linear.gather @!p1 [hbm4b:s5+s3], $0x40, $0x38;
	[tilespmem:$0x1E180] =	vst v63  }
0x131: {  	s5 =	simm.s32 @!p1 $0x3  }
0x132: {  	_ =	swait.ge @!p1 [sflag:s5], $0x2000  }
0x133: {  	s10 =	simm.s32 @!p1 $0x17A00;
	[sflag:s5] =	ssyncset.done @!p1 $0x0  }
0x134: {  	s8 =	simm.s32 @!p1 $0x1E000;
	[sflag:s5] =	ssyncadd.s32 @!p1 $0xFFFFE000;
	s5 =	simm.s32 @!p1 $0x40  }
0x135: {  	[spmem:s15] =	stream.indirect.scatter.add.f32 @!p1 [tilespmem:s10], [sflag:$0x8], $0x80, s8, s5, $0xb8;
	[tilespmem:$0x1E180] =	vst v63  }
0x136: {  	s8 =	simm.s32 @!p1 $0x6  }
0x137: {  	_ =	swait.ge @!p1 [sflag:s8], $0x2000  }
0x138: {  	[sflag:s8] =	ssyncset.done @!p1 $0x0  }
0x139: {  	[sflag:s8] =	ssyncadd.s32 @!p1 $0xFFFFE000;
	s8 =	simm.s32 @!p1 $0xB  }
0x13a: {  	_ =	swait.ge @!p1 [sflag:s8], $0x40  }
0x13b: {  	[sflag:s8] =	ssyncset.done @!p1 $0x0  }
0x13c: {  	[sflag:s8] =	ssyncadd.s32 @!p1 $0xFFFFFFC0  }
0x13d: {  	v0 =	vld @!p1 [tilespmem:$0x1DA00];
	_ =	sdelay $0x1  }
0x13e: {  	v1 =	vld @!p1 [tilespmem:$0x1DA10];
	_ =	sdelay $0x1  }
0x13f: {  	v2 =	vld @!p1 [tilespmem:$0x1DA20]  }
0x140: {  	v3 =	vand.u32 @!p1 $0xFFFF, v0  }
0x141: {  	v0 =	vshrl.u32 @!p1 v0, $0x10;
	[tilespmem:$0x1DC80] =	vst @!p1 v3;
	v3 =	vld @!p1 [tilespmem:$0x1DA30]  }
0x142: {  	[tilespmem:$0x1DF00] =	vst @!p1 v0;
	v0 =	vand.u32 @!p1 $0xFFFF, v1  }
0x143: {  	[tilespmem:$0x1DC90] =	vst @!p1 v0;
	v0 =	vshrl.u32 @!p1 v1, $0x10  }
0x144: {  	[tilespmem:$0x1DF10] =	vst @!p1 v0;
	v0 =	vand.u32 @!p1 $0xFFFF, v2  }
0x145: {  	[tilespmem:$0x1DCA0] =	vst @!p1 v0;
	v0 =	vshrl.u32 @!p1 v2, $0x10  }
0x146: {  	[tilespmem:$0x1DF20] =	vst @!p1 v0;
	v0 =	vand.u32 @!p1 $0xFFFF, v3  }
0x147: {  	[tilespmem:$0x1DCB0] =	vst @!p1 v0;
	v0 =	vshrl.u32 @!p1 v3, $0x10  }
0x148: {  	s10 =	simm.s32 @!p1 $0x13A00;
	s8 =	simm.s32 @!p1 $0x1DC80;
	[tilespmem:$0x1DF30] =	vst @!p1 v0  }
0x149: {  	[tilespmem:s10], [sflag:$0x1] =	stream.indirect.gather @!p1 [hbm4b:s18+s5], $0x80, s8, s5, $0xb8;
	[tilespmem:$0x1E180] =	vst v63  }
0x14a: {  	s5 =	sadd.s32 @!p1 s14, s12;
	s8 =	simm.s32 @!p1 $0x1DB00  }
0x14b: {  	[tilespmem:s8], [sflag:$0xD] =	stream.linear.gather @!p1 [hbm4b:s5+s3], $0x40, $0x38;
	[tilespmem:$0x1E180] =	vst v63  }
.Ltmp2:
0x14c: {  	_ = 	snop;
	(pc) =	sbr.rel @p1 .LBB2_4-.Ltmp2, $4  }
0x14d: {  	_ =	swait.ge [sflag:s21], $0x2000  }
0x14e: {  	[sflag:s21] =	ssyncset.done $0x0  }
0x14f: {  	[sflag:s21] =	ssyncadd.s32 $0xFFFFE000  }
0x150: {  	[spmem:s15] =	stream.indirect.scatter.add.f32 [tilespmem:s6], [sflag:$0x9], $0x80, s23, s24, $0xb8;
	[tilespmem:$0x1E180] =	vst v63  }
0x151: {  	_ =	swait.ge [sflag:s30], $0x2000  }
0x152: {  	[sflag:s30] =	ssyncset.done $0x0  }
0x153: {  	[sflag:s30] =	ssyncadd.s32 $0xFFFFE000  }
0x154: {  	_ =	swait.ge [sflag:s25], $0x40  }
0x155: {  	[sflag:s25] =	ssyncset.done $0x0  }
0x156: {  	[sflag:s25] =	ssyncadd.s32 $0xFFFFFFC0  }
0x157: {  	v0 =	vld [tilespmem:$0x1DA80];
	_ =	sdelay $0x1  }
0x158: {  	v1 =	vld [tilespmem:$0x1DA90];
	_ =	sdelay $0x1  }
0x159: {  	v2 =	vld [tilespmem:$0x1DAA0]  }
0x15a: {  	v3 =	vand.u32 $0xFFFF, v0  }
0x15b: {  	v46 =	vld [tilespmem:$0x1DAB0];
	v0 =	vshrl.u32 v0, $0x10;
	[tilespmem:$0x1DD00] =	vst v3  }
0x15c: {  	v47 =	vand.u32 $0xFFFF, v1;
	[tilespmem:$0x1DF80] =	vst v0  }
0x15d: {  	v48 =	vshrl.u32 v1, $0x10;
	[tilespmem:$0x1DD10] =	vst v47  }
0x15e: {  	v49 =	vand.u32 $0xFFFF, v2;
	[tilespmem:$0x1DF90] =	vst v48  }
0x15f: {  	v50 =	vshrl.u32 v2, $0x10;
	[tilespmem:$0x1DD20] =	vst v49  }
0x160: {  	v51 =	vand.u32 $0xFFFF, v46;
	[tilespmem:$0x1DFA0] =	vst v50  }
0x161: {  	v52 =	vshrl.u32 v46, $0x10;
	[tilespmem:$0x1DD30] =	vst v51  }
0x162: {  	s3 =	simm.s32 $0x1DD00;
	[tilespmem:$0x1DFB0] =	vst v52  }
0x163: {  	[tilespmem:s28], [sflag:$0x2] =	stream.indirect.gather [hbm4b:s18+s24], $0x80, s3, s24, $0xb8;
	[tilespmem:$0x1E180] =	vst v63  }
0x164: {  	s10 =	sadd.s32 s14, s11;
	s5 =	simm.s32 $0x1DB80  }
0x165: {  	[tilespmem:s5], [sflag:$0xE] =	stream.linear.gather [hbm4b:s10+s0], $0x40, $0x38;
	[tilespmem:$0x1E180] =	vst v63  }
0x166: {  	_ =	swait.ge [sflag:s26], $0x2000  }
0x167: {  	[sflag:s26] =	ssyncset.done $0x0  }
0x168: {  	[sflag:s26] =	ssyncadd.s32 $0xFFFFE000  }
0x169: {  	[spmem:s15] =	stream.indirect.scatter.add.f32 [tilespmem:s2], [sflag:$0xA], $0x80, s29, s24, $0xb8;
	[tilespmem:$0x1E180] =	vst v63  }
0x16a: {  	_ =	swait.ge [sflag:s31], $0x2000  }
0x16b: {  	[sflag:s31] =	ssyncset.done $0x0  }
0x16c: {  	[sflag:s31] =	ssyncadd.s32 $0xFFFFE000  }
0x16d: {  	_ =	swait.ge [sflag:s20], $0x40  }
0x16e: {  	[sflag:s20] =	ssyncset.done $0x0  }
0x16f: {  	[sflag:s20] =	ssyncadd.s32 $0xFFFFFFC0  }
0x170: {  	v53 =	vld [tilespmem:$0x1DB00];
	_ =	sdelay $0x1  }
0x171: {  	v54 =	vld [tilespmem:$0x1DB10];
	_ =	sdelay $0x1  }
0x172: {  	v55 =	vld [tilespmem:$0x1DB20]  }
0x173: {  	v56 =	vand.u32 $0xFFFF, v53  }
0x174: {  	v57 =	vld [tilespmem:$0x1DB30];
	v0 =	vshrl.u32 v53, $0x10;
	[tilespmem:$0x1DD80] =	vst v56  }
0x175: {  	v58 =	vand.u32 $0xFFFF, v54;
	[tilespmem:$0x1E000] =	vst v0  }
0x176: {  	v59 =	vshrl.u32 v54, $0x10;
	[tilespmem:$0x1DD90] =	vst v58  }
0x177: {  	v60 =	vand.u32 $0xFFFF, v55;
	[tilespmem:$0x1E010] =	vst v59  }
.Ltmp3:
0x178: {  	v61 =	vshrl.u32 v55, $0x10;
	[tilespmem:$0x1DDA0] =	vst v60;
	(pc) =	sbr.rel .LBB2_2-.Ltmp3, $4  }
0x179: {  	v62 =	vand.u32 $0xFFFF, v57;
	[tilespmem:$0x1E020] =	vst v61  }
0x17a: {  	v63 =	vshrl.u32 v57, $0x10;
	[tilespmem:$0x1DDB0] =	vst v62  }
0x17b: {  	s8 =	simm.s32 $0x1DD80;
	s14 =	sadd.s32 $0x28, s14;
	s10 =	simm.s32 $0x17A00;
	[tilespmem:$0x1E030] =	vst v63  }
0x17c: {  	[tilespmem:s10], [sflag:$0x3] =	stream.indirect.gather [hbm4b:s18+s24], $0x80, s8, s24, $0xb8;
	[tilespmem:$0x1E180] =	vst v63  }
.LBB2_5:
0x17d: {  	_ =	sfence.sel $0x180000  }
0x17e: {  	[bflag:$0x0] =	sbarrier.arrive $0xFFFF  }
0x17f: {  	_ =	strace $0x9000004A  }
0x180: {  	s0 =	stileid.u32;
	[bflag:$0x2] =	sbarrier.arrive $0xFFFF  }
0x181: {  	p0 =	sne.s32 s0, $0x0;
	s0 =	rddreg [dreg:$0x2]  }
0x182: {  	s0 =	sadd.s32 @!p0 $0x100000, s0  }
0x183: {  	[sflag:s0] =	ssyncadd.tile.s32 @!p0 $0x1;
	_ =	shalt  }
.Lfunc_end2:
_tile_overlayer_lowered:
.L_overlay_start_2:
0x184: {  	(tag) =	ssettag $0x2  }
0x185: {  	s0 =	rddreg [dreg:$0x0];
	s2 =	stileid.u32  }
0x186: {  	s1 =	rddreg [dreg:$0x1];
	p0 =	sne.s32 s2, $0x0  }
0x187: {  	s3 =	rddreg [dreg:$0x2];
	[bflag:$0x3] =	sbarrier.arrive $0xFFFF;
	s2 =	simm.s32 @!p0 $0x1C11  }
0x188: {  	[timem:s3], [sflag:s2] =	dma.local @!p0 [hbm:s0], s1  }
0x189: {  	s0 =	simm.s32 @!p0 $0x11  }
0x18a: {  	_ =	swait.ge @!p0 [sflag:s0], s1  }
0x18b: {  	s1 =	ssub.s32 @!p0 $0x0, s1;
	[sflag:s0] =	ssyncset.done @!p0 $0x0  }
0x18c: {  	[sflag:s0] =	ssyncadd.s32 @!p0 s1  }
0x18d: {  	[bflag:$0x3] =	sbarrier.arrive $0xFFFF  }
0x18e: {  	_ =	shalt  }

// kernel: kernel.14.cloned.1.call-start
scs
__scs_entry_jumppad:
0x0: {  	(pc) =	sbr.rel $0x88, $3  }
0x1: {  	(tag) =	ssettag $0x0;
	lr =	simm.s32 $0x1  }
0x2: {  	[smem:$0x3F8F] =	sst lr;
	_ =	strace $0xD0000000  }
0x3: {  	_ = 	snop  }
0x4: {  	_ = 	snop  }
0x5: {  	_ = 	snop  }
0x6: {  	_ = 	snop  }
0x7: {  	_ = 	snop  }
__scs_overlays_trampoline_lowered:
0x8: {  	[smem:$0x3F9E] =	sst s0  }
0x9: {  	[smem:$0x3F9F] =	sst s1  }
0xa: {  	[smem:$0x3FA0] =	sst s2  }
0xb: {  	[smem:$0x3FA1] =	sst s3  }
0xc: {  	[smem:$0x3FA2] =	sst s4  }
0xd: {  	[smem:$0x3FA3] =	sst s5  }
0xe: {  	[smem:$0x3FA4] =	sst s6  }
0xf: {  	[smem:$0x3FA5] =	sst s7  }
0x10: {  	[smem:$0x3FA6] =	sst s8  }
0x11: {  	[smem:$0x3FA7] =	sst s9;
	s0 =	simm.s32 @!p0 $0x0  }
0x12: {  	s1 =	sld [smem:$0x3F8D];
	s0 =	simm.s32 @p0 $0x1  }
0x13: {  	[smem:$0x3FA8] =	sst s0;
	s0 =	simm.s32 @!p1 $0x0  }
0x14: {  	s2 =	sld [smem:$0x3F8C];
	s0 =	simm.s32 @p1 $0x1  }
0x15: {  	[smem:$0x3FA9] =	sst s0;
	s0 =	simm.s32 @!p2 $0x0  }
0x16: {  	s3 =	sld [smem:$0x3FDB];
	s0 =	simm.s32 @p2 $0x1  }
0x17: {  	s4 =	simm.s32 $0x1BF5;
	[smem:$0x3FAB] =	sst s0  }
0x18: {  	s0 =	sld [smem:$0x3F8E];
	_ =	swait.ge [sflag:s4], $0x0  }
0x19: {  	s7 =	sld [smem:$0x3F8F]  }
0x1a: {  	s8 =	sadd.s32 $0xFFFFE003, lr  }
0x1b: {  	s9 =	sadd.s32 $0xFFFFFEF7, lr;
	s5 =	simm.s32 $0xFFFFFFFF;
	p2 =	slt.u32 s8, $0xFFFFF086  }
0x1c: {  	p1 =	slt.u32 s9, $0xF7A;
	s5 =	simm.s32 @!p2 $0x0  }
0x1d: {  	s5 =	simm.s32 @p1 $0x1;
	p0 =	seq.s32 s7, s2  }
0x1e: {  	s7 =	smul.u32 @!p0 $0xF7A, s2;
	p2 =	seq.s32 @!p0 s5, $0x0  }
0x1f: {  	s9 =	smul.u32 $0xF7A, s1;
	s8 =	simm.s32 @!p0 $0x1BF5;
	p2 =	por !p2, p0  }
0x20: {  	[sflag:s8] =	ssyncset.s32 @!p0 $0xFFFFF086;
	s6 =	sadd.s32 @!p0 s3, s7;
	s7 =	simm.s32 @!p0 $0x108  }
0x21: {  	s3 =	sadd.s32 s3, s9;
	s6 =	sadd.s32 @!p0 $0x88, s6;
	s7 =	simm.s32 @p2 $0x1082  }
0x22: {  	[simem:s7], [sflag:s8] =	dma.local @!p0 [hbm:s6], $0xF7A  }
0x23: {  	s9 =	sor.u32 $0xD0000000, s2;
	s6 =	simm.s32 $0x108;
	_ =	swait.ge @!p0 [sflag:s8], $0x0  }
0x24: {  	s3 =	sadd.s32 $0x88, s3;
	s6 =	simm.s32 @!p1 $0x1082;
	[sflag:s4] =	ssyncset.s32 $0xFFFFF086  }
0x25: {  	[simem:s6], [sflag:s4] =	dma.local [hbm:s3], $0xF7A  }
0x26: {  	[smem:$0x3F8F] =	sst s1;
	(tag) =	ssettag s2;
	_ =	strace s9  }
0x27: {  	s1 =	sld [smem:$0x3F9F]  }
0x28: {  	s2 =	sld [smem:$0x3FA0]  }
0x29: {  	s4 =	sld [smem:$0x3FA2]  }
0x2a: {  	p0 =	seq.s32 s5, $0x0;
	s5 =	sld [smem:$0x3FA3]  }
0x2b: {  	s6 =	sld [smem:$0x3FA4]  }
0x2c: {  	s7 =	sld [smem:$0x3FA5]  }
0x2d: {  	s3 =	simm.s32 $0x108;
	s8 =	sld [smem:$0x3FA6]  }
0x2e: {  	s3 =	simm.s32 @!p0 $0x1082;
	s9 =	sld [smem:$0x3FA7]  }
0x2f: {  	lr =	sadd.s32 s0, s3;
	s0 =	sld [smem:$0x3F9E]  }
0x30: {  	s3 =	sld [smem:$0x3FA1]  }
0x31: {  	[smem:$0x3FAA] =	sst s10  }
0x32: {  	s10 =	sld [smem:$0x3FA8];
	_ =	sdelay $0x3  }
0x33: {  	p0 =	seq.s32 s10, $0x1;
	s10 =	sld [smem:$0x3FAA];
	_ =	sdelay $0x3  }
0x34: {  	[smem:$0x3FAA] =	sst s10  }
0x35: {  	s10 =	sld [smem:$0x3FA9];
	_ =	sdelay $0x3  }
0x36: {  	p1 =	seq.s32 s10, $0x1;
	s10 =	sld [smem:$0x3FAA];
	_ =	sdelay $0x3  }
0x37: {  	[smem:$0x3FAA] =	sst s10  }
0x38: {  	s10 =	sld [smem:$0x3FAB]  }
0x39: {  	_ = 	snop;
	(pc) =	sbr.ind lr, $3  }
0x3a: {  	_ = 	snop  }
0x3b: {  	_ = 	snop  }
0x3c: {  	p2 =	seq.s32 s10, $0x1;
	s10 =	sld [smem:$0x3FAA]  }
0x3d: {  	_ =	shalt  }
0x3e: {  	_ =	shalt  }
0x3f: {  	_ =	shalt  }
0x40: {  	_ =	shalt  }
0x41: {  	_ =	shalt  }
0x42: {  	_ =	shalt  }
0x43: {  	_ =	shalt  }
0x44: {  	_ =	shalt  }
0x45: {  	_ =	shalt  }
0x46: {  	_ =	shalt  }
0x47: {  	_ =	shalt  }
0x48: {  	_ =	shalt  }
0x49: {  	_ =	shalt  }
0x4a: {  	_ =	shalt  }
0x4b: {  	_ =	shalt  }
0x4c: {  	_ =	shalt  }
0x4d: {  	_ =	shalt  }
0x4e: {  	_ =	shalt  }
0x4f: {  	_ =	shalt  }
0x50: {  	_ =	shalt  }
0x51: {  	_ =	shalt  }
0x52: {  	_ =	shalt  }
0x53: {  	_ =	shalt  }
0x54: {  	_ =	shalt  }
0x55: {  	_ =	shalt  }
0x56: {  	_ =	shalt  }
0x57: {  	_ =	shalt  }
0x58: {  	_ =	shalt  }
0x59: {  	_ =	shalt  }
0x5a: {  	_ =	shalt  }
0x5b: {  	_ =	shalt  }
0x5c: {  	_ =	shalt  }
0x5d: {  	_ =	shalt  }
0x5e: {  	_ =	shalt  }
0x5f: {  	_ =	shalt  }
0x60: {  	_ =	shalt  }
0x61: {  	_ =	shalt  }
0x62: {  	_ =	shalt  }
0x63: {  	_ =	shalt  }
0x64: {  	_ =	shalt  }
0x65: {  	_ =	shalt  }
0x66: {  	_ =	shalt  }
0x67: {  	_ =	shalt  }
0x68: {  	_ =	shalt  }
0x69: {  	_ =	shalt  }
0x6a: {  	_ =	shalt  }
0x6b: {  	_ =	shalt  }
0x6c: {  	_ =	shalt  }
0x6d: {  	_ =	shalt  }
0x6e: {  	_ =	shalt  }
0x6f: {  	_ =	shalt  }
0x70: {  	_ =	shalt  }
0x71: {  	_ =	shalt  }
0x72: {  	_ =	shalt  }
0x73: {  	_ =	shalt  }
0x74: {  	_ =	shalt  }
0x75: {  	_ =	shalt  }
0x76: {  	_ =	shalt  }
0x77: {  	_ =	shalt  }
0x78: {  	_ =	shalt  }
0x79: {  	_ =	shalt  }
0x7a: {  	_ =	shalt  }
0x7b: {  	_ =	shalt  }
0x7c: {  	_ =	shalt  }
0x7d: {  	_ =	shalt  }
0x7e: {  	_ =	shalt  }
0x7f: {  	_ =	shalt  }
0x80: {  	_ =	shalt  }
0x81: {  	_ =	shalt  }
0x82: {  	_ =	shalt  }
0x83: {  	_ =	shalt  }
0x84: {  	_ =	shalt  }
0x85: {  	_ =	shalt  }
0x86: {  	_ =	shalt  }
0x87: {  	_ =	shalt  }
.Lfunc_end0:
.L_simem_size_0:
called_computation.2_lowered:
.L_overlay_start_0:
0x88: {  	s2 =	sld [smem:$0x3FD9]  }
0x89: {  	s3 =	sld [smem:$0x3FFE];
	_ =	sdelay $0x1  }
0x8a: {  	s1 =	srdreg.scid  }
0x8b: {  	s0 =	sand.u32 $0x1, s1  }
0x8c: {  	s16 =	sshll.u32 s0, $0xA;
	s2 =	sadd.s32 s3, s2  }
0x8d: {  	s2 =	sadd.s32 s2, s16  }
0x8e: {  	[smem:$0x3FB6] =	sst s2  }
0x8f: {  	_ = 	snop  }
0x90: {  	(tm) =	ssettm $0x1  }
0x91: {  	s17 =	sld [smem:$0x3FFB];
	_ =	sdelay $0x3  }
0x92: {  	_ =	strace s17  }
0x93: {  	s2 =	sld [smem:$0x3FFC];
	_ =	sdelay $0x3  }
0x94: {  	_ =	strace s2  }
0x95: {  	s2 =	sld [smem:$0x3FFD];
	_ =	sdelay $0x3  }
0x96: {  	_ =	strace s2  }
0x97: {  	_ =	strace $0x8FFFFFFF  }
0x98: {  	s18 =	sld [smem:$0x3FDB];
	_ =	sdelay $0x1  }
0x99: {  	s19 =	simm.s32 $_scs_section_size  }
0x9a: {  	s4 =	simm.s32 $_size__tile_overlayer_lowered;
	s5 =	simm.s32 $_tile_overlayer_lowered  }
0x9b: {  	s22 =	simm.s32 $0x1BFF;
	s21 =	sshll.u32 s5, $0x1;
	s2 =	sadd.s32 s19, s18  }
0x9c: {  	s6 =	simm.s32 $0x0;
	s20 =	sshll.u32 s4, $0x1;
	s4 =	sadd.s32 s21, s2  }
0x9d: {  	[timem:s6], [sflag:s22] =	dma.local [hbm:s4], s20  }
0x9e: {  	_ =	swait.ge [sflag:s22], s20  }
0x9f: {  	s3 =	ssub.s32 $0x0, s20;
	[sflag:s22] =	ssyncset.done $0x0  }
0xa0: {  	[sflag:s22] =	ssyncadd.s32 s3;
	_ =	sdelay $0x1  }
0xa1: {  	s23 =	simm.s32 $0x1B8B  }
0xa2: {  	_ =	swait.ge [sflag:s23], $0x1  }
0xa3: {  	[sflag:s23] =	ssyncset.done $0x0  }
0xa4: {  	s25 =	simm.s32 $0x1B8E;
	s24 =	sld [smem:$0x3FFE];
	[sflag:s23] =	ssyncadd.s32 $0xFFFFFFFF  }
0xa5: {  	s26 =	simm.s32 $execute0_lowered;
	[smem:$0x3FD2] =	sst s25  }
0xa6: {  	s4 =	sshll.u32 s26, $0x1;
	_ =	strace $0x8000004C;
	[dreg:$0x1] =	wrdreg $0xFFFFFFFF  }
0xa7: {  	s28 =	simm.s32 $_size_execute0_lowered;
	s2 =	sadd.s32 s2, s4;
	[dreg:$0x0] =	wrdreg $0x0  }
0xa8: {  	s4 =	sshll.u32 s28, $0x1;
	[dreg:$0x2] =	wrdreg s2  }
0xa9: {  	[dreg:$0x3] =	wrdreg s4  }
0xaa: {  	[dreg:$0x4] =	wrdreg $0xC0  }
0xab: {  	_ =	task [dreg:s6], $0x5FFFF  }
0xac: {  	[dreg:$0x1] =	wrdreg $0xFFFFFFFF  }
0xad: {  	[dreg:$0x0] =	wrdreg $0x60  }
0xae: {  	[dreg:$0x2] =	wrdreg s24  }
0xaf: {  	[dreg:$0x3] =	wrdreg $0x0  }
0xb0: {  	[dreg:$0x4] =	wrdreg $0x9  }
0xb1: {  	_ =	task.clear_ibuf [dreg:s6], $0x5FFFF;
	_ =	strace $0x9000004C  }
0xb2: {  	s29 =	simm.s32 $0x9;
	_ =	strace $0x8000004E  }
0xb3: {  	_ =	swait.ge [sflag:s29], $0x1  }
0xb4: {  	[sflag:s29] =	ssyncadd.s32 $0xFFFFFFFF  }
0xb5: {  	_ =	strace $0x9000004E  }
0xb6: {  	_ =	sfence  }
0xb7: {  	s30 =	sld [smem:$0x0];
	_ =	sdelay $0x2  }
0xb8: {  	s31 =	sshll.u32 s1, $0xD;
	s1 =	sshrl.u32 s1, $0x2  }
0xb9: {  	s3 =	sand.u32 $0x4000, s31;
	s1 =	sadd.s32 s1, s30  }
0xba: {  	s0 =	sor.u32 s3, s0;
	s1 =	sshll.u32 s1, $0x11  }
0xbb: {  	s0 =	sor.u32 s1, s0  }
0xbc: {  	s0 =	sadd.s32 $0x8F2B, s0  }
0xbd: {  	[sflag:s0] =	ssyncadd.remote.s32 $0x1  }
0xbe: {  	_ =	sfence.sel $0xFFFF  }
0xbf: {  	[dreg:$0x0] =	wrdreg $0xFFFFFFFF;
	(pc) =	sbr.abs _section_cstart, $3  }
0xc0: {  	[dreg:$0x1] =	wrdreg $0xFFFFFFFF  }
0xc1: {  	_ =	task.clear_ibuf [dreg:s6], $0x2FFFF;
	_ =	strace $0x9FFFFFFF  }
0xc2: {  	(tm) =	ssettm $0x7FFFFFFF  }
0xc3: {  	_ =	shalt  }
tec
execute0_lowered:
.L_overlay_start_1:
0x0: {  	(tag) =	ssettag $0x1  }
0x1: {  	s8 =	rddreg [dreg:$0x0];
	s0 =	simm.s32 $0x0  }
0x2: {  	s1 =	srdreg.scid;
	s19 =	stileid.u32;
	s28 =	simm.s32 $0x15A00  }
0x3: {  	s29 =	simm.s32 $0x1E100;
	s30 =	simm.s32 $0x7;
	s12 =	smul.u32 $0x5000, s19  }
0x4: {  	s31 =	simm.s32 $0x8;
	s2 =	sand.u32 $0x1, s1;
	s14 =	smul.u32 $0x2800, s19  }
0x5: {  	[smem:$0x7FF] =	sst s0;
	s10 =	sadd.s32 $0x16A00, s8;
	s5 =	smul.u32 $0x50000, s2  }
0x6: {  	s11 =	sadd.s32 $0x78C00, s8;
	s9 =	sor.u32 $0x10, s19;
	s13 =	smul.u32 $0x138800, s2  }
0x7: {  	s7 =	sor.u32 $0x20, s19;
	s6 =	sor.u32 $0x30, s19;
	s21 =	smul.u32 $0x2800, s9  }
0x8: {  	s4 =	sor.u32 $0x40, s19;
	s1 =	ssub.s32 $0x2, s2;
	s17 =	smul.u32 $0x2800, s7  }
0x9: {  	p0 =	sgt.u32 s19, $0xC;
	s25 =	smul.u32 $0x2800, s6;
	s3 =	sshrl.u32 s1, $0x1  }
0xa: {  	s2 =	sor.u32 $0x60, s19;
	s26 =	smul.u32 $0x2800, s4;
	s1 =	ssub.s32 s1, s3  }
0xb: {  	s3 =	sor.u32 $0x50, s19;
	s15 =	sadd.s32 s12, s5;
	s20 =	sadd.s32 s14, s13  }
0xc: {  	s5 =	sor.u32 $0x70, s19;
	s12 =	sadd.s32 s13, s21;
	s24 =	sadd.s32 s13, s17  }
0xd: {  	s22 =	sshrl.u32 s15, $0x3;
	s16 =	sshrl.u32 s20, $0x3;
	s21 =	smul.u32 $0x2800, s3  }
0xe: {  	s12 =	sshrl.u32 s12, $0x3;
	s14 =	sshrl.u32 s24, $0x3;
	s24 =	smul.u32 $0x2800, s2  }
0xf: {  	s17 =	sor.u32 $0x1C0, s15;
	s1 =	smax.u32 s1, $0x1;
	s23 =	sadd.s32 s11, s16  }
0x10: {  	s20 =	sadd.s32 s10, s22;
	s12 =	sadd.s32 s11, s12;
	[dreg:$0x4] =	wrdreg s23  }
0x11: {  	s18 =	sadd.s32 s11, s14;
	s22 =	sadd.s32 s13, s25;
	[dreg:$0x5] =	wrdreg s12  }
0x12: {  	[dreg:$0x6] =	wrdreg s18;
	s23 =	sadd.s32 s13, s26;
	s14 =	sshrl.u32 s22, $0x3  }
0x13: {  	s18 =	smul.u32 $0x2800, s5;
	s12 =	sadd.s32 s13, s21;
	s26 =	sadd.s32 s13, s24  }
0x14: {  	s21 =	sor.u32 $0x140, s15;
	s22 =	sor.u32 $0x100, s15;
	s24 =	sshll.u32 s19, $0xD  }
0x15: {  	s16 =	sshrl.u32 s23, $0x3;
	s14 =	sadd.s32 s11, s14;
	s12 =	sshrl.u32 s12, $0x3  }
0x16: {  	s23 =	sshrl.u32 s22, $0x3;
	s22 =	sshll.u32 s4, $0xD;
	s4 =	smul.u32 $0xA000, s4  }
0x17: {  	[dreg:$0x7] =	wrdreg s14;
	s25 =	sadd.s32 s11, s16;
	s13 =	sadd.s32 s13, s18  }
0x18: {  	s16 =	sor.u32 $0x200, s15;
	s18 =	sor.u32 $0x180, s15;
	s15 =	rddreg [dreg:$0x1]  }
0x19: {  	s12 =	sadd.s32 s11, s12;
	s14 =	sshrl.u32 s26, $0x3;
	[dreg:$0x8] =	wrdreg s25  }
0x1a: {  	[dreg:$0x9] =	wrdreg s12;
	s13 =	sshrl.u32 s13, $0x3;
	s12 =	sadd.s32 s11, s14  }
0x1b: {  	s14 =	sshrl.u32 s21, $0x3;
	s25 =	sshll.u32 s9, $0xD;
	s21 =	sadd.s32 s24, s15  }
0x1c: {  	s24 =	sshll.u32 s3, $0xD;
	s3 =	smul.u32 $0xA000, s3;
	s4 =	sshrl.u32 s4, $0x2  }
0x1d: {  	[dreg:$0xa] =	wrdreg s12;
	s11 =	sadd.s32 s11, s13;
	s12 =	sshrl.u32 s17, $0x3  }
0x1e: {  	s13 =	sshrl.u32 s18, $0x3;
	s17 =	sadd.s32 s23, s10;
	s18 =	sadd.s32 $0x2AA00, s8  }
0x1f: {  	s8 =	sadd.s32 $0x2A00, s8;
	s26 =	sadd.s32 s25, s15;
	s23 =	sadd.s32 s22, s15  }
0x20: {  	s25 =	sshll.u32 s2, $0xD;
	s2 =	smul.u32 $0xA000, s2;
	s4 =	sadd.s32 s4, s15  }
0x21: {  	[dreg:$0xb] =	wrdreg s11;
	s11 =	sshrl.u32 s16, $0x3;
	s12 =	sadd.s32 s12, s10  }
0x22: {  	s13 =	sadd.s32 s13, s10;
	_ =	strace $0x8000004D;
	[dreg:$0xc] =	wrdreg s8  }
0x23: {  	s16 =	sadd.s32 s14, s10;
	s14 =	sshll.u32 s6, $0xD;
	[dreg:$0xe] =	wrdreg s26  }
0x24: {  	s22 =	sadd.s32 s25, s15;
	s6 =	smul.u32 $0xA000, s6;
	[dreg:$0x11] =	wrdreg s23  }
0x25: {  	s3 =	sshrl.u32 s3, $0x2;
	s11 =	sadd.s32 s11, s10;
	[dreg:$0x13] =	wrdreg s22  }
0x26: {  	s10 =	sshll.u32 s7, $0xD;
	s26 =	smul.u32 $0xA000, s19;
	[dreg:$0x15] =	wrdreg s1  }
0x27: {  	s7 =	smul.u32 $0xA000, s7;
	s3 =	sadd.s32 s3, s15;
	[dreg:$0xd] =	wrdreg s21  }
0x28: {  	s2 =	sshrl.u32 s2, $0x2;
	s22 =	sadd.s32 $0x100000, s21;
	[dreg:$0x3] =	wrdreg s20  }
0x29: {  	s8 =	sadd.s32 s10, s15;
	s6 =	sshrl.u32 s6, $0x2;
	[dreg:$0x1e] =	wrdreg s22  }
0x2a: {  	s2 =	sadd.s32 s2, s15;
	s22 =	simm.s32 $0x10;
	[dreg:$0xf] =	wrdreg s8  }
0x2b: {  	s8 =	sadd.s32 s14, s15;
	s23 =	sshrl.u32 s26, $0x2;
	s7 =	sshrl.u32 s7, $0x2  }
0x2c: {  	s6 =	sadd.s32 s6, s15;
	s14 =	sshrl.u32 s3, $0x3;
	s19 =	sshrl.u32 s2, $0x3  }
0x2d: {  	s2 =	simm.s32 $0x1BA00;
	[dreg:$0x10] =	wrdreg s8;
	s8 =	smul.u32 $0xA000, s9  }
0x2e: {  	s9 =	sadd.s32 s24, s15;
	s24 =	sshll.u32 s5, $0xD;
	[dreg:$0x1b] =	wrdreg s14  }
0x2f: {  	s7 =	sadd.s32 s7, s15;
	s5 =	smul.u32 $0xA000, s5;
	[dreg:$0x1c] =	wrdreg s19  }
0x30: {  	s19 =	simm.s32 $0x13A00;
	[dreg:$0x12] =	wrdreg s9;
	s10 =	sadd.s32 s24, s15  }
0x31: {  	s9 =	sadd.s32 s23, s15;
	s23 =	sadd.s32 $0x120000, s21;
	s24 =	sadd.s32 $0x8, s20  }
0x32: {  	s21 =	simm.s32 $0x4;
	[dreg:$0x14] =	wrdreg s10;
	s8 =	sshrl.u32 s8, $0x2  }
0x33: {  	s5 =	sshrl.u32 s5, $0x2;
	s25 =	sshrl.u32 s9, $0x3;
	[dreg:$0x1f] =	wrdreg s23  }
0x34: {  	s9 =	sshrl.u32 s6, $0x3;
	s10 =	sshrl.u32 s4, $0x3;
	[smem:$0x7FB] =	sst s24  }
0x35: {  	s24 =	simm.s32 $0x40;
	s4 =	simm.s32 $0xE;
	[dreg:$0x16] =	wrdreg s25  }
0x36: {  	s6 =	simm.s32 $0x19A00;
	s23 =	simm.s32 $0x1E080;
	[dreg:$0x19] =	wrdreg s9  }
0x37: {  	s8 =	sadd.s32 s8, s15;
	[dreg:$0x1a] =	wrdreg s10;
	s25 =	sadd.s32 $0x10, s20  }
0x38: {  	s5 =	sadd.s32 s5, s15;
	s26 =	sshrl.u32 s8, $0x3;
	[smem:$0x7FC] =	sst s25  }
.Ltmp0:
0x39: {  	s8 =	sshrl.u32 s7, $0x3;
	[dreg:$0x17] =	wrdreg s26;
	(pc) =	sbr.rel .LBB2_1-.Ltmp0, $4  }
0x3a: {  	s9 =	simm.s32 $0xF;
	s1 =	sshrl.u32 @!p0 s5, $0x3;
	[dreg:$0x18] =	wrdreg s8  }
0x3b: {  	s25 =	simm.s32 $0xC;
	s7 =	simm.s32 $0x2;
	[dreg:$0x1d] =	wrdreg s1  }
0x3c: {  	s26 =	sadd.s32 $0x18, s20;
	s20 =	simm.s32 $0xD;
	s1 =	simm.s32 $0x1  }
0x3d: {  	s8 =	simm.s32 $0x0;
	[smem:$0x7FD] =	sst s26;
	s26 =	simm.s32 $0x5  }
.LBB2_4:
0x3e: {  	_ =	swait.ge [sflag:s26], $0x2000  }
0x3f: {  	[sflag:s26] =	ssyncset.done $0x0  }
0x40: {  	s3 =	simm.s32 $0x6;
	[sflag:s26] =	ssyncadd.s32 $0xFFFFE000  }
0x41: {  	[spmem:s15] =	stream.indirect.scatter.add.f32 [tilespmem:s2], [sflag:$0xA], $0x80, s29, s24, $0xb8;
	[tilespmem:$0x1E180] =	vst v63  }
0x42: {  	_ =	swait.ge [sflag:s3], $0x2000  }
0x43: {  	[sflag:s3] =	ssyncset.done $0x0  }
0x44: {  	[sflag:s3] =	ssyncadd.s32 $0xFFFFE000  }
0x45: {  	_ =	swait.ge [sflag:s30], $0x2000  }
0x46: {  	[sflag:s30] =	ssyncset.done $0x0  }
0x47: {  	[sflag:s30] =	ssyncadd.s32 $0xFFFFE000  }
0x48: {  	_ =	swait.ge [sflag:s31], $0x2000  }
0x49: {  	[sflag:s31] =	ssyncset.done $0x0  }
0x4a: {  	s14 =	simm.s32 $0x9;
	[sflag:s31] =	ssyncadd.s32 $0xFFFFE000  }
0x4b: {  	_ =	swait.ge [sflag:s14], $0x2000  }
0x4c: {  	[sflag:s14] =	ssyncset.done $0x0  }
0x4d: {  	s5 =	simm.s32 $0xA;
	[sflag:s14] =	ssyncadd.s32 $0xFFFFE000  }
0x4e: {  	_ =	swait.ge [sflag:s5], $0x2000  }
0x4f: {  	[sflag:s5] =	ssyncset.done $0x0  }
0x50: {  	[sflag:s5] =	ssyncadd.s32 $0xFFFFE000  }
0x51: {  	s8 =	stileid.u32;
	[bflag:$0x0] =	sbarrier.arrive $0xFFFF  }
0x52: {  	s3 =	sshll.u32 s8, $0x6;
	s5 =	rddreg [dreg:$0x4]  }
0x53: {  	s3 =	sor.u32 $0x1C10, s3;
	s8 =	rddreg [dreg:$0x16]  }
0x54: {  	[hbm:s5], [sflag:s3] =	dma.local [spmem:s8], $0x500  }
0x55: {  	s5 =	rddreg [dreg:$0x5]  }
0x56: {  	s8 =	rddreg [dreg:$0x17]  }
0x57: {  	[hbm:s5], [sflag:s3] =	dma.local [spmem:s8], $0x500  }
0x58: {  	s5 =	rddreg [dreg:$0x6]  }
0x59: {  	s8 =	rddreg [dreg:$0x18]  }
0x5a: {  	[hbm:s5], [sflag:s3] =	dma.local [spmem:s8], $0x500  }
0x5b: {  	s5 =	rddreg [dreg:$0x7]  }
0x5c: {  	s8 =	rddreg [dreg:$0x19]  }
0x5d: {  	[hbm:s5], [sflag:s3] =	dma.local [spmem:s8], $0x500  }
0x5e: {  	s5 =	rddreg [dreg:$0x8]  }
0x5f: {  	s8 =	rddreg [dreg:$0x1a]  }
0x60: {  	[hbm:s5], [sflag:s3] =	dma.local [spmem:s8], $0x500  }
0x61: {  	s5 =	rddreg [dreg:$0x9]  }
0x62: {  	s8 =	rddreg [dreg:$0x1b]  }
0x63: {  	[hbm:s5], [sflag:s3] =	dma.local [spmem:s8], $0x500  }
0x64: {  	s5 =	rddreg [dreg:$0xa]  }
0x65: {  	s8 =	rddreg [dreg:$0x1c]  }
0x66: {  	[hbm:s5], [sflag:s3] =	dma.local [spmem:s8], $0x500  }
0x67: {  	s5 =	rddreg [dreg:$0xb]  }
0x68: {  	s8 =	rddreg [dreg:$0x1d]  }
0x69: {  	[hbm:s5], [sflag:s3] =	dma.local @!p0 [spmem:s8], $0x500  }
0x6a: {  	_ =	swait.ge [sflag:s22], $0x500  }
0x6b: {  	[sflag:s22] =	ssyncset.done $0x0  }
0x6c: {  	[sflag:s22] =	ssyncadd.s32 $0xFFFFFB00  }
0x6d: {  	_ =	swait.ge [sflag:s22], $0x500  }
0x6e: {  	[sflag:s22] =	ssyncset.done $0x0  }
0x6f: {  	[sflag:s22] =	ssyncadd.s32 $0xFFFFFB00  }
0x70: {  	_ =	swait.ge [sflag:s22], $0x500  }
0x71: {  	[sflag:s22] =	ssyncset.done $0x0  }
0x72: {  	[sflag:s22] =	ssyncadd.s32 $0xFFFFFB00  }
0x73: {  	_ =	swait.ge [sflag:s22], $0x500  }
0x74: {  	[sflag:s22] =	ssyncset.done $0x0  }
0x75: {  	[sflag:s22] =	ssyncadd.s32 $0xFFFFFB00  }
0x76: {  	_ =	swait.ge [sflag:s22], $0x500  }
0x77: {  	[sflag:s22] =	ssyncset.done $0x0  }
0x78: {  	[sflag:s22] =	ssyncadd.s32 $0xFFFFFB00  }
0x79: {  	_ =	swait.ge [sflag:s22], $0x500  }
0x7a: {  	[sflag:s22] =	ssyncset.done $0x0  }
0x7b: {  	[sflag:s22] =	ssyncadd.s32 $0xFFFFFB00  }
0x7c: {  	_ =	swait.ge [sflag:s22], $0x500  }
0x7d: {  	[sflag:s22] =	ssyncset.done $0x0  }
0x7e: {  	s3 =	simm.s32 @!p0 $0x10;
	[sflag:s22] =	ssyncadd.s32 $0xFFFFFB00  }
0x7f: {  	_ =	swait.ge @!p0 [sflag:s3], $0x500  }
0x80: {  	s10 =	sld [smem:$0x7FA];
	_ =	sdelay $0x2  }
0x81: {  	s14 =	rddreg [dreg:$0x15];
	s8 =	sadd.s32 $0x1, s10  }
0x82: {  	p1 =	sne.s32 s8, s14  }
.Ltmp1:
0x83: {  	_ = 	snop;
	(pc) =	sbr.rel @!p1 .LBB2_5-.Ltmp1, $3  }
0x84: {  	_ =	sdelay $0x1  }
0x85: {  	[sflag:s3] =	ssyncset.done @!p0 $0x0  }
0x86: {  	[sflag:s3] =	ssyncadd.s32 @!p0 $0xFFFFFB00  }
.LBB2_1:
0x87: {  	[smem:$0x7FA] =	sst s8  }
0x88: {  	s3 =	rddreg [dreg:$0xc];
	s5 =	simm.s32 $0x11  }
0x89: {  	[tilespmem:s19], [sflag:$0x11] =	stream.linear.gather [hbm4b:s3+s0], $0x2000, $0x38;
	[tilespmem:$0x1E180] =	vst v63  }
0x8a: {  	_ =	swait.ge [sflag:s5], $0x2000  }
0x8b: {  	[sflag:s5] =	ssyncset.done $0x0  }
0x8c: {  	s8 =	rddreg [dreg:$0xd];
	[sflag:s5] =	ssyncadd.s32 $0xFFFFE000  }
0x8d: {  	[spmem:s8] =	stream.linear.scatter [tilespmem:s19], [sflag:$0x10], $0x2000, $0x38;
	[tilespmem:$0x1E180] =	vst v63  }
0x8e: {  	s10 =	rddreg [dreg:$0xe]  }
0x8f: {  	[spmem:s10] =	stream.linear.scatter [tilespmem:s19], [sflag:$0x10], $0x2000, $0x38;
	[tilespmem:$0x1E180] =	vst v63  }
0x90: {  	s14 =	rddreg [dreg:$0xf]  }
0x91: {  	[spmem:s14] =	stream.linear.scatter [tilespmem:s19], [sflag:$0x10], $0x2000, $0x38;
	[tilespmem:$0x1E180] =	vst v63  }
0x92: {  	s5 =	rddreg [dreg:$0x10]  }
0x93: {  	[spmem:s5] =	stream.linear.scatter [tilespmem:s19], [sflag:$0x10], $0x2000, $0x38;
	[tilespmem:$0x1E180] =	vst v63  }
0x94: {  	s8 =	rddreg [dreg:$0x11]  }
0x95: {  	[spmem:s8] =	stream.linear.scatter [tilespmem:s19], [sflag:$0x10], $0x2000, $0x38;
	[tilespmem:$0x1E180] =	vst v63  }
0x96: {  	s10 =	rddreg [dreg:$0x12]  }
0x97: {  	[spmem:s10] =	stream.linear.scatter [tilespmem:s19], [sflag:$0x10], $0x2000, $0x38;
	[tilespmem:$0x1E180] =	vst v63  }
0x98: {  	s14 =	rddreg [dreg:$0x13]  }
0x99: {  	[spmem:s14] =	stream.linear.scatter [tilespmem:s19], [sflag:$0x10], $0x2000, $0x38;
	[tilespmem:$0x1E180] =	vst v63  }
0x9a: {  	s5 =	rddreg [dreg:$0x14]  }
0x9b: {  	[spmem:s5] =	stream.linear.scatter [tilespmem:s19], [sflag:$0x10], $0x2000, $0x38;
	[tilespmem:$0x1E180] =	vst v63  }
0x9c: {  	s8 =	rddreg [dreg:$0x1e]  }
0x9d: {  	[spmem:s8] =	stream.linear.scatter [tilespmem:s19], [sflag:$0x10], $0x2000, $0x38;
	[tilespmem:$0x1E180] =	vst v63  }
0x9e: {  	s3 =	simm.s32 @!p0 $0x13A00;
	s5 =	rddreg [dreg:$0x1f]  }
0x9f: {  	[spmem:s5] =	stream.linear.scatter @!p0 [tilespmem:s3], [sflag:$0x10], $0x2000, $0x38;
	[tilespmem:$0x1E180] =	vst v63  }
0xa0: {  	_ =	swait.ge [sflag:s22], $0x2000  }
0xa1: {  	[sflag:s22] =	ssyncset.done $0x0  }
0xa2: {  	[sflag:s22] =	ssyncadd.s32 $0xFFFFE000  }
0xa3: {  	_ =	swait.ge [sflag:s22], $0x2000  }
0xa4: {  	[sflag:s22] =	ssyncset.done $0x0  }
0xa5: {  	[sflag:s22] =	ssyncadd.s32 $0xFFFFE000  }
0xa6: {  	_ =	swait.ge [sflag:s22], $0x2000  }
0xa7: {  	[sflag:s22] =	ssyncset.done $0x0  }
0xa8: {  	[sflag:s22] =	ssyncadd.s32 $0xFFFFE000  }
0xa9: {  	_ =	swait.ge [sflag:s22], $0x2000  }
0xaa: {  	[sflag:s22] =	ssyncset.done $0x0  }
0xab: {  	[sflag:s22] =	ssyncadd.s32 $0xFFFFE000  }
0xac: {  	_ =	swait.ge [sflag:s22], $0x2000  }
0xad: {  	[sflag:s22] =	ssyncset.done $0x0  }
0xae: {  	[sflag:s22] =	ssyncadd.s32 $0xFFFFE000  }
0xaf: {  	_ =	swait.ge [sflag:s22], $0x2000  }
0xb0: {  	[sflag:s22] =	ssyncset.done $0x0  }
0xb1: {  	[sflag:s22] =	ssyncadd.s32 $0xFFFFE000  }
0xb2: {  	_ =	swait.ge [sflag:s22], $0x2000  }
0xb3: {  	[sflag:s22] =	ssyncset.done $0x0  }
0xb4: {  	[sflag:s22] =	ssyncadd.s32 $0xFFFFE000  }
0xb5: {  	_ =	swait.ge [sflag:s22], $0x2000  }
0xb6: {  	[sflag:s22] =	ssyncset.done $0x0  }
0xb7: {  	[sflag:s22] =	ssyncadd.s32 $0xFFFFE000  }
0xb8: {  	_ =	swait.ge [sflag:s22], $0x2000  }
0xb9: {  	[sflag:s22] =	ssyncset.done $0x0  }
0xba: {  	s3 =	simm.s32 @!p0 $0x10;
	[sflag:s22] =	ssyncadd.s32 $0xFFFFE000  }
0xbb: {  	_ =	swait.ge @!p0 [sflag:s3], $0x2000  }
0xbc: {  	[sflag:s3] =	ssyncset.done @!p0 $0x0  }
0xbd: {  	[sflag:s3] =	ssyncadd.s32 @!p0 $0xFFFFE000  }
0xbe: {  	[bflag:$0x0] =	sbarrier.arrive $0xFFFF  }
0xbf: {  	s10 =	rddreg [dreg:$0x3]  }
0xc0: {  	s14 =	simm.s32 $0x1DA00;
	s5 =	sld [smem:$0x7FB]  }
0xc1: {  	[tilespmem:s14], [sflag:$0xB] =	stream.linear.gather [hbm4b:s10+s0], $0x40, $0x38;
	[tilespmem:$0x1E180] =	vst v63  }
0xc2: {  	s8 =	simm.s32 $0x1DA80;
	s10 =	sld [smem:$0x7FC]  }
0xc3: {  	[tilespmem:s8], [sflag:$0xC] =	stream.linear.gather [hbm4b:s5+s0], $0x40, $0x38;
	[tilespmem:$0x1E180] =	vst v63  }
0xc4: {  	s14 =	simm.s32 $0x1DB00;
	s8 =	simm.s32 $0xB  }
0xc5: {  	[tilespmem:s14], [sflag:$0xD] =	stream.linear.gather [hbm4b:s10+s0], $0x40, $0x38;
	[tilespmem:$0x1E180] =	vst v63  }
0xc6: {  	_ =	swait.ge [sflag:s8], $0x40  }
0xc7: {  	[sflag:s8] =	ssyncset.done $0x0  }
0xc8: {  	[sflag:s8] =	ssyncadd.s32 $0xFFFFFFC0  }
0xc9: {  	v0 =	vld [tilespmem:$0x1DA00];
	_ =	sdelay $0x1  }
0xca: {  	v1 =	vld [tilespmem:$0x1DA10];
	_ =	sdelay $0x1  }
0xcb: {  	v2 =	vld [tilespmem:$0x1DA20]  }
0xcc: {  	v3 =	vand.u32 $0xFFFF, v0  }
0xcd: {  	v35 =	vld [tilespmem:$0x1DA30];
	v0 =	vshrl.u32 v0, $0x10;
	[tilespmem:$0x1DC80] =	vst v3  }
0xce: {  	v36 =	vand.u32 $0xFFFF, v1;
	[tilespmem:$0x1DF00] =	vst v0  }
0xcf: {  	v37 =	vshrl.u32 v1, $0x10;
	[tilespmem:$0x1DC90] =	vst v36  }
0xd0: {  	v38 =	vand.u32 $0xFFFF, v2;
	[tilespmem:$0x1DF10] =	vst v37  }
0xd1: {  	v39 =	vshrl.u32 v2, $0x10;
	[tilespmem:$0x1DCA0] =	vst v38  }
0xd2: {  	v40 =	vand.u32 $0xFFFF, v35;
	[tilespmem:$0x1DF20] =	vst v39  }
0xd3: {  	v41 =	vshrl.u32 v35, $0x10;
	[tilespmem:$0x1DCB0] =	vst v40  }
0xd4: {  	s10 =	simm.s32 $0x1DC80;
	[tilespmem:$0x1DF30] =	vst v41  }
0xd5: {  	[tilespmem:s19], [sflag:$0x1] =	stream.indirect.gather [hbm4b:s18+s24], $0x80, s10, s24, $0xb8;
	[tilespmem:$0x1E180] =	vst v63  }
0xd6: {  	_ =	swait.ge [sflag:s25], $0x40  }
0xd7: {  	[sflag:s25] =	ssyncset.done $0x0  }
0xd8: {  	[sflag:s25] =	ssyncadd.s32 $0xFFFFFFC0  }
0xd9: {  	v42 =	vld [tilespmem:$0x1DA80];
	_ =	sdelay $0x1  }
0xda: {  	v43 =	vld [tilespmem:$0x1DA90];
	_ =	sdelay $0x1  }
0xdb: {  	v44 =	vld [tilespmem:$0x1DAA0]  }
0xdc: {  	v45 =	vand.u32 $0xFFFF, v42  }
0xdd: {  	v46 =	vld [tilespmem:$0x1DAB0];
	v0 =	vshrl.u32 v42, $0x10;
	[tilespmem:$0x1DD00] =	vst v45  }
0xde: {  	v47 =	vand.u32 $0xFFFF, v43;
	[tilespmem:$0x1DF80] =	vst v0  }
0xdf: {  	v48 =	vshrl.u32 v43, $0x10;
	[tilespmem:$0x1DD10] =	vst v47  }
0xe0: {  	v49 =	vand.u32 $0xFFFF, v44;
	[tilespmem:$0x1DF90] =	vst v48  }
0xe1: {  	v50 =	vshrl.u32 v44, $0x10;
	[tilespmem:$0x1DD20] =	vst v49  }
0xe2: {  	v51 =	vand.u32 $0xFFFF, v46;
	[tilespmem:$0x1DFA0] =	vst v50  }
0xe3: {  	v52 =	vshrl.u32 v46, $0x10;
	[tilespmem:$0x1DD30] =	vst v51  }
0xe4: {  	s14 =	simm.s32 $0x1DD00;
	[tilespmem:$0x1DFB0] =	vst v52  }
0xe5: {  	[tilespmem:s28], [sflag:$0x2] =	stream.indirect.gather [hbm4b:s18+s24], $0x80, s14, s24, $0xb8;
	[tilespmem:$0x1E180] =	vst v63  }
0xe6: {  	_ =	swait.ge [sflag:s20], $0x40  }
0xe7: {  	[sflag:s20] =	ssyncset.done $0x0  }
0xe8: {  	[sflag:s20] =	ssyncadd.s32 $0xFFFFFFC0  }
0xe9: {  	v53 =	vld [tilespmem:$0x1DB00];
	_ =	sdelay $0x1  }
0xea: {  	v54 =	vld [tilespmem:$0x1DB10];
	_ =	sdelay $0x1  }
0xeb: {  	v55 =	vld [tilespmem:$0x1DB20]  }
0xec: {  	v56 =	vand.u32 $0xFFFF, v53  }
0xed: {  	v57 =	vld [tilespmem:$0x1DB30];
	v0 =	vshrl.u32 v53, $0x10;
	[tilespmem:$0x1DD80] =	vst v56  }
0xee: {  	v58 =	vand.u32 $0xFFFF, v54;
	[tilespmem:$0x1E000] =	vst v0  }
0xef: {  	v59 =	vshrl.u32 v54, $0x10;
	[tilespmem:$0x1DD90] =	vst v58  }
0xf0: {  	v60 =	vand.u32 $0xFFFF, v55;
	[tilespmem:$0x1E010] =	vst v59  }
0xf1: {  	v61 =	vshrl.u32 v55, $0x10;
	[tilespmem:$0x1DDA0] =	vst v60  }
0xf2: {  	v62 =	vand.u32 $0xFFFF, v57;
	[tilespmem:$0x1E020] =	vst v61  }
0xf3: {  	v63 =	vshrl.u32 v57, $0x10;
	[tilespmem:$0x1DDB0] =	vst v62  }
0xf4: {  	s5 =	simm.s32 $0x1DD80;
	s8 =	simm.s32 $0x17A00;
	s10 =	sld [smem:$0x7FD];
	[tilespmem:$0x1E030] =	vst v63  }
0xf5: {  	[tilespmem:s8], [sflag:$0x3] =	stream.indirect.gather [hbm4b:s18+s24], $0x80, s5, s24, $0xb8;
	[tilespmem:$0x1E180] =	vst v63  }
0xf6: {  	s14 =	simm.s32 $0x1DB80  }
0xf7: {  	[tilespmem:s14], [sflag:$0xE] =	stream.linear.gather [hbm4b:s10+s0], $0x40, $0x38;
	[tilespmem:$0x1E180] =	vst v63  }
0xf8: {  	s14 =	simm.s32 $0x0  }
.LBB2_2:
0xf9: {  	s3 =	sadd.s32 s14, s17;
	s5 =	simm.s32 $0x1DC00  }
0xfa: {  	[tilespmem:s5], [sflag:$0xF] =	stream.linear.gather [hbm4b:s3+s0], $0x40, $0x38;
	[tilespmem:$0x1E180] =	vst v63  }
0xfb: {  	_ =	swait.ge [sflag:s1], $0x2000  }
0xfc: {  	p2 =	seq.s32 s14, $0x0;
	[sflag:s1] =	ssyncset.done $0x0  }
0xfd: {  	s10 =	simm.s32 $0x1DF00;
	s3 =	simm.s32 @!p2 $0x9;
	[sflag:s1] =	ssyncadd.s32 $0xFFFFE000  }
0xfe: {  	[spmem:s15] =	stream.indirect.scatter.add.f32 [tilespmem:s19], [sflag:$0x6], $0x80, s10, s24, $0xb8;
	[tilespmem:$0x1E180] =	vst v63  }
0xff: {  	_ =	swait.ge @!p2 [sflag:s3], $0x2000  }
0x100: {  	[sflag:s3] =	ssyncset.done @!p2 $0x0  }
0x101: {  	[sflag:s3] =	ssyncadd.s32 @!p2 $0xFFFFE000  }
0x102: {  	_ =	swait.ge [sflag:s4], $0x40  }
0x103: {  	[sflag:s4] =	ssyncset.done $0x0  }
0x104: {  	[sflag:s4] =	ssyncadd.s32 $0xFFFFFFC0  }
0x105: {  	v0 =	vld [tilespmem:$0x1DB80];
	_ =	sdelay $0x1  }
0x106: {  	v1 =	vld [tilespmem:$0x1DB90];
	_ =	sdelay $0x1  }
0x107: {  	v2 =	vld [tilespmem:$0x1DBA0]  }
0x108: {  	v3 =	vand.u32 $0xFFFF, v0  }
0x109: {  	v46 =	vld [tilespmem:$0x1DBB0];
	v0 =	vshrl.u32 v0, $0x10;
	[tilespmem:$0x1DE00] =	vst v3  }
0x10a: {  	v47 =	vand.u32 $0xFFFF, v1;
	[tilespmem:$0x1E080] =	vst v0  }
0x10b: {  	v48 =	vshrl.u32 v1, $0x10;
	[tilespmem:$0x1DE10] =	vst v47  }
0x10c: {  	v49 =	vand.u32 $0xFFFF, v2;
	[tilespmem:$0x1E090] =	vst v48  }
0x10d: {  	v50 =	vshrl.u32 v2, $0x10;
	[tilespmem:$0x1DE20] =	vst v49  }
0x10e: {  	v51 =	vand.u32 $0xFFFF, v46;
	[tilespmem:$0x1E0A0] =	vst v50  }
0x10f: {  	v52 =	vshrl.u32 v46, $0x10;
	[tilespmem:$0x1DE30] =	vst v51  }
0x110: {  	p1 =	seq.s32 s14, $0x9D8;
	s5 =	simm.s32 $0x1DE00;
	[tilespmem:$0x1E0B0] =	vst v52  }
0x111: {  	[tilespmem:s6], [sflag:$0x4] =	stream.indirect.gather [hbm4b:s18+s24], $0x80, s5, s24, $0xb8;
	[tilespmem:$0x1E180] =	vst v63  }
0x112: {  	s8 =	simm.s32 @!p1 $0x1DA00;
	s3 =	simm.s32 @!p1 $0x0;
	s5 =	sadd.s32 @!p1 s14, s16  }
0x113: {  	[tilespmem:s8], [sflag:$0xB] =	stream.linear.gather @!p1 [hbm4b:s5+s3], $0x40, $0x38;
	[tilespmem:$0x1E180] =	vst v63  }
0x114: {  	_ =	swait.ge [sflag:s7], $0x2000  }
0x115: {  	[sflag:s7] =	ssyncset.done $0x0  }
0x116: {  	s8 =	simm.s32 $0x1DF80;
	s5 =	simm.s32 @!p2 $0xA;
	[sflag:s7] =	ssyncadd.s32 $0xFFFFE000  }
0x117: {  	[spmem:s15] =	stream.indirect.scatter.add.f32 [tilespmem:s28], [sflag:$0x7], $0x80, s8, s24, $0xb8;
	[tilespmem:$0x1E180] =	vst v63  }
0x118: {  	_ =	swait.ge @!p2 [sflag:s5], $0x2000  }
0x119: {  	[sflag:s5] =	ssyncset.done @!p2 $0x0  }
0x11a: {  	[sflag:s5] =	ssyncadd.s32 @!p2 $0xFFFFE000  }
0x11b: {  	_ =	swait.ge [sflag:s9], $0x40  }
0x11c: {  	[sflag:s9] =	ssyncset.done $0x0  }
0x11d: {  	[sflag:s9] =	ssyncadd.s32 $0xFFFFFFC0  }
0x11e: {  	v53 =	vld [tilespmem:$0x1DC00];
	_ =	sdelay $0x1  }
0x11f: {  	v54 =	vld [tilespmem:$0x1DC10];
	_ =	sdelay $0x1  }
0x120: {  	v55 =	vld [tilespmem:$0x1DC20]  }
0x121: {  	v56 =	vand.u32 $0xFFFF, v53  }
0x122: {  	v57 =	vld [tilespmem:$0x1DC30];
	v0 =	vshrl.u32 v53, $0x10;
	[tilespmem:$0x1DE80] =	vst v56  }
0x123: {  	v58 =	vand.u32 $0xFFFF, v54;
	[tilespmem:$0x1E100] =	vst v0  }
0x124: {  	v59 =	vshrl.u32 v54, $0x10;
	[tilespmem:$0x1DE90] =	vst v58  }
0x125: {  	v60 =	vand.u32 $0xFFFF, v55;
	[tilespmem:$0x1E110] =	vst v59  }
0x126: {  	v61 =	vshrl.u32 v55, $0x10;
	[tilespmem:$0x1DEA0] =	vst v60  }
0x127: {  	v62 =	vand.u32 $0xFFFF, v57;
	[tilespmem:$0x1E120] =	vst v61  }
0x128: {  	v63 =	vshrl.u32 v57, $0x10;
	[tilespmem:$0x1DEB0] =	vst v62  }
0x129: {  	s10 =	simm.s32 $0x1DE80;
	s5 =	simm.s32 @p1 $0x3;
	[tilespmem:$0x1E130] =	vst v63  }
0x12a: {  	[tilespmem:s2], [sflag:$0x5] =	stream.indirect.gather [hbm4b:s18+s24], $0x80, s10, s24, $0xb8;
	[tilespmem:$0x1E180] =	vst v63  }
0x12b: {  	_ =	swait.ge @p1 [sflag:s5], $0x2000  }
0x12c: {  	s8 =	simm.s32 @p1 $0x1E000;
	[sflag:s5] =	ssyncset.done @p1 $0x0  }
0x12d: {  	s10 =	simm.s32 @p1 $0x17A00;
	[sflag:s5] =	ssyncadd.s32 @p1 $0xFFFFE000;
	s5 =	simm.s32 @p1 $0x40  }
0x12e: {  	[spmem:s15] =	stream.indirect.scatter.add.f32 @p1 [tilespmem:s10], [sflag:$0x8], $0x80, s8, s5, $0xb8;
	[tilespmem:$0x1E180] =	vst v63  }
0x12f: {  	s5 =	sadd.s32 @!p1 s14, s13;
	s8 =	simm.s32 @!p1 $0x1DA80  }
0x130: {  	[tilespmem:s8], [sflag:$0xC] =	stream.linear.gather @!p1 [hbm4b:s5+s3], $0x40, $0x38;
	[tilespmem:$0x1E180] =	vst v63  }
0x131: {  	s5 =	simm.s32 @!p1 $0x3  }
0x132: {  	_ =	swait.ge @!p1 [sflag:s5], $0x2000  }
0x133: {  	s10 =	simm.s32 @!p1 $0x17A00;
	[sflag:s5] =	ssyncset.done @!p1 $0x0  }
0x134: {  	s8 =	simm.s32 @!p1 $0x1E000;
	[sflag:s5] =	ssyncadd.s32 @!p1 $0xFFFFE000;
	s5 =	simm.s32 @!p1 $0x40  }
0x135: {  	[spmem:s15] =	stream.indirect.scatter.add.f32 @!p1 [tilespmem:s10], [sflag:$0x8], $0x80, s8, s5, $0xb8;
	[tilespmem:$0x1E180] =	vst v63  }
0x136: {  	s8 =	simm.s32 @!p1 $0x6  }
0x137: {  	_ =	swait.ge @!p1 [sflag:s8], $0x2000  }
0x138: {  	[sflag:s8] =	ssyncset.done @!p1 $0x0  }
0x139: {  	[sflag:s8] =	ssyncadd.s32 @!p1 $0xFFFFE000;
	s8 =	simm.s32 @!p1 $0xB  }
0x13a: {  	_ =	swait.ge @!p1 [sflag:s8], $0x40  }
0x13b: {  	[sflag:s8] =	ssyncset.done @!p1 $0x0  }
0x13c: {  	[sflag:s8] =	ssyncadd.s32 @!p1 $0xFFFFFFC0  }
0x13d: {  	v0 =	vld @!p1 [tilespmem:$0x1DA00];
	_ =	sdelay $0x1  }
0x13e: {  	v1 =	vld @!p1 [tilespmem:$0x1DA10];
	_ =	sdelay $0x1  }
0x13f: {  	v2 =	vld @!p1 [tilespmem:$0x1DA20]  }
0x140: {  	v3 =	vand.u32 @!p1 $0xFFFF, v0  }
0x141: {  	v0 =	vshrl.u32 @!p1 v0, $0x10;
	[tilespmem:$0x1DC80] =	vst @!p1 v3;
	v3 =	vld @!p1 [tilespmem:$0x1DA30]  }
0x142: {  	[tilespmem:$0x1DF00] =	vst @!p1 v0;
	v0 =	vand.u32 @!p1 $0xFFFF, v1  }
0x143: {  	[tilespmem:$0x1DC90] =	vst @!p1 v0;
	v0 =	vshrl.u32 @!p1 v1, $0x10  }
0x144: {  	[tilespmem:$0x1DF10] =	vst @!p1 v0;
	v0 =	vand.u32 @!p1 $0xFFFF, v2  }
0x145: {  	[tilespmem:$0x1DCA0] =	vst @!p1 v0;
	v0 =	vshrl.u32 @!p1 v2, $0x10  }
0x146: {  	[tilespmem:$0x1DF20] =	vst @!p1 v0;
	v0 =	vand.u32 @!p1 $0xFFFF, v3  }
0x147: {  	[tilespmem:$0x1DCB0] =	vst @!p1 v0;
	v0 =	vshrl.u32 @!p1 v3, $0x10  }
0x148: {  	s10 =	simm.s32 @!p1 $0x13A00;
	s8 =	simm.s32 @!p1 $0x1DC80;
	[tilespmem:$0x1DF30] =	vst @!p1 v0  }
0x149: {  	[tilespmem:s10], [sflag:$0x1] =	stream.indirect.gather @!p1 [hbm4b:s18+s5], $0x80, s8, s5, $0xb8;
	[tilespmem:$0x1E180] =	vst v63  }
0x14a: {  	s5 =	sadd.s32 @!p1 s14, s12;
	s8 =	simm.s32 @!p1 $0x1DB00  }
0x14b: {  	[tilespmem:s8], [sflag:$0xD] =	stream.linear.gather @!p1 [hbm4b:s5+s3], $0x40, $0x38;
	[tilespmem:$0x1E180] =	vst v63  }
.Ltmp2:
0x14c: {  	_ = 	snop;
	(pc) =	sbr.rel @p1 .LBB2_4-.Ltmp2, $4  }
0x14d: {  	_ =	swait.ge [sflag:s21], $0x2000  }
0x14e: {  	[sflag:s21] =	ssyncset.done $0x0  }
0x14f: {  	[sflag:s21] =	ssyncadd.s32 $0xFFFFE000  }
0x150: {  	[spmem:s15] =	stream.indirect.scatter.add.f32 [tilespmem:s6], [sflag:$0x9], $0x80, s23, s24, $0xb8;
	[tilespmem:$0x1E180] =	vst v63  }
0x151: {  	_ =	swait.ge [sflag:s30], $0x2000  }
0x152: {  	[sflag:s30] =	ssyncset.done $0x0  }
0x153: {  	[sflag:s30] =	ssyncadd.s32 $0xFFFFE000  }
0x154: {  	_ =	swait.ge [sflag:s25], $0x40  }
0x155: {  	[sflag:s25] =	ssyncset.done $0x0  }
0x156: {  	[sflag:s25] =	ssyncadd.s32 $0xFFFFFFC0  }
0x157: {  	v0 =	vld [tilespmem:$0x1DA80];
	_ =	sdelay $0x1  }
0x158: {  	v1 =	vld [tilespmem:$0x1DA90];
	_ =	sdelay $0x1  }
0x159: {  	v2 =	vld [tilespmem:$0x1DAA0]  }
0x15a: {  	v3 =	vand.u32 $0xFFFF, v0  }
0x15b: {  	v46 =	vld [tilespmem:$0x1DAB0];
	v0 =	vshrl.u32 v0, $0x10;
	[tilespmem:$0x1DD00] =	vst v3  }
0x15c: {  	v47 =	vand.u32 $0xFFFF, v1;
	[tilespmem:$0x1DF80] =	vst v0  }
0x15d: {  	v48 =	vshrl.u32 v1, $0x10;
	[tilespmem:$0x1DD10] =	vst v47  }
0x15e: {  	v49 =	vand.u32 $0xFFFF, v2;
	[tilespmem:$0x1DF90] =	vst v48  }
0x15f: {  	v50 =	vshrl.u32 v2, $0x10;
	[tilespmem:$0x1DD20] =	vst v49  }
0x160: {  	v51 =	vand.u32 $0xFFFF, v46;
	[tilespmem:$0x1DFA0] =	vst v50  }
0x161: {  	v52 =	vshrl.u32 v46, $0x10;
	[tilespmem:$0x1DD30] =	vst v51  }
0x162: {  	s3 =	simm.s32 $0x1DD00;
	[tilespmem:$0x1DFB0] =	vst v52  }
0x163: {  	[tilespmem:s28], [sflag:$0x2] =	stream.indirect.gather [hbm4b:s18+s24], $0x80, s3, s24, $0xb8;
	[tilespmem:$0x1E180] =	vst v63  }
0x164: {  	s10 =	sadd.s32 s14, s11;
	s5 =	simm.s32 $0x1DB80  }
0x165: {  	[tilespmem:s5], [sflag:$0xE] =	stream.linear.gather [hbm4b:s10+s0], $0x40, $0x38;
	[tilespmem:$0x1E180] =	vst v63  }
0x166: {  	_ =	swait.ge [sflag:s26], $0x2000  }
0x167: {  	[sflag:s26] =	ssyncset.done $0x0  }
0x168: {  	[sflag:s26] =	ssyncadd.s32 $0xFFFFE000  }
0x169: {  	[spmem:s15] =	stream.indirect.scatter.add.f32 [tilespmem:s2], [sflag:$0xA], $0x80, s29, s24, $0xb8;
	[tilespmem:$0x1E180] =	vst v63  }
0x16a: {  	_ =	swait.ge [sflag:s31], $0x2000  }
0x16b: {  	[sflag:s31] =	ssyncset.done $0x0  }
0x16c: {  	[sflag:s31] =	ssyncadd.s32 $0xFFFFE000  }
0x16d: {  	_ =	swait.ge [sflag:s20], $0x40  }
0x16e: {  	[sflag:s20] =	ssyncset.done $0x0  }
0x16f: {  	[sflag:s20] =	ssyncadd.s32 $0xFFFFFFC0  }
0x170: {  	v53 =	vld [tilespmem:$0x1DB00];
	_ =	sdelay $0x1  }
0x171: {  	v54 =	vld [tilespmem:$0x1DB10];
	_ =	sdelay $0x1  }
0x172: {  	v55 =	vld [tilespmem:$0x1DB20]  }
0x173: {  	v56 =	vand.u32 $0xFFFF, v53  }
0x174: {  	v57 =	vld [tilespmem:$0x1DB30];
	v0 =	vshrl.u32 v53, $0x10;
	[tilespmem:$0x1DD80] =	vst v56  }
0x175: {  	v58 =	vand.u32 $0xFFFF, v54;
	[tilespmem:$0x1E000] =	vst v0  }
0x176: {  	v59 =	vshrl.u32 v54, $0x10;
	[tilespmem:$0x1DD90] =	vst v58  }
0x177: {  	v60 =	vand.u32 $0xFFFF, v55;
	[tilespmem:$0x1E010] =	vst v59  }
.Ltmp3:
0x178: {  	v61 =	vshrl.u32 v55, $0x10;
	[tilespmem:$0x1DDA0] =	vst v60;
	(pc) =	sbr.rel .LBB2_2-.Ltmp3, $4  }
0x179: {  	v62 =	vand.u32 $0xFFFF, v57;
	[tilespmem:$0x1E020] =	vst v61  }
0x17a: {  	v63 =	vshrl.u32 v57, $0x10;
	[tilespmem:$0x1DDB0] =	vst v62  }
0x17b: {  	s8 =	simm.s32 $0x1DD80;
	s14 =	sadd.s32 $0x28, s14;
	s10 =	simm.s32 $0x17A00;
	[tilespmem:$0x1E030] =	vst v63  }
0x17c: {  	[tilespmem:s10], [sflag:$0x3] =	stream.indirect.gather [hbm4b:s18+s24], $0x80, s8, s24, $0xb8;
	[tilespmem:$0x1E180] =	vst v63  }
.LBB2_5:
0x17d: {  	_ =	sfence.sel $0x180000  }
0x17e: {  	[bflag:$0x0] =	sbarrier.arrive $0xFFFF  }
0x17f: {  	_ =	strace $0x9000004D  }
0x180: {  	s0 =	stileid.u32;
	[bflag:$0x2] =	sbarrier.arrive $0xFFFF  }
0x181: {  	p0 =	sne.s32 s0, $0x0;
	s0 =	rddreg [dreg:$0x2]  }
0x182: {  	s0 =	sadd.s32 @!p0 $0x100000, s0  }
0x183: {  	[sflag:s0] =	ssyncadd.tile.s32 @!p0 $0x1;
	_ =	shalt  }
.Lfunc_end2:
_tile_overlayer_lowered:
.L_overlay_start_2:
0x184: {  	(tag) =	ssettag $0x2  }
0x185: {  	s0 =	rddreg [dreg:$0x0];
	s2 =	stileid.u32  }
0x186: {  	s1 =	rddreg [dreg:$0x1];
	p0 =	sne.s32 s2, $0x0  }
0x187: {  	s3 =	rddreg [dreg:$0x2];
	[bflag:$0x3] =	sbarrier.arrive $0xFFFF;
	s2 =	simm.s32 @!p0 $0x1C11  }
0x188: {  	[timem:s3], [sflag:s2] =	dma.local @!p0 [hbm:s0], s1  }
0x189: {  	s0 =	simm.s32 @!p0 $0x11  }
0x18a: {  	_ =	swait.ge @!p0 [sflag:s0], s1  }
0x18b: {  	s1 =	ssub.s32 @!p0 $0x0, s1;
	[sflag:s0] =	ssyncset.done @!p0 $0x0  }
0x18c: {  	[sflag:s0] =	ssyncadd.s32 @!p0 s1  }
0x18d: {  	[bflag:$0x3] =	sbarrier.arrive $0xFFFF  }
0x18e: {  	_ =	shalt  }

// kernel: kernel.8.cloned.1.call-start
scs
__scs_entry_jumppad:
0x0: {  	(pc) =	sbr.rel $0x88, $3  }
0x1: {  	(tag) =	ssettag $0x0;
	lr =	simm.s32 $0x1  }
0x2: {  	[smem:$0x3F8F] =	sst lr;
	_ =	strace $0xD0000000  }
0x3: {  	_ = 	snop  }
0x4: {  	_ = 	snop  }
0x5: {  	_ = 	snop  }
0x6: {  	_ = 	snop  }
0x7: {  	_ = 	snop  }
__scs_overlays_trampoline_lowered:
0x8: {  	[smem:$0x3F9E] =	sst s0  }
0x9: {  	[smem:$0x3F9F] =	sst s1  }
0xa: {  	[smem:$0x3FA0] =	sst s2  }
0xb: {  	[smem:$0x3FA1] =	sst s3  }
0xc: {  	[smem:$0x3FA2] =	sst s4  }
0xd: {  	[smem:$0x3FA3] =	sst s5  }
0xe: {  	[smem:$0x3FA4] =	sst s6  }
0xf: {  	[smem:$0x3FA5] =	sst s7  }
0x10: {  	[smem:$0x3FA6] =	sst s8  }
0x11: {  	[smem:$0x3FA7] =	sst s9;
	s0 =	simm.s32 @!p0 $0x0  }
0x12: {  	s1 =	sld [smem:$0x3F8D];
	s0 =	simm.s32 @p0 $0x1  }
0x13: {  	[smem:$0x3FA8] =	sst s0;
	s0 =	simm.s32 @!p1 $0x0  }
0x14: {  	s2 =	sld [smem:$0x3F8C];
	s0 =	simm.s32 @p1 $0x1  }
0x15: {  	[smem:$0x3FA9] =	sst s0;
	s0 =	simm.s32 @!p2 $0x0  }
0x16: {  	s3 =	sld [smem:$0x3FDB];
	s0 =	simm.s32 @p2 $0x1  }
0x17: {  	s4 =	simm.s32 $0x1BF5;
	[smem:$0x3FAB] =	sst s0  }
0x18: {  	s0 =	sld [smem:$0x3F8E];
	_ =	swait.ge [sflag:s4], $0x0  }
0x19: {  	s7 =	sld [smem:$0x3F8F]  }
0x1a: {  	s8 =	sadd.s32 $0xFFFFE003, lr  }
0x1b: {  	s9 =	sadd.s32 $0xFFFFFEF7, lr;
	s5 =	simm.s32 $0xFFFFFFFF;
	p2 =	slt.u32 s8, $0xFFFFF086  }
0x1c: {  	p1 =	slt.u32 s9, $0xF7A;
	s5 =	simm.s32 @!p2 $0x0  }
0x1d: {  	s5 =	simm.s32 @p1 $0x1;
	p0 =	seq.s32 s7, s2  }
0x1e: {  	s7 =	smul.u32 @!p0 $0xF7A, s2;
	p2 =	seq.s32 @!p0 s5, $0x0  }
0x1f: {  	s9 =	smul.u32 $0xF7A, s1;
	s8 =	simm.s32 @!p0 $0x1BF5;
	p2 =	por !p2, p0  }
0x20: {  	[sflag:s8] =	ssyncset.s32 @!p0 $0xFFFFF086;
	s6 =	sadd.s32 @!p0 s3, s7;
	s7 =	simm.s32 @!p0 $0x108  }
0x21: {  	s3 =	sadd.s32 s3, s9;
	s6 =	sadd.s32 @!p0 $0x88, s6;
	s7 =	simm.s32 @p2 $0x1082  }
0x22: {  	[simem:s7], [sflag:s8] =	dma.local @!p0 [hbm:s6], $0xF7A  }
0x23: {  	s9 =	sor.u32 $0xD0000000, s2;
	s6 =	simm.s32 $0x108;
	_ =	swait.ge @!p0 [sflag:s8], $0x0  }
0x24: {  	s3 =	sadd.s32 $0x88, s3;
	s6 =	simm.s32 @!p1 $0x1082;
	[sflag:s4] =	ssyncset.s32 $0xFFFFF086  }
0x25: {  	[simem:s6], [sflag:s4] =	dma.local [hbm:s3], $0xF7A  }
0x26: {  	[smem:$0x3F8F] =	sst s1;
	(tag) =	ssettag s2;
	_ =	strace s9  }
0x27: {  	s1 =	sld [smem:$0x3F9F]  }
0x28: {  	s2 =	sld [smem:$0x3FA0]  }
0x29: {  	s4 =	sld [smem:$0x3FA2]  }
0x2a: {  	p0 =	seq.s32 s5, $0x0;
	s5 =	sld [smem:$0x3FA3]  }
0x2b: {  	s6 =	sld [smem:$0x3FA4]  }
0x2c: {  	s7 =	sld [smem:$0x3FA5]  }
0x2d: {  	s3 =	simm.s32 $0x108;
	s8 =	sld [smem:$0x3FA6]  }
0x2e: {  	s3 =	simm.s32 @!p0 $0x1082;
	s9 =	sld [smem:$0x3FA7]  }
0x2f: {  	lr =	sadd.s32 s0, s3;
	s0 =	sld [smem:$0x3F9E]  }
0x30: {  	s3 =	sld [smem:$0x3FA1]  }
0x31: {  	[smem:$0x3FAA] =	sst s10  }
0x32: {  	s10 =	sld [smem:$0x3FA8];
	_ =	sdelay $0x3  }
0x33: {  	p0 =	seq.s32 s10, $0x1;
	s10 =	sld [smem:$0x3FAA];
	_ =	sdelay $0x3  }
0x34: {  	[smem:$0x3FAA] =	sst s10  }
0x35: {  	s10 =	sld [smem:$0x3FA9];
	_ =	sdelay $0x3  }
0x36: {  	p1 =	seq.s32 s10, $0x1;
	s10 =	sld [smem:$0x3FAA];
	_ =	sdelay $0x3  }
0x37: {  	[smem:$0x3FAA] =	sst s10  }
0x38: {  	s10 =	sld [smem:$0x3FAB]  }
0x39: {  	_ = 	snop;
	(pc) =	sbr.ind lr, $3  }
0x3a: {  	_ = 	snop  }
0x3b: {  	_ = 	snop  }
0x3c: {  	p2 =	seq.s32 s10, $0x1;
	s10 =	sld [smem:$0x3FAA]  }
0x3d: {  	_ =	shalt  }
0x3e: {  	_ =	shalt  }
0x3f: {  	_ =	shalt  }
0x40: {  	_ =	shalt  }
0x41: {  	_ =	shalt  }
0x42: {  	_ =	shalt  }
0x43: {  	_ =	shalt  }
0x44: {  	_ =	shalt  }
0x45: {  	_ =	shalt  }
0x46: {  	_ =	shalt  }
0x47: {  	_ =	shalt  }
0x48: {  	_ =	shalt  }
0x49: {  	_ =	shalt  }
0x4a: {  	_ =	shalt  }
0x4b: {  	_ =	shalt  }
0x4c: {  	_ =	shalt  }
0x4d: {  	_ =	shalt  }
0x4e: {  	_ =	shalt  }
0x4f: {  	_ =	shalt  }
0x50: {  	_ =	shalt  }
0x51: {  	_ =	shalt  }
0x52: {  	_ =	shalt  }
0x53: {  	_ =	shalt  }
0x54: {  	_ =	shalt  }
0x55: {  	_ =	shalt  }
0x56: {  	_ =	shalt  }
0x57: {  	_ =	shalt  }
0x58: {  	_ =	shalt  }
0x59: {  	_ =	shalt  }
0x5a: {  	_ =	shalt  }
0x5b: {  	_ =	shalt  }
0x5c: {  	_ =	shalt  }
0x5d: {  	_ =	shalt  }
0x5e: {  	_ =	shalt  }
0x5f: {  	_ =	shalt  }
0x60: {  	_ =	shalt  }
0x61: {  	_ =	shalt  }
0x62: {  	_ =	shalt  }
0x63: {  	_ =	shalt  }
0x64: {  	_ =	shalt  }
0x65: {  	_ =	shalt  }
0x66: {  	_ =	shalt  }
0x67: {  	_ =	shalt  }
0x68: {  	_ =	shalt  }
0x69: {  	_ =	shalt  }
0x6a: {  	_ =	shalt  }
0x6b: {  	_ =	shalt  }
0x6c: {  	_ =	shalt  }
0x6d: {  	_ =	shalt  }
0x6e: {  	_ =	shalt  }
0x6f: {  	_ =	shalt  }
0x70: {  	_ =	shalt  }
0x71: {  	_ =	shalt  }
0x72: {  	_ =	shalt  }
0x73: {  	_ =	shalt  }
0x74: {  	_ =	shalt  }
0x75: {  	_ =	shalt  }
0x76: {  	_ =	shalt  }
0x77: {  	_ =	shalt  }
0x78: {  	_ =	shalt  }
0x79: {  	_ =	shalt  }
0x7a: {  	_ =	shalt  }
0x7b: {  	_ =	shalt  }
0x7c: {  	_ =	shalt  }
0x7d: {  	_ =	shalt  }
0x7e: {  	_ =	shalt  }
0x7f: {  	_ =	shalt  }
0x80: {  	_ =	shalt  }
0x81: {  	_ =	shalt  }
0x82: {  	_ =	shalt  }
0x83: {  	_ =	shalt  }
0x84: {  	_ =	shalt  }
0x85: {  	_ =	shalt  }
0x86: {  	_ =	shalt  }
0x87: {  	_ =	shalt  }
.Lfunc_end0:
.L_simem_size_0:
called_computation_lowered:
.L_overlay_start_0:
0x88: {  	s2 =	sld [smem:$0x3FD9]  }
0x89: {  	s3 =	sld [smem:$0x3FFE];
	_ =	sdelay $0x1  }
0x8a: {  	s1 =	srdreg.scid  }
0x8b: {  	s0 =	sand.u32 $0x1, s1  }
0x8c: {  	s17 =	sshll.u32 s0, $0xA;
	s2 =	sadd.s32 s3, s2  }
0x8d: {  	s2 =	sadd.s32 s2, s17  }
0x8e: {  	[smem:$0x3FB6] =	sst s2  }
0x8f: {  	_ = 	snop  }
0x90: {  	s2 =	sld [smem:$0x3FD0];
	(tm) =	ssettm $0x1  }
0x91: {  	s18 =	sld [smem:$0x3FFB];
	_ =	sdelay $0x3  }
0x92: {  	_ =	strace s18  }
0x93: {  	s3 =	sld [smem:$0x3FFC];
	_ =	sdelay $0x3  }
0x94: {  	_ =	strace s3  }
0x95: {  	s3 =	sld [smem:$0x3FFD];
	_ =	sdelay $0x3  }
0x96: {  	_ =	strace s3  }
0x97: {  	_ =	strace $0x8FFFFFFF  }
0x98: {  	s19 =	sld [smem:$0x3FDB];
	_ =	sdelay $0x1  }
0x99: {  	s4 =	simm.s32 $_scs_section_size  }
0x9a: {  	s5 =	simm.s32 $_size__tile_overlayer_lowered;
	s6 =	simm.s32 $_tile_overlayer_lowered  }
0x9b: {  	s22 =	simm.s32 $0x1BFF;
	s21 =	sshll.u32 s6, $0x1;
	s3 =	sadd.s32 s4, s19  }
0x9c: {  	s7 =	simm.s32 $0x0;
	s20 =	sshll.u32 s5, $0x1;
	s5 =	sadd.s32 s21, s3  }
0x9d: {  	[timem:s7], [sflag:s22] =	dma.local [hbm:s5], s20  }
0x9e: {  	_ =	swait.ge [sflag:s22], s20  }
0x9f: {  	s4 =	ssub.s32 $0x0, s20;
	[sflag:s22] =	ssyncset.done $0x0  }
0xa0: {  	[sflag:s22] =	ssyncadd.s32 s4;
	_ =	sdelay $0x1  }
0xa1: {  	s23 =	simm.s32 $0x1B8B  }
0xa2: {  	_ =	swait.ge [sflag:s23], $0x1  }
0xa3: {  	[sflag:s23] =	ssyncset.done $0x0  }
0xa4: {  	s25 =	simm.s32 $0x1B8E;
	s24 =	sld [smem:$0x3FFE];
	[sflag:s23] =	ssyncadd.s32 $0xFFFFFFFF  }
0xa5: {  	s26 =	simm.s32 $execute0_lowered;
	[smem:$0x3FD2] =	sst s25  }
0xa6: {  	s5 =	sshll.u32 s26, $0x1;
	_ =	strace $0x80000046;
	[dreg:$0x1] =	wrdreg $0xFFFFFFFF  }
0xa7: {  	s28 =	simm.s32 $_size_execute0_lowered;
	s3 =	sadd.s32 s3, s5;
	[dreg:$0x0] =	wrdreg $0x0  }
0xa8: {  	s5 =	sshll.u32 s28, $0x1;
	[dreg:$0x2] =	wrdreg s3  }
0xa9: {  	[dreg:$0x3] =	wrdreg s5  }
0xaa: {  	[dreg:$0x4] =	wrdreg $0xC0  }
0xab: {  	_ =	task [dreg:s7], $0x5FFFF  }
0xac: {  	[dreg:$0x1] =	wrdreg $0xFFFFFFFF  }
0xad: {  	[dreg:$0x0] =	wrdreg $0x60  }
0xae: {  	[dreg:$0x2] =	wrdreg s24  }
0xaf: {  	[dreg:$0x3] =	wrdreg s2  }
0xb0: {  	[dreg:$0x4] =	wrdreg $0x0  }
0xb1: {  	[dreg:$0x5] =	wrdreg $0x9  }
0xb2: {  	_ =	task.clear_ibuf [dreg:s7], $0x6FFFF;
	_ =	strace $0x90000046  }
0xb3: {  	s29 =	simm.s32 $0x9;
	_ =	strace $0x80000048  }
0xb4: {  	_ =	swait.ge [sflag:s29], $0x1  }
0xb5: {  	[sflag:s29] =	ssyncadd.s32 $0xFFFFFFFF  }
0xb6: {  	_ =	strace $0x90000048  }
0xb7: {  	_ =	sfence  }
0xb8: {  	s30 =	sld [smem:$0x0];
	_ =	sdelay $0x2  }
0xb9: {  	s31 =	sshll.u32 s1, $0xD;
	s1 =	sshrl.u32 s1, $0x2  }
0xba: {  	s3 =	sand.u32 $0x4000, s31;
	s1 =	sadd.s32 s1, s30  }
0xbb: {  	s0 =	sor.u32 s3, s0;
	s1 =	sshll.u32 s1, $0x11  }
0xbc: {  	s0 =	sor.u32 s1, s0  }
0xbd: {  	s0 =	sadd.s32 $0x8F2B, s0  }
0xbe: {  	[sflag:s0] =	ssyncadd.remote.s32 $0x1  }
0xbf: {  	_ =	sfence.sel $0xFFFF  }
0xc0: {  	[dreg:$0x0] =	wrdreg $0xFFFFFFFF;
	(pc) =	sbr.abs _section_cstart, $3  }
0xc1: {  	[dreg:$0x1] =	wrdreg $0xFFFFFFFF  }
0xc2: {  	_ =	task.clear_ibuf [dreg:s7], $0x2FFFF;
	_ =	strace $0x9FFFFFFF  }
0xc3: {  	(tm) =	ssettm $0x7FFFFFFF  }
tec
execute0_lowered:
.L_overlay_start_1:
0x0: {  	(tag) =	ssettag $0x1  }
0x1: {  	s6 =	rddreg [dreg:$0x0]  }
0x2: {  	s2 =	rddreg [dreg:$0x1]  }
0x3: {  	s3 =	rddreg [dreg:$0x2]  }
0x4: {  	s0 =	srdreg.scid;
	s1 =	rddreg [dreg:$0x3];
	s4 =	simm.s32 $0x0  }
0x5: {  	s21 =	simm.s32 $0x380;
	s22 =	simm.s32 $0x80;
	s23 =	simm.s32 $0x1  }
0x6: {  	s24 =	simm.s32 $0x0;
	s7 =	sand.u32 $0x1, s0;
	s0 =	stileid.u32  }
0x7: {  	[smem:$0x7FF] =	sst s4;
	s16 =	sadd.s32 $0x2AC00, s6;
	s5 =	smul.u32 $0xA000, s7  }
0x8: {  	s8 =	smul.u32 $0xA00, s0;
	_ =	strace $0x80000047;
	s29 =	ssub.s32 $0x2, s7  }
0x9: {  	s10 =	sshll.u32 s0, $0x7;
	s15 =	smul.u32 $0x2800, s7;
	s9 =	sshrl.u32 s29, $0x1  }
0xa: {  	s12 =	sor.u32 $0x800, s10;
	s14 =	sor.u32 $0x1000, s10;
	s18 =	sor.u32 $0x1800, s10  }
0xb: {  	s19 =	sor.u32 $0x2000, s10;
	s5 =	sadd.s32 s8, s5;
	s17 =	ssub.s32 s29, s9  }
0xc: {  	s7 =	sadd.s32 s12, s3;
	s8 =	sadd.s32 s14, s3;
	s9 =	sadd.s32 s18, s3  }
0xd: {  	s13 =	sor.u32 s10, s15;
	s20 =	sadd.s32 s15, s12;
	s14 =	sadd.s32 s15, s14  }
0xe: {  	s18 =	sadd.s32 s15, s18;
	s11 =	sadd.s32 s5, s6;
	s5 =	sadd.s32 $0x2AA00, s6  }
0xf: {  	s6 =	sadd.s32 s10, s3;
	s10 =	sadd.s32 s19, s3;
	s13 =	sshrl.u32 s13, $0x3  }
0x10: {  	s30 =	sshrl.u32 s20, $0x3;
	s14 =	sshrl.u32 s14, $0x3;
	s18 =	sshrl.u32 s18, $0x3  }
0x11: {  	s19 =	sadd.s32 s15, s19;
	s17 =	smax.u32 s17, $0x1;
	s20 =	simm.s32 $0x300  }
0x12: {  	s11 =	sadd.s32 $0x2A00, s11;
	s12 =	sadd.s32 s16, s13;
	s13 =	sadd.s32 s16, s30  }
0x13: {  	s14 =	sadd.s32 s16, s14;
	s15 =	sadd.s32 s16, s18;
	s31 =	sshrl.u32 s19, $0x3  }
0x14: {  	s18 =	simm.s32 $0x280;
	s19 =	simm.s32 $0x2;
	s16 =	sadd.s32 s16, s31  }
.LBB2_1:
0x15: {  	[tilespmem:s18], [sflag:$0x2] =	stream.linear.gather [hbm4b:s2+s4], $0x80, $0x38;
	[tilespmem:$0x5380] =	vst v63  }
0x16: {  	_ =	swait.ge [sflag:s19], $0x80  }
0x17: {  	[sflag:s19] =	ssyncset.done $0x0  }
0x18: {  	[sflag:s19] =	ssyncadd.s32 $0xFFFFFF80  }
0x19: {  	[tilespmem:s20], [sflag:$0x2] =	stream.linear.gather [hbm4b:s5+s4], $0x80, $0x38;
	[tilespmem:$0x5380] =	vst v63  }
0x1a: {  	_ =	swait.ge [sflag:s19], $0x80  }
0x1b: {  	[sflag:s19] =	ssyncset.done $0x0  }
0x1c: {  	[sflag:s19] =	ssyncadd.s32 $0xFFFFFF80  }
0x1d: {  	[spmem:s6] =	stream.linear.scatter [tilespmem:s20], [sflag:$0x2], $0x80, $0x38;
	[tilespmem:$0x5380] =	vst v63  }
0x1e: {  	_ =	swait.ge [sflag:s19], $0x80  }
0x1f: {  	[sflag:s19] =	ssyncset.done $0x0  }
0x20: {  	[sflag:s19] =	ssyncadd.s32 $0xFFFFFF80  }
0x21: {  	[spmem:s7] =	stream.linear.scatter [tilespmem:s20], [sflag:$0x2], $0x80, $0x38;
	[tilespmem:$0x5380] =	vst v63  }
0x22: {  	_ =	swait.ge [sflag:s19], $0x80  }
0x23: {  	[sflag:s19] =	ssyncset.done $0x0  }
0x24: {  	[sflag:s19] =	ssyncadd.s32 $0xFFFFFF80  }
0x25: {  	[spmem:s8] =	stream.linear.scatter [tilespmem:s20], [sflag:$0x2], $0x80, $0x38;
	[tilespmem:$0x5380] =	vst v63  }
0x26: {  	_ =	swait.ge [sflag:s19], $0x80  }
0x27: {  	[sflag:s19] =	ssyncset.done $0x0  }
0x28: {  	[sflag:s19] =	ssyncadd.s32 $0xFFFFFF80  }
0x29: {  	[spmem:s9] =	stream.linear.scatter [tilespmem:s20], [sflag:$0x2], $0x80, $0x38;
	[tilespmem:$0x5380] =	vst v63  }
0x2a: {  	_ =	swait.ge [sflag:s19], $0x80  }
0x2b: {  	[sflag:s19] =	ssyncset.done $0x0  }
0x2c: {  	[sflag:s19] =	ssyncadd.s32 $0xFFFFFF80  }
0x2d: {  	[spmem:s10] =	stream.linear.scatter [tilespmem:s20], [sflag:$0x2], $0x80, $0x38;
	[tilespmem:$0x5380] =	vst v63  }
0x2e: {  	_ =	swait.ge [sflag:s19], $0x80  }
0x2f: {  	[sflag:s19] =	ssyncset.done $0x0  }
0x30: {  	[sflag:s19] =	ssyncadd.s32 $0xFFFFFF80  }
0x31: {  	[tilespmem:s21], [sflag:$0x2] =	stream.linear.gather [hbm4b:s11+s4], $0x5000, $0x38;
	[tilespmem:$0x5380] =	vst v63  }
0x32: {  	_ =	swait.ge [sflag:s19], $0x5000  }
0x33: {  	[sflag:s19] =	ssyncset.done $0x0  }
0x34: {  	[sflag:s19] =	ssyncadd.s32 $0xFFFFB000  }
0x35: {  	s25 =	simm.s32 $0x0;
	[bflag:$0x0] =	sbarrier.arrive $0xFFFF  }
.LBB2_2:
0x36: {  	p0 =	sne.s32 s25, $0x13E00  }
.Ltmp0:
0x37: {  	_ = 	snop;
	(pc) =	sbr.rel @p0 .LBB2_2-.Ltmp0, $4  }
0x38: {  	_ = 	snop  }
0x39: {  	s26 =	sshra.s32 s25, $0x2  }
0x3a: {  	s25 =	sadd.s32 $0x200, s25;
	s26 =	sadd.s32 $0x380, s26  }
0x3b: {  	[spmem:s3] =	stream.indirect.scatter.add.f32 [tilespmem:s18], [sflag:$0x1], $0x1, s26, s22, $0xb8;
	[tilespmem:$0x5380] =	vst v63  }
0x3c: {  	_ =	swait.ge [sflag:s23], $0x80  }
0x3d: {  	s25 =	simm.s32 $0x9F;
	[sflag:s23] =	ssyncset.done $0x0  }
.LBB2_4:
0x3e: {  	p0 =	sne.s32 s25, $0x1;
	s25 =	sadd.s32 $0xFFFFFFFF, s25;
	[sflag:s23] =	ssyncadd.s32 $0xFFFFFF80  }
.Ltmp1:
0x3f: {  	(pc) =	sbr.rel @p0 .LBB2_4-.Ltmp1, $3  }
0x40: {  	_ =	sdelay $0x1  }
0x41: {  	_ =	swait.ge [sflag:s23], $0x80  }
0x42: {  	[sflag:s23] =	ssyncset.done $0x0  }
0x43: {  	[sflag:s23] =	ssyncadd.s32 $0xFFFFFF80;
	s25 =	sshll.u32 s0, $0x6  }
0x44: {  	s26 =	sshrl.u32 s6, $0x3;
	[bflag:$0x0] =	sbarrier.arrive $0xFFFF;
	s25 =	sor.u32 $0x1C02, s25  }
0x45: {  	[hbm:s12], [sflag:s25] =	dma.local [spmem:s26], $0x10  }
0x46: {  	_ =	swait.ge [sflag:s19], $0x10  }
0x47: {  	[sflag:s19] =	ssyncset.done $0x0  }
0x48: {  	s28 =	sshrl.u32 s7, $0x3;
	[sflag:s19] =	ssyncadd.s32 $0xFFFFFFF0  }
0x49: {  	[hbm:s13], [sflag:s25] =	dma.local [spmem:s28], $0x10  }
0x4a: {  	_ =	swait.ge [sflag:s19], $0x10  }
0x4b: {  	[sflag:s19] =	ssyncset.done $0x0  }
0x4c: {  	s29 =	sshrl.u32 s8, $0x3;
	[sflag:s19] =	ssyncadd.s32 $0xFFFFFFF0  }
0x4d: {  	[hbm:s14], [sflag:s25] =	dma.local [spmem:s29], $0x10  }
0x4e: {  	_ =	swait.ge [sflag:s19], $0x10  }
0x4f: {  	[sflag:s19] =	ssyncset.done $0x0  }
0x50: {  	s30 =	sshrl.u32 s9, $0x3;
	[sflag:s19] =	ssyncadd.s32 $0xFFFFFFF0  }
0x51: {  	[hbm:s15], [sflag:s25] =	dma.local [spmem:s30], $0x10  }
0x52: {  	s24 =	sadd.s32 $0x1, s24;
	_ =	swait.ge [sflag:s19], $0x10  }
0x53: {  	p0 =	sne.s32 s24, s17;
	[sflag:s19] =	ssyncset.done $0x0  }
.Ltmp2:
0x54: {  	s31 =	sshrl.u32 s10, $0x3;
	[sflag:s19] =	ssyncadd.s32 $0xFFFFFFF0;
	(pc) =	sbr.rel @p0 .LBB2_1-.Ltmp2, $4  }
0x55: {  	[hbm:s16], [sflag:s25] =	dma.local [spmem:s31], $0x10  }
0x56: {  	_ =	swait.ge [sflag:s19], $0x10  }
0x57: {  	[sflag:s19] =	ssyncset.done $0x0  }
0x58: {  	[sflag:s19] =	ssyncadd.s32 $0xFFFFFFF0  }
0x59: {  	_ =	sfence.sel $0x180000  }
0x5a: {  	[bflag:$0x0] =	sbarrier.arrive $0xFFFF  }
0x5b: {  	p0 =	sne.s32 s0, $0x0;
	_ =	strace $0x90000047  }
0x5c: {  	s0 =	sadd.s32 @!p0 $0x100000, s1;
	[bflag:$0x2] =	sbarrier.arrive $0xFFFF  }
0x5d: {  	[sflag:s0] =	ssyncadd.tile.s32 @!p0 $0x1;
	_ =	shalt  }
.Lfunc_end2:
_tile_overlayer_lowered:
.L_overlay_start_2:
0x5e: {  	(tag) =	ssettag $0x2  }
0x5f: {  	s0 =	rddreg [dreg:$0x0];
	s2 =	stileid.u32  }
0x60: {  	s1 =	rddreg [dreg:$0x1];
	p0 =	sne.s32 s2, $0x0  }
0x61: {  	s3 =	rddreg [dreg:$0x2];
	[bflag:$0x3] =	sbarrier.arrive $0xFFFF;
	s2 =	simm.s32 @!p0 $0x1C02  }
0x62: {  	[timem:s3], [sflag:s2] =	dma.local @!p0 [hbm:s0], s1  }
0x63: {  	s0 =	simm.s32 @!p0 $0x2  }
0x64: {  	_ =	swait.ge @!p0 [sflag:s0], s1  }
0x65: {  	s1 =	ssub.s32 @!p0 $0x0, s1;
	[sflag:s0] =	ssyncset.done @!p0 $0x0  }
0x66: {  	[sflag:s0] =	ssyncadd.s32 @!p0 s1  }
0x67: {  	[bflag:$0x3] =	sbarrier.arrive $0xFFFF  }
0x68: {  	_ =	shalt  }

</sc_bundles>
